<compile_context>
chip_gen: v7x
topology: tpu7x:2x2x1
jax: 0.10.2.dev20260603
libtpu: 0.0.44.dev20260713+nightly
codegen_flags: <defaults>
</compile_context>

<pallas_src>
import functools

import jax
import jax.numpy as jnp
from jax import lax
from jax.experimental import pallas as pl
from jax.experimental.pallas import tpu as pltpu
from jax.experimental.pallas import tpu_sc as plsc

P = 18
PH = 224
H, W = 256, 512
NPIX = H * W
NT = PH * PH * P
CH = 64
NCHUNK = NPIX // CH
NC, NS = 2, 16
NW = NC * NS
CPW = NCHUNK // NW
GSLOT = 4 * CH
THR = 1e-5
EPS = 1e-12

TYB = 8


def _tp_body(x_ref, o_ref):
    for y in range(TYB):
        o_ref[pl.ds(y * PH, PH), :] = x_ref[:, 0, y, :].T


_transpose_tc = pl.pallas_call(
    _tp_body,
    grid=(P, PH // TYB),
    in_specs=[pl.BlockSpec((8, 1, TYB, PH), lambda p, i: (0, p, i, 0))],
    out_specs=pl.BlockSpec((TYB * PH, 8), lambda p, i: (p * (PH // TYB) + i, 0)),
    out_shape=jax.ShapeDtypeStruct((NT, 8), jnp.float32),
)


def _sc_kernel(table, wf, x0f, y0f, bmpack, out,
               G, idxb, x0b, y0b, wb, bmw, acc, den,
               sem_aux, sem_g, sem_out):
    wid = lax.axis_index("s") * NC + lax.axis_index("c")
    lane = lax.iota(jnp.int32, 16)
    zf = jnp.zeros((16,), jnp.float32)

    pltpu.sync_copy(bmpack.at[pl.ds(0, NCHUNK)], bmw.at[pl.ds(0, NCHUNK)])

    def word_of(ci):
        return bmw[pl.ds(wid + ci * NW, 16)][0]

    def fire_aux(ci):
        chunk = wid + ci * NW
        base = chunk * CH
        row = chunk >> 3
        s8 = chunk & 7
        jhi = s8 >> 1
        jlo = (s8 & 1) * CH
        qa = lax.rem(ci, 3)
        word = word_of(ci)

        def pb_(p, _):
            @pl.when((word >> p) & 1 != 0)
            def _():
                s = (qa * P + p) * CH
                pltpu.async_copy(x0f.at[pl.ds(p * NPIX + base, CH)],
                                 x0b.at[pl.ds(s, CH)], sem_aux)
                pltpu.async_copy(y0f.at[pl.ds(p * NPIX + base, CH)],
                                 y0b.at[pl.ds(s, CH)], sem_aux)
                woff = ((p * H + row) * 4 + jhi) * 512 + jlo
                for k in range(4):
                    pltpu.async_copy(wf.at[pl.ds(woff + k * 128, CH)],
                                     wb.at[pl.ds(s * 4 + k * CH, CH)], sem_aux)

        lax.fori_loop(0, P, pb_, None)

    def fire_gathers(ci, q):
        qa = lax.rem(ci, 3)
        word = word_of(ci)

        def pb_(p, _):
            @pl.when((word >> p) & 1 != 0)
            def _():
                s = (qa * P + p) * CH
                pltpu.make_async_copy(x0f.at[pl.ds(0, CH)],
                                      x0b.at[pl.ds(s, CH)], sem_aux).wait()
                pltpu.make_async_copy(y0f.at[pl.ds(0, CH)],
                                      y0b.at[pl.ds(s, CH)], sem_aux).wait()
                for k in range(4):
                    pltpu.make_async_copy(wf.at[pl.ds(0, CH)],
                                          wb.at[pl.ds(s * 4 + k * CH, CH)],
                                          sem_aux).wait()
                r = (q * P + p) * 2
                pb = p * (PH * PH)
                for v in range(4):
                    xx0 = x0b[pl.ds(s + 16 * v, 16)]
                    yy0 = y0b[pl.ds(s + 16 * v, 16)]
                    xc0 = pb + xx0
                    xc1 = pb + jnp.minimum(xx0 + 1, PH - 1)
                    yr0 = yy0 * PH
                    yr1 = jnp.minimum(yy0 + 1, PH - 1) * PH
                    idxb[r, pl.ds(16 * v, 16)] = yr0 + xc0
                    idxb[r, pl.ds(CH + 16 * v, 16)] = yr1 + xc0
                    idxb[r + 1, pl.ds(16 * v, 16)] = yr0 + xc1
                    idxb[r + 1, pl.ds(CH + 16 * v, 16)] = yr1 + xc1
                g = (q * P + p) * GSLOT
                pltpu.async_copy(table.at[idxb.at[r]],
                                 G.at[pl.ds(g, 2 * CH)], sem_g)
                pltpu.async_copy(table.at[idxb.at[r + 1]],
                                 G.at[pl.ds(g + 2 * CH, 2 * CH)], sem_g)

        lax.fori_loop(0, P, pb_, None)

    def compute(ci, q):
        chunk = wid + ci * NW
        row = chunk >> 3
        s8 = chunk & 7
        obase = ((row >> 3) * 4 + (s8 >> 1)) * 1024 + (row & 7) * 128 + (s8 & 1) * CH
        qa = lax.rem(ci, 3)
        word = word_of(ci)
        a0 = q * (8 * CH)
        d0 = q * CH
        for c in range(8):
            for v in range(4):
                acc[pl.ds(a0 + c * CH + 16 * v, 16)] = zf
        for v in range(4):
            den[pl.ds(d0 + 16 * v, 16)] = zf

        def pb_(p, _):
            @pl.when((word >> p) & 1 != 0)
            def _():
                g = (q * P + p) * GSLOT
                pltpu.make_async_copy(table.at[pl.ds(0, 2 * CH)],
                                      G.at[pl.ds(g, 2 * CH)], sem_g).wait()
                pltpu.make_async_copy(table.at[pl.ds(0, 2 * CH)],
                                      G.at[pl.ds(g + 2 * CH, 2 * CH)],
                                      sem_g).wait()
                s = (qa * P + p) * CH
                for v in range(4):
                    pix = lane + (16 * v)
                    tw = []
                    for k in range(4):
                        wk = wb[pl.ds(s * 4 + k * CH + 16 * v, 16)]
                        tw.append(jnp.where(wk > THR, wk, 0.0))
                    dn = pl.ds(d0 + 16 * v, 16)
                    den[dn] = den[dn] + tw[0] + tw[1] + tw[2] + tw[3]
                    for c in range(8):
                        cv = jnp.full((16,), c, jnp.int32)
                        o = pl.ds(a0 + c * CH + 16 * v, 16)
                        sacc = acc[o]
                        for k in range(4):
                            val = plsc.load_gather(G, [g + k * CH + pix, cv])
                            sacc = sacc + tw[k] * val
                        acc[o] = sacc

        lax.fori_loop(0, P, pb_, None)

        for v in range(4):
            dv = jnp.maximum(den[pl.ds(d0 + 16 * v, 16)], EPS)
            for c in range(8):
                o = pl.ds(a0 + c * CH + 16 * v, 16)
                acc[o] = acc[o] / dv
        for c in range(8):
            pltpu.async_copy(acc.at[pl.ds(a0 + c * CH, CH)],
                             out.at[pl.ds(c * NPIX + obase, CH)], sem_out)

    def drain_out():
        for _ in range(8):
            pltpu.make_async_copy(acc.at[pl.ds(0, CH)],
                                  out.at[pl.ds(0, CH)], sem_out).wait()

    fire_aux(0)
    fire_gathers(0, 0)

    def main_body(i, _):
        @pl.when(i < CPW)
        def _():
            @pl.when(i > 0)
            def _():
                fire_gathers(i, lax.rem(i, 2))

            @pl.when(i + 1 < CPW)
            def _():
                fire_aux(i + 1)

        @pl.when(i > 0)
        def _():
            @pl.when(i > 2)
            def _():
                drain_out()

            compute(i - 1, lax.rem(i - 1, 2))

    lax.fori_loop(0, CPW + 1, main_body, None)
    drain_out()
    drain_out()


_pers2equi_sc = functools.partial(
    pl.kernel,
    out_type=jax.ShapeDtypeStruct((8 * NPIX,), jnp.float32),
    mesh=plsc.VectorSubcoreMesh(core_axis_name="c", subcore_axis_name="s"),
    compiler_params=pltpu.CompilerParams(needs_layout_passes=False,
                                         use_tc_tiling_on_sc=False),
    scratch_types=[
        pltpu.VMEM((2 * P * GSLOT, 8), jnp.float32),
        pltpu.VMEM((2 * P * 2, 2 * CH), jnp.int32),
        pltpu.VMEM((3 * P * CH,), jnp.int32),
        pltpu.VMEM((3 * P * CH,), jnp.int32),
        pltpu.VMEM((3 * P * CH * 4,), jnp.float32),
        pltpu.VMEM((NCHUNK + 16,), jnp.int32),
        pltpu.VMEM((2 * 8 * CH,), jnp.float32),
        pltpu.VMEM((2 * CH,), jnp.float32),
        pltpu.SemaphoreType.DMA,
        pltpu.SemaphoreType.DMA,
        pltpu.SemaphoreType.DMA,
    ],
)(_sc_kernel)


def kernel(x, w_list, mask, x0, y0, x1, y1):
    del x1, y1
    xv = jnp.transpose(x, (0, 1, 4, 2, 3))[0]
    table = _transpose_tc(xv)
    wf = jnp.transpose(w_list.reshape(P, H, 4, 128, 4),
                       (0, 1, 2, 4, 3)).reshape(P * NPIX * 4)
    x0f = x0.astype(jnp.int32).reshape(P * NPIX)
    y0f = y0.astype(jnp.int32).reshape(P * NPIX)
    bits = mask.astype(jnp.int32).reshape(P, NCHUNK, CH).max(-1)
    bmpack = (bits << jnp.arange(P, dtype=jnp.int32)[:, None]).sum(0)
    outf = _pers2equi_sc(table, wf, x0f, y0f, bmpack)
    out = outf.reshape(8, H // 8, 4, 8, 128).transpose(0, 1, 3, 2, 4)
    return out.reshape(1, 8, H, W)

# --- scband reference (transcript-rebuilt; emitter-appended) ---
"""Pipeline reference for scband-pers2-equi-59785944760704 (READ-ONLY COPY).

The authoritative reference and input builder live on the scoring server;
editing this copy changes nothing except your own understanding.
"""

import jax, jax.numpy as jnp
import numpy as np
import math

ERP_H, ERP_W = 256, 512
PATCH = 224
N_PATCH = 18


def _precompute():
    erp_h, erp_w = ERP_H, ERP_W
    height = width = PATCH
    fov_h = fov_w = 80
    FOV = np.array([fov_w / 360.0, fov_h / 180.0], dtype=np.float32)
    PI = math.pi
    PI_2 = math.pi * 0.5
    num_cols = [3, 6, 6, 3]
    phi_centers = [-67.5, -22.5, 22.5, 67.5]
    all_combos = []
    for i, n_cols in enumerate(num_cols):
        for j in range(n_cols):
            theta_interval = 360.0 / n_cols
            theta_center = j * theta_interval + theta_interval / 2.0
            all_combos.append([theta_center, phi_centers[i]])
    all_combos = np.array(all_combos, dtype=np.float32)
    n_patch = all_combos.shape[0]
    cp = all_combos.copy()
    cp[:, 0] = cp[:, 0] / 360.0
    cp[:, 1] = (cp[:, 1] + 90.0) / 180.0
    cp = cp * 2.0 - 1.0
    cp[:, 0] = cp[:, 0] * PI
    cp[:, 1] = cp[:, 1] * PI_2
    cp = cp[:, None, :].astype(np.float32)
    lat = np.linspace(-PI_2, PI_2, erp_h).astype(np.float32)
    lon = np.linspace(-PI, PI, erp_w).astype(np.float32)
    lat_grid, lon_grid = np.meshgrid(lat, lon, indexing='ij')
    lon_grid = lon_grid.reshape(1, -1)
    lat_grid = lat_grid.reshape(1, -1)
    cos_c = np.sin(cp[..., 1]) * np.sin(lat_grid) + np.cos(cp[..., 1]) * np.cos(lat_grid) * np.cos(lon_grid - cp[..., 0])
    new_x = np.cos(lat_grid) * np.sin(lon_grid - cp[..., 0]) / cos_c
    new_y = (np.cos(cp[..., 1]) * np.sin(lat_grid) - np.sin(cp[..., 1]) * np.cos(lat_grid) * np.cos(lon_grid - cp[..., 0])) / cos_c
    new_x = new_x / FOV[0] / PI
    new_y = new_y / FOV[1] / PI_2
    cos_c_mask = (cos_c.reshape(n_patch, erp_h, erp_w) > 0).astype(np.int64)
    new_x_patch = ((new_x + 1.0) * 0.5 * height).reshape(n_patch, erp_h, erp_w).astype(np.float32)
    new_y_patch = ((new_y + 1.0) * 0.5 * width).reshape(n_patch, erp_h, erp_w).astype(np.float32)
    mask = ((new_x_patch < width) & (new_x_patch > 0) & (new_y_patch < height) & (new_y_patch > 0)).astype(np.int64)
    mask = mask * cos_c_mask
    x0 = np.floor(new_x_patch).astype(np.int64)
    x1 = x0 + 1
    y0 = np.floor(new_y_patch).astype(np.int64)
    y1 = y0 + 1
    x0 = np.clip(x0, 0, width - 1)
    x1 = np.clip(x1, 0, width - 1)
    y0 = np.clip(y0, 0, height - 1)
    y1 = np.clip(y1, 0, height - 1)
    wa = (x1.astype(np.float32) - new_x_patch) * (y1.astype(np.float32) - new_y_patch)
    wb = (x1.astype(np.float32) - new_x_patch) * (new_y_patch - y0.astype(np.float32))
    wc = (new_x_patch - x0.astype(np.float32)) * (y1.astype(np.float32) - new_y_patch)
    wd = (new_x_patch - x0.astype(np.float32)) * (new_y_patch - y0.astype(np.float32))
    m = mask.astype(np.float32)
    w_list = np.stack([wa * m, wb * m, wc * m, wd * m], axis=-1).astype(np.float32)
    return x0, y0, x1, y1, w_list, mask


def setup_inputs(seed: int = 0):
    key = jax.random.key(seed)
    x0, y0, x1, y1, w_list, mask = _precompute()
    x = jax.random.normal(key, (1, 8, PATCH, PATCH, N_PATCH), dtype=jnp.float32)
    return {
        'x': x,
        'w_list': jnp.asarray(w_list),
        'mask': jnp.asarray(mask),
        'x0': jnp.asarray(x0),
        'y0': jnp.asarray(y0),
        'x1': jnp.asarray(x1),
        'y1': jnp.asarray(y1),
    }


def reference(x, w_list, mask, x0, y0, x1, y1):
    n_patch = x.shape[-1]
    z = jnp.arange(n_patch).reshape(n_patch, 1, 1)
    Ia = x[:, :, y0, x0, z]
    Ib = x[:, :, y1, x0, z]
    Ic = x[:, :, y0, x1, z]
    Id = x[:, :, y1, x1, z]
    m = mask.astype(x.dtype)
    oa = jnp.transpose(Ia * m, (0, 1, 3, 4, 2))
    ob = jnp.transpose(Ib * m, (0, 1, 3, 4, 2))
    oc = jnp.transpose(Ic * m, (0, 1, 3, 4, 2))
    od = jnp.transpose(Id * m, (0, 1, 3, 4, 2))
    w = jnp.transpose(w_list, (1, 2, 0, 3)).reshape(ERP_H, ERP_W, n_patch * 4)
    w = w * (w > 1e-05).astype(jnp.float32)
    w = w / jnp.maximum(jnp.sum(jnp.abs(w), axis=-1, keepdims=True), 1e-12)
    w = w.reshape(ERP_H, ERP_W, n_patch, 4)[None, None]
    out = oa * w[..., 0] + ob * w[..., 1] + oc * w[..., 2] + od * w[..., 3]
    return out.sum(-1)

if __name__ == "__main__":
    import jax
    _d = setup_inputs()
    print(jax.jit(kernel)(*tuple(_d.values())))

</pallas_src>

<mosaic_0001>
#map = affine_map<(d0, d1) -> (0, 0)>
#map1 = affine_map<(d0, d1) -> (0)>
module attributes {stable_mosaic.version = 14 : i64} {
  func.func @_sc_kernel(%arg0: i32, %arg1: i32, %arg2: memref<903168x8xf32, #tpu.memory_space<hbm>>, %arg3: memref<9437184xf32, #tpu.memory_space<hbm>>, %arg4: memref<2359296xi32, #tpu.memory_space<hbm>>, %arg5: memref<2359296xi32, #tpu.memory_space<hbm>>, %arg6: memref<2048xi32, #tpu.memory_space<hbm>>, %arg7: memref<1048576xf32, #tpu.memory_space<hbm>>, %arg8: memref<9216x8xf32, #tpu.memory_space<vmem>>, %arg9: memref<72x128xi32, #tpu.memory_space<vmem>>, %arg10: memref<3456xi32, #tpu.memory_space<vmem>>, %arg11: memref<3456xi32, #tpu.memory_space<vmem>>, %arg12: memref<13824xf32, #tpu.memory_space<vmem>>, %arg13: memref<2064xi32, #tpu.memory_space<vmem>>, %arg14: memref<1024xf32, #tpu.memory_space<vmem>>, %arg15: memref<128xf32, #tpu.memory_space<vmem>>, %arg16: memref<!tpu.dma_semaphore, #tpu.memory_space<semaphore_mem>>, %arg17: memref<!tpu.dma_semaphore, #tpu.memory_space<semaphore_mem>>, %arg18: memref<!tpu.dma_semaphore, #tpu.memory_space<semaphore_mem>>) attributes {dimension_semantics = [#tpu.dimension_semantics<core_parallel>, #tpu.dimension_semantics<subcore_parallel>], iteration_bounds = array<i64: 2, 16>, scalar_prefetch = 0 : i64, scratch_operands = 11 : i64, tpu.core_type = #tpu.core_type<sc_vector_subcore>, window_params = [{transform_indices = #map}, {transform_indices = #map1}, {transform_indices = #map1}, {transform_indices = #map1}, {transform_indices = #map1}, {transform_indices = #map1}]} {
    %mul3A = arith.constant 2 : i32
    %mul3A_0 = arith.muli %arg1, %mul3A : i32
    %add3A = arith.addi %mul3A_0, %arg0 : i32
    %iota3A = tpu.iota {dimensions = array<i32: 0>} : vector<16xi32>
    %broadcast_in_dim3A = arith.constant 0.000000e+00 : f32
    %broadcast_in_dim3A_1 = vector.broadcast %broadcast_in_dim3A : f32 to vector<16xf32>
    "tpu.region"() ({
      %run_scoped3A = tpu.sem_alloc : memref<!tpu.dma_semaphore, #tpu.memory_space<semaphore_mem>>
      %dma_start3A = arith.constant 0 : i32
      %dma_start3A_169 = tpu.memref_slice %arg13[%dma_start3A] : memref<2064xi32, #tpu.memory_space<vmem>> -> memref<2048xi32, #tpu.memory_space<vmem>>
      %dma_start3A_170 = arith.constant 0 : i32
      %dma_start3A_171 = tpu.memref_slice %arg6[%dma_start3A_170] : memref<2048xi32, #tpu.memory_space<hbm>> -> memref<2048xi32, #tpu.memory_space<hbm>>
      %dma_start3A_172 = arith.constant 0 : i32
      %dma_start3A_173 = tpu.memref_slice %arg13[%dma_start3A_172] : memref<2064xi32, #tpu.memory_space<vmem>> -> memref<2048xi32, #tpu.memory_space<vmem>>
      %dma_start3A_174 = arith.constant 0 : i32
      %dma_start3A_175 = tpu.memref_slice %arg6[%dma_start3A_174] : memref<2048xi32, #tpu.memory_space<hbm>> -> memref<2048xi32, #tpu.memory_space<hbm>>
      tpu.enqueue_dma source(%dma_start3A_175 : memref<2048xi32, #tpu.memory_space<hbm>>) target(%dma_start3A_173 : memref<2048xi32, #tpu.memory_space<vmem>>) target_semaphore(%run_scoped3A : memref<!tpu.dma_semaphore, #tpu.memory_space<semaphore_mem>>)
      %dma_wait3A_176 = arith.constant 0 : i32
      %dma_wait3A_177 = tpu.memref_slice %arg13[%dma_wait3A_176] : memref<2064xi32, #tpu.memory_space<vmem>> -> memref<2048xi32, #tpu.memory_space<vmem>>
      %dma_wait3A_178 = arith.constant 0 : i32
      %dma_wait3A_179 = tpu.memref_slice %arg6[%dma_wait3A_178] : memref<2048xi32, #tpu.memory_space<hbm>> -> memref<2048xi32, #tpu.memory_space<hbm>>
      %dma_wait3A_180 = arith.constant 0 : i32
      %dma_wait3A_181 = tpu.memref_slice %arg13[%dma_wait3A_180] : memref<2064xi32, #tpu.memory_space<vmem>> -> memref<2048xi32, #tpu.memory_space<vmem>>
      %dma_wait3A_182 = arith.constant 0 : i32
      %dma_wait3A_183 = tpu.memref_slice %arg6[%dma_wait3A_182] : memref<2048xi32, #tpu.memory_space<hbm>> -> memref<2048xi32, #tpu.memory_space<hbm>>
      tpu.wait_dma2 semaphore(%run_scoped3A : memref<!tpu.dma_semaphore, #tpu.memory_space<semaphore_mem>>) src(%dma_wait3A_183 : memref<2048xi32, #tpu.memory_space<hbm>>) dst(%dma_wait3A_181 : memref<2048xi32, #tpu.memory_space<vmem>>)
      tpu.yield
    }) : () -> ()
    %add3A_2 = arith.constant 0 : i32
    %add3A_3 = arith.addi %add3A, %add3A_2 : i32
    %mul3A_4 = arith.constant 64 : i32
    %mul3A_5 = arith.muli %add3A_3, %mul3A_4 : i32
    %shift_right_arithmetic3A = arith.constant 3 : i32
    %shift_right_arithmetic3A_6 = arith.shrsi %add3A_3, %shift_right_arithmetic3A : i32
    %and3A = arith.constant 7 : i32
    %and3A_7 = arith.andi %add3A_3, %and3A : i32
    %shift_right_arithmetic3A_8 = arith.constant 1 : i32
    %shift_right_arithmetic3A_9 = arith.shrsi %and3A_7, %shift_right_arithmetic3A_8 : i32
    %and3A_10 = arith.constant 1 : i32
    %and3A_11 = arith.andi %and3A_7, %and3A_10 : i32
    %mul3A_12 = arith.constant 64 : i32
    %mul3A_13 = arith.muli %and3A_11, %mul3A_12 : i32
    %rem3A = arith.constant 0 : i32
    %rem3A_14 = arith.constant 3 : i32
    %rem3A_15 = arith.remsi %rem3A, %rem3A_14 : i32
    %add3A_16 = arith.constant 0 : i32
    %add3A_17 = arith.addi %add3A, %add3A_16 : i32
    %get3A = arith.index_cast %add3A_17 : i32 to index
    %get3A_18 = tpu.vector_load %arg13[%get3A] {strides = array<i32>} : memref<2064xi32, #tpu.memory_space<vmem>>, vector<16xi32>,
    %slice3A = vector.extract_strided_slice %get3A_18 {offsets = [0], sizes = [1], strides = [1]} : vector<16xi32> to vector<1xi32>
    %squeeze3A = vector.extract %slice3A[0] : i32 from vector<1xi32>
    %scan3A = arith.constant 0 : i32
    %scan3A_19 = arith.constant 18 : i32
    %scan3A_20 = arith.addi %scan3A, %scan3A_19 : i32
    %scan3A_21 = arith.constant 1 : i32
    scf.for %scan3A_169 = %scan3A to %scan3A_20 step %scan3A_21  : i32 {
      %shift_right_arithmetic3A_170 = arith.shrsi %squeeze3A, %scan3A_169 : i32
      %and3A_171 = arith.constant 1 : i32
      %and3A_172 = arith.andi %shift_right_arithmetic3A_170, %and3A_171 : i32
      %ne3A = arith.constant 0 : i32
      %ne3A_173 = arith.cmpi ne, %and3A_172, %ne3A : i32
      %convert_element_type3A = arith.extui %ne3A_173 : i1 to i32
      %cond3A = arith.constant 0 : i32
      %cond3A_174 = arith.cmpi ne, %convert_element_type3A, %cond3A : i32
      scf.if %cond3A_174 {
        %mul3A_175 = arith.constant 18 : i32
        %mul3A_176 = arith.muli %rem3A_15, %mul3A_175 : i32
        %add3A_177 = arith.addi %mul3A_176, %scan3A_169 : i32
        %mul3A_178 = arith.constant 64 : i32
        %mul3A_179 = arith.muli %add3A_177, %mul3A_178 : i32
        %mul3A_180 = arith.constant 131072 : i32
        %mul3A_181 = arith.muli %scan3A_169, %mul3A_180 : i32
        %add3A_182 = arith.addi %mul3A_181, %mul3A_5 : i32
        %dma_start3A = tpu.memref_slice %arg10[%mul3A_179] : memref<3456xi32, #tpu.memory_space<vmem>> -> memref<64xi32, #tpu.memory_space<vmem>>
        %dma_start3A_183 = tpu.memref_slice %arg4[%add3A_182] : memref<2359296xi32, #tpu.memory_space<hbm>> -> memref<64xi32, #tpu.memory_space<hbm>>
        %dma_start3A_184 = tpu.memref_slice %arg10[%mul3A_179] : memref<3456xi32, #tpu.memory_space<vmem>> -> memref<64xi32, #tpu.memory_space<vmem>>
        %dma_start3A_185 = tpu.memref_slice %arg4[%add3A_182] : memref<2359296xi32, #tpu.memory_space<hbm>> -> memref<64xi32, #tpu.memory_space<hbm>>
        tpu.enqueue_dma source(%dma_start3A_185 : memref<64xi32, #tpu.memory_space<hbm>>) target(%dma_start3A_184 : memref<64xi32, #tpu.memory_space<vmem>>) target_semaphore(%arg16 : memref<!tpu.dma_semaphore, #tpu.memory_space<semaphore_mem>>)
        %mul3A_186 = arith.constant 131072 : i32
        %mul3A_187 = arith.muli %scan3A_169, %mul3A_186 : i32
        %add3A_188 = arith.addi %mul3A_187, %mul3A_5 : i32
        %dma_start3A_189 = tpu.memref_slice %arg11[%mul3A_179] : memref<3456xi32, #tpu.memory_space<vmem>> -> memref<64xi32, #tpu.memory_space<vmem>>
        %dma_start3A_190 = tpu.memref_slice %arg5[%add3A_188] : memref<2359296xi32, #tpu.memory_space<hbm>> -> memref<64xi32, #tpu.memory_space<hbm>>
        %dma_start3A_191 = tpu.memref_slice %arg11[%mul3A_179] : memref<3456xi32, #tpu.memory_space<vmem>> -> memref<64xi32, #tpu.memory_space<vmem>>
        %dma_start3A_192 = tpu.memref_slice %arg5[%add3A_188] : memref<2359296xi32, #tpu.memory_space<hbm>> -> memref<64xi32, #tpu.memory_space<hbm>>
        tpu.enqueue_dma source(%dma_start3A_192 : memref<64xi32, #tpu.memory_space<hbm>>) target(%dma_start3A_191 : memref<64xi32, #tpu.memory_space<vmem>>) target_semaphore(%arg16 : memref<!tpu.dma_semaphore, #tpu.memory_space<semaphore_mem>>)
        %mul3A_193 = arith.constant 256 : i32
        %mul3A_194 = arith.muli %scan3A_169, %mul3A_193 : i32
        %add3A_195 = arith.addi %mul3A_194, %shift_right_arithmetic3A_6 : i32
        %mul3A_196 = arith.constant 4 : i32
        %mul3A_197 = arith.muli %add3A_195, %mul3A_196 : i32
        %add3A_198 = arith.addi %mul3A_197, %shift_right_arithmetic3A_9 : i32
        %mul3A_199 = arith.constant 512 : i32
        %mul3A_200 = arith.muli %add3A_198, %mul3A_199 : i32
        %add3A_201 = arith.addi %mul3A_200, %mul3A_13 : i32
        %add3A_202 = arith.constant 0 : i32
        %add3A_203 = arith.addi %add3A_201, %add3A_202 : i32
        %mul3A_204 = arith.constant 4 : i32
        %mul3A_205 = arith.muli %mul3A_179, %mul3A_204 : i32
        %add3A_206 = arith.constant 0 : i32
        %add3A_207 = arith.addi %mul3A_205, %add3A_206 : i32
        %dma_start3A_208 = tpu.memref_slice %arg12[%add3A_207] : memref<13824xf32, #tpu.memory_space<vmem>> -> memref<64xf32, #tpu.memory_space<vmem>>
        %dma_start3A_209 = tpu.memref_slice %arg3[%add3A_203] : memref<9437184xf32, #tpu.memory_space<hbm>> -> memref<64xf32, #tpu.memory_space<hbm>>
        %dma_start3A_210 = tpu.memref_slice %arg12[%add3A_207] : memref<13824xf32, #tpu.memory_space<vmem>> -> memref<64xf32, #tpu.memory_space<vmem>>
        %dma_start3A_211 = tpu.memref_slice %arg3[%add3A_203] : memref<9437184xf32, #tpu.memory_space<hbm>> -> memref<64xf32, #tpu.memory_space<hbm>>
        tpu.enqueue_dma source(%dma_start3A_211 : memref<64xf32, #tpu.memory_space<hbm>>) target(%dma_start3A_210 : memref<64xf32, #tpu.memory_space<vmem>>) target_semaphore(%arg16 : memref<!tpu.dma_semaphore, #tpu.memory_space<semaphore_mem>>)
        %add3A_212 = arith.constant 128 : i32
        %add3A_213 = arith.addi %add3A_201, %add3A_212 : i32
        %mul3A_214 = arith.constant 4 : i32
        %mul3A_215 = arith.muli %mul3A_179, %mul3A_214 : i32
        %add3A_216 = arith.constant 64 : i32
        %add3A_217 = arith.addi %mul3A_215, %add3A_216 : i32
        %dma_start3A_218 = tpu.memref_slice %arg12[%add3A_217] : memref<13824xf32, #tpu.memory_space<vmem>> -> memref<64xf32, #tpu.memory_space<vmem>>
        %dma_start3A_219 = tpu.memref_slice %arg3[%add3A_213] : memref<9437184xf32, #tpu.memory_space<hbm>> -> memref<64xf32, #tpu.memory_space<hbm>>
        %dma_start3A_220 = tpu.memref_slice %arg12[%add3A_217] : memref<13824xf32, #tpu.memory_space<vmem>> -> memref<64xf32, #tpu.memory_space<vmem>>
        %dma_start3A_221 = tpu.memref_slice %arg3[%add3A_213] : memref<9437184xf32, #tpu.memory_space<hbm>> -> memref<64xf32, #tpu.memory_space<hbm>>
        tpu.enqueue_dma source(%dma_start3A_221 : memref<64xf32, #tpu.memory_space<hbm>>) target(%dma_start3A_220 : memref<64xf32, #tpu.memory_space<vmem>>) target_semaphore(%arg16 : memref<!tpu.dma_semaphore, #tpu.memory_space<semaphore_mem>>)
        %add3A_222 = arith.constant 256 : i32
        %add3A_223 = arith.addi %add3A_201, %add3A_222 : i32
        %mul3A_224 = arith.constant 4 : i32
        %mul3A_225 = arith.muli %mul3A_179, %mul3A_224 : i32
        %add3A_226 = arith.constant 128 : i32
        %add3A_227 = arith.addi %mul3A_225, %add3A_226 : i32
        %dma_start3A_228 = tpu.memref_slice %arg12[%add3A_227] : memref<13824xf32, #tpu.memory_space<vmem>> -> memref<64xf32, #tpu.memory_space<vmem>>
        %dma_start3A_229 = tpu.memref_slice %arg3[%add3A_223] : memref<9437184xf32, #tpu.memory_space<hbm>> -> memref<64xf32, #tpu.memory_space<hbm>>
        %dma_start3A_230 = tpu.memref_slice %arg12[%add3A_227] : memref<13824xf32, #tpu.memory_space<vmem>> -> memref<64xf32, #tpu.memory_space<vmem>>
        %dma_start3A_231 = tpu.memref_slice %arg3[%add3A_223] : memref<9437184xf32, #tpu.memory_space<hbm>> -> memref<64xf32, #tpu.memory_space<hbm>>
        tpu.enqueue_dma source(%dma_start3A_231 : memref<64xf32, #tpu.memory_space<hbm>>) target(%dma_start3A_230 : memref<64xf32, #tpu.memory_space<vmem>>) target_semaphore(%arg16 : memref<!tpu.dma_semaphore, #tpu.memory_space<semaphore_mem>>)
        %add3A_232 = arith.constant 384 : i32
        %add3A_233 = arith.addi %add3A_201, %add3A_232 : i32
        %mul3A_234 = arith.constant 4 : i32
        %mul3A_235 = arith.muli %mul3A_179, %mul3A_234 : i32
        %add3A_236 = arith.constant 192 : i32
        %add3A_237 = arith.addi %mul3A_235, %add3A_236 : i32
        %dma_start3A_238 = tpu.memref_slice %arg12[%add3A_237] : memref<13824xf32, #tpu.memory_space<vmem>> -> memref<64xf32, #tpu.memory_space<vmem>>
        %dma_start3A_239 = tpu.memref_slice %arg3[%add3A_233] : memref<9437184xf32, #tpu.memory_space<hbm>> -> memref<64xf32, #tpu.memory_space<hbm>>
        %dma_start3A_240 = tpu.memref_slice %arg12[%add3A_237] : memref<13824xf32, #tpu.memory_space<vmem>> -> memref<64xf32, #tpu.memory_space<vmem>>
        %dma_start3A_241 = tpu.memref_slice %arg3[%add3A_233] : memref<9437184xf32, #tpu.memory_space<hbm>> -> memref<64xf32, #tpu.memory_space<hbm>>
        tpu.enqueue_dma source(%dma_start3A_241 : memref<64xf32, #tpu.memory_space<hbm>>) target(%dma_start3A_240 : memref<64xf32, #tpu.memory_space<vmem>>) target_semaphore(%arg16 : memref<!tpu.dma_semaphore, #tpu.memory_space<semaphore_mem>>)
      } else {
      }
    }
    %scan3A_22 = arith.constant 18 : i32
    %rem3A_23 = arith.constant 0 : i32
    %rem3A_24 = arith.constant 3 : i32
    %rem3A_25 = arith.remsi %rem3A_23, %rem3A_24 : i32
    %add3A_26 = arith.constant 0 : i32
    %add3A_27 = arith.addi %add3A, %add3A_26 : i32
    %get3A_28 = arith.index_cast %add3A_27 : i32 to index
    %get3A_29 = tpu.vector_load %arg13[%get3A_28] {strides = array<i32>} : memref<2064xi32, #tpu.memory_space<vmem>>, vector<16xi32>,
    %slice3A_30 = vector.extract_strided_slice %get3A_29 {offsets = [0], sizes = [1], strides = [1]} : vector<16xi32> to vector<1xi32>
    %squeeze3A_31 = vector.extract %slice3A_30[0] : i32 from vector<1xi32>
    %scan3A_32 = arith.constant 0 : i32
    %scan3A_33 = arith.constant 18 : i32
    %scan3A_34 = arith.addi %scan3A_32, %scan3A_33 : i32
    %scan3A_35 = arith.constant 1 : i32
    scf.for %scan3A_169 = %scan3A_32 to %scan3A_34 step %scan3A_35  : i32 {
      %shift_right_arithmetic3A_170 = arith.shrsi %squeeze3A_31, %scan3A_169 : i32
      %and3A_171 = arith.constant 1 : i32
      %and3A_172 = arith.andi %shift_right_arithmetic3A_170, %and3A_171 : i32
      %ne3A = arith.constant 0 : i32
      %ne3A_173 = arith.cmpi ne, %and3A_172, %ne3A : i32
      %convert_element_type3A = arith.extui %ne3A_173 : i1 to i32
      %cond3A = arith.constant 0 : i32
      %cond3A_174 = arith.cmpi ne, %convert_element_type3A, %cond3A : i32
      scf.if %cond3A_174 {
        %mul3A_175 = arith.constant 18 : i32
        %mul3A_176 = arith.muli %rem3A_25, %mul3A_175 : i32
        %add3A_177 = arith.addi %mul3A_176, %scan3A_169 : i32
        %mul3A_178 = arith.constant 64 : i32
        %mul3A_179 = arith.muli %add3A_177, %mul3A_178 : i32
        %dma_wait3A_180 = tpu.memref_slice %arg10[%mul3A_179] : memref<3456xi32, #tpu.memory_space<vmem>> -> memref<64xi32, #tpu.memory_space<vmem>>
        %dma_wait3A_181 = arith.constant 0 : i32
        %dma_wait3A_182 = tpu.memref_slice %arg4[%dma_wait3A_181] : memref<2359296xi32, #tpu.memory_space<hbm>> -> memref<64xi32, #tpu.memory_space<hbm>>
        %dma_wait3A_183 = tpu.memref_slice %arg10[%mul3A_179] : memref<3456xi32, #tpu.memory_space<vmem>> -> memref<64xi32, #tpu.memory_space<vmem>>
        %dma_wait3A_184 = arith.constant 0 : i32
        %dma_wait3A_185 = tpu.memref_slice %arg4[%dma_wait3A_184] : memref<2359296xi32, #tpu.memory_space<hbm>> -> memref<64xi32, #tpu.memory_space<hbm>>
        tpu.wait_dma2 semaphore(%arg16 : memref<!tpu.dma_semaphore, #tpu.memory_space<semaphore_mem>>) src(%dma_wait3A_185 : memref<64xi32, #tpu.memory_space<hbm>>) dst(%dma_wait3A_183 : memref<64xi32, #tpu.memory_space<vmem>>)
        %dma_wait3A_186 = tpu.memref_slice %arg11[%mul3A_179] : memref<3456xi32, #tpu.memory_space<vmem>> -> memref<64xi32, #tpu.memory_space<vmem>>
        %dma_wait3A_187 = arith.constant 0 : i32
        %dma_wait3A_188 = tpu.memref_slice %arg5[%dma_wait3A_187] : memref<2359296xi32, #tpu.memory_space<hbm>> -> memref<64xi32, #tpu.memory_space<hbm>>
        %dma_wait3A_189 = tpu.memref_slice %arg11[%mul3A_179] : memref<3456xi32, #tpu.memory_space<vmem>> -> memref<64xi32, #tpu.memory_space<vmem>>
        %dma_wait3A_190 = arith.constant 0 : i32
        %dma_wait3A_191 = tpu.memref_slice %arg5[%dma_wait3A_190] : memref<2359296xi32, #tpu.memory_space<hbm>> -> memref<64xi32, #tpu.memory_space<hbm>>
        tpu.wait_dma2 semaphore(%arg16 : memref<!tpu.dma_semaphore, #tpu.memory_space<semaphore_mem>>) src(%dma_wait3A_191 : memref<64xi32, #tpu.memory_space<hbm>>) dst(%dma_wait3A_189 : memref<64xi32, #tpu.memory_space<vmem>>)
        %mul3A_192 = arith.constant 4 : i32
        %mul3A_193 = arith.muli %mul3A_179, %mul3A_192 : i32
        %add3A_194 = arith.constant 0 : i32
        %add3A_195 = arith.addi %mul3A_193, %add3A_194 : i32
        %dma_wait3A_196 = tpu.memref_slice %arg12[%add3A_195] : memref<13824xf32, #tpu.memory_space<vmem>> -> memref<64xf32, #tpu.memory_space<vmem>>
        %dma_wait3A_197 = arith.constant 0 : i32
        %dma_wait3A_198 = tpu.memref_slice %arg3[%dma_wait3A_197] : memref<9437184xf32, #tpu.memory_space<hbm>> -> memref<64xf32, #tpu.memory_space<hbm>>
        %dma_wait3A_199 = tpu.memref_slice %arg12[%add3A_195] : memref<13824xf32, #tpu.memory_space<vmem>> -> memref<64xf32, #tpu.memory_space<vmem>>
        %dma_wait3A_200 = arith.constant 0 : i32
        %dma_wait3A_201 = tpu.memref_slice %arg3[%dma_wait3A_200] : memref<9437184xf32, #tpu.memory_space<hbm>> -> memref<64xf32, #tpu.memory_space<hbm>>
        tpu.wait_dma2 semaphore(%arg16 : memref<!tpu.dma_semaphore, #tpu.memory_space<semaphore_mem>>) src(%dma_wait3A_201 : memref<64xf32, #tpu.memory_space<hbm>>) dst(%dma_wait3A_199 : memref<64xf32, #tpu.memory_space<vmem>>)
        %mul3A_202 = arith.constant 4 : i32
        %mul3A_203 = arith.muli %mul3A_179, %mul3A_202 : i32
        %add3A_204 = arith.constant 64 : i32
        %add3A_205 = arith.addi %mul3A_203, %add3A_204 : i32
        %dma_wait3A_206 = tpu.memref_slice %arg12[%add3A_205] : memref<13824xf32, #tpu.memory_space<vmem>> -> memref<64xf32, #tpu.memory_space<vmem>>
        %dma_wait3A_207 = arith.constant 0 : i32
        %dma_wait3A_208 = tpu.memref_slice %arg3[%dma_wait3A_207] : memref<9437184xf32, #tpu.memory_space<hbm>> -> memref<64xf32, #tpu.memory_space<hbm>>
        %dma_wait3A_209 = tpu.memref_slice %arg12[%add3A_205] : memref<13824xf32, #tpu.memory_space<vmem>> -> memref<64xf32, #tpu.memory_space<vmem>>
        %dma_wait3A_210 = arith.constant 0 : i32
        %dma_wait3A_211 = tpu.memref_slice %arg3[%dma_wait3A_210] : memref<9437184xf32, #tpu.memory_space<hbm>> -> memref<64xf32, #tpu.memory_space<hbm>>
        tpu.wait_dma2 semaphore(%arg16 : memref<!tpu.dma_semaphore, #tpu.memory_space<semaphore_mem>>) src(%dma_wait3A_211 : memref<64xf32, #tpu.memory_space<hbm>>) dst(%dma_wait3A_209 : memref<64xf32, #tpu.memory_space<vmem>>)
        %mul3A_212 = arith.constant 4 : i32
        %mul3A_213 = arith.muli %mul3A_179, %mul3A_212 : i32
        %add3A_214 = arith.constant 128 : i32
        %add3A_215 = arith.addi %mul3A_213, %add3A_214 : i32
        %dma_wait3A_216 = tpu.memref_slice %arg12[%add3A_215] : memref<13824xf32, #tpu.memory_space<vmem>> -> memref<64xf32, #tpu.memory_space<vmem>>
        %dma_wait3A_217 = arith.constant 0 : i32
        %dma_wait3A_218 = tpu.memref_slice %arg3[%dma_wait3A_217] : memref<9437184xf32, #tpu.memory_space<hbm>> -> memref<64xf32, #tpu.memory_space<hbm>>
        %dma_wait3A_219 = tpu.memref_slice %arg12[%add3A_215] : memref<13824xf32, #tpu.memory_space<vmem>> -> memref<64xf32, #tpu.memory_space<vmem>>
        %dma_wait3A_220 = arith.constant 0 : i32
        %dma_wait3A_221 = tpu.memref_slice %arg3[%dma_wait3A_220] : memref<9437184xf32, #tpu.memory_space<hbm>> -> memref<64xf32, #tpu.memory_space<hbm>>
        tpu.wait_dma2 semaphore(%arg16 : memref<!tpu.dma_semaphore, #tpu.memory_space<semaphore_mem>>) src(%dma_wait3A_221 : memref<64xf32, #tpu.memory_space<hbm>>) dst(%dma_wait3A_219 : memref<64xf32, #tpu.memory_space<vmem>>)
        %mul3A_222 = arith.constant 4 : i32
        %mul3A_223 = arith.muli %mul3A_179, %mul3A_222 : i32
        %add3A_224 = arith.constant 192 : i32
        %add3A_225 = arith.addi %mul3A_223, %add3A_224 : i32
        %dma_wait3A_226 = tpu.memref_slice %arg12[%add3A_225] : memref<13824xf32, #tpu.memory_space<vmem>> -> memref<64xf32, #tpu.memory_space<vmem>>
        %dma_wait3A_227 = arith.constant 0 : i32
        %dma_wait3A_228 = tpu.memref_slice %arg3[%dma_wait3A_227] : memref<9437184xf32, #tpu.memory_space<hbm>> -> memref<64xf32, #tpu.memory_space<hbm>>
        %dma_wait3A_229 = tpu.memref_slice %arg12[%add3A_225] : memref<13824xf32, #tpu.memory_space<vmem>> -> memref<64xf32, #tpu.memory_space<vmem>>
        %dma_wait3A_230 = arith.constant 0 : i32
        %dma_wait3A_231 = tpu.memref_slice %arg3[%dma_wait3A_230] : memref<9437184xf32, #tpu.memory_space<hbm>> -> memref<64xf32, #tpu.memory_space<hbm>>
        tpu.wait_dma2 semaphore(%arg16 : memref<!tpu.dma_semaphore, #tpu.memory_space<semaphore_mem>>) src(%dma_wait3A_231 : memref<64xf32, #tpu.memory_space<hbm>>) dst(%dma_wait3A_229 : memref<64xf32, #tpu.memory_space<vmem>>)
        %add3A_232 = arith.constant 0 : i32
        %add3A_233 = arith.addi %add3A_232, %scan3A_169 : i32
        %mul3A_234 = arith.constant 2 : i32
        %mul3A_235 = arith.muli %add3A_233, %mul3A_234 : i32
        %mul3A_236 = arith.constant 50176 : i32
        %mul3A_237 = arith.muli %scan3A_169, %mul3A_236 : i32
        %add3A_238 = arith.constant 0 : i32
        %add3A_239 = arith.addi %mul3A_179, %add3A_238 : i32
        %get3A_240 = arith.index_cast %add3A_239 : i32 to index
        %get3A_241 = tpu.vector_load %arg10[%get3A_240] {strides = array<i32>} : memref<3456xi32, #tpu.memory_space<vmem>>, vector<16xi32>,
        %add3A_242 = arith.constant 0 : i32
        %add3A_243 = arith.addi %mul3A_179, %add3A_242 : i32
        %get3A_244 = arith.index_cast %add3A_243 : i32 to index
        %get3A_245 = tpu.vector_load %arg11[%get3A_244] {strides = array<i32>} : memref<3456xi32, #tpu.memory_space<vmem>>, vector<16xi32>,
        %add3A_246 = vector.broadcast %mul3A_237 : i32 to vector<16xi32>
        %add3A_247 = arith.addi %add3A_246, %get3A_241 : vector<16xi32>
        %add3A_248 = arith.constant 1 : i32
        %add3A_249 = vector.broadcast %add3A_248 : i32 to vector<16xi32>
        %add3A_250 = arith.addi %get3A_241, %add3A_249 : vector<16xi32>
        %min3A = arith.constant 223 : i32
        %min3A_251 = vector.broadcast %min3A : i32 to vector<16xi32>
        %min3A_252 = arith.minsi %add3A_250, %min3A_251 : vector<16xi32>
        %add3A_253 = vector.broadcast %mul3A_237 : i32 to vector<16xi32>
        %add3A_254 = arith.addi %add3A_253, %min3A_252 : vector<16xi32>
        %mul3A_255 = arith.constant 224 : i32
        %mul3A_256 = vector.broadcast %mul3A_255 : i32 to vector<16xi32>
        %mul3A_257 = arith.muli %get3A_245, %mul3A_256 : vector<16xi32>
        %add3A_258 = arith.constant 1 : i32
        %add3A_259 = vector.broadcast %add3A_258 : i32 to vector<16xi32>
        %add3A_260 = arith.addi %get3A_245, %add3A_259 : vector<16xi32>
        %min3A_261 = arith.constant 223 : i32
        %min3A_262 = vector.broadcast %min3A_261 : i32 to vector<16xi32>
        %min3A_263 = arith.minsi %add3A_260, %min3A_262 : vector<16xi32>
        %mul3A_264 = arith.constant 224 : i32
        %mul3A_265 = vector.broadcast %mul3A_264 : i32 to vector<16xi32>
        %mul3A_266 = arith.muli %min3A_263, %mul3A_265 : vector<16xi32>
        %add3A_267 = arith.addi %mul3A_257, %add3A_247 : vector<16xi32>
        %swap3A = arith.index_cast %mul3A_235 : i32 to index
        %swap3A_268 = arith.constant 0 : index
        %swap3A_269 = tpu.vector_load %arg9[%swap3A, %swap3A_268] {strides = array<i32>} : memref<72x128xi32, #tpu.memory_space<vmem>>, vector<16xi32>,
        tpu.vector_store %arg9[%swap3A, %swap3A_268], %add3A_267 {strides = array<i32>} : memref<72x128xi32, #tpu.memory_space<vmem>>, vector<16xi32>,
        %add3A_270 = arith.addi %mul3A_266, %add3A_247 : vector<16xi32>
        %swap3A_271 = arith.index_cast %mul3A_235 : i32 to index
        %swap3A_272 = arith.constant 64 : index
        %swap3A_273 = tpu.vector_load %arg9[%swap3A_271, %swap3A_272] {strides = array<i32>} : memref<72x128xi32, #tpu.memory_space<vmem>>, vector<16xi32>,
        tpu.vector_store %arg9[%swap3A_271, %swap3A_272], %add3A_270 {strides = array<i32>} : memref<72x128xi32, #tpu.memory_space<vmem>>, vector<16xi32>,
        %add3A_274 = arith.addi %mul3A_257, %add3A_254 : vector<16xi32>
        %add3A_275 = arith.constant 1 : i32
        %add3A_276 = arith.addi %mul3A_235, %add3A_275 : i32
        %swap3A_277 = arith.index_cast %add3A_276 : i32 to index
        %swap3A_278 = arith.constant 0 : index
        %swap3A_279 = tpu.vector_load %arg9[%swap3A_277, %swap3A_278] {strides = array<i32>} : memref<72x128xi32, #tpu.memory_space<vmem>>, vector<16xi32>,
        tpu.vector_store %arg9[%swap3A_277, %swap3A_278], %add3A_274 {strides = array<i32>} : memref<72x128xi32, #tpu.memory_space<vmem>>, vector<16xi32>,
        %add3A_280 = arith.addi %mul3A_266, %add3A_254 : vector<16xi32>
        %add3A_281 = arith.constant 1 : i32
        %add3A_282 = arith.addi %mul3A_235, %add3A_281 : i32
        %swap3A_283 = arith.index_cast %add3A_282 : i32 to index
        %swap3A_284 = arith.constant 64 : index
        %swap3A_285 = tpu.vector_load %arg9[%swap3A_283, %swap3A_284] {strides = array<i32>} : memref<72x128xi32, #tpu.memory_space<vmem>>, vector<16xi32>,
        tpu.vector_store %arg9[%swap3A_283, %swap3A_284], %add3A_280 {strides = array<i32>} : memref<72x128xi32, #tpu.memory_space<vmem>>, vector<16xi32>,
        %add3A_286 = arith.constant 16 : i32
        %add3A_287 = arith.addi %mul3A_179, %add3A_286 : i32
        %get3A_288 = arith.index_cast %add3A_287 : i32 to index
        %get3A_289 = tpu.vector_load %arg10[%get3A_288] {strides = array<i32>} : memref<3456xi32, #tpu.memory_space<vmem>>, vector<16xi32>,
        %add3A_290 = arith.constant 16 : i32
        %add3A_291 = arith.addi %mul3A_179, %add3A_290 : i32
        %get3A_292 = arith.index_cast %add3A_291 : i32 to index
        %get3A_293 = tpu.vector_load %arg11[%get3A_292] {strides = array<i32>} : memref<3456xi32, #tpu.memory_space<vmem>>, vector<16xi32>,
        %add3A_294 = vector.broadcast %mul3A_237 : i32 to vector<16xi32>
        %add3A_295 = arith.addi %add3A_294, %get3A_289 : vector<16xi32>
        %add3A_296 = arith.constant 1 : i32
        %add3A_297 = vector.broadcast %add3A_296 : i32 to vector<16xi32>
        %add3A_298 = arith.addi %get3A_289, %add3A_297 : vector<16xi32>
        %min3A_299 = arith.constant 223 : i32
        %min3A_300 = vector.broadcast %min3A_299 : i32 to vector<16xi32>
        %min3A_301 = arith.minsi %add3A_298, %min3A_300 : vector<16xi32>
        %add3A_302 = vector.broadcast %mul3A_237 : i32 to vector<16xi32>
        %add3A_303 = arith.addi %add3A_302, %min3A_301 : vector<16xi32>
        %mul3A_304 = arith.constant 224 : i32
        %mul3A_305 = vector.broadcast %mul3A_304 : i32 to vector<16xi32>
        %mul3A_306 = arith.muli %get3A_293, %mul3A_305 : vector<16xi32>
        %add3A_307 = arith.constant 1 : i32
        %add3A_308 = vector.broadcast %add3A_307 : i32 to vector<16xi32>
        %add3A_309 = arith.addi %get3A_293, %add3A_308 : vector<16xi32>
        %min3A_310 = arith.constant 223 : i32
        %min3A_311 = vector.broadcast %min3A_310 : i32 to vector<16xi32>
        %min3A_312 = arith.minsi %add3A_309, %min3A_311 : vector<16xi32>
        %mul3A_313 = arith.constant 224 : i32
        %mul3A_314 = vector.broadcast %mul3A_313 : i32 to vector<16xi32>
        %mul3A_315 = arith.muli %min3A_312, %mul3A_314 : vector<16xi32>
        %add3A_316 = arith.addi %mul3A_306, %add3A_295 : vector<16xi32>
        %swap3A_317 = arith.index_cast %mul3A_235 : i32 to index
        %swap3A_318 = arith.constant 16 : index
        %swap3A_319 = tpu.vector_load %arg9[%swap3A_317, %swap3A_318] {strides = array<i32>} : memref<72x128xi32, #tpu.memory_space<vmem>>, vector<16xi32>,
        tpu.vector_store %arg9[%swap3A_317, %swap3A_318], %add3A_316 {strides = array<i32>} : memref<72x128xi32, #tpu.memory_space<vmem>>, vector<16xi32>,
        %add3A_320 = arith.addi %mul3A_315, %add3A_295 : vector<16xi32>
        %swap3A_321 = arith.index_cast %mul3A_235 : i32 to index
        %swap3A_322 = arith.constant 80 : index
        %swap3A_323 = tpu.vector_load %arg9[%swap3A_321, %swap3A_322] {strides = array<i32>} : memref<72x128xi32, #tpu.memory_space<vmem>>, vector<16xi32>,
        tpu.vector_store %arg9[%swap3A_321, %swap3A_322], %add3A_320 {strides = array<i32>} : memref<72x128xi32, #tpu.memory_space<vmem>>, vector<16xi32>,
        %add3A_324 = arith.addi %mul3A_306, %add3A_303 : vector<16xi32>
        %add3A_325 = arith.constant 1 : i32
        %add3A_326 = arith.addi %mul3A_235, %add3A_325 : i32
        %swap3A_327 = arith.index_cast %add3A_326 : i32 to index
        %swap3A_328 = arith.constant 16 : index
        %swap3A_329 = tpu.vector_load %arg9[%swap3A_327, %swap3A_328] {strides = array<i32>} : memref<72x128xi32, #tpu.memory_space<vmem>>, vector<16xi32>,
        tpu.vector_store %arg9[%swap3A_327, %swap3A_328], %add3A_324 {strides = array<i32>} : memref<72x128xi32, #tpu.memory_space<vmem>>, vector<16xi32>,
        %add3A_330 = arith.addi %mul3A_315, %add3A_303 : vector<16xi32>
        %add3A_331 = arith.constant 1 : i32
        %add3A_332 = arith.addi %mul3A_235, %add3A_331 : i32
        %swap3A_333 = arith.index_cast %add3A_332 : i32 to index
        %swap3A_334 = arith.constant 80 : index
        %swap3A_335 = tpu.vector_load %arg9[%swap3A_333, %swap3A_334] {strides = array<i32>} : memref<72x128xi32, #tpu.memory_space<vmem>>, vector<16xi32>,
        tpu.vector_store %arg9[%swap3A_333, %swap3A_334], %add3A_330 {strides = array<i32>} : memref<72x128xi32, #tpu.memory_space<vmem>>, vector<16xi32>,
        %add3A_336 = arith.constant 32 : i32
        %add3A_337 = arith.addi %mul3A_179, %add3A_336 : i32
        %get3A_338 = arith.index_cast %add3A_337 : i32 to index
        %get3A_339 = tpu.vector_load %arg10[%get3A_338] {strides = array<i32>} : memref<3456xi32, #tpu.memory_space<vmem>>, vector<16xi32>,
        %add3A_340 = arith.constant 32 : i32
        %add3A_341 = arith.addi %mul3A_179, %add3A_340 : i32
        %get3A_342 = arith.index_cast %add3A_341 : i32 to index
        %get3A_343 = tpu.vector_load %arg11[%get3A_342] {strides = array<i32>} : memref<3456xi32, #tpu.memory_space<vmem>>, vector<16xi32>,
        %add3A_344 = vector.broadcast %mul3A_237 : i32 to vector<16xi32>
        %add3A_345 = arith.addi %add3A_344, %get3A_339 : vector<16xi32>
        %add3A_346 = arith.constant 1 : i32
        %add3A_347 = vector.broadcast %add3A_346 : i32 to vector<16xi32>
        %add3A_348 = arith.addi %get3A_339, %add3A_347 : vector<16xi32>
        %min3A_349 = arith.constant 223 : i32
        %min3A_350 = vector.broadcast %min3A_349 : i32 to vector<16xi32>
        %min3A_351 = arith.minsi %add3A_348, %min3A_350 : vector<16xi32>
        %add3A_352 = vector.broadcast %mul3A_237 : i32 to vector<16xi32>
        %add3A_353 = arith.addi %add3A_352, %min3A_351 : vector<16xi32>
        %mul3A_354 = arith.constant 224 : i32
        %mul3A_355 = vector.broadcast %mul3A_354 : i32 to vector<16xi32>
        %mul3A_356 = arith.muli %get3A_343, %mul3A_355 : vector<16xi32>
        %add3A_357 = arith.constant 1 : i32
        %add3A_358 = vector.broadcast %add3A_357 : i32 to vector<16xi32>
        %add3A_359 = arith.addi %get3A_343, %add3A_358 : vector<16xi32>
        %min3A_360 = arith.constant 223 : i32
        %min3A_361 = vector.broadcast %min3A_360 : i32 to vector<16xi32>
        %min3A_362 = arith.minsi %add3A_359, %min3A_361 : vector<16xi32>
        %mul3A_363 = arith.constant 224 : i32
        %mul3A_364 = vector.broadcast %mul3A_363 : i32 to vector<16xi32>
        %mul3A_365 = arith.muli %min3A_362, %mul3A_364 : vector<16xi32>
        %add3A_366 = arith.addi %mul3A_356, %add3A_345 : vector<16xi32>
        %swap3A_367 = arith.index_cast %mul3A_235 : i32 to index
        %swap3A_368 = arith.constant 32 : index
        %swap3A_369 = tpu.vector_load %arg9[%swap3A_367, %swap3A_368] {strides = array<i32>} : memref<72x128xi32, #tpu.memory_space<vmem>>, vector<16xi32>,
        tpu.vector_store %arg9[%swap3A_367, %swap3A_368], %add3A_366 {strides = array<i32>} : memref<72x128xi32, #tpu.memory_space<vmem>>, vector<16xi32>,
        %add3A_370 = arith.addi %mul3A_365, %add3A_345 : vector<16xi32>
        %swap3A_371 = arith.index_cast %mul3A_235 : i32 to index
        %swap3A_372 = arith.constant 96 : index
        %swap3A_373 = tpu.vector_load %arg9[%swap3A_371, %swap3A_372] {strides = array<i32>} : memref<72x128xi32, #tpu.memory_space<vmem>>, vector<16xi32>,
        tpu.vector_store %arg9[%swap3A_371, %swap3A_372], %add3A_370 {strides = array<i32>} : memref<72x128xi32, #tpu.memory_space<vmem>>, vector<16xi32>,
        %add3A_374 = arith.addi %mul3A_356, %add3A_353 : vector<16xi32>
        %add3A_375 = arith.constant 1 : i32
        %add3A_376 = arith.addi %mul3A_235, %add3A_375 : i32
        %swap3A_377 = arith.index_cast %add3A_376 : i32 to index
        %swap3A_378 = arith.constant 32 : index
        %swap3A_379 = tpu.vector_load %arg9[%swap3A_377, %swap3A_378] {strides = array<i32>} : memref<72x128xi32, #tpu.memory_space<vmem>>, vector<16xi32>,
        tpu.vector_store %arg9[%swap3A_377, %swap3A_378], %add3A_374 {strides = array<i32>} : memref<72x128xi32, #tpu.memory_space<vmem>>, vector<16xi32>,
        %add3A_380 = arith.addi %mul3A_365, %add3A_353 : vector<16xi32>
        %add3A_381 = arith.constant 1 : i32
        %add3A_382 = arith.addi %mul3A_235, %add3A_381 : i32
        %swap3A_383 = arith.index_cast %add3A_382 : i32 to index
        %swap3A_384 = arith.constant 96 : index
        %swap3A_385 = tpu.vector_load %arg9[%swap3A_383, %swap3A_384] {strides = array<i32>} : memref<72x128xi32, #tpu.memory_space<vmem>>, vector<16xi32>,
        tpu.vector_store %arg9[%swap3A_383, %swap3A_384], %add3A_380 {strides = array<i32>} : memref<72x128xi32, #tpu.memory_space<vmem>>, vector<16xi32>,
        %add3A_386 = arith.constant 48 : i32
        %add3A_387 = arith.addi %mul3A_179, %add3A_386 : i32
        %get3A_388 = arith.index_cast %add3A_387 : i32 to index
        %get3A_389 = tpu.vector_load %arg10[%get3A_388] {strides = array<i32>} : memref<3456xi32, #tpu.memory_space<vmem>>, vector<16xi32>,
        %add3A_390 = arith.constant 48 : i32
        %add3A_391 = arith.addi %mul3A_179, %add3A_390 : i32
        %get3A_392 = arith.index_cast %add3A_391 : i32 to index
        %get3A_393 = tpu.vector_load %arg11[%get3A_392] {strides = array<i32>} : memref<3456xi32, #tpu.memory_space<vmem>>, vector<16xi32>,
        %add3A_394 = vector.broadcast %mul3A_237 : i32 to vector<16xi32>
        %add3A_395 = arith.addi %add3A_394, %get3A_389 : vector<16xi32>
        %add3A_396 = arith.constant 1 : i32
        %add3A_397 = vector.broadcast %add3A_396 : i32 to vector<16xi32>
        %add3A_398 = arith.addi %get3A_389, %add3A_397 : vector<16xi32>
        %min3A_399 = arith.constant 223 : i32
        %min3A_400 = vector.broadcast %min3A_399 : i32 to vector<16xi32>
        %min3A_401 = arith.minsi %add3A_398, %min3A_400 : vector<16xi32>
        %add3A_402 = vector.broadcast %mul3A_237 : i32 to vector<16xi32>
        %add3A_403 = arith.addi %add3A_402, %min3A_401 : vector<16xi32>
        %mul3A_404 = arith.constant 224 : i32
        %mul3A_405 = vector.broadcast %mul3A_404 : i32 to vector<16xi32>
        %mul3A_406 = arith.muli %get3A_393, %mul3A_405 : vector<16xi32>
        %add3A_407 = arith.constant 1 : i32
        %add3A_408 = vector.broadcast %add3A_407 : i32 to vector<16xi32>
        %add3A_409 = arith.addi %get3A_393, %add3A_408 : vector<16xi32>
        %min3A_410 = arith.constant 223 : i32
        %min3A_411 = vector.broadcast %min3A_410 : i32 to vector<16xi32>
        %min3A_412 = arith.minsi %add3A_409, %min3A_411 : vector<16xi32>
        %mul3A_413 = arith.constant 224 : i32
        %mul3A_414 = vector.broadcast %mul3A_413 : i32 to vector<16xi32>
        %mul3A_415 = arith.muli %min3A_412, %mul3A_414 : vector<16xi32>
        %add3A_416 = arith.addi %mul3A_406, %add3A_395 : vector<16xi32>
        %swap3A_417 = arith.index_cast %mul3A_235 : i32 to index
        %swap3A_418 = arith.constant 48 : index
        %swap3A_419 = tpu.vector_load %arg9[%swap3A_417, %swap3A_418] {strides = array<i32>} : memref<72x128xi32, #tpu.memory_space<vmem>>, vector<16xi32>,
        tpu.vector_store %arg9[%swap3A_417, %swap3A_418], %add3A_416 {strides = array<i32>} : memref<72x128xi32, #tpu.memory_space<vmem>>, vector<16xi32>,
        %add3A_420 = arith.addi %mul3A_415, %add3A_395 : vector<16xi32>
        %swap3A_421 = arith.index_cast %mul3A_235 : i32 to index
        %swap3A_422 = arith.constant 112 : index
        %swap3A_423 = tpu.vector_load %arg9[%swap3A_421, %swap3A_422] {strides = array<i32>} : memref<72x128xi32, #tpu.memory_space<vmem>>, vector<16xi32>,
        tpu.vector_store %arg9[%swap3A_421, %swap3A_422], %add3A_420 {strides = array<i32>} : memref<72x128xi32, #tpu.memory_space<vmem>>, vector<16xi32>,
        %add3A_424 = arith.addi %mul3A_406, %add3A_403 : vector<16xi32>
        %add3A_425 = arith.constant 1 : i32
        %add3A_426 = arith.addi %mul3A_235, %add3A_425 : i32
        %swap3A_427 = arith.index_cast %add3A_426 : i32 to index
        %swap3A_428 = arith.constant 48 : index
        %swap3A_429 = tpu.vector_load %arg9[%swap3A_427, %swap3A_428] {strides = array<i32>} : memref<72x128xi32, #tpu.memory_space<vmem>>, vector<16xi32>,
        tpu.vector_store %arg9[%swap3A_427, %swap3A_428], %add3A_424 {strides = array<i32>} : memref<72x128xi32, #tpu.memory_space<vmem>>, vector<16xi32>,
        %add3A_430 = arith.addi %mul3A_415, %add3A_403 : vector<16xi32>
        %add3A_431 = arith.constant 1 : i32
        %add3A_432 = arith.addi %mul3A_235, %add3A_431 : i32
        %swap3A_433 = arith.index_cast %add3A_432 : i32 to index
        %swap3A_434 = arith.constant 112 : index
        %swap3A_435 = tpu.vector_load %arg9[%swap3A_433, %swap3A_434] {strides = array<i32>} : memref<72x128xi32, #tpu.memory_space<vmem>>, vector<16xi32>,
        tpu.vector_store %arg9[%swap3A_433, %swap3A_434], %add3A_430 {strides = array<i32>} : memref<72x128xi32, #tpu.memory_space<vmem>>, vector<16xi32>,
        %add3A_436 = arith.constant 0 : i32
        %add3A_437 = arith.addi %add3A_436, %scan3A_169 : i32
        %mul3A_438 = arith.constant 256 : i32
        %mul3A_439 = arith.muli %add3A_437, %mul3A_438 : i32
        %dma_start3A = arith.constant 0 : i32
        %dma_start3A_440 = tpu.memref_slice %arg8[%mul3A_439, %dma_start3A] : memref<9216x8xf32, #tpu.memory_space<vmem>> -> memref<128x8xf32, #tpu.memory_space<vmem>>
        %dma_start3A_441 = arith.constant 0 : i32
        %dma_start3A_442 = tpu.memref_slice %arg9[%mul3A_235, %dma_start3A_441] : memref<72x128xi32, #tpu.memory_space<vmem>> -> memref<1x128xi32, #tpu.memory_space<vmem>>
        %dma_start3A_443 = tpu.memref_squeeze %dma_start3A_442 : memref<1x128xi32, #tpu.memory_space<vmem>> -> memref<128xi32, #tpu.memory_space<vmem>>
        %dma_start3A_444 = arith.constant 0 : i32
        %dma_start3A_445 = arith.constant 0 : i32
        %dma_start3A_446 = tpu.memref_slice %arg2[%dma_start3A_444, %dma_start3A_445] : memref<903168x8xf32, #tpu.memory_space<hbm>> -> memref<903168x8xf32, #tpu.memory_space<hbm>>
        tpu.enqueue_indirect_dma source(%dma_start3A_446 : memref<903168x8xf32, #tpu.memory_space<hbm>>) target(%dma_start3A_440 : memref<128x8xf32, #tpu.memory_space<vmem>>) offsets(%dma_start3A_443 : memref<128xi32, #tpu.memory_space<vmem>>) semaphore(%arg17 : memref<!tpu.dma_semaphore, #tpu.memory_space<semaphore_mem>>)
        %add3A_447 = arith.constant 1 : i32
        %add3A_448 = arith.addi %mul3A_235, %add3A_447 : i32
        %add3A_449 = arith.constant 128 : i32
        %add3A_450 = arith.addi %mul3A_439, %add3A_449 : i32
        %dma_start3A_451 = arith.constant 0 : i32
        %dma_start3A_452 = tpu.memref_slice %arg8[%add3A_450, %dma_start3A_451] : memref<9216x8xf32, #tpu.memory_space<vmem>> -> memref<128x8xf32, #tpu.memory_space<vmem>>
        %dma_start3A_453 = arith.constant 0 : i32
        %dma_start3A_454 = tpu.memref_slice %arg9[%add3A_448, %dma_start3A_453] : memref<72x128xi32, #tpu.memory_space<vmem>> -> memref<1x128xi32, #tpu.memory_space<vmem>>
        %dma_start3A_455 = tpu.memref_squeeze %dma_start3A_454 : memref<1x128xi32, #tpu.memory_space<vmem>> -> memref<128xi32, #tpu.memory_space<vmem>>
        %dma_start3A_456 = arith.constant 0 : i32
        %dma_start3A_457 = arith.constant 0 : i32
        %dma_start3A_458 = tpu.memref_slice %arg2[%dma_start3A_456, %dma_start3A_457] : memref<903168x8xf32, #tpu.memory_space<hbm>> -> memref<903168x8xf32, #tpu.memory_space<hbm>>
        tpu.enqueue_indirect_dma source(%dma_start3A_458 : memref<903168x8xf32, #tpu.memory_space<hbm>>) target(%dma_start3A_452 : memref<128x8xf32, #tpu.memory_space<vmem>>) offsets(%dma_start3A_455 : memref<128xi32, #tpu.memory_space<vmem>>) semaphore(%arg17 : memref<!tpu.dma_semaphore, #tpu.memory_space<semaphore_mem>>)
      } else {
      }
    }
    %scan3A_36 = arith.constant 18 : i32
    %scan3A_37 = arith.constant 0 : i32
    %scan3A_38 = arith.constant 65 : i32
    %scan3A_39 = arith.addi %scan3A_37, %scan3A_38 : i32
    %scan3A_40 = arith.constant 1 : i32
    scf.for %scan3A_169 = %scan3A_37 to %scan3A_39 step %scan3A_40  : i32 {
      %lt3A = arith.constant 64 : i32
      %lt3A_170 = arith.cmpi slt, %scan3A_169, %lt3A : i32
      %convert_element_type3A = arith.extui %lt3A_170 : i1 to i32
      %cond3A = arith.constant 0 : i32
      %cond3A_171 = arith.cmpi ne, %convert_element_type3A, %cond3A : i32
      scf.if %cond3A_171 {
        %gt3A_176 = arith.constant 0 : i32
        %gt3A_177 = arith.cmpi sgt, %scan3A_169, %gt3A_176 : i32
        %convert_element_type3A_178 = arith.extui %gt3A_177 : i1 to i32
        %cond3A_179 = arith.constant 0 : i32
        %cond3A_180 = arith.cmpi ne, %convert_element_type3A_178, %cond3A_179 : i32
        scf.if %cond3A_180 {
          %rem3A_188 = arith.constant 2 : i32
          %rem3A_189 = arith.remsi %scan3A_169, %rem3A_188 : i32
          %rem3A_190 = arith.constant 3 : i32
          %rem3A_191 = arith.remsi %scan3A_169, %rem3A_190 : i32
          %mul3A_192 = arith.constant 32 : i32
          %mul3A_193 = arith.muli %scan3A_169, %mul3A_192 : i32
          %add3A_194 = arith.addi %add3A, %mul3A_193 : i32
          %get3A_195 = arith.index_cast %add3A_194 : i32 to index
          %get3A_196 = tpu.vector_load %arg13[%get3A_195] {strides = array<i32>} : memref<2064xi32, #tpu.memory_space<vmem>>, vector<16xi32>,
          %slice3A_197 = vector.extract_strided_slice %get3A_196 {offsets = [0], sizes = [1], strides = [1]} : vector<16xi32> to vector<1xi32>
          %squeeze3A_198 = vector.extract %slice3A_197[0] : i32 from vector<1xi32>
          %scan3A_199 = arith.constant 0 : i32
          %scan3A_200 = arith.constant 18 : i32
          %scan3A_201 = arith.addi %scan3A_199, %scan3A_200 : i32
          %scan3A_202 = arith.constant 1 : i32
          scf.for %scan3A_204 = %scan3A_199 to %scan3A_201 step %scan3A_202  : i32 {
            %shift_right_arithmetic3A_205 = arith.shrsi %squeeze3A_198, %scan3A_204 : i32
            %and3A_206 = arith.constant 1 : i32
            %and3A_207 = arith.andi %shift_right_arithmetic3A_205, %and3A_206 : i32
            %ne3A = arith.constant 0 : i32
            %ne3A_208 = arith.cmpi ne, %and3A_207, %ne3A : i32
            %convert_element_type3A_209 = arith.extui %ne3A_208 : i1 to i32
            %cond3A_210 = arith.constant 0 : i32
            %cond3A_211 = arith.cmpi ne, %convert_element_type3A_209, %cond3A_210 : i32
            scf.if %cond3A_211 {
              %mul3A_212 = arith.constant 18 : i32
              %mul3A_213 = arith.muli %rem3A_191, %mul3A_212 : i32
              %add3A_214 = arith.addi %mul3A_213, %scan3A_204 : i32
              %mul3A_215 = arith.constant 64 : i32
              %mul3A_216 = arith.muli %add3A_214, %mul3A_215 : i32
              %dma_wait3A_217 = tpu.memref_slice %arg10[%mul3A_216] : memref<3456xi32, #tpu.memory_space<vmem>> -> memref<64xi32, #tpu.memory_space<vmem>>
              %dma_wait3A_218 = arith.constant 0 : i32
              %dma_wait3A_219 = tpu.memref_slice %arg4[%dma_wait3A_218] : memref<2359296xi32, #tpu.memory_space<hbm>> -> memref<64xi32, #tpu.memory_space<hbm>>
              %dma_wait3A_220 = tpu.memref_slice %arg10[%mul3A_216] : memref<3456xi32, #tpu.memory_space<vmem>> -> memref<64xi32, #tpu.memory_space<vmem>>
              %dma_wait3A_221 = arith.constant 0 : i32
              %dma_wait3A_222 = tpu.memref_slice %arg4[%dma_wait3A_221] : memref<2359296xi32, #tpu.memory_space<hbm>> -> memref<64xi32, #tpu.memory_space<hbm>>
              tpu.wait_dma2 semaphore(%arg16 : memref<!tpu.dma_semaphore, #tpu.memory_space<semaphore_mem>>) src(%dma_wait3A_222 : memref<64xi32, #tpu.memory_space<hbm>>) dst(%dma_wait3A_220 : memref<64xi32, #tpu.memory_space<vmem>>)
              %dma_wait3A_223 = tpu.memref_slice %arg11[%mul3A_216] : memref<3456xi32, #tpu.memory_space<vmem>> -> memref<64xi32, #tpu.memory_space<vmem>>
              %dma_wait3A_224 = arith.constant 0 : i32
              %dma_wait3A_225 = tpu.memref_slice %arg5[%dma_wait3A_224] : memref<2359296xi32, #tpu.memory_space<hbm>> -> memref<64xi32, #tpu.memory_space<hbm>>
              %dma_wait3A_226 = tpu.memref_slice %arg11[%mul3A_216] : memref<3456xi32, #tpu.memory_space<vmem>> -> memref<64xi32, #tpu.memory_space<vmem>>
              %dma_wait3A_227 = arith.constant 0 : i32
              %dma_wait3A_228 = tpu.memref_slice %arg5[%dma_wait3A_227] : memref<2359296xi32, #tpu.memory_space<hbm>> -> memref<64xi32, #tpu.memory_space<hbm>>
              tpu.wait_dma2 semaphore(%arg16 : memref<!tpu.dma_semaphore, #tpu.memory_space<semaphore_mem>>) src(%dma_wait3A_228 : memref<64xi32, #tpu.memory_space<hbm>>) dst(%dma_wait3A_226 : memref<64xi32, #tpu.memory_space<vmem>>)
              %mul3A_229 = arith.constant 4 : i32
              %mul3A_230 = arith.muli %mul3A_216, %mul3A_229 : i32
              %add3A_231 = arith.constant 0 : i32
              %add3A_232 = arith.addi %mul3A_230, %add3A_231 : i32
              %dma_wait3A_233 = tpu.memref_slice %arg12[%add3A_232] : memref<13824xf32, #tpu.memory_space<vmem>> -> memref<64xf32, #tpu.memory_space<vmem>>
              %dma_wait3A_234 = arith.constant 0 : i32
              %dma_wait3A_235 = tpu.memref_slice %arg3[%dma_wait3A_234] : memref<9437184xf32, #tpu.memory_space<hbm>> -> memref<64xf32, #tpu.memory_space<hbm>>
              %dma_wait3A_236 = tpu.memref_slice %arg12[%add3A_232] : memref<13824xf32, #tpu.memory_space<vmem>> -> memref<64xf32, #tpu.memory_space<vmem>>
              %dma_wait3A_237 = arith.constant 0 : i32
              %dma_wait3A_238 = tpu.memref_slice %arg3[%dma_wait3A_237] : memref<9437184xf32, #tpu.memory_space<hbm>> -> memref<64xf32, #tpu.memory_space<hbm>>
              tpu.wait_dma2 semaphore(%arg16 : memref<!tpu.dma_semaphore, #tpu.memory_space<semaphore_mem>>) src(%dma_wait3A_238 : memref<64xf32, #tpu.memory_space<hbm>>) dst(%dma_wait3A_236 : memref<64xf32, #tpu.memory_space<vmem>>)
              %mul3A_239 = arith.constant 4 : i32
              %mul3A_240 = arith.muli %mul3A_216, %mul3A_239 : i32
              %add3A_241 = arith.constant 64 : i32
              %add3A_242 = arith.addi %mul3A_240, %add3A_241 : i32
              %dma_wait3A_243 = tpu.memref_slice %arg12[%add3A_242] : memref<13824xf32, #tpu.memory_space<vmem>> -> memref<64xf32, #tpu.memory_space<vmem>>
              %dma_wait3A_244 = arith.constant 0 : i32
              %dma_wait3A_245 = tpu.memref_slice %arg3[%dma_wait3A_244] : memref<9437184xf32, #tpu.memory_space<hbm>> -> memref<64xf32, #tpu.memory_space<hbm>>
              %dma_wait3A_246 = tpu.memref_slice %arg12[%add3A_242] : memref<13824xf32, #tpu.memory_space<vmem>> -> memref<64xf32, #tpu.memory_space<vmem>>
              %dma_wait3A_247 = arith.constant 0 : i32
              %dma_wait3A_248 = tpu.memref_slice %arg3[%dma_wait3A_247] : memref<9437184xf32, #tpu.memory_space<hbm>> -> memref<64xf32, #tpu.memory_space<hbm>>
              tpu.wait_dma2 semaphore(%arg16 : memref<!tpu.dma_semaphore, #tpu.memory_space<semaphore_mem>>) src(%dma_wait3A_248 : memref<64xf32, #tpu.memory_space<hbm>>) dst(%dma_wait3A_246 : memref<64xf32, #tpu.memory_space<vmem>>)
              %mul3A_249 = arith.constant 4 : i32
              %mul3A_250 = arith.muli %mul3A_216, %mul3A_249 : i32
              %add3A_251 = arith.constant 128 : i32
              %add3A_252 = arith.addi %mul3A_250, %add3A_251 : i32
              %dma_wait3A_253 = tpu.memref_slice %arg12[%add3A_252] : memref<13824xf32, #tpu.memory_space<vmem>> -> memref<64xf32, #tpu.memory_space<vmem>>
              %dma_wait3A_254 = arith.constant 0 : i32
              %dma_wait3A_255 = tpu.memref_slice %arg3[%dma_wait3A_254] : memref<9437184xf32, #tpu.memory_space<hbm>> -> memref<64xf32, #tpu.memory_space<hbm>>
              %dma_wait3A_256 = tpu.memref_slice %arg12[%add3A_252] : memref<13824xf32, #tpu.memory_space<vmem>> -> memref<64xf32, #tpu.memory_space<vmem>>
              %dma_wait3A_257 = arith.constant 0 : i32
              %dma_wait3A_258 = tpu.memref_slice %arg3[%dma_wait3A_257] : memref<9437184xf32, #tpu.memory_space<hbm>> -> memref<64xf32, #tpu.memory_space<hbm>>
              tpu.wait_dma2 semaphore(%arg16 : memref<!tpu.dma_semaphore, #tpu.memory_space<semaphore_mem>>) src(%dma_wait3A_258 : memref<64xf32, #tpu.memory_space<hbm>>) dst(%dma_wait3A_256 : memref<64xf32, #tpu.memory_space<vmem>>)
              %mul3A_259 = arith.constant 4 : i32
              %mul3A_260 = arith.muli %mul3A_216, %mul3A_259 : i32
              %add3A_261 = arith.constant 192 : i32
              %add3A_262 = arith.addi %mul3A_260, %add3A_261 : i32
              %dma_wait3A_263 = tpu.memref_slice %arg12[%add3A_262] : memref<13824xf32, #tpu.memory_space<vmem>> -> memref<64xf32, #tpu.memory_space<vmem>>
              %dma_wait3A_264 = arith.constant 0 : i32
              %dma_wait3A_265 = tpu.memref_slice %arg3[%dma_wait3A_264] : memref<9437184xf32, #tpu.memory_space<hbm>> -> memref<64xf32, #tpu.memory_space<hbm>>
              %dma_wait3A_266 = tpu.memref_slice %arg12[%add3A_262] : memref<13824xf32, #tpu.memory_space<vmem>> -> memref<64xf32, #tpu.memory_space<vmem>>
              %dma_wait3A_267 = arith.constant 0 : i32
              %dma_wait3A_268 = tpu.memref_slice %arg3[%dma_wait3A_267] : memref<9437184xf32, #tpu.memory_space<hbm>> -> memref<64xf32, #tpu.memory_space<hbm>>
              tpu.wait_dma2 semaphore(%arg16 : memref<!tpu.dma_semaphore, #tpu.memory_space<semaphore_mem>>) src(%dma_wait3A_268 : memref<64xf32, #tpu.memory_space<hbm>>) dst(%dma_wait3A_266 : memref<64xf32, #tpu.memory_space<vmem>>)
              %mul3A_269 = arith.constant 18 : i32
              %mul3A_270 = arith.muli %rem3A_189, %mul3A_269 : i32
              %add3A_271 = arith.addi %mul3A_270, %scan3A_204 : i32
              %mul3A_272 = arith.constant 2 : i32
              %mul3A_273 = arith.muli %add3A_271, %mul3A_272 : i32
              %mul3A_274 = arith.constant 50176 : i32
              %mul3A_275 = arith.muli %scan3A_204, %mul3A_274 : i32
              %add3A_276 = arith.constant 0 : i32
              %add3A_277 = arith.addi %mul3A_216, %add3A_276 : i32
              %get3A_278 = arith.index_cast %add3A_277 : i32 to index
              %get3A_279 = tpu.vector_load %arg10[%get3A_278] {strides = array<i32>} : memref<3456xi32, #tpu.memory_space<vmem>>, vector<16xi32>,
              %add3A_280 = arith.constant 0 : i32
              %add3A_281 = arith.addi %mul3A_216, %add3A_280 : i32
              %get3A_282 = arith.index_cast %add3A_281 : i32 to index
              %get3A_283 = tpu.vector_load %arg11[%get3A_282] {strides = array<i32>} : memref<3456xi32, #tpu.memory_space<vmem>>, vector<16xi32>,
              %add3A_284 = vector.broadcast %mul3A_275 : i32 to vector<16xi32>
              %add3A_285 = arith.addi %add3A_284, %get3A_279 : vector<16xi32>
              %add3A_286 = arith.constant 1 : i32
              %add3A_287 = vector.broadcast %add3A_286 : i32 to vector<16xi32>
              %add3A_288 = arith.addi %get3A_279, %add3A_287 : vector<16xi32>
              %min3A = arith.constant 223 : i32
              %min3A_289 = vector.broadcast %min3A : i32 to vector<16xi32>
              %min3A_290 = arith.minsi %add3A_288, %min3A_289 : vector<16xi32>
              %add3A_291 = vector.broadcast %mul3A_275 : i32 to vector<16xi32>
              %add3A_292 = arith.addi %add3A_291, %min3A_290 : vector<16xi32>
              %mul3A_293 = arith.constant 224 : i32
              %mul3A_294 = vector.broadcast %mul3A_293 : i32 to vector<16xi32>
              %mul3A_295 = arith.muli %get3A_283, %mul3A_294 : vector<16xi32>
              %add3A_296 = arith.constant 1 : i32
              %add3A_297 = vector.broadcast %add3A_296 : i32 to vector<16xi32>
              %add3A_298 = arith.addi %get3A_283, %add3A_297 : vector<16xi32>
              %min3A_299 = arith.constant 223 : i32
              %min3A_300 = vector.broadcast %min3A_299 : i32 to vector<16xi32>
              %min3A_301 = arith.minsi %add3A_298, %min3A_300 : vector<16xi32>
              %mul3A_302 = arith.constant 224 : i32
              %mul3A_303 = vector.broadcast %mul3A_302 : i32 to vector<16xi32>
              %mul3A_304 = arith.muli %min3A_301, %mul3A_303 : vector<16xi32>
              %add3A_305 = arith.addi %mul3A_295, %add3A_285 : vector<16xi32>
              %swap3A = arith.index_cast %mul3A_273 : i32 to index
              %swap3A_306 = arith.constant 0 : index
              %swap3A_307 = tpu.vector_load %arg9[%swap3A, %swap3A_306] {strides = array<i32>} : memref<72x128xi32, #tpu.memory_space<vmem>>, vector<16xi32>,
              tpu.vector_store %arg9[%swap3A, %swap3A_306], %add3A_305 {strides = array<i32>} : memref<72x128xi32, #tpu.memory_space<vmem>>, vector<16xi32>,
              %add3A_308 = arith.addi %mul3A_304, %add3A_285 : vector<16xi32>
              %swap3A_309 = arith.index_cast %mul3A_273 : i32 to index
              %swap3A_310 = arith.constant 64 : index
              %swap3A_311 = tpu.vector_load %arg9[%swap3A_309, %swap3A_310] {strides = array<i32>} : memref<72x128xi32, #tpu.memory_space<vmem>>, vector<16xi32>,
              tpu.vector_store %arg9[%swap3A_309, %swap3A_310], %add3A_308 {strides = array<i32>} : memref<72x128xi32, #tpu.memory_space<vmem>>, vector<16xi32>,
              %add3A_312 = arith.addi %mul3A_295, %add3A_292 : vector<16xi32>
              %add3A_313 = arith.constant 1 : i32
              %add3A_314 = arith.addi %mul3A_273, %add3A_313 : i32
              %swap3A_315 = arith.index_cast %add3A_314 : i32 to index
              %swap3A_316 = arith.constant 0 : index
              %swap3A_317 = tpu.vector_load %arg9[%swap3A_315, %swap3A_316] {strides = array<i32>} : memref<72x128xi32, #tpu.memory_space<vmem>>, vector<16xi32>,
              tpu.vector_store %arg9[%swap3A_315, %swap3A_316], %add3A_312 {strides = array<i32>} : memref<72x128xi32, #tpu.memory_space<vmem>>, vector<16xi32>,
              %add3A_318 = arith.addi %mul3A_304, %add3A_292 : vector<16xi32>
              %add3A_319 = arith.constant 1 : i32
              %add3A_320 = arith.addi %mul3A_273, %add3A_319 : i32
              %swap3A_321 = arith.index_cast %add3A_320 : i32 to index
              %swap3A_322 = arith.constant 64 : index
              %swap3A_323 = tpu.vector_load %arg9[%swap3A_321, %swap3A_322] {strides = array<i32>} : memref<72x128xi32, #tpu.memory_space<vmem>>, vector<16xi32>,
              tpu.vector_store %arg9[%swap3A_321, %swap3A_322], %add3A_318 {strides = array<i32>} : memref<72x128xi32, #tpu.memory_space<vmem>>, vector<16xi32>,
              %add3A_324 = arith.constant 16 : i32
              %add3A_325 = arith.addi %mul3A_216, %add3A_324 : i32
              %get3A_326 = arith.index_cast %add3A_325 : i32 to index
              %get3A_327 = tpu.vector_load %arg10[%get3A_326] {strides = array<i32>} : memref<3456xi32, #tpu.memory_space<vmem>>, vector<16xi32>,
              %add3A_328 = arith.constant 16 : i32
              %add3A_329 = arith.addi %mul3A_216, %add3A_328 : i32
              %get3A_330 = arith.index_cast %add3A_329 : i32 to index
              %get3A_331 = tpu.vector_load %arg11[%get3A_330] {strides = array<i32>} : memref<3456xi32, #tpu.memory_space<vmem>>, vector<16xi32>,
              %add3A_332 = vector.broadcast %mul3A_275 : i32 to vector<16xi32>
              %add3A_333 = arith.addi %add3A_332, %get3A_327 : vector<16xi32>
              %add3A_334 = arith.constant 1 : i32
              %add3A_335 = vector.broadcast %add3A_334 : i32 to vector<16xi32>
              %add3A_336 = arith.addi %get3A_327, %add3A_335 : vector<16xi32>
              %min3A_337 = arith.constant 223 : i32
              %min3A_338 = vector.broadcast %min3A_337 : i32 to vector<16xi32>
              %min3A_339 = arith.minsi %add3A_336, %min3A_338 : vector<16xi32>
              %add3A_340 = vector.broadcast %mul3A_275 : i32 to vector<16xi32>
              %add3A_341 = arith.addi %add3A_340, %min3A_339 : vector<16xi32>
              %mul3A_342 = arith.constant 224 : i32
              %mul3A_343 = vector.broadcast %mul3A_342 : i32 to vector<16xi32>
              %mul3A_344 = arith.muli %get3A_331, %mul3A_343 : vector<16xi32>
              %add3A_345 = arith.constant 1 : i32
              %add3A_346 = vector.broadcast %add3A_345 : i32 to vector<16xi32>
              %add3A_347 = arith.addi %get3A_331, %add3A_346 : vector<16xi32>
              %min3A_348 = arith.constant 223 : i32
              %min3A_349 = vector.broadcast %min3A_348 : i32 to vector<16xi32>
              %min3A_350 = arith.minsi %add3A_347, %min3A_349 : vector<16xi32>
              %mul3A_351 = arith.constant 224 : i32
              %mul3A_352 = vector.broadcast %mul3A_351 : i32 to vector<16xi32>
              %mul3A_353 = arith.muli %min3A_350, %mul3A_352 : vector<16xi32>
              %add3A_354 = arith.addi %mul3A_344, %add3A_333 : vector<16xi32>
              %swap3A_355 = arith.index_cast %mul3A_273 : i32 to index
              %swap3A_356 = arith.constant 16 : index
              %swap3A_357 = tpu.vector_load %arg9[%swap3A_355, %swap3A_356] {strides = array<i32>} : memref<72x128xi32, #tpu.memory_space<vmem>>, vector<16xi32>,
              tpu.vector_store %arg9[%swap3A_355, %swap3A_356], %add3A_354 {strides = array<i32>} : memref<72x128xi32, #tpu.memory_space<vmem>>, vector<16xi32>,
              %add3A_358 = arith.addi %mul3A_353, %add3A_333 : vector<16xi32>
              %swap3A_359 = arith.index_cast %mul3A_273 : i32 to index
              %swap3A_360 = arith.constant 80 : index
              %swap3A_361 = tpu.vector_load %arg9[%swap3A_359, %swap3A_360] {strides = array<i32>} : memref<72x128xi32, #tpu.memory_space<vmem>>, vector<16xi32>,
              tpu.vector_store %arg9[%swap3A_359, %swap3A_360], %add3A_358 {strides = array<i32>} : memref<72x128xi32, #tpu.memory_space<vmem>>, vector<16xi32>,
              %add3A_362 = arith.addi %mul3A_344, %add3A_341 : vector<16xi32>
              %add3A_363 = arith.constant 1 : i32
              %add3A_364 = arith.addi %mul3A_273, %add3A_363 : i32
              %swap3A_365 = arith.index_cast %add3A_364 : i32 to index
              %swap3A_366 = arith.constant 16 : index
              %swap3A_367 = tpu.vector_load %arg9[%swap3A_365, %swap3A_366] {strides = array<i32>} : memref<72x128xi32, #tpu.memory_space<vmem>>, vector<16xi32>,
              tpu.vector_store %arg9[%swap3A_365, %swap3A_366], %add3A_362 {strides = array<i32>} : memref<72x128xi32, #tpu.memory_space<vmem>>, vector<16xi32>,
              %add3A_368 = arith.addi %mul3A_353, %add3A_341 : vector<16xi32>
              %add3A_369 = arith.constant 1 : i32
              %add3A_370 = arith.addi %mul3A_273, %add3A_369 : i32
              %swap3A_371 = arith.index_cast %add3A_370 : i32 to index
              %swap3A_372 = arith.constant 80 : index
              %swap3A_373 = tpu.vector_load %arg9[%swap3A_371, %swap3A_372] {strides = array<i32>} : memref<72x128xi32, #tpu.memory_space<vmem>>, vector<16xi32>,
              tpu.vector_store %arg9[%swap3A_371, %swap3A_372], %add3A_368 {strides = array<i32>} : memref<72x128xi32, #tpu.memory_space<vmem>>, vector<16xi32>,
              %add3A_374 = arith.constant 32 : i32
              %add3A_375 = arith.addi %mul3A_216, %add3A_374 : i32
              %get3A_376 = arith.index_cast %add3A_375 : i32 to index
              %get3A_377 = tpu.vector_load %arg10[%get3A_376] {strides = array<i32>} : memref<3456xi32, #tpu.memory_space<vmem>>, vector<16xi32>,
              %add3A_378 = arith.constant 32 : i32
              %add3A_379 = arith.addi %mul3A_216, %add3A_378 : i32
              %get3A_380 = arith.index_cast %add3A_379 : i32 to index
              %get3A_381 = tpu.vector_load %arg11[%get3A_380] {strides = array<i32>} : memref<3456xi32, #tpu.memory_space<vmem>>, vector<16xi32>,
              %add3A_382 = vector.broadcast %mul3A_275 : i32 to vector<16xi32>
              %add3A_383 = arith.addi %add3A_382, %get3A_377 : vector<16xi32>
              %add3A_384 = arith.constant 1 : i32
              %add3A_385 = vector.broadcast %add3A_384 : i32 to vector<16xi32>
              %add3A_386 = arith.addi %get3A_377, %add3A_385 : vector<16xi32>
              %min3A_387 = arith.constant 223 : i32
              %min3A_388 = vector.broadcast %min3A_387 : i32 to vector<16xi32>
              %min3A_389 = arith.minsi %add3A_386, %min3A_388 : vector<16xi32>
              %add3A_390 = vector.broadcast %mul3A_275 : i32 to vector<16xi32>
              %add3A_391 = arith.addi %add3A_390, %min3A_389 : vector<16xi32>
              %mul3A_392 = arith.constant 224 : i32
              %mul3A_393 = vector.broadcast %mul3A_392 : i32 to vector<16xi32>
              %mul3A_394 = arith.muli %get3A_381, %mul3A_393 : vector<16xi32>
              %add3A_395 = arith.constant 1 : i32
              %add3A_396 = vector.broadcast %add3A_395 : i32 to vector<16xi32>
              %add3A_397 = arith.addi %get3A_381, %add3A_396 : vector<16xi32>
              %min3A_398 = arith.constant 223 : i32
              %min3A_399 = vector.broadcast %min3A_398 : i32 to vector<16xi32>
              %min3A_400 = arith.minsi %add3A_397, %min3A_399 : vector<16xi32>
              %mul3A_401 = arith.constant 224 : i32
              %mul3A_402 = vector.broadcast %mul3A_401 : i32 to vector<16xi32>
              %mul3A_403 = arith.muli %min3A_400, %mul3A_402 : vector<16xi32>
              %add3A_404 = arith.addi %mul3A_394, %add3A_383 : vector<16xi32>
              %swap3A_405 = arith.index_cast %mul3A_273 : i32 to index
              %swap3A_406 = arith.constant 32 : index
              %swap3A_407 = tpu.vector_load %arg9[%swap3A_405, %swap3A_406] {strides = array<i32>} : memref<72x128xi32, #tpu.memory_space<vmem>>, vector<16xi32>,
              tpu.vector_store %arg9[%swap3A_405, %swap3A_406], %add3A_404 {strides = array<i32>} : memref<72x128xi32, #tpu.memory_space<vmem>>, vector<16xi32>,
              %add3A_408 = arith.addi %mul3A_403, %add3A_383 : vector<16xi32>
              %swap3A_409 = arith.index_cast %mul3A_273 : i32 to index
              %swap3A_410 = arith.constant 96 : index
              %swap3A_411 = tpu.vector_load %arg9[%swap3A_409, %swap3A_410] {strides = array<i32>} : memref<72x128xi32, #tpu.memory_space<vmem>>, vector<16xi32>,
              tpu.vector_store %arg9[%swap3A_409, %swap3A_410], %add3A_408 {strides = array<i32>} : memref<72x128xi32, #tpu.memory_space<vmem>>, vector<16xi32>,
              %add3A_412 = arith.addi %mul3A_394, %add3A_391 : vector<16xi32>
              %add3A_413 = arith.constant 1 : i32
              %add3A_414 = arith.addi %mul3A_273, %add3A_413 : i32
              %swap3A_415 = arith.index_cast %add3A_414 : i32 to index
              %swap3A_416 = arith.constant 32 : index
              %swap3A_417 = tpu.vector_load %arg9[%swap3A_415, %swap3A_416] {strides = array<i32>} : memref<72x128xi32, #tpu.memory_space<vmem>>, vector<16xi32>,
              tpu.vector_store %arg9[%swap3A_415, %swap3A_416], %add3A_412 {strides = array<i32>} : memref<72x128xi32, #tpu.memory_space<vmem>>, vector<16xi32>,
              %add3A_418 = arith.addi %mul3A_403, %add3A_391 : vector<16xi32>
              %add3A_419 = arith.constant 1 : i32
              %add3A_420 = arith.addi %mul3A_273, %add3A_419 : i32
              %swap3A_421 = arith.index_cast %add3A_420 : i32 to index
              %swap3A_422 = arith.constant 96 : index
              %swap3A_423 = tpu.vector_load %arg9[%swap3A_421, %swap3A_422] {strides = array<i32>} : memref<72x128xi32, #tpu.memory_space<vmem>>, vector<16xi32>,
              tpu.vector_store %arg9[%swap3A_421, %swap3A_422], %add3A_418 {strides = array<i32>} : memref<72x128xi32, #tpu.memory_space<vmem>>, vector<16xi32>,
              %add3A_424 = arith.constant 48 : i32
              %add3A_425 = arith.addi %mul3A_216, %add3A_424 : i32
              %get3A_426 = arith.index_cast %add3A_425 : i32 to index
              %get3A_427 = tpu.vector_load %arg10[%get3A_426] {strides = array<i32>} : memref<3456xi32, #tpu.memory_space<vmem>>, vector<16xi32>,
              %add3A_428 = arith.constant 48 : i32
              %add3A_429 = arith.addi %mul3A_216, %add3A_428 : i32
              %get3A_430 = arith.index_cast %add3A_429 : i32 to index
              %get3A_431 = tpu.vector_load %arg11[%get3A_430] {strides = array<i32>} : memref<3456xi32, #tpu.memory_space<vmem>>, vector<16xi32>,
              %add3A_432 = vector.broadcast %mul3A_275 : i32 to vector<16xi32>
              %add3A_433 = arith.addi %add3A_432, %get3A_427 : vector<16xi32>
              %add3A_434 = arith.constant 1 : i32
              %add3A_435 = vector.broadcast %add3A_434 : i32 to vector<16xi32>
              %add3A_436 = arith.addi %get3A_427, %add3A_435 : vector<16xi32>
              %min3A_437 = arith.constant 223 : i32
              %min3A_438 = vector.broadcast %min3A_437 : i32 to vector<16xi32>
              %min3A_439 = arith.minsi %add3A_436, %min3A_438 : vector<16xi32>
              %add3A_440 = vector.broadcast %mul3A_275 : i32 to vector<16xi32>
              %add3A_441 = arith.addi %add3A_440, %min3A_439 : vector<16xi32>
              %mul3A_442 = arith.constant 224 : i32
              %mul3A_443 = vector.broadcast %mul3A_442 : i32 to vector<16xi32>
              %mul3A_444 = arith.muli %get3A_431, %mul3A_443 : vector<16xi32>
              %add3A_445 = arith.constant 1 : i32
              %add3A_446 = vector.broadcast %add3A_445 : i32 to vector<16xi32>
              %add3A_447 = arith.addi %get3A_431, %add3A_446 : vector<16xi32>
              %min3A_448 = arith.constant 223 : i32
              %min3A_449 = vector.broadcast %min3A_448 : i32 to vector<16xi32>
              %min3A_450 = arith.minsi %add3A_447, %min3A_449 : vector<16xi32>
              %mul3A_451 = arith.constant 224 : i32
              %mul3A_452 = vector.broadcast %mul3A_451 : i32 to vector<16xi32>
              %mul3A_453 = arith.muli %min3A_450, %mul3A_452 : vector<16xi32>
              %add3A_454 = arith.addi %mul3A_444, %add3A_433 : vector<16xi32>
              %swap3A_455 = arith.index_cast %mul3A_273 : i32 to index
              %swap3A_456 = arith.constant 48 : index
              %swap3A_457 = tpu.vector_load %arg9[%swap3A_455, %swap3A_456] {strides = array<i32>} : memref<72x128xi32, #tpu.memory_space<vmem>>, vector<16xi32>,
              tpu.vector_store %arg9[%swap3A_455, %swap3A_456], %add3A_454 {strides = array<i32>} : memref<72x128xi32, #tpu.memory_space<vmem>>, vector<16xi32>,
              %add3A_458 = arith.addi %mul3A_453, %add3A_433 : vector<16xi32>
              %swap3A_459 = arith.index_cast %mul3A_273 : i32 to index
              %swap3A_460 = arith.constant 112 : index
              %swap3A_461 = tpu.vector_load %arg9[%swap3A_459, %swap3A_460] {strides = array<i32>} : memref<72x128xi32, #tpu.memory_space<vmem>>, vector<16xi32>,
              tpu.vector_store %arg9[%swap3A_459, %swap3A_460], %add3A_458 {strides = array<i32>} : memref<72x128xi32, #tpu.memory_space<vmem>>, vector<16xi32>,
              %add3A_462 = arith.addi %mul3A_444, %add3A_441 : vector<16xi32>
              %add3A_463 = arith.constant 1 : i32
              %add3A_464 = arith.addi %mul3A_273, %add3A_463 : i32
              %swap3A_465 = arith.index_cast %add3A_464 : i32 to index
              %swap3A_466 = arith.constant 48 : index
              %swap3A_467 = tpu.vector_load %arg9[%swap3A_465, %swap3A_466] {strides = array<i32>} : memref<72x128xi32, #tpu.memory_space<vmem>>, vector<16xi32>,
              tpu.vector_store %arg9[%swap3A_465, %swap3A_466], %add3A_462 {strides = array<i32>} : memref<72x128xi32, #tpu.memory_space<vmem>>, vector<16xi32>,
              %add3A_468 = arith.addi %mul3A_453, %add3A_441 : vector<16xi32>
              %add3A_469 = arith.constant 1 : i32
              %add3A_470 = arith.addi %mul3A_273, %add3A_469 : i32
              %swap3A_471 = arith.index_cast %add3A_470 : i32 to index
              %swap3A_472 = arith.constant 112 : index
              %swap3A_473 = tpu.vector_load %arg9[%swap3A_471, %swap3A_472] {strides = array<i32>} : memref<72x128xi32, #tpu.memory_space<vmem>>, vector<16xi32>,
              tpu.vector_store %arg9[%swap3A_471, %swap3A_472], %add3A_468 {strides = array<i32>} : memref<72x128xi32, #tpu.memory_space<vmem>>, vector<16xi32>,
              %mul3A_474 = arith.constant 18 : i32
              %mul3A_475 = arith.muli %rem3A_189, %mul3A_474 : i32
              %add3A_476 = arith.addi %mul3A_475, %scan3A_204 : i32
              %mul3A_477 = arith.constant 256 : i32
              %mul3A_478 = arith.muli %add3A_476, %mul3A_477 : i32
              %dma_start3A = arith.constant 0 : i32
              %dma_start3A_479 = tpu.memref_slice %arg8[%mul3A_478, %dma_start3A] : memref<9216x8xf32, #tpu.memory_space<vmem>> -> memref<128x8xf32, #tpu.memory_space<vmem>>
              %dma_start3A_480 = arith.constant 0 : i32
              %dma_start3A_481 = tpu.memref_slice %arg9[%mul3A_273, %dma_start3A_480] : memref<72x128xi32, #tpu.memory_space<vmem>> -> memref<1x128xi32, #tpu.memory_space<vmem>>
              %dma_start3A_482 = tpu.memref_squeeze %dma_start3A_481 : memref<1x128xi32, #tpu.memory_space<vmem>> -> memref<128xi32, #tpu.memory_space<vmem>>
              %dma_start3A_483 = arith.constant 0 : i32
              %dma_start3A_484 = arith.constant 0 : i32
              %dma_start3A_485 = tpu.memref_slice %arg2[%dma_start3A_483, %dma_start3A_484] : memref<903168x8xf32, #tpu.memory_space<hbm>> -> memref<903168x8xf32, #tpu.memory_space<hbm>>
              tpu.enqueue_indirect_dma source(%dma_start3A_485 : memref<903168x8xf32, #tpu.memory_space<hbm>>) target(%dma_start3A_479 : memref<128x8xf32, #tpu.memory_space<vmem>>) offsets(%dma_start3A_482 : memref<128xi32, #tpu.memory_space<vmem>>) semaphore(%arg17 : memref<!tpu.dma_semaphore, #tpu.memory_space<semaphore_mem>>)
              %add3A_486 = arith.constant 1 : i32
              %add3A_487 = arith.addi %mul3A_273, %add3A_486 : i32
              %add3A_488 = arith.constant 128 : i32
              %add3A_489 = arith.addi %mul3A_478, %add3A_488 : i32
              %dma_start3A_490 = arith.constant 0 : i32
              %dma_start3A_491 = tpu.memref_slice %arg8[%add3A_489, %dma_start3A_490] : memref<9216x8xf32, #tpu.memory_space<vmem>> -> memref<128x8xf32, #tpu.memory_space<vmem>>
              %dma_start3A_492 = arith.constant 0 : i32
              %dma_start3A_493 = tpu.memref_slice %arg9[%add3A_487, %dma_start3A_492] : memref<72x128xi32, #tpu.memory_space<vmem>> -> memref<1x128xi32, #tpu.memory_space<vmem>>
              %dma_start3A_494 = tpu.memref_squeeze %dma_start3A_493 : memref<1x128xi32, #tpu.memory_space<vmem>> -> memref<128xi32, #tpu.memory_space<vmem>>
              %dma_start3A_495 = arith.constant 0 : i32
              %dma_start3A_496 = arith.constant 0 : i32
              %dma_start3A_497 = tpu.memref_slice %arg2[%dma_start3A_495, %dma_start3A_496] : memref<903168x8xf32, #tpu.memory_space<hbm>> -> memref<903168x8xf32, #tpu.memory_space<hbm>>
              tpu.enqueue_indirect_dma source(%dma_start3A_497 : memref<903168x8xf32, #tpu.memory_space<hbm>>) target(%dma_start3A_491 : memref<128x8xf32, #tpu.memory_space<vmem>>) offsets(%dma_start3A_494 : memref<128xi32, #tpu.memory_space<vmem>>) semaphore(%arg17 : memref<!tpu.dma_semaphore, #tpu.memory_space<semaphore_mem>>)
            } else {
            }
          }
          %scan3A_203 = arith.constant 18 : i32
        } else {
        }
        %add3A_181 = arith.constant 1 : i32
        %add3A_182 = arith.addi %scan3A_169, %add3A_181 : i32
        %lt3A_183 = arith.constant 64 : i32
        %lt3A_184 = arith.cmpi slt, %add3A_182, %lt3A_183 : i32
        %convert_element_type3A_185 = arith.extui %lt3A_184 : i1 to i32
        %cond3A_186 = arith.constant 0 : i32
        %cond3A_187 = arith.cmpi ne, %convert_element_type3A_185, %cond3A_186 : i32
        scf.if %cond3A_187 {
          %add3A_188 = arith.constant 1 : i32
          %add3A_189 = arith.addi %scan3A_169, %add3A_188 : i32
          %mul3A_190 = arith.constant 32 : i32
          %mul3A_191 = arith.muli %add3A_189, %mul3A_190 : i32
          %add3A_192 = arith.addi %add3A, %mul3A_191 : i32
          %mul3A_193 = arith.constant 64 : i32
          %mul3A_194 = arith.muli %add3A_192, %mul3A_193 : i32
          %shift_right_arithmetic3A_195 = arith.constant 3 : i32
          %shift_right_arithmetic3A_196 = arith.shrsi %add3A_192, %shift_right_arithmetic3A_195 : i32
          %and3A_197 = arith.constant 7 : i32
          %and3A_198 = arith.andi %add3A_192, %and3A_197 : i32
          %shift_right_arithmetic3A_199 = arith.constant 1 : i32
          %shift_right_arithmetic3A_200 = arith.shrsi %and3A_198, %shift_right_arithmetic3A_199 : i32
          %and3A_201 = arith.constant 1 : i32
          %and3A_202 = arith.andi %and3A_198, %and3A_201 : i32
          %mul3A_203 = arith.constant 64 : i32
          %mul3A_204 = arith.muli %and3A_202, %mul3A_203 : i32
          %rem3A_205 = arith.constant 3 : i32
          %rem3A_206 = arith.remsi %add3A_189, %rem3A_205 : i32
          %mul3A_207 = arith.constant 32 : i32
          %mul3A_208 = arith.muli %add3A_189, %mul3A_207 : i32
          %add3A_209 = arith.addi %add3A, %mul3A_208 : i32
          %get3A_210 = arith.index_cast %add3A_209 : i32 to index
          %get3A_211 = tpu.vector_load %arg13[%get3A_210] {strides = array<i32>} : memref<2064xi32, #tpu.memory_space<vmem>>, vector<16xi32>,
          %slice3A_212 = vector.extract_strided_slice %get3A_211 {offsets = [0], sizes = [1], strides = [1]} : vector<16xi32> to vector<1xi32>
          %squeeze3A_213 = vector.extract %slice3A_212[0] : i32 from vector<1xi32>
          %scan3A_214 = arith.constant 0 : i32
          %scan3A_215 = arith.constant 18 : i32
          %scan3A_216 = arith.addi %scan3A_214, %scan3A_215 : i32
          %scan3A_217 = arith.constant 1 : i32
          scf.for %scan3A_219 = %scan3A_214 to %scan3A_216 step %scan3A_217  : i32 {
            %shift_right_arithmetic3A_220 = arith.shrsi %squeeze3A_213, %scan3A_219 : i32
            %and3A_221 = arith.constant 1 : i32
            %and3A_222 = arith.andi %shift_right_arithmetic3A_220, %and3A_221 : i32
            %ne3A = arith.constant 0 : i32
            %ne3A_223 = arith.cmpi ne, %and3A_222, %ne3A : i32
            %convert_element_type3A_224 = arith.extui %ne3A_223 : i1 to i32
            %cond3A_225 = arith.constant 0 : i32
            %cond3A_226 = arith.cmpi ne, %convert_element_type3A_224, %cond3A_225 : i32
            scf.if %cond3A_226 {
              %mul3A_227 = arith.constant 18 : i32
              %mul3A_228 = arith.muli %rem3A_206, %mul3A_227 : i32
              %add3A_229 = arith.addi %mul3A_228, %scan3A_219 : i32
              %mul3A_230 = arith.constant 64 : i32
              %mul3A_231 = arith.muli %add3A_229, %mul3A_230 : i32
              %mul3A_232 = arith.constant 131072 : i32
              %mul3A_233 = arith.muli %scan3A_219, %mul3A_232 : i32
              %add3A_234 = arith.addi %mul3A_233, %mul3A_194 : i32
              %dma_start3A = tpu.memref_slice %arg10[%mul3A_231] : memref<3456xi32, #tpu.memory_space<vmem>> -> memref<64xi32, #tpu.memory_space<vmem>>
              %dma_start3A_235 = tpu.memref_slice %arg4[%add3A_234] : memref<2359296xi32, #tpu.memory_space<hbm>> -> memref<64xi32, #tpu.memory_space<hbm>>
              %dma_start3A_236 = tpu.memref_slice %arg10[%mul3A_231] : memref<3456xi32, #tpu.memory_space<vmem>> -> memref<64xi32, #tpu.memory_space<vmem>>
              %dma_start3A_237 = tpu.memref_slice %arg4[%add3A_234] : memref<2359296xi32, #tpu.memory_space<hbm>> -> memref<64xi32, #tpu.memory_space<hbm>>
              tpu.enqueue_dma source(%dma_start3A_237 : memref<64xi32, #tpu.memory_space<hbm>>) target(%dma_start3A_236 : memref<64xi32, #tpu.memory_space<vmem>>) target_semaphore(%arg16 : memref<!tpu.dma_semaphore, #tpu.memory_space<semaphore_mem>>)
              %mul3A_238 = arith.constant 131072 : i32
              %mul3A_239 = arith.muli %scan3A_219, %mul3A_238 : i32
              %add3A_240 = arith.addi %mul3A_239, %mul3A_194 : i32
              %dma_start3A_241 = tpu.memref_slice %arg11[%mul3A_231] : memref<3456xi32, #tpu.memory_space<vmem>> -> memref<64xi32, #tpu.memory_space<vmem>>
              %dma_start3A_242 = tpu.memref_slice %arg5[%add3A_240] : memref<2359296xi32, #tpu.memory_space<hbm>> -> memref<64xi32, #tpu.memory_space<hbm>>
              %dma_start3A_243 = tpu.memref_slice %arg11[%mul3A_231] : memref<3456xi32, #tpu.memory_space<vmem>> -> memref<64xi32, #tpu.memory_space<vmem>>
              %dma_start3A_244 = tpu.memref_slice %arg5[%add3A_240] : memref<2359296xi32, #tpu.memory_space<hbm>> -> memref<64xi32, #tpu.memory_space<hbm>>
              tpu.enqueue_dma source(%dma_start3A_244 : memref<64xi32, #tpu.memory_space<hbm>>) target(%dma_start3A_243 : memref<64xi32, #tpu.memory_space<vmem>>) target_semaphore(%arg16 : memref<!tpu.dma_semaphore, #tpu.memory_space<semaphore_mem>>)
              %mul3A_245 = arith.constant 256 : i32
              %mul3A_246 = arith.muli %scan3A_219, %mul3A_245 : i32
              %add3A_247 = arith.addi %mul3A_246, %shift_right_arithmetic3A_196 : i32
              %mul3A_248 = arith.constant 4 : i32
              %mul3A_249 = arith.muli %add3A_247, %mul3A_248 : i32
              %add3A_250 = arith.addi %mul3A_249, %shift_right_arithmetic3A_200 : i32
              %mul3A_251 = arith.constant 512 : i32
              %mul3A_252 = arith.muli %add3A_250, %mul3A_251 : i32
              %add3A_253 = arith.addi %mul3A_252, %mul3A_204 : i32
              %add3A_254 = arith.constant 0 : i32
              %add3A_255 = arith.addi %add3A_253, %add3A_254 : i32
              %mul3A_256 = arith.constant 4 : i32
              %mul3A_257 = arith.muli %mul3A_231, %mul3A_256 : i32
              %add3A_258 = arith.constant 0 : i32
              %add3A_259 = arith.addi %mul3A_257, %add3A_258 : i32
              %dma_start3A_260 = tpu.memref_slice %arg12[%add3A_259] : memref<13824xf32, #tpu.memory_space<vmem>> -> memref<64xf32, #tpu.memory_space<vmem>>
              %dma_start3A_261 = tpu.memref_slice %arg3[%add3A_255] : memref<9437184xf32, #tpu.memory_space<hbm>> -> memref<64xf32, #tpu.memory_space<hbm>>
              %dma_start3A_262 = tpu.memref_slice %arg12[%add3A_259] : memref<13824xf32, #tpu.memory_space<vmem>> -> memref<64xf32, #tpu.memory_space<vmem>>
              %dma_start3A_263 = tpu.memref_slice %arg3[%add3A_255] : memref<9437184xf32, #tpu.memory_space<hbm>> -> memref<64xf32, #tpu.memory_space<hbm>>
              tpu.enqueue_dma source(%dma_start3A_263 : memref<64xf32, #tpu.memory_space<hbm>>) target(%dma_start3A_262 : memref<64xf32, #tpu.memory_space<vmem>>) target_semaphore(%arg16 : memref<!tpu.dma_semaphore, #tpu.memory_space<semaphore_mem>>)
              %add3A_264 = arith.constant 128 : i32
              %add3A_265 = arith.addi %add3A_253, %add3A_264 : i32
              %mul3A_266 = arith.constant 4 : i32
              %mul3A_267 = arith.muli %mul3A_231, %mul3A_266 : i32
              %add3A_268 = arith.constant 64 : i32
              %add3A_269 = arith.addi %mul3A_267, %add3A_268 : i32
              %dma_start3A_270 = tpu.memref_slice %arg12[%add3A_269] : memref<13824xf32, #tpu.memory_space<vmem>> -> memref<64xf32, #tpu.memory_space<vmem>>
              %dma_start3A_271 = tpu.memref_slice %arg3[%add3A_265] : memref<9437184xf32, #tpu.memory_space<hbm>> -> memref<64xf32, #tpu.memory_space<hbm>>
              %dma_start3A_272 = tpu.memref_slice %arg12[%add3A_269] : memref<13824xf32, #tpu.memory_space<vmem>> -> memref<64xf32, #tpu.memory_space<vmem>>
              %dma_start3A_273 = tpu.memref_slice %arg3[%add3A_265] : memref<9437184xf32, #tpu.memory_space<hbm>> -> memref<64xf32, #tpu.memory_space<hbm>>
              tpu.enqueue_dma source(%dma_start3A_273 : memref<64xf32, #tpu.memory_space<hbm>>) target(%dma_start3A_272 : memref<64xf32, #tpu.memory_space<vmem>>) target_semaphore(%arg16 : memref<!tpu.dma_semaphore, #tpu.memory_space<semaphore_mem>>)
              %add3A_274 = arith.constant 256 : i32
              %add3A_275 = arith.addi %add3A_253, %add3A_274 : i32
              %mul3A_276 = arith.constant 4 : i32
              %mul3A_277 = arith.muli %mul3A_231, %mul3A_276 : i32
              %add3A_278 = arith.constant 128 : i32
              %add3A_279 = arith.addi %mul3A_277, %add3A_278 : i32
              %dma_start3A_280 = tpu.memref_slice %arg12[%add3A_279] : memref<13824xf32, #tpu.memory_space<vmem>> -> memref<64xf32, #tpu.memory_space<vmem>>
              %dma_start3A_281 = tpu.memref_slice %arg3[%add3A_275] : memref<9437184xf32, #tpu.memory_space<hbm>> -> memref<64xf32, #tpu.memory_space<hbm>>
              %dma_start3A_282 = tpu.memref_slice %arg12[%add3A_279] : memref<13824xf32, #tpu.memory_space<vmem>> -> memref<64xf32, #tpu.memory_space<vmem>>
              %dma_start3A_283 = tpu.memref_slice %arg3[%add3A_275] : memref<9437184xf32, #tpu.memory_space<hbm>> -> memref<64xf32, #tpu.memory_space<hbm>>
              tpu.enqueue_dma source(%dma_start3A_283 : memref<64xf32, #tpu.memory_space<hbm>>) target(%dma_start3A_282 : memref<64xf32, #tpu.memory_space<vmem>>) target_semaphore(%arg16 : memref<!tpu.dma_semaphore, #tpu.memory_space<semaphore_mem>>)
              %add3A_284 = arith.constant 384 : i32
              %add3A_285 = arith.addi %add3A_253, %add3A_284 : i32
              %mul3A_286 = arith.constant 4 : i32
              %mul3A_287 = arith.muli %mul3A_231, %mul3A_286 : i32
              %add3A_288 = arith.constant 192 : i32
              %add3A_289 = arith.addi %mul3A_287, %add3A_288 : i32
              %dma_start3A_290 = tpu.memref_slice %arg12[%add3A_289] : memref<13824xf32, #tpu.memory_space<vmem>> -> memref<64xf32, #tpu.memory_space<vmem>>
              %dma_start3A_291 = tpu.memref_slice %arg3[%add3A_285] : memref<9437184xf32, #tpu.memory_space<hbm>> -> memref<64xf32, #tpu.memory_space<hbm>>
              %dma_start3A_292 = tpu.memref_slice %arg12[%add3A_289] : memref<13824xf32, #tpu.memory_space<vmem>> -> memref<64xf32, #tpu.memory_space<vmem>>
              %dma_start3A_293 = tpu.memref_slice %arg3[%add3A_285] : memref<9437184xf32, #tpu.memory_space<hbm>> -> memref<64xf32, #tpu.memory_space<hbm>>
              tpu.enqueue_dma source(%dma_start3A_293 : memref<64xf32, #tpu.memory_space<hbm>>) target(%dma_start3A_292 : memref<64xf32, #tpu.memory_space<vmem>>) target_semaphore(%arg16 : memref<!tpu.dma_semaphore, #tpu.memory_space<semaphore_mem>>)
            } else {
            }
          }
          %scan3A_218 = arith.constant 18 : i32
        } else {
        }
      } else {
      }
      %gt3A = arith.constant 0 : i32
      %gt3A_172 = arith.cmpi sgt, %scan3A_169, %gt3A : i32
      %convert_element_type3A_173 = arith.extui %gt3A_172 : i1 to i32
      %cond3A_174 = arith.constant 0 : i32
      %cond3A_175 = arith.cmpi ne, %convert_element_type3A_173, %cond3A_174 : i32
      scf.if %cond3A_175 {
        %gt3A_176 = arith.constant 2 : i32
        %gt3A_177 = arith.cmpi sgt, %scan3A_169, %gt3A_176 : i32
        %convert_element_type3A_178 = arith.extui %gt3A_177 : i1 to i32
        %cond3A_179 = arith.constant 0 : i32
        %cond3A_180 = arith.cmpi ne, %convert_element_type3A_178, %cond3A_179 : i32
        scf.if %cond3A_180 {
          %dma_wait3A_814 = arith.constant 0 : i32
          %dma_wait3A_815 = tpu.memref_slice %arg14[%dma_wait3A_814] : memref<1024xf32, #tpu.memory_space<vmem>> -> memref<64xf32, #tpu.memory_space<vmem>>
          %dma_wait3A_816 = arith.constant 0 : i32
          %dma_wait3A_817 = tpu.memref_slice %arg7[%dma_wait3A_816] : memref<1048576xf32, #tpu.memory_space<hbm>> -> memref<64xf32, #tpu.memory_space<hbm>>
          %dma_wait3A_818 = arith.constant 0 : i32
          %dma_wait3A_819 = tpu.memref_slice %arg7[%dma_wait3A_818] : memref<1048576xf32, #tpu.memory_space<hbm>> -> memref<64xf32, #tpu.memory_space<hbm>>
          %dma_wait3A_820 = arith.constant 0 : i32
          %dma_wait3A_821 = tpu.memref_slice %arg14[%dma_wait3A_820] : memref<1024xf32, #tpu.memory_space<vmem>> -> memref<64xf32, #tpu.memory_space<vmem>>
          tpu.wait_dma2 semaphore(%arg18 : memref<!tpu.dma_semaphore, #tpu.memory_space<semaphore_mem>>) src(%dma_wait3A_821 : memref<64xf32, #tpu.memory_space<vmem>>) dst(%dma_wait3A_819 : memref<64xf32, #tpu.memory_space<hbm>>)
          %dma_wait3A_822 = arith.constant 0 : i32
          %dma_wait3A_823 = tpu.memref_slice %arg14[%dma_wait3A_822] : memref<1024xf32, #tpu.memory_space<vmem>> -> memref<64xf32, #tpu.memory_space<vmem>>
          %dma_wait3A_824 = arith.constant 0 : i32
          %dma_wait3A_825 = tpu.memref_slice %arg7[%dma_wait3A_824] : memref<1048576xf32, #tpu.memory_space<hbm>> -> memref<64xf32, #tpu.memory_space<hbm>>
          %dma_wait3A_826 = arith.constant 0 : i32
          %dma_wait3A_827 = tpu.memref_slice %arg7[%dma_wait3A_826] : memref<1048576xf32, #tpu.memory_space<hbm>> -> memref<64xf32, #tpu.memory_space<hbm>>
          %dma_wait3A_828 = arith.constant 0 : i32
          %dma_wait3A_829 = tpu.memref_slice %arg14[%dma_wait3A_828] : memref<1024xf32, #tpu.memory_space<vmem>> -> memref<64xf32, #tpu.memory_space<vmem>>
          tpu.wait_dma2 semaphore(%arg18 : memref<!tpu.dma_semaphore, #tpu.memory_space<semaphore_mem>>) src(%dma_wait3A_829 : memref<64xf32, #tpu.memory_space<vmem>>) dst(%dma_wait3A_827 : memref<64xf32, #tpu.memory_space<hbm>>)
          %dma_wait3A_830 = arith.constant 0 : i32
          %dma_wait3A_831 = tpu.memref_slice %arg14[%dma_wait3A_830] : memref<1024xf32, #tpu.memory_space<vmem>> -> memref<64xf32, #tpu.memory_space<vmem>>
          %dma_wait3A_832 = arith.constant 0 : i32
          %dma_wait3A_833 = tpu.memref_slice %arg7[%dma_wait3A_832] : memref<1048576xf32, #tpu.memory_space<hbm>> -> memref<64xf32, #tpu.memory_space<hbm>>
          %dma_wait3A_834 = arith.constant 0 : i32
          %dma_wait3A_835 = tpu.memref_slice %arg7[%dma_wait3A_834] : memref<1048576xf32, #tpu.memory_space<hbm>> -> memref<64xf32, #tpu.memory_space<hbm>>
          %dma_wait3A_836 = arith.constant 0 : i32
          %dma_wait3A_837 = tpu.memref_slice %arg14[%dma_wait3A_836] : memref<1024xf32, #tpu.memory_space<vmem>> -> memref<64xf32, #tpu.memory_space<vmem>>
          tpu.wait_dma2 semaphore(%arg18 : memref<!tpu.dma_semaphore, #tpu.memory_space<semaphore_mem>>) src(%dma_wait3A_837 : memref<64xf32, #tpu.memory_space<vmem>>) dst(%dma_wait3A_835 : memref<64xf32, #tpu.memory_space<hbm>>)
          %dma_wait3A_838 = arith.constant 0 : i32
          %dma_wait3A_839 = tpu.memref_slice %arg14[%dma_wait3A_838] : memref<1024xf32, #tpu.memory_space<vmem>> -> memref<64xf32, #tpu.memory_space<vmem>>
          %dma_wait3A_840 = arith.constant 0 : i32
          %dma_wait3A_841 = tpu.memref_slice %arg7[%dma_wait3A_840] : memref<1048576xf32, #tpu.memory_space<hbm>> -> memref<64xf32, #tpu.memory_space<hbm>>
          %dma_wait3A_842 = arith.constant 0 : i32
          %dma_wait3A_843 = tpu.memref_slice %arg7[%dma_wait3A_842] : memref<1048576xf32, #tpu.memory_space<hbm>> -> memref<64xf32, #tpu.memory_space<hbm>>
          %dma_wait3A_844 = arith.constant 0 : i32
          %dma_wait3A_845 = tpu.memref_slice %arg14[%dma_wait3A_844] : memref<1024xf32, #tpu.memory_space<vmem>> -> memref<64xf32, #tpu.memory_space<vmem>>
          tpu.wait_dma2 semaphore(%arg18 : memref<!tpu.dma_semaphore, #tpu.memory_space<semaphore_mem>>) src(%dma_wait3A_845 : memref<64xf32, #tpu.memory_space<vmem>>) dst(%dma_wait3A_843 : memref<64xf32, #tpu.memory_space<hbm>>)
          %dma_wait3A_846 = arith.constant 0 : i32
          %dma_wait3A_847 = tpu.memref_slice %arg14[%dma_wait3A_846] : memref<1024xf32, #tpu.memory_space<vmem>> -> memref<64xf32, #tpu.memory_space<vmem>>
          %dma_wait3A_848 = arith.constant 0 : i32
          %dma_wait3A_849 = tpu.memref_slice %arg7[%dma_wait3A_848] : memref<1048576xf32, #tpu.memory_space<hbm>> -> memref<64xf32, #tpu.memory_space<hbm>>
          %dma_wait3A_850 = arith.constant 0 : i32
          %dma_wait3A_851 = tpu.memref_slice %arg7[%dma_wait3A_850] : memref<1048576xf32, #tpu.memory_space<hbm>> -> memref<64xf32, #tpu.memory_space<hbm>>
          %dma_wait3A_852 = arith.constant 0 : i32
          %dma_wait3A_853 = tpu.memref_slice %arg14[%dma_wait3A_852] : memref<1024xf32, #tpu.memory_space<vmem>> -> memref<64xf32, #tpu.memory_space<vmem>>
          tpu.wait_dma2 semaphore(%arg18 : memref<!tpu.dma_semaphore, #tpu.memory_space<semaphore_mem>>) src(%dma_wait3A_853 : memref<64xf32, #tpu.memory_space<vmem>>) dst(%dma_wait3A_851 : memref<64xf32, #tpu.memory_space<hbm>>)
          %dma_wait3A_854 = arith.constant 0 : i32
          %dma_wait3A_855 = tpu.memref_slice %arg14[%dma_wait3A_854] : memref<1024xf32, #tpu.memory_space<vmem>> -> memref<64xf32, #tpu.memory_space<vmem>>
          %dma_wait3A_856 = arith.constant 0 : i32
          %dma_wait3A_857 = tpu.memref_slice %arg7[%dma_wait3A_856] : memref<1048576xf32, #tpu.memory_space<hbm>> -> memref<64xf32, #tpu.memory_space<hbm>>
          %dma_wait3A_858 = arith.constant 0 : i32
          %dma_wait3A_859 = tpu.memref_slice %arg7[%dma_wait3A_858] : memref<1048576xf32, #tpu.memory_space<hbm>> -> memref<64xf32, #tpu.memory_space<hbm>>
          %dma_wait3A_860 = arith.constant 0 : i32
          %dma_wait3A_861 = tpu.memref_slice %arg14[%dma_wait3A_860] : memref<1024xf32, #tpu.memory_space<vmem>> -> memref<64xf32, #tpu.memory_space<vmem>>
          tpu.wait_dma2 semaphore(%arg18 : memref<!tpu.dma_semaphore, #tpu.memory_space<semaphore_mem>>) src(%dma_wait3A_861 : memref<64xf32, #tpu.memory_space<vmem>>) dst(%dma_wait3A_859 : memref<64xf32, #tpu.memory_space<hbm>>)
          %dma_wait3A_862 = arith.constant 0 : i32
          %dma_wait3A_863 = tpu.memref_slice %arg14[%dma_wait3A_862] : memref<1024xf32, #tpu.memory_space<vmem>> -> memref<64xf32, #tpu.memory_space<vmem>>
          %dma_wait3A_864 = arith.constant 0 : i32
          %dma_wait3A_865 = tpu.memref_slice %arg7[%dma_wait3A_864] : memref<1048576xf32, #tpu.memory_space<hbm>> -> memref<64xf32, #tpu.memory_space<hbm>>
          %dma_wait3A_866 = arith.constant 0 : i32
          %dma_wait3A_867 = tpu.memref_slice %arg7[%dma_wait3A_866] : memref<1048576xf32, #tpu.memory_space<hbm>> -> memref<64xf32, #tpu.memory_space<hbm>>
          %dma_wait3A_868 = arith.constant 0 : i32
          %dma_wait3A_869 = tpu.memref_slice %arg14[%dma_wait3A_868] : memref<1024xf32, #tpu.memory_space<vmem>> -> memref<64xf32, #tpu.memory_space<vmem>>
          tpu.wait_dma2 semaphore(%arg18 : memref<!tpu.dma_semaphore, #tpu.memory_space<semaphore_mem>>) src(%dma_wait3A_869 : memref<64xf32, #tpu.memory_space<vmem>>) dst(%dma_wait3A_867 : memref<64xf32, #tpu.memory_space<hbm>>)
          %dma_wait3A_870 = arith.constant 0 : i32
          %dma_wait3A_871 = tpu.memref_slice %arg14[%dma_wait3A_870] : memref<1024xf32, #tpu.memory_space<vmem>> -> memref<64xf32, #tpu.memory_space<vmem>>
          %dma_wait3A_872 = arith.constant 0 : i32
          %dma_wait3A_873 = tpu.memref_slice %arg7[%dma_wait3A_872] : memref<1048576xf32, #tpu.memory_space<hbm>> -> memref<64xf32, #tpu.memory_space<hbm>>
          %dma_wait3A_874 = arith.constant 0 : i32
          %dma_wait3A_875 = tpu.memref_slice %arg7[%dma_wait3A_874] : memref<1048576xf32, #tpu.memory_space<hbm>> -> memref<64xf32, #tpu.memory_space<hbm>>
          %dma_wait3A_876 = arith.constant 0 : i32
          %dma_wait3A_877 = tpu.memref_slice %arg14[%dma_wait3A_876] : memref<1024xf32, #tpu.memory_space<vmem>> -> memref<64xf32, #tpu.memory_space<vmem>>
          tpu.wait_dma2 semaphore(%arg18 : memref<!tpu.dma_semaphore, #tpu.memory_space<semaphore_mem>>) src(%dma_wait3A_877 : memref<64xf32, #tpu.memory_space<vmem>>) dst(%dma_wait3A_875 : memref<64xf32, #tpu.memory_space<hbm>>)
        } else {
        }
        %sub3A = arith.constant 1 : i32
        %sub3A_181 = arith.subi %scan3A_169, %sub3A : i32
        %sub3A_182 = arith.constant 1 : i32
        %sub3A_183 = arith.subi %scan3A_169, %sub3A_182 : i32
        %rem3A_184 = arith.constant 2 : i32
        %rem3A_185 = arith.remsi %sub3A_183, %rem3A_184 : i32
        %mul3A_186 = arith.constant 32 : i32
        %mul3A_187 = arith.muli %sub3A_181, %mul3A_186 : i32
        %add3A_188 = arith.addi %add3A, %mul3A_187 : i32
        %shift_right_arithmetic3A_189 = arith.constant 3 : i32
        %shift_right_arithmetic3A_190 = arith.shrsi %add3A_188, %shift_right_arithmetic3A_189 : i32
        %and3A_191 = arith.constant 7 : i32
        %and3A_192 = arith.andi %add3A_188, %and3A_191 : i32
        %shift_right_arithmetic3A_193 = arith.constant 3 : i32
        %shift_right_arithmetic3A_194 = arith.shrsi %shift_right_arithmetic3A_190, %shift_right_arithmetic3A_193 : i32
        %mul3A_195 = arith.constant 4 : i32
        %mul3A_196 = arith.muli %shift_right_arithmetic3A_194, %mul3A_195 : i32
        %shift_right_arithmetic3A_197 = arith.constant 1 : i32
        %shift_right_arithmetic3A_198 = arith.shrsi %and3A_192, %shift_right_arithmetic3A_197 : i32
        %add3A_199 = arith.addi %mul3A_196, %shift_right_arithmetic3A_198 : i32
        %mul3A_200 = arith.constant 1024 : i32
        %mul3A_201 = arith.muli %add3A_199, %mul3A_200 : i32
        %and3A_202 = arith.constant 7 : i32
        %and3A_203 = arith.andi %shift_right_arithmetic3A_190, %and3A_202 : i32
        %mul3A_204 = arith.constant 128 : i32
        %mul3A_205 = arith.muli %and3A_203, %mul3A_204 : i32
        %add3A_206 = arith.addi %mul3A_201, %mul3A_205 : i32
        %and3A_207 = arith.constant 1 : i32
        %and3A_208 = arith.andi %and3A_192, %and3A_207 : i32
        %mul3A_209 = arith.constant 64 : i32
        %mul3A_210 = arith.muli %and3A_208, %mul3A_209 : i32
        %add3A_211 = arith.addi %add3A_206, %mul3A_210 : i32
        %rem3A_212 = arith.constant 3 : i32
        %rem3A_213 = arith.remsi %sub3A_181, %rem3A_212 : i32
        %mul3A_214 = arith.constant 32 : i32
        %mul3A_215 = arith.muli %sub3A_181, %mul3A_214 : i32
        %add3A_216 = arith.addi %add3A, %mul3A_215 : i32
        %get3A_217 = arith.index_cast %add3A_216 : i32 to index
        %get3A_218 = tpu.vector_load %arg13[%get3A_217] {strides = array<i32>} : memref<2064xi32, #tpu.memory_space<vmem>>, vector<16xi32>,
        %slice3A_219 = vector.extract_strided_slice %get3A_218 {offsets = [0], sizes = [1], strides = [1]} : vector<16xi32> to vector<1xi32>
        %squeeze3A_220 = vector.extract %slice3A_219[0] : i32 from vector<1xi32>
        %mul3A_221 = arith.constant 512 : i32
        %mul3A_222 = arith.muli %rem3A_185, %mul3A_221 : i32
        %mul3A_223 = arith.constant 64 : i32
        %mul3A_224 = arith.muli %rem3A_185, %mul3A_223 : i32
        %add3A_225 = arith.constant 0 : i32
        %add3A_226 = arith.addi %mul3A_222, %add3A_225 : i32
        %add3A_227 = arith.constant 0 : i32
        %add3A_228 = arith.addi %add3A_226, %add3A_227 : i32
        %swap3A = arith.index_cast %add3A_228 : i32 to index
        %swap3A_229 = tpu.vector_load %arg14[%swap3A] {strides = array<i32>} : memref<1024xf32, #tpu.memory_space<vmem>>, vector<16xf32>,
        tpu.vector_store %arg14[%swap3A], %broadcast_in_dim3A_1 {strides = array<i32>} : memref<1024xf32, #tpu.memory_space<vmem>>, vector<16xf32>,
        %add3A_230 = arith.constant 0 : i32
        %add3A_231 = arith.addi %mul3A_222, %add3A_230 : i32
        %add3A_232 = arith.constant 16 : i32
        %add3A_233 = arith.addi %add3A_231, %add3A_232 : i32
        %swap3A_234 = arith.index_cast %add3A_233 : i32 to index
        %swap3A_235 = tpu.vector_load %arg14[%swap3A_234] {strides = array<i32>} : memref<1024xf32, #tpu.memory_space<vmem>>, vector<16xf32>,
        tpu.vector_store %arg14[%swap3A_234], %broadcast_in_dim3A_1 {strides = array<i32>} : memref<1024xf32, #tpu.memory_space<vmem>>, vector<16xf32>,
        %add3A_236 = arith.constant 0 : i32
        %add3A_237 = arith.addi %mul3A_222, %add3A_236 : i32
        %add3A_238 = arith.constant 32 : i32
        %add3A_239 = arith.addi %add3A_237, %add3A_238 : i32
        %swap3A_240 = arith.index_cast %add3A_239 : i32 to index
        %swap3A_241 = tpu.vector_load %arg14[%swap3A_240] {strides = array<i32>} : memref<1024xf32, #tpu.memory_space<vmem>>, vector<16xf32>,
        tpu.vector_store %arg14[%swap3A_240], %broadcast_in_dim3A_1 {strides = array<i32>} : memref<1024xf32, #tpu.memory_space<vmem>>, vector<16xf32>,
        %add3A_242 = arith.constant 0 : i32
        %add3A_243 = arith.addi %mul3A_222, %add3A_242 : i32
        %add3A_244 = arith.constant 48 : i32
        %add3A_245 = arith.addi %add3A_243, %add3A_244 : i32
        %swap3A_246 = arith.index_cast %add3A_245 : i32 to index
        %swap3A_247 = tpu.vector_load %arg14[%swap3A_246] {strides = array<i32>} : memref<1024xf32, #tpu.memory_space<vmem>>, vector<16xf32>,
        tpu.vector_store %arg14[%swap3A_246], %broadcast_in_dim3A_1 {strides = array<i32>} : memref<1024xf32, #tpu.memory_space<vmem>>, vector<16xf32>,
        %add3A_248 = arith.constant 64 : i32
        %add3A_249 = arith.addi %mul3A_222, %add3A_248 : i32
        %add3A_250 = arith.constant 0 : i32
        %add3A_251 = arith.addi %add3A_249, %add3A_250 : i32
        %swap3A_252 = arith.index_cast %add3A_251 : i32 to index
        %swap3A_253 = tpu.vector_load %arg14[%swap3A_252] {strides = array<i32>} : memref<1024xf32, #tpu.memory_space<vmem>>, vector<16xf32>,
        tpu.vector_store %arg14[%swap3A_252], %broadcast_in_dim3A_1 {strides = array<i32>} : memref<1024xf32, #tpu.memory_space<vmem>>, vector<16xf32>,
        %add3A_254 = arith.constant 64 : i32
        %add3A_255 = arith.addi %mul3A_222, %add3A_254 : i32
        %add3A_256 = arith.constant 16 : i32
        %add3A_257 = arith.addi %add3A_255, %add3A_256 : i32
        %swap3A_258 = arith.index_cast %add3A_257 : i32 to index
        %swap3A_259 = tpu.vector_load %arg14[%swap3A_258] {strides = array<i32>} : memref<1024xf32, #tpu.memory_space<vmem>>, vector<16xf32>,
        tpu.vector_store %arg14[%swap3A_258], %broadcast_in_dim3A_1 {strides = array<i32>} : memref<1024xf32, #tpu.memory_space<vmem>>, vector<16xf32>,
        %add3A_260 = arith.constant 64 : i32
        %add3A_261 = arith.addi %mul3A_222, %add3A_260 : i32
        %add3A_262 = arith.constant 32 : i32
        %add3A_263 = arith.addi %add3A_261, %add3A_262 : i32
        %swap3A_264 = arith.index_cast %add3A_263 : i32 to index
        %swap3A_265 = tpu.vector_load %arg14[%swap3A_264] {strides = array<i32>} : memref<1024xf32, #tpu.memory_space<vmem>>, vector<16xf32>,
        tpu.vector_store %arg14[%swap3A_264], %broadcast_in_dim3A_1 {strides = array<i32>} : memref<1024xf32, #tpu.memory_space<vmem>>, vector<16xf32>,
        %add3A_266 = arith.constant 64 : i32
        %add3A_267 = arith.addi %mul3A_222, %add3A_266 : i32
        %add3A_268 = arith.constant 48 : i32
        %add3A_269 = arith.addi %add3A_267, %add3A_268 : i32
        %swap3A_270 = arith.index_cast %add3A_269 : i32 to index
        %swap3A_271 = tpu.vector_load %arg14[%swap3A_270] {strides = array<i32>} : memref<1024xf32, #tpu.memory_space<vmem>>, vector<16xf32>,
        tpu.vector_store %arg14[%swap3A_270], %broadcast_in_dim3A_1 {strides = array<i32>} : memref<1024xf32, #tpu.memory_space<vmem>>, vector<16xf32>,
        %add3A_272 = arith.constant 128 : i32
        %add3A_273 = arith.addi %mul3A_222, %add3A_272 : i32
        %add3A_274 = arith.constant 0 : i32
        %add3A_275 = arith.addi %add3A_273, %add3A_274 : i32
        %swap3A_276 = arith.index_cast %add3A_275 : i32 to index
        %swap3A_277 = tpu.vector_load %arg14[%swap3A_276] {strides = array<i32>} : memref<1024xf32, #tpu.memory_space<vmem>>, vector<16xf32>,
        tpu.vector_store %arg14[%swap3A_276], %broadcast_in_dim3A_1 {strides = array<i32>} : memref<1024xf32, #tpu.memory_space<vmem>>, vector<16xf32>,
        %add3A_278 = arith.constant 128 : i32
        %add3A_279 = arith.addi %mul3A_222, %add3A_278 : i32
        %add3A_280 = arith.constant 16 : i32
        %add3A_281 = arith.addi %add3A_279, %add3A_280 : i32
        %swap3A_282 = arith.index_cast %add3A_281 : i32 to index
        %swap3A_283 = tpu.vector_load %arg14[%swap3A_282] {strides = array<i32>} : memref<1024xf32, #tpu.memory_space<vmem>>, vector<16xf32>,
        tpu.vector_store %arg14[%swap3A_282], %broadcast_in_dim3A_1 {strides = array<i32>} : memref<1024xf32, #tpu.memory_space<vmem>>, vector<16xf32>,
        %add3A_284 = arith.constant 128 : i32
        %add3A_285 = arith.addi %mul3A_222, %add3A_284 : i32
        %add3A_286 = arith.constant 32 : i32
        %add3A_287 = arith.addi %add3A_285, %add3A_286 : i32
        %swap3A_288 = arith.index_cast %add3A_287 : i32 to index
        %swap3A_289 = tpu.vector_load %arg14[%swap3A_288] {strides = array<i32>} : memref<1024xf32, #tpu.memory_space<vmem>>, vector<16xf32>,
        tpu.vector_store %arg14[%swap3A_288], %broadcast_in_dim3A_1 {strides = array<i32>} : memref<1024xf32, #tpu.memory_space<vmem>>, vector<16xf32>,
        %add3A_290 = arith.constant 128 : i32
        %add3A_291 = arith.addi %mul3A_222, %add3A_290 : i32
        %add3A_292 = arith.constant 48 : i32
        %add3A_293 = arith.addi %add3A_291, %add3A_292 : i32
        %swap3A_294 = arith.index_cast %add3A_293 : i32 to index
        %swap3A_295 = tpu.vector_load %arg14[%swap3A_294] {strides = array<i32>} : memref<1024xf32, #tpu.memory_space<vmem>>, vector<16xf32>,
        tpu.vector_store %arg14[%swap3A_294], %broadcast_in_dim3A_1 {strides = array<i32>} : memref<1024xf32, #tpu.memory_space<vmem>>, vector<16xf32>,
        %add3A_296 = arith.constant 192 : i32
        %add3A_297 = arith.addi %mul3A_222, %add3A_296 : i32
        %add3A_298 = arith.constant 0 : i32
        %add3A_299 = arith.addi %add3A_297, %add3A_298 : i32
        %swap3A_300 = arith.index_cast %add3A_299 : i32 to index
        %swap3A_301 = tpu.vector_load %arg14[%swap3A_300] {strides = array<i32>} : memref<1024xf32, #tpu.memory_space<vmem>>, vector<16xf32>,
        tpu.vector_store %arg14[%swap3A_300], %broadcast_in_dim3A_1 {strides = array<i32>} : memref<1024xf32, #tpu.memory_space<vmem>>, vector<16xf32>,
        %add3A_302 = arith.constant 192 : i32
        %add3A_303 = arith.addi %mul3A_222, %add3A_302 : i32
        %add3A_304 = arith.constant 16 : i32
        %add3A_305 = arith.addi %add3A_303, %add3A_304 : i32
        %swap3A_306 = arith.index_cast %add3A_305 : i32 to index
        %swap3A_307 = tpu.vector_load %arg14[%swap3A_306] {strides = array<i32>} : memref<1024xf32, #tpu.memory_space<vmem>>, vector<16xf32>,
        tpu.vector_store %arg14[%swap3A_306], %broadcast_in_dim3A_1 {strides = array<i32>} : memref<1024xf32, #tpu.memory_space<vmem>>, vector<16xf32>,
        %add3A_308 = arith.constant 192 : i32
        %add3A_309 = arith.addi %mul3A_222, %add3A_308 : i32
        %add3A_310 = arith.constant 32 : i32
        %add3A_311 = arith.addi %add3A_309, %add3A_310 : i32
        %swap3A_312 = arith.index_cast %add3A_311 : i32 to index
        %swap3A_313 = tpu.vector_load %arg14[%swap3A_312] {strides = array<i32>} : memref<1024xf32, #tpu.memory_space<vmem>>, vector<16xf32>,
        tpu.vector_store %arg14[%swap3A_312], %broadcast_in_dim3A_1 {strides = array<i32>} : memref<1024xf32, #tpu.memory_space<vmem>>, vector<16xf32>,
        %add3A_314 = arith.constant 192 : i32
        %add3A_315 = arith.addi %mul3A_222, %add3A_314 : i32
        %add3A_316 = arith.constant 48 : i32
        %add3A_317 = arith.addi %add3A_315, %add3A_316 : i32
        %swap3A_318 = arith.index_cast %add3A_317 : i32 to index
        %swap3A_319 = tpu.vector_load %arg14[%swap3A_318] {strides = array<i32>} : memref<1024xf32, #tpu.memory_space<vmem>>, vector<16xf32>,
        tpu.vector_store %arg14[%swap3A_318], %broadcast_in_dim3A_1 {strides = array<i32>} : memref<1024xf32, #tpu.memory_space<vmem>>, vector<16xf32>,
        %add3A_320 = arith.constant 256 : i32
        %add3A_321 = arith.addi %mul3A_222, %add3A_320 : i32
        %add3A_322 = arith.constant 0 : i32
        %add3A_323 = arith.addi %add3A_321, %add3A_322 : i32
        %swap3A_324 = arith.index_cast %add3A_323 : i32 to index
        %swap3A_325 = tpu.vector_load %arg14[%swap3A_324] {strides = array<i32>} : memref<1024xf32, #tpu.memory_space<vmem>>, vector<16xf32>,
        tpu.vector_store %arg14[%swap3A_324], %broadcast_in_dim3A_1 {strides = array<i32>} : memref<1024xf32, #tpu.memory_space<vmem>>, vector<16xf32>,
        %add3A_326 = arith.constant 256 : i32
        %add3A_327 = arith.addi %mul3A_222, %add3A_326 : i32
        %add3A_328 = arith.constant 16 : i32
        %add3A_329 = arith.addi %add3A_327, %add3A_328 : i32
        %swap3A_330 = arith.index_cast %add3A_329 : i32 to index
        %swap3A_331 = tpu.vector_load %arg14[%swap3A_330] {strides = array<i32>} : memref<1024xf32, #tpu.memory_space<vmem>>, vector<16xf32>,
        tpu.vector_store %arg14[%swap3A_330], %broadcast_in_dim3A_1 {strides = array<i32>} : memref<1024xf32, #tpu.memory_space<vmem>>, vector<16xf32>,
        %add3A_332 = arith.constant 256 : i32
        %add3A_333 = arith.addi %mul3A_222, %add3A_332 : i32
        %add3A_334 = arith.constant 32 : i32
        %add3A_335 = arith.addi %add3A_333, %add3A_334 : i32
        %swap3A_336 = arith.index_cast %add3A_335 : i32 to index
        %swap3A_337 = tpu.vector_load %arg14[%swap3A_336] {strides = array<i32>} : memref<1024xf32, #tpu.memory_space<vmem>>, vector<16xf32>,
        tpu.vector_store %arg14[%swap3A_336], %broadcast_in_dim3A_1 {strides = array<i32>} : memref<1024xf32, #tpu.memory_space<vmem>>, vector<16xf32>,
        %add3A_338 = arith.constant 256 : i32
        %add3A_339 = arith.addi %mul3A_222, %add3A_338 : i32
        %add3A_340 = arith.constant 48 : i32
        %add3A_341 = arith.addi %add3A_339, %add3A_340 : i32
        %swap3A_342 = arith.index_cast %add3A_341 : i32 to index
        %swap3A_343 = tpu.vector_load %arg14[%swap3A_342] {strides = array<i32>} : memref<1024xf32, #tpu.memory_space<vmem>>, vector<16xf32>,
        tpu.vector_store %arg14[%swap3A_342], %broadcast_in_dim3A_1 {strides = array<i32>} : memref<1024xf32, #tpu.memory_space<vmem>>, vector<16xf32>,
        %add3A_344 = arith.constant 320 : i32
        %add3A_345 = arith.addi %mul3A_222, %add3A_344 : i32
        %add3A_346 = arith.constant 0 : i32
        %add3A_347 = arith.addi %add3A_345, %add3A_346 : i32
        %swap3A_348 = arith.index_cast %add3A_347 : i32 to index
        %swap3A_349 = tpu.vector_load %arg14[%swap3A_348] {strides = array<i32>} : memref<1024xf32, #tpu.memory_space<vmem>>, vector<16xf32>,
        tpu.vector_store %arg14[%swap3A_348], %broadcast_in_dim3A_1 {strides = array<i32>} : memref<1024xf32, #tpu.memory_space<vmem>>, vector<16xf32>,
        %add3A_350 = arith.constant 320 : i32
        %add3A_351 = arith.addi %mul3A_222, %add3A_350 : i32
        %add3A_352 = arith.constant 16 : i32
        %add3A_353 = arith.addi %add3A_351, %add3A_352 : i32
        %swap3A_354 = arith.index_cast %add3A_353 : i32 to index
        %swap3A_355 = tpu.vector_load %arg14[%swap3A_354] {strides = array<i32>} : memref<1024xf32, #tpu.memory_space<vmem>>, vector<16xf32>,
        tpu.vector_store %arg14[%swap3A_354], %broadcast_in_dim3A_1 {strides = array<i32>} : memref<1024xf32, #tpu.memory_space<vmem>>, vector<16xf32>,
        %add3A_356 = arith.constant 320 : i32
        %add3A_357 = arith.addi %mul3A_222, %add3A_356 : i32
        %add3A_358 = arith.constant 32 : i32
        %add3A_359 = arith.addi %add3A_357, %add3A_358 : i32
        %swap3A_360 = arith.index_cast %add3A_359 : i32 to index
        %swap3A_361 = tpu.vector_load %arg14[%swap3A_360] {strides = array<i32>} : memref<1024xf32, #tpu.memory_space<vmem>>, vector<16xf32>,
        tpu.vector_store %arg14[%swap3A_360], %broadcast_in_dim3A_1 {strides = array<i32>} : memref<1024xf32, #tpu.memory_space<vmem>>, vector<16xf32>,
        %add3A_362 = arith.constant 320 : i32
        %add3A_363 = arith.addi %mul3A_222, %add3A_362 : i32
        %add3A_364 = arith.constant 48 : i32
        %add3A_365 = arith.addi %add3A_363, %add3A_364 : i32
        %swap3A_366 = arith.index_cast %add3A_365 : i32 to index
        %swap3A_367 = tpu.vector_load %arg14[%swap3A_366] {strides = array<i32>} : memref<1024xf32, #tpu.memory_space<vmem>>, vector<16xf32>,
        tpu.vector_store %arg14[%swap3A_366], %broadcast_in_dim3A_1 {strides = array<i32>} : memref<1024xf32, #tpu.memory_space<vmem>>, vector<16xf32>,
        %add3A_368 = arith.constant 384 : i32
        %add3A_369 = arith.addi %mul3A_222, %add3A_368 : i32
        %add3A_370 = arith.constant 0 : i32
        %add3A_371 = arith.addi %add3A_369, %add3A_370 : i32
        %swap3A_372 = arith.index_cast %add3A_371 : i32 to index
        %swap3A_373 = tpu.vector_load %arg14[%swap3A_372] {strides = array<i32>} : memref<1024xf32, #tpu.memory_space<vmem>>, vector<16xf32>,
        tpu.vector_store %arg14[%swap3A_372], %broadcast_in_dim3A_1 {strides = array<i32>} : memref<1024xf32, #tpu.memory_space<vmem>>, vector<16xf32>,
        %add3A_374 = arith.constant 384 : i32
        %add3A_375 = arith.addi %mul3A_222, %add3A_374 : i32
        %add3A_376 = arith.constant 16 : i32
        %add3A_377 = arith.addi %add3A_375, %add3A_376 : i32
        %swap3A_378 = arith.index_cast %add3A_377 : i32 to index
        %swap3A_379 = tpu.vector_load %arg14[%swap3A_378] {strides = array<i32>} : memref<1024xf32, #tpu.memory_space<vmem>>, vector<16xf32>,
        tpu.vector_store %arg14[%swap3A_378], %broadcast_in_dim3A_1 {strides = array<i32>} : memref<1024xf32, #tpu.memory_space<vmem>>, vector<16xf32>,
        %add3A_380 = arith.constant 384 : i32
        %add3A_381 = arith.addi %mul3A_222, %add3A_380 : i32
        %add3A_382 = arith.constant 32 : i32
        %add3A_383 = arith.addi %add3A_381, %add3A_382 : i32
        %swap3A_384 = arith.index_cast %add3A_383 : i32 to index
        %swap3A_385 = tpu.vector_load %arg14[%swap3A_384] {strides = array<i32>} : memref<1024xf32, #tpu.memory_space<vmem>>, vector<16xf32>,
        tpu.vector_store %arg14[%swap3A_384], %broadcast_in_dim3A_1 {strides = array<i32>} : memref<1024xf32, #tpu.memory_space<vmem>>, vector<16xf32>,
        %add3A_386 = arith.constant 384 : i32
        %add3A_387 = arith.addi %mul3A_222, %add3A_386 : i32
        %add3A_388 = arith.constant 48 : i32
        %add3A_389 = arith.addi %add3A_387, %add3A_388 : i32
        %swap3A_390 = arith.index_cast %add3A_389 : i32 to index
        %swap3A_391 = tpu.vector_load %arg14[%swap3A_390] {strides = array<i32>} : memref<1024xf32, #tpu.memory_space<vmem>>, vector<16xf32>,
        tpu.vector_store %arg14[%swap3A_390], %broadcast_in_dim3A_1 {strides = array<i32>} : memref<1024xf32, #tpu.memory_space<vmem>>, vector<16xf32>,
        %add3A_392 = arith.constant 448 : i32
        %add3A_393 = arith.addi %mul3A_222, %add3A_392 : i32
        %add3A_394 = arith.constant 0 : i32
        %add3A_395 = arith.addi %add3A_393, %add3A_394 : i32
        %swap3A_396 = arith.index_cast %add3A_395 : i32 to index
        %swap3A_397 = tpu.vector_load %arg14[%swap3A_396] {strides = array<i32>} : memref<1024xf32, #tpu.memory_space<vmem>>, vector<16xf32>,
        tpu.vector_store %arg14[%swap3A_396], %broadcast_in_dim3A_1 {strides = array<i32>} : memref<1024xf32, #tpu.memory_space<vmem>>, vector<16xf32>,
        %add3A_398 = arith.constant 448 : i32
        %add3A_399 = arith.addi %mul3A_222, %add3A_398 : i32
        %add3A_400 = arith.constant 16 : i32
        %add3A_401 = arith.addi %add3A_399, %add3A_400 : i32
        %swap3A_402 = arith.index_cast %add3A_401 : i32 to index
        %swap3A_403 = tpu.vector_load %arg14[%swap3A_402] {strides = array<i32>} : memref<1024xf32, #tpu.memory_space<vmem>>, vector<16xf32>,
        tpu.vector_store %arg14[%swap3A_402], %broadcast_in_dim3A_1 {strides = array<i32>} : memref<1024xf32, #tpu.memory_space<vmem>>, vector<16xf32>,
        %add3A_404 = arith.constant 448 : i32
        %add3A_405 = arith.addi %mul3A_222, %add3A_404 : i32
        %add3A_406 = arith.constant 32 : i32
        %add3A_407 = arith.addi %add3A_405, %add3A_406 : i32
        %swap3A_408 = arith.index_cast %add3A_407 : i32 to index
        %swap3A_409 = tpu.vector_load %arg14[%swap3A_408] {strides = array<i32>} : memref<1024xf32, #tpu.memory_space<vmem>>, vector<16xf32>,
        tpu.vector_store %arg14[%swap3A_408], %broadcast_in_dim3A_1 {strides = array<i32>} : memref<1024xf32, #tpu.memory_space<vmem>>, vector<16xf32>,
        %add3A_410 = arith.constant 448 : i32
        %add3A_411 = arith.addi %mul3A_222, %add3A_410 : i32
        %add3A_412 = arith.constant 48 : i32
        %add3A_413 = arith.addi %add3A_411, %add3A_412 : i32
        %swap3A_414 = arith.index_cast %add3A_413 : i32 to index
        %swap3A_415 = tpu.vector_load %arg14[%swap3A_414] {strides = array<i32>} : memref<1024xf32, #tpu.memory_space<vmem>>, vector<16xf32>,
        tpu.vector_store %arg14[%swap3A_414], %broadcast_in_dim3A_1 {strides = array<i32>} : memref<1024xf32, #tpu.memory_space<vmem>>, vector<16xf32>,
        %add3A_416 = arith.constant 0 : i32
        %add3A_417 = arith.addi %mul3A_224, %add3A_416 : i32
        %swap3A_418 = arith.index_cast %add3A_417 : i32 to index
        %swap3A_419 = tpu.vector_load %arg15[%swap3A_418] {strides = array<i32>} : memref<128xf32, #tpu.memory_space<vmem>>, vector<16xf32>,
        tpu.vector_store %arg15[%swap3A_418], %broadcast_in_dim3A_1 {strides = array<i32>} : memref<128xf32, #tpu.memory_space<vmem>>, vector<16xf32>,
        %add3A_420 = arith.constant 16 : i32
        %add3A_421 = arith.addi %mul3A_224, %add3A_420 : i32
        %swap3A_422 = arith.index_cast %add3A_421 : i32 to index
        %swap3A_423 = tpu.vector_load %arg15[%swap3A_422] {strides = array<i32>} : memref<128xf32, #tpu.memory_space<vmem>>, vector<16xf32>,
        tpu.vector_store %arg15[%swap3A_422], %broadcast_in_dim3A_1 {strides = array<i32>} : memref<128xf32, #tpu.memory_space<vmem>>, vector<16xf32>,
        %add3A_424 = arith.constant 32 : i32
        %add3A_425 = arith.addi %mul3A_224, %add3A_424 : i32
        %swap3A_426 = arith.index_cast %add3A_425 : i32 to index
        %swap3A_427 = tpu.vector_load %arg15[%swap3A_426] {strides = array<i32>} : memref<128xf32, #tpu.memory_space<vmem>>, vector<16xf32>,
        tpu.vector_store %arg15[%swap3A_426], %broadcast_in_dim3A_1 {strides = array<i32>} : memref<128xf32, #tpu.memory_space<vmem>>, vector<16xf32>,
        %add3A_428 = arith.constant 48 : i32
        %add3A_429 = arith.addi %mul3A_224, %add3A_428 : i32
        %swap3A_430 = arith.index_cast %add3A_429 : i32 to index
        %swap3A_431 = tpu.vector_load %arg15[%swap3A_430] {strides = array<i32>} : memref<128xf32, #tpu.memory_space<vmem>>, vector<16xf32>,
        tpu.vector_store %arg15[%swap3A_430], %broadcast_in_dim3A_1 {strides = array<i32>} : memref<128xf32, #tpu.memory_space<vmem>>, vector<16xf32>,
        %scan3A_432 = arith.constant 0 : i32
        %scan3A_433 = arith.constant 18 : i32
        %scan3A_434 = arith.addi %scan3A_432, %scan3A_433 : i32
        %scan3A_435 = arith.constant 1 : i32
        scf.for %scan3A_814 = %scan3A_432 to %scan3A_434 step %scan3A_435  : i32 {
          %shift_right_arithmetic3A_815 = arith.shrsi %squeeze3A_220, %scan3A_814 : i32
          %and3A_816 = arith.constant 1 : i32
          %and3A_817 = arith.andi %shift_right_arithmetic3A_815, %and3A_816 : i32
          %ne3A = arith.constant 0 : i32
          %ne3A_818 = arith.cmpi ne, %and3A_817, %ne3A : i32
          %convert_element_type3A_819 = arith.extui %ne3A_818 : i1 to i32
          %cond3A_820 = arith.constant 0 : i32
          %cond3A_821 = arith.cmpi ne, %convert_element_type3A_819, %cond3A_820 : i32
          scf.if %cond3A_821 {
            %mul3A_822 = arith.constant 18 : i32
            %mul3A_823 = arith.muli %rem3A_185, %mul3A_822 : i32
            %add3A_824 = arith.addi %mul3A_823, %scan3A_814 : i32
            %mul3A_825 = arith.constant 256 : i32
            %mul3A_826 = arith.muli %add3A_824, %mul3A_825 : i32
            %dma_wait3A_827 = arith.constant 0 : i32
            %dma_wait3A_828 = tpu.memref_slice %arg8[%mul3A_826, %dma_wait3A_827] : memref<9216x8xf32, #tpu.memory_space<vmem>> -> memref<128x8xf32, #tpu.memory_space<vmem>>
            %dma_wait3A_829 = arith.constant 0 : i32
            %dma_wait3A_830 = arith.constant 0 : i32
            %dma_wait3A_831 = tpu.memref_slice %arg2[%dma_wait3A_829, %dma_wait3A_830] : memref<903168x8xf32, #tpu.memory_space<hbm>> -> memref<128x8xf32, #tpu.memory_space<hbm>>
            %dma_wait3A_832 = arith.constant 0 : i32
            %dma_wait3A_833 = tpu.memref_slice %arg8[%mul3A_826, %dma_wait3A_832] : memref<9216x8xf32, #tpu.memory_space<vmem>> -> memref<128x8xf32, #tpu.memory_space<vmem>>
            %dma_wait3A_834 = arith.constant 0 : i32
            %dma_wait3A_835 = arith.constant 0 : i32
            %dma_wait3A_836 = tpu.memref_slice %arg2[%dma_wait3A_834, %dma_wait3A_835] : memref<903168x8xf32, #tpu.memory_space<hbm>> -> memref<128x8xf32, #tpu.memory_space<hbm>>
            tpu.wait_dma2 semaphore(%arg17 : memref<!tpu.dma_semaphore, #tpu.memory_space<semaphore_mem>>) src(%dma_wait3A_836 : memref<128x8xf32, #tpu.memory_space<hbm>>) dst(%dma_wait3A_833 : memref<128x8xf32, #tpu.memory_space<vmem>>)
            %add3A_837 = arith.constant 128 : i32
            %add3A_838 = arith.addi %mul3A_826, %add3A_837 : i32
            %dma_wait3A_839 = arith.constant 0 : i32
            %dma_wait3A_840 = tpu.memref_slice %arg8[%add3A_838, %dma_wait3A_839] : memref<9216x8xf32, #tpu.memory_space<vmem>> -> memref<128x8xf32, #tpu.memory_space<vmem>>
            %dma_wait3A_841 = arith.constant 0 : i32
            %dma_wait3A_842 = arith.constant 0 : i32
            %dma_wait3A_843 = tpu.memref_slice %arg2[%dma_wait3A_841, %dma_wait3A_842] : memref<903168x8xf32, #tpu.memory_space<hbm>> -> memref<128x8xf32, #tpu.memory_space<hbm>>
            %dma_wait3A_844 = arith.constant 0 : i32
            %dma_wait3A_845 = tpu.memref_slice %arg8[%add3A_838, %dma_wait3A_844] : memref<9216x8xf32, #tpu.memory_space<vmem>> -> memref<128x8xf32, #tpu.memory_space<vmem>>
            %dma_wait3A_846 = arith.constant 0 : i32
            %dma_wait3A_847 = arith.constant 0 : i32
            %dma_wait3A_848 = tpu.memref_slice %arg2[%dma_wait3A_846, %dma_wait3A_847] : memref<903168x8xf32, #tpu.memory_space<hbm>> -> memref<128x8xf32, #tpu.memory_space<hbm>>
            tpu.wait_dma2 semaphore(%arg17 : memref<!tpu.dma_semaphore, #tpu.memory_space<semaphore_mem>>) src(%dma_wait3A_848 : memref<128x8xf32, #tpu.memory_space<hbm>>) dst(%dma_wait3A_845 : memref<128x8xf32, #tpu.memory_space<vmem>>)
            %mul3A_849 = arith.constant 18 : i32
            %mul3A_850 = arith.muli %rem3A_213, %mul3A_849 : i32
            %add3A_851 = arith.addi %mul3A_850, %scan3A_814 : i32
            %mul3A_852 = arith.constant 64 : i32
            %mul3A_853 = arith.muli %add3A_851, %mul3A_852 : i32
            %add3A_854 = arith.constant 0 : i32
            %add3A_855 = vector.broadcast %add3A_854 : i32 to vector<16xi32>
            %add3A_856 = arith.addi %iota3A, %add3A_855 : vector<16xi32>
            %mul3A_857 = arith.constant 4 : i32
            %mul3A_858 = arith.muli %mul3A_853, %mul3A_857 : i32
            %add3A_859 = arith.constant 0 : i32
            %add3A_860 = arith.addi %mul3A_858, %add3A_859 : i32
            %add3A_861 = arith.constant 0 : i32
            %add3A_862 = arith.addi %add3A_860, %add3A_861 : i32
            %get3A_863 = arith.index_cast %add3A_862 : i32 to index
            %get3A_864 = tpu.vector_load %arg12[%get3A_863] {strides = array<i32>} : memref<13824xf32, #tpu.memory_space<vmem>>, vector<16xf32>,
            %gt3A_865 = arith.constant 9.99999974E-6 : f32
            %gt3A_866 = vector.broadcast %gt3A_865 : f32 to vector<16xf32>
            %gt3A_867 = arith.cmpf ogt, %get3A_864, %gt3A_866 : vector<16xf32>
            %jit3A = arith.constant 0.000000e+00 : f32
            %broadcast_in_dim3A_868 = vector.broadcast %jit3A : f32 to vector<16xf32>
            %select_n3A = arith.select %gt3A_867, %get3A_864, %broadcast_in_dim3A_868 : vector<16xi1>, vector<16xf32>
            %mul3A_869 = arith.constant 4 : i32
            %mul3A_870 = arith.muli %mul3A_853, %mul3A_869 : i32
            %add3A_871 = arith.constant 64 : i32
            %add3A_872 = arith.addi %mul3A_870, %add3A_871 : i32
            %add3A_873 = arith.constant 0 : i32
            %add3A_874 = arith.addi %add3A_872, %add3A_873 : i32
            %get3A_875 = arith.index_cast %add3A_874 : i32 to index
            %get3A_876 = tpu.vector_load %arg12[%get3A_875] {strides = array<i32>} : memref<13824xf32, #tpu.memory_space<vmem>>, vector<16xf32>,
            %gt3A_877 = arith.constant 9.99999974E-6 : f32
            %gt3A_878 = vector.broadcast %gt3A_877 : f32 to vector<16xf32>
            %gt3A_879 = arith.cmpf ogt, %get3A_876, %gt3A_878 : vector<16xf32>
            %jit3A_880 = arith.constant 0.000000e+00 : f32
            %broadcast_in_dim3A_881 = vector.broadcast %jit3A_880 : f32 to vector<16xf32>
            %select_n3A_882 = arith.select %gt3A_879, %get3A_876, %broadcast_in_dim3A_881 : vector<16xi1>, vector<16xf32>
            %mul3A_883 = arith.constant 4 : i32
            %mul3A_884 = arith.muli %mul3A_853, %mul3A_883 : i32
            %add3A_885 = arith.constant 128 : i32
            %add3A_886 = arith.addi %mul3A_884, %add3A_885 : i32
            %add3A_887 = arith.constant 0 : i32
            %add3A_888 = arith.addi %add3A_886, %add3A_887 : i32
            %get3A_889 = arith.index_cast %add3A_888 : i32 to index
            %get3A_890 = tpu.vector_load %arg12[%get3A_889] {strides = array<i32>} : memref<13824xf32, #tpu.memory_space<vmem>>, vector<16xf32>,
            %gt3A_891 = arith.constant 9.99999974E-6 : f32
            %gt3A_892 = vector.broadcast %gt3A_891 : f32 to vector<16xf32>
            %gt3A_893 = arith.cmpf ogt, %get3A_890, %gt3A_892 : vector<16xf32>
            %jit3A_894 = arith.constant 0.000000e+00 : f32
            %broadcast_in_dim3A_895 = vector.broadcast %jit3A_894 : f32 to vector<16xf32>
            %select_n3A_896 = arith.select %gt3A_893, %get3A_890, %broadcast_in_dim3A_895 : vector<16xi1>, vector<16xf32>
            %mul3A_897 = arith.constant 4 : i32
            %mul3A_898 = arith.muli %mul3A_853, %mul3A_897 : i32
            %add3A_899 = arith.constant 192 : i32
            %add3A_900 = arith.addi %mul3A_898, %add3A_899 : i32
            %add3A_901 = arith.constant 0 : i32
            %add3A_902 = arith.addi %add3A_900, %add3A_901 : i32
            %get3A_903 = arith.index_cast %add3A_902 : i32 to index
            %get3A_904 = tpu.vector_load %arg12[%get3A_903] {strides = array<i32>} : memref<13824xf32, #tpu.memory_space<vmem>>, vector<16xf32>,
            %gt3A_905 = arith.constant 9.99999974E-6 : f32
            %gt3A_906 = vector.broadcast %gt3A_905 : f32 to vector<16xf32>
            %gt3A_907 = arith.cmpf ogt, %get3A_904, %gt3A_906 : vector<16xf32>
            %jit3A_908 = arith.constant 0.000000e+00 : f32
            %broadcast_in_dim3A_909 = vector.broadcast %jit3A_908 : f32 to vector<16xf32>
            %select_n3A_910 = arith.select %gt3A_907, %get3A_904, %broadcast_in_dim3A_909 : vector<16xi1>, vector<16xf32>
            %add3A_911 = arith.constant 0 : i32
            %add3A_912 = arith.addi %mul3A_224, %add3A_911 : i32
            %get3A_913 = arith.index_cast %add3A_912 : i32 to index
            %get3A_914 = tpu.vector_load %arg15[%get3A_913] {strides = array<i32>} : memref<128xf32, #tpu.memory_space<vmem>>, vector<16xf32>,
            %add3A_915 = arith.addf %get3A_914, %select_n3A : vector<16xf32>
            %add3A_916 = arith.addf %add3A_915, %select_n3A_882 : vector<16xf32>
            %add3A_917 = arith.addf %add3A_916, %select_n3A_896 : vector<16xf32>
            %add3A_918 = arith.addf %add3A_917, %select_n3A_910 : vector<16xf32>
            %swap3A_919 = arith.index_cast %add3A_912 : i32 to index
            %swap3A_920 = tpu.vector_load %arg15[%swap3A_919] {strides = array<i32>} : memref<128xf32, #tpu.memory_space<vmem>>, vector<16xf32>,
            tpu.vector_store %arg15[%swap3A_919], %add3A_918 {strides = array<i32>} : memref<128xf32, #tpu.memory_space<vmem>>, vector<16xf32>,
            %broadcast_in_dim3A_921 = arith.constant 0 : i32
            %broadcast_in_dim3A_922 = vector.broadcast %broadcast_in_dim3A_921 : i32 to vector<16xi32>
            %add3A_923 = arith.constant 0 : i32
            %add3A_924 = arith.addi %mul3A_222, %add3A_923 : i32
            %add3A_925 = arith.constant 0 : i32
            %add3A_926 = arith.addi %add3A_924, %add3A_925 : i32
            %get3A_927 = arith.index_cast %add3A_926 : i32 to index
            %get3A_928 = tpu.vector_load %arg14[%get3A_927] {strides = array<i32>} : memref<1024xf32, #tpu.memory_space<vmem>>, vector<16xf32>,
            %add3A_929 = arith.constant 0 : i32
            %add3A_930 = arith.addi %mul3A_826, %add3A_929 : i32
            %add3A_931 = vector.broadcast %add3A_930 : i32 to vector<16xi32>
            %add3A_932 = arith.addi %add3A_931, %add3A_856 : vector<16xi32>
            %gather3A = tpu.vector_load_idx %arg8[%add3A_932, %broadcast_in_dim3A_922] : memref<9216x8xf32, #tpu.memory_space<vmem>>[vector<16xi32>, vector<16xi32>], vector<16xf32>,
            %mul3A_933 = arith.mulf %select_n3A, %gather3A : vector<16xf32>
            %add3A_934 = arith.addf %get3A_928, %mul3A_933 : vector<16xf32>
            %add3A_935 = arith.constant 64 : i32
            %add3A_936 = arith.addi %mul3A_826, %add3A_935 : i32
            %add3A_937 = vector.broadcast %add3A_936 : i32 to vector<16xi32>
            %add3A_938 = arith.addi %add3A_937, %add3A_856 : vector<16xi32>
            %gather3A_939 = tpu.vector_load_idx %arg8[%add3A_938, %broadcast_in_dim3A_922] : memref<9216x8xf32, #tpu.memory_space<vmem>>[vector<16xi32>, vector<16xi32>], vector<16xf32>,
            %mul3A_940 = arith.mulf %select_n3A_882, %gather3A_939 : vector<16xf32>
            %add3A_941 = arith.addf %add3A_934, %mul3A_940 : vector<16xf32>
            %add3A_942 = arith.constant 128 : i32
            %add3A_943 = arith.addi %mul3A_826, %add3A_942 : i32
            %add3A_944 = vector.broadcast %add3A_943 : i32 to vector<16xi32>
            %add3A_945 = arith.addi %add3A_944, %add3A_856 : vector<16xi32>
            %gather3A_946 = tpu.vector_load_idx %arg8[%add3A_945, %broadcast_in_dim3A_922] : memref<9216x8xf32, #tpu.memory_space<vmem>>[vector<16xi32>, vector<16xi32>], vector<16xf32>,
            %mul3A_947 = arith.mulf %select_n3A_896, %gather3A_946 : vector<16xf32>
            %add3A_948 = arith.addf %add3A_941, %mul3A_947 : vector<16xf32>
            %add3A_949 = arith.constant 192 : i32
            %add3A_950 = arith.addi %mul3A_826, %add3A_949 : i32
            %add3A_951 = vector.broadcast %add3A_950 : i32 to vector<16xi32>
            %add3A_952 = arith.addi %add3A_951, %add3A_856 : vector<16xi32>
            %gather3A_953 = tpu.vector_load_idx %arg8[%add3A_952, %broadcast_in_dim3A_922] : memref<9216x8xf32, #tpu.memory_space<vmem>>[vector<16xi32>, vector<16xi32>], vector<16xf32>,
            %mul3A_954 = arith.mulf %select_n3A_910, %gather3A_953 : vector<16xf32>
            %add3A_955 = arith.addf %add3A_948, %mul3A_954 : vector<16xf32>
            %swap3A_956 = arith.index_cast %add3A_926 : i32 to index
            %swap3A_957 = tpu.vector_load %arg14[%swap3A_956] {strides = array<i32>} : memref<1024xf32, #tpu.memory_space<vmem>>, vector<16xf32>,
            tpu.vector_store %arg14[%swap3A_956], %add3A_955 {strides = array<i32>} : memref<1024xf32, #tpu.memory_space<vmem>>, vector<16xf32>,
            %broadcast_in_dim3A_958 = arith.constant 1 : i32
            %broadcast_in_dim3A_959 = vector.broadcast %broadcast_in_dim3A_958 : i32 to vector<16xi32>
            %add3A_960 = arith.constant 64 : i32
            %add3A_961 = arith.addi %mul3A_222, %add3A_960 : i32
            %add3A_962 = arith.constant 0 : i32
            %add3A_963 = arith.addi %add3A_961, %add3A_962 : i32
            %get3A_964 = arith.index_cast %add3A_963 : i32 to index
            %get3A_965 = tpu.vector_load %arg14[%get3A_964] {strides = array<i32>} : memref<1024xf32, #tpu.memory_space<vmem>>, vector<16xf32>,
            %add3A_966 = arith.constant 0 : i32
            %add3A_967 = arith.addi %mul3A_826, %add3A_966 : i32
            %add3A_968 = vector.broadcast %add3A_967 : i32 to vector<16xi32>
            %add3A_969 = arith.addi %add3A_968, %add3A_856 : vector<16xi32>
            %gather3A_970 = tpu.vector_load_idx %arg8[%add3A_969, %broadcast_in_dim3A_959] : memref<9216x8xf32, #tpu.memory_space<vmem>>[vector<16xi32>, vector<16xi32>], vector<16xf32>,
            %mul3A_971 = arith.mulf %select_n3A, %gather3A_970 : vector<16xf32>
            %add3A_972 = arith.addf %get3A_965, %mul3A_971 : vector<16xf32>
            %add3A_973 = arith.constant 64 : i32
            %add3A_974 = arith.addi %mul3A_826, %add3A_973 : i32
            %add3A_975 = vector.broadcast %add3A_974 : i32 to vector<16xi32>
            %add3A_976 = arith.addi %add3A_975, %add3A_856 : vector<16xi32>
            %gather3A_977 = tpu.vector_load_idx %arg8[%add3A_976, %broadcast_in_dim3A_959] : memref<9216x8xf32, #tpu.memory_space<vmem>>[vector<16xi32>, vector<16xi32>], vector<16xf32>,
            %mul3A_978 = arith.mulf %select_n3A_882, %gather3A_977 : vector<16xf32>
            %add3A_979 = arith.addf %add3A_972, %mul3A_978 : vector<16xf32>
            %add3A_980 = arith.constant 128 : i32
            %add3A_981 = arith.addi %mul3A_826, %add3A_980 : i32
            %add3A_982 = vector.broadcast %add3A_981 : i32 to vector<16xi32>
            %add3A_983 = arith.addi %add3A_982, %add3A_856 : vector<16xi32>
            %gather3A_984 = tpu.vector_load_idx %arg8[%add3A_983, %broadcast_in_dim3A_959] : memref<9216x8xf32, #tpu.memory_space<vmem>>[vector<16xi32>, vector<16xi32>], vector<16xf32>,
            %mul3A_985 = arith.mulf %select_n3A_896, %gather3A_984 : vector<16xf32>
            %add3A_986 = arith.addf %add3A_979, %mul3A_985 : vector<16xf32>
            %add3A_987 = arith.constant 192 : i32
            %add3A_988 = arith.addi %mul3A_826, %add3A_987 : i32
            %add3A_989 = vector.broadcast %add3A_988 : i32 to vector<16xi32>
            %add3A_990 = arith.addi %add3A_989, %add3A_856 : vector<16xi32>
            %gather3A_991 = tpu.vector_load_idx %arg8[%add3A_990, %broadcast_in_dim3A_959] : memref<9216x8xf32, #tpu.memory_space<vmem>>[vector<16xi32>, vector<16xi32>], vector<16xf32>,
            %mul3A_992 = arith.mulf %select_n3A_910, %gather3A_991 : vector<16xf32>
            %add3A_993 = arith.addf %add3A_986, %mul3A_992 : vector<16xf32>
            %swap3A_994 = arith.index_cast %add3A_963 : i32 to index
            %swap3A_995 = tpu.vector_load %arg14[%swap3A_994] {strides = array<i32>} : memref<1024xf32, #tpu.memory_space<vmem>>, vector<16xf32>,
            tpu.vector_store %arg14[%swap3A_994], %add3A_993 {strides = array<i32>} : memref<1024xf32, #tpu.memory_space<vmem>>, vector<16xf32>,
            %broadcast_in_dim3A_996 = arith.constant 2 : i32
            %broadcast_in_dim3A_997 = vector.broadcast %broadcast_in_dim3A_996 : i32 to vector<16xi32>
            %add3A_998 = arith.constant 128 : i32
            %add3A_999 = arith.addi %mul3A_222, %add3A_998 : i32
            %add3A_1000 = arith.constant 0 : i32
            %add3A_1001 = arith.addi %add3A_999, %add3A_1000 : i32
            %get3A_1002 = arith.index_cast %add3A_1001 : i32 to index
            %get3A_1003 = tpu.vector_load %arg14[%get3A_1002] {strides = array<i32>} : memref<1024xf32, #tpu.memory_space<vmem>>, vector<16xf32>,
            %add3A_1004 = arith.constant 0 : i32
            %add3A_1005 = arith.addi %mul3A_826, %add3A_1004 : i32
            %add3A_1006 = vector.broadcast %add3A_1005 : i32 to vector<16xi32>
            %add3A_1007 = arith.addi %add3A_1006, %add3A_856 : vector<16xi32>
            %gather3A_1008 = tpu.vector_load_idx %arg8[%add3A_1007, %broadcast_in_dim3A_997] : memref<9216x8xf32, #tpu.memory_space<vmem>>[vector<16xi32>, vector<16xi32>], vector<16xf32>,
            %mul3A_1009 = arith.mulf %select_n3A, %gather3A_1008 : vector<16xf32>
            %add3A_1010 = arith.addf %get3A_1003, %mul3A_1009 : vector<16xf32>
            %add3A_1011 = arith.constant 64 : i32
            %add3A_1012 = arith.addi %mul3A_826, %add3A_1011 : i32
            %add3A_1013 = vector.broadcast %add3A_1012 : i32 to vector<16xi32>
            %add3A_1014 = arith.addi %add3A_1013, %add3A_856 : vector<16xi32>
            %gather3A_1015 = tpu.vector_load_idx %arg8[%add3A_1014, %broadcast_in_dim3A_997] : memref<9216x8xf32, #tpu.memory_space<vmem>>[vector<16xi32>, vector<16xi32>], vector<16xf32>,
            %mul3A_1016 = arith.mulf %select_n3A_882, %gather3A_1015 : vector<16xf32>
            %add3A_1017 = arith.addf %add3A_1010, %mul3A_1016 : vector<16xf32>
            %add3A_1018 = arith.constant 128 : i32
            %add3A_1019 = arith.addi %mul3A_826, %add3A_1018 : i32
            %add3A_1020 = vector.broadcast %add3A_1019 : i32 to vector<16xi32>
            %add3A_1021 = arith.addi %add3A_1020, %add3A_856 : vector<16xi32>
            %gather3A_1022 = tpu.vector_load_idx %arg8[%add3A_1021, %broadcast_in_dim3A_997] : memref<9216x8xf32, #tpu.memory_space<vmem>>[vector<16xi32>, vector<16xi32>], vector<16xf32>,
            %mul3A_1023 = arith.mulf %select_n3A_896, %gather3A_1022 : vector<16xf32>
            %add3A_1024 = arith.addf %add3A_1017, %mul3A_1023 : vector<16xf32>
            %add3A_1025 = arith.constant 192 : i32
            %add3A_1026 = arith.addi %mul3A_826, %add3A_1025 : i32
            %add3A_1027 = vector.broadcast %add3A_1026 : i32 to vector<16xi32>
            %add3A_1028 = arith.addi %add3A_1027, %add3A_856 : vector<16xi32>
            %gather3A_1029 = tpu.vector_load_idx %arg8[%add3A_1028, %broadcast_in_dim3A_997] : memref<9216x8xf32, #tpu.memory_space<vmem>>[vector<16xi32>, vector<16xi32>], vector<16xf32>,
            %mul3A_1030 = arith.mulf %select_n3A_910, %gather3A_1029 : vector<16xf32>
            %add3A_1031 = arith.addf %add3A_1024, %mul3A_1030 : vector<16xf32>
            %swap3A_1032 = arith.index_cast %add3A_1001 : i32 to index
            %swap3A_1033 = tpu.vector_load %arg14[%swap3A_1032] {strides = array<i32>} : memref<1024xf32, #tpu.memory_space<vmem>>, vector<16xf32>,
            tpu.vector_store %arg14[%swap3A_1032], %add3A_1031 {strides = array<i32>} : memref<1024xf32, #tpu.memory_space<vmem>>, vector<16xf32>,
            %broadcast_in_dim3A_1034 = arith.constant 3 : i32
            %broadcast_in_dim3A_1035 = vector.broadcast %broadcast_in_dim3A_1034 : i32 to vector<16xi32>
            %add3A_1036 = arith.constant 192 : i32
            %add3A_1037 = arith.addi %mul3A_222, %add3A_1036 : i32
            %add3A_1038 = arith.constant 0 : i32
            %add3A_1039 = arith.addi %add3A_1037, %add3A_1038 : i32
            %get3A_1040 = arith.index_cast %add3A_1039 : i32 to index
            %get3A_1041 = tpu.vector_load %arg14[%get3A_1040] {strides = array<i32>} : memref<1024xf32, #tpu.memory_space<vmem>>, vector<16xf32>,
            %add3A_1042 = arith.constant 0 : i32
            %add3A_1043 = arith.addi %mul3A_826, %add3A_1042 : i32
            %add3A_1044 = vector.broadcast %add3A_1043 : i32 to vector<16xi32>
            %add3A_1045 = arith.addi %add3A_1044, %add3A_856 : vector<16xi32>
            %gather3A_1046 = tpu.vector_load_idx %arg8[%add3A_1045, %broadcast_in_dim3A_1035] : memref<9216x8xf32, #tpu.memory_space<vmem>>[vector<16xi32>, vector<16xi32>], vector<16xf32>,
            %mul3A_1047 = arith.mulf %select_n3A, %gather3A_1046 : vector<16xf32>
            %add3A_1048 = arith.addf %get3A_1041, %mul3A_1047 : vector<16xf32>
            %add3A_1049 = arith.constant 64 : i32
            %add3A_1050 = arith.addi %mul3A_826, %add3A_1049 : i32
            %add3A_1051 = vector.broadcast %add3A_1050 : i32 to vector<16xi32>
            %add3A_1052 = arith.addi %add3A_1051, %add3A_856 : vector<16xi32>
            %gather3A_1053 = tpu.vector_load_idx %arg8[%add3A_1052, %broadcast_in_dim3A_1035] : memref<9216x8xf32, #tpu.memory_space<vmem>>[vector<16xi32>, vector<16xi32>], vector<16xf32>,
            %mul3A_1054 = arith.mulf %select_n3A_882, %gather3A_1053 : vector<16xf32>
            %add3A_1055 = arith.addf %add3A_1048, %mul3A_1054 : vector<16xf32>
            %add3A_1056 = arith.constant 128 : i32
            %add3A_1057 = arith.addi %mul3A_826, %add3A_1056 : i32
            %add3A_1058 = vector.broadcast %add3A_1057 : i32 to vector<16xi32>
            %add3A_1059 = arith.addi %add3A_1058, %add3A_856 : vector<16xi32>
            %gather3A_1060 = tpu.vector_load_idx %arg8[%add3A_1059, %broadcast_in_dim3A_1035] : memref<9216x8xf32, #tpu.memory_space<vmem>>[vector<16xi32>, vector<16xi32>], vector<16xf32>,
            %mul3A_1061 = arith.mulf %select_n3A_896, %gather3A_1060 : vector<16xf32>
            %add3A_1062 = arith.addf %add3A_1055, %mul3A_1061 : vector<16xf32>
            %add3A_1063 = arith.constant 192 : i32
            %add3A_1064 = arith.addi %mul3A_826, %add3A_1063 : i32
            %add3A_1065 = vector.broadcast %add3A_1064 : i32 to vector<16xi32>
            %add3A_1066 = arith.addi %add3A_1065, %add3A_856 : vector<16xi32>
            %gather3A_1067 = tpu.vector_load_idx %arg8[%add3A_1066, %broadcast_in_dim3A_1035] : memref<9216x8xf32, #tpu.memory_space<vmem>>[vector<16xi32>, vector<16xi32>], vector<16xf32>,
            %mul3A_1068 = arith.mulf %select_n3A_910, %gather3A_1067 : vector<16xf32>
            %add3A_1069 = arith.addf %add3A_1062, %mul3A_1068 : vector<16xf32>
            %swap3A_1070 = arith.index_cast %add3A_1039 : i32 to index
            %swap3A_1071 = tpu.vector_load %arg14[%swap3A_1070] {strides = array<i32>} : memref<1024xf32, #tpu.memory_space<vmem>>, vector<16xf32>,
            tpu.vector_store %arg14[%swap3A_1070], %add3A_1069 {strides = array<i32>} : memref<1024xf32, #tpu.memory_space<vmem>>, vector<16xf32>,
            %broadcast_in_dim3A_1072 = arith.constant 4 : i32
            %broadcast_in_dim3A_1073 = vector.broadcast %broadcast_in_dim3A_1072 : i32 to vector<16xi32>
            %add3A_1074 = arith.constant 256 : i32
            %add3A_1075 = arith.addi %mul3A_222, %add3A_1074 : i32
            %add3A_1076 = arith.constant 0 : i32
            %add3A_1077 = arith.addi %add3A_1075, %add3A_1076 : i32
            %get3A_1078 = arith.index_cast %add3A_1077 : i32 to index
            %get3A_1079 = tpu.vector_load %arg14[%get3A_1078] {strides = array<i32>} : memref<1024xf32, #tpu.memory_space<vmem>>, vector<16xf32>,
            %add3A_1080 = arith.constant 0 : i32
            %add3A_1081 = arith.addi %mul3A_826, %add3A_1080 : i32
            %add3A_1082 = vector.broadcast %add3A_1081 : i32 to vector<16xi32>
            %add3A_1083 = arith.addi %add3A_1082, %add3A_856 : vector<16xi32>
            %gather3A_1084 = tpu.vector_load_idx %arg8[%add3A_1083, %broadcast_in_dim3A_1073] : memref<9216x8xf32, #tpu.memory_space<vmem>>[vector<16xi32>, vector<16xi32>], vector<16xf32>,
            %mul3A_1085 = arith.mulf %select_n3A, %gather3A_1084 : vector<16xf32>
            %add3A_1086 = arith.addf %get3A_1079, %mul3A_1085 : vector<16xf32>
            %add3A_1087 = arith.constant 64 : i32
            %add3A_1088 = arith.addi %mul3A_826, %add3A_1087 : i32
            %add3A_1089 = vector.broadcast %add3A_1088 : i32 to vector<16xi32>
            %add3A_1090 = arith.addi %add3A_1089, %add3A_856 : vector<16xi32>
            %gather3A_1091 = tpu.vector_load_idx %arg8[%add3A_1090, %broadcast_in_dim3A_1073] : memref<9216x8xf32, #tpu.memory_space<vmem>>[vector<16xi32>, vector<16xi32>], vector<16xf32>,
            %mul3A_1092 = arith.mulf %select_n3A_882, %gather3A_1091 : vector<16xf32>
            %add3A_1093 = arith.addf %add3A_1086, %mul3A_1092 : vector<16xf32>
            %add3A_1094 = arith.constant 128 : i32
            %add3A_1095 = arith.addi %mul3A_826, %add3A_1094 : i32
            %add3A_1096 = vector.broadcast %add3A_1095 : i32 to vector<16xi32>
            %add3A_1097 = arith.addi %add3A_1096, %add3A_856 : vector<16xi32>
            %gather3A_1098 = tpu.vector_load_idx %arg8[%add3A_1097, %broadcast_in_dim3A_1073] : memref<9216x8xf32, #tpu.memory_space<vmem>>[vector<16xi32>, vector<16xi32>], vector<16xf32>,
            %mul3A_1099 = arith.mulf %select_n3A_896, %gather3A_1098 : vector<16xf32>
            %add3A_1100 = arith.addf %add3A_1093, %mul3A_1099 : vector<16xf32>
            %add3A_1101 = arith.constant 192 : i32
            %add3A_1102 = arith.addi %mul3A_826, %add3A_1101 : i32
            %add3A_1103 = vector.broadcast %add3A_1102 : i32 to vector<16xi32>
            %add3A_1104 = arith.addi %add3A_1103, %add3A_856 : vector<16xi32>
            %gather3A_1105 = tpu.vector_load_idx %arg8[%add3A_1104, %broadcast_in_dim3A_1073] : memref<9216x8xf32, #tpu.memory_space<vmem>>[vector<16xi32>, vector<16xi32>], vector<16xf32>,
            %mul3A_1106 = arith.mulf %select_n3A_910, %gather3A_1105 : vector<16xf32>
            %add3A_1107 = arith.addf %add3A_1100, %mul3A_1106 : vector<16xf32>
            %swap3A_1108 = arith.index_cast %add3A_1077 : i32 to index
            %swap3A_1109 = tpu.vector_load %arg14[%swap3A_1108] {strides = array<i32>} : memref<1024xf32, #tpu.memory_space<vmem>>, vector<16xf32>,
            tpu.vector_store %arg14[%swap3A_1108], %add3A_1107 {strides = array<i32>} : memref<1024xf32, #tpu.memory_space<vmem>>, vector<16xf32>,
            %broadcast_in_dim3A_1110 = arith.constant 5 : i32
            %broadcast_in_dim3A_1111 = vector.broadcast %broadcast_in_dim3A_1110 : i32 to vector<16xi32>
            %add3A_1112 = arith.constant 320 : i32
            %add3A_1113 = arith.addi %mul3A_222, %add3A_1112 : i32
            %add3A_1114 = arith.constant 0 : i32
            %add3A_1115 = arith.addi %add3A_1113, %add3A_1114 : i32
            %get3A_1116 = arith.index_cast %add3A_1115 : i32 to index
            %get3A_1117 = tpu.vector_load %arg14[%get3A_1116] {strides = array<i32>} : memref<1024xf32, #tpu.memory_space<vmem>>, vector<16xf32>,
            %add3A_1118 = arith.constant 0 : i32
            %add3A_1119 = arith.addi %mul3A_826, %add3A_1118 : i32
            %add3A_1120 = vector.broadcast %add3A_1119 : i32 to vector<16xi32>
            %add3A_1121 = arith.addi %add3A_1120, %add3A_856 : vector<16xi32>
            %gather3A_1122 = tpu.vector_load_idx %arg8[%add3A_1121, %broadcast_in_dim3A_1111] : memref<9216x8xf32, #tpu.memory_space<vmem>>[vector<16xi32>, vector<16xi32>], vector<16xf32>,
            %mul3A_1123 = arith.mulf %select_n3A, %gather3A_1122 : vector<16xf32>
            %add3A_1124 = arith.addf %get3A_1117, %mul3A_1123 : vector<16xf32>
            %add3A_1125 = arith.constant 64 : i32
            %add3A_1126 = arith.addi %mul3A_826, %add3A_1125 : i32
            %add3A_1127 = vector.broadcast %add3A_1126 : i32 to vector<16xi32>
            %add3A_1128 = arith.addi %add3A_1127, %add3A_856 : vector<16xi32>
            %gather3A_1129 = tpu.vector_load_idx %arg8[%add3A_1128, %broadcast_in_dim3A_1111] : memref<9216x8xf32, #tpu.memory_space<vmem>>[vector<16xi32>, vector<16xi32>], vector<16xf32>,
            %mul3A_1130 = arith.mulf %select_n3A_882, %gather3A_1129 : vector<16xf32>
            %add3A_1131 = arith.addf %add3A_1124, %mul3A_1130 : vector<16xf32>
            %add3A_1132 = arith.constant 128 : i32
            %add3A_1133 = arith.addi %mul3A_826, %add3A_1132 : i32
            %add3A_1134 = vector.broadcast %add3A_1133 : i32 to vector<16xi32>
            %add3A_1135 = arith.addi %add3A_1134, %add3A_856 : vector<16xi32>
            %gather3A_1136 = tpu.vector_load_idx %arg8[%add3A_1135, %broadcast_in_dim3A_1111] : memref<9216x8xf32, #tpu.memory_space<vmem>>[vector<16xi32>, vector<16xi32>], vector<16xf32>,
            %mul3A_1137 = arith.mulf %select_n3A_896, %gather3A_1136 : vector<16xf32>
            %add3A_1138 = arith.addf %add3A_1131, %mul3A_1137 : vector<16xf32>
            %add3A_1139 = arith.constant 192 : i32
            %add3A_1140 = arith.addi %mul3A_826, %add3A_1139 : i32
            %add3A_1141 = vector.broadcast %add3A_1140 : i32 to vector<16xi32>
            %add3A_1142 = arith.addi %add3A_1141, %add3A_856 : vector<16xi32>
            %gather3A_1143 = tpu.vector_load_idx %arg8[%add3A_1142, %broadcast_in_dim3A_1111] : memref<9216x8xf32, #tpu.memory_space<vmem>>[vector<16xi32>, vector<16xi32>], vector<16xf32>,
            %mul3A_1144 = arith.mulf %select_n3A_910, %gather3A_1143 : vector<16xf32>
            %add3A_1145 = arith.addf %add3A_1138, %mul3A_1144 : vector<16xf32>
            %swap3A_1146 = arith.index_cast %add3A_1115 : i32 to index
            %swap3A_1147 = tpu.vector_load %arg14[%swap3A_1146] {strides = array<i32>} : memref<1024xf32, #tpu.memory_space<vmem>>, vector<16xf32>,
            tpu.vector_store %arg14[%swap3A_1146], %add3A_1145 {strides = array<i32>} : memref<1024xf32, #tpu.memory_space<vmem>>, vector<16xf32>,
            %broadcast_in_dim3A_1148 = arith.constant 6 : i32
            %broadcast_in_dim3A_1149 = vector.broadcast %broadcast_in_dim3A_1148 : i32 to vector<16xi32>
            %add3A_1150 = arith.constant 384 : i32
            %add3A_1151 = arith.addi %mul3A_222, %add3A_1150 : i32
            %add3A_1152 = arith.constant 0 : i32
            %add3A_1153 = arith.addi %add3A_1151, %add3A_1152 : i32
            %get3A_1154 = arith.index_cast %add3A_1153 : i32 to index
            %get3A_1155 = tpu.vector_load %arg14[%get3A_1154] {strides = array<i32>} : memref<1024xf32, #tpu.memory_space<vmem>>, vector<16xf32>,
            %add3A_1156 = arith.constant 0 : i32
            %add3A_1157 = arith.addi %mul3A_826, %add3A_1156 : i32
            %add3A_1158 = vector.broadcast %add3A_1157 : i32 to vector<16xi32>
            %add3A_1159 = arith.addi %add3A_1158, %add3A_856 : vector<16xi32>
            %gather3A_1160 = tpu.vector_load_idx %arg8[%add3A_1159, %broadcast_in_dim3A_1149] : memref<9216x8xf32, #tpu.memory_space<vmem>>[vector<16xi32>, vector<16xi32>], vector<16xf32>,
            %mul3A_1161 = arith.mulf %select_n3A, %gather3A_1160 : vector<16xf32>
            %add3A_1162 = arith.addf %get3A_1155, %mul3A_1161 : vector<16xf32>
            %add3A_1163 = arith.constant 64 : i32
            %add3A_1164 = arith.addi %mul3A_826, %add3A_1163 : i32
            %add3A_1165 = vector.broadcast %add3A_1164 : i32 to vector<16xi32>
            %add3A_1166 = arith.addi %add3A_1165, %add3A_856 : vector<16xi32>
            %gather3A_1167 = tpu.vector_load_idx %arg8[%add3A_1166, %broadcast_in_dim3A_1149] : memref<9216x8xf32, #tpu.memory_space<vmem>>[vector<16xi32>, vector<16xi32>], vector<16xf32>,
            %mul3A_1168 = arith.mulf %select_n3A_882, %gather3A_1167 : vector<16xf32>
            %add3A_1169 = arith.addf %add3A_1162, %mul3A_1168 : vector<16xf32>
            %add3A_1170 = arith.constant 128 : i32
            %add3A_1171 = arith.addi %mul3A_826, %add3A_1170 : i32
            %add3A_1172 = vector.broadcast %add3A_1171 : i32 to vector<16xi32>
            %add3A_1173 = arith.addi %add3A_1172, %add3A_856 : vector<16xi32>
            %gather3A_1174 = tpu.vector_load_idx %arg8[%add3A_1173, %broadcast_in_dim3A_1149] : memref<9216x8xf32, #tpu.memory_space<vmem>>[vector<16xi32>, vector<16xi32>], vector<16xf32>,
            %mul3A_1175 = arith.mulf %select_n3A_896, %gather3A_1174 : vector<16xf32>
            %add3A_1176 = arith.addf %add3A_1169, %mul3A_1175 : vector<16xf32>
            %add3A_1177 = arith.constant 192 : i32
            %add3A_1178 = arith.addi %mul3A_826, %add3A_1177 : i32
            %add3A_1179 = vector.broadcast %add3A_1178 : i32 to vector<16xi32>
            %add3A_1180 = arith.addi %add3A_1179, %add3A_856 : vector<16xi32>
            %gather3A_1181 = tpu.vector_load_idx %arg8[%add3A_1180, %broadcast_in_dim3A_1149] : memref<9216x8xf32, #tpu.memory_space<vmem>>[vector<16xi32>, vector<16xi32>], vector<16xf32>,
            %mul3A_1182 = arith.mulf %select_n3A_910, %gather3A_1181 : vector<16xf32>
            %add3A_1183 = arith.addf %add3A_1176, %mul3A_1182 : vector<16xf32>
            %swap3A_1184 = arith.index_cast %add3A_1153 : i32 to index
            %swap3A_1185 = tpu.vector_load %arg14[%swap3A_1184] {strides = array<i32>} : memref<1024xf32, #tpu.memory_space<vmem>>, vector<16xf32>,
            tpu.vector_store %arg14[%swap3A_1184], %add3A_1183 {strides = array<i32>} : memref<1024xf32, #tpu.memory_space<vmem>>, vector<16xf32>,
            %broadcast_in_dim3A_1186 = arith.constant 7 : i32
            %broadcast_in_dim3A_1187 = vector.broadcast %broadcast_in_dim3A_1186 : i32 to vector<16xi32>
            %add3A_1188 = arith.constant 448 : i32
            %add3A_1189 = arith.addi %mul3A_222, %add3A_1188 : i32
            %add3A_1190 = arith.constant 0 : i32
            %add3A_1191 = arith.addi %add3A_1189, %add3A_1190 : i32
            %get3A_1192 = arith.index_cast %add3A_1191 : i32 to index
            %get3A_1193 = tpu.vector_load %arg14[%get3A_1192] {strides = array<i32>} : memref<1024xf32, #tpu.memory_space<vmem>>, vector<16xf32>,
            %add3A_1194 = arith.constant 0 : i32
            %add3A_1195 = arith.addi %mul3A_826, %add3A_1194 : i32
            %add3A_1196 = vector.broadcast %add3A_1195 : i32 to vector<16xi32>
            %add3A_1197 = arith.addi %add3A_1196, %add3A_856 : vector<16xi32>
            %gather3A_1198 = tpu.vector_load_idx %arg8[%add3A_1197, %broadcast_in_dim3A_1187] : memref<9216x8xf32, #tpu.memory_space<vmem>>[vector<16xi32>, vector<16xi32>], vector<16xf32>,
            %mul3A_1199 = arith.mulf %select_n3A, %gather3A_1198 : vector<16xf32>
            %add3A_1200 = arith.addf %get3A_1193, %mul3A_1199 : vector<16xf32>
            %add3A_1201 = arith.constant 64 : i32
            %add3A_1202 = arith.addi %mul3A_826, %add3A_1201 : i32
            %add3A_1203 = vector.broadcast %add3A_1202 : i32 to vector<16xi32>
            %add3A_1204 = arith.addi %add3A_1203, %add3A_856 : vector<16xi32>
            %gather3A_1205 = tpu.vector_load_idx %arg8[%add3A_1204, %broadcast_in_dim3A_1187] : memref<9216x8xf32, #tpu.memory_space<vmem>>[vector<16xi32>, vector<16xi32>], vector<16xf32>,
            %mul3A_1206 = arith.mulf %select_n3A_882, %gather3A_1205 : vector<16xf32>
            %add3A_1207 = arith.addf %add3A_1200, %mul3A_1206 : vector<16xf32>
            %add3A_1208 = arith.constant 128 : i32
            %add3A_1209 = arith.addi %mul3A_826, %add3A_1208 : i32
            %add3A_1210 = vector.broadcast %add3A_1209 : i32 to vector<16xi32>
            %add3A_1211 = arith.addi %add3A_1210, %add3A_856 : vector<16xi32>
            %gather3A_1212 = tpu.vector_load_idx %arg8[%add3A_1211, %broadcast_in_dim3A_1187] : memref<9216x8xf32, #tpu.memory_space<vmem>>[vector<16xi32>, vector<16xi32>], vector<16xf32>,
            %mul3A_1213 = arith.mulf %select_n3A_896, %gather3A_1212 : vector<16xf32>
            %add3A_1214 = arith.addf %add3A_1207, %mul3A_1213 : vector<16xf32>
            %add3A_1215 = arith.constant 192 : i32
            %add3A_1216 = arith.addi %mul3A_826, %add3A_1215 : i32
            %add3A_1217 = vector.broadcast %add3A_1216 : i32 to vector<16xi32>
            %add3A_1218 = arith.addi %add3A_1217, %add3A_856 : vector<16xi32>
            %gather3A_1219 = tpu.vector_load_idx %arg8[%add3A_1218, %broadcast_in_dim3A_1187] : memref<9216x8xf32, #tpu.memory_space<vmem>>[vector<16xi32>, vector<16xi32>], vector<16xf32>,
            %mul3A_1220 = arith.mulf %select_n3A_910, %gather3A_1219 : vector<16xf32>
            %add3A_1221 = arith.addf %add3A_1214, %mul3A_1220 : vector<16xf32>
            %swap3A_1222 = arith.index_cast %add3A_1191 : i32 to index
            %swap3A_1223 = tpu.vector_load %arg14[%swap3A_1222] {strides = array<i32>} : memref<1024xf32, #tpu.memory_space<vmem>>, vector<16xf32>,
            tpu.vector_store %arg14[%swap3A_1222], %add3A_1221 {strides = array<i32>} : memref<1024xf32, #tpu.memory_space<vmem>>, vector<16xf32>,
            %add3A_1224 = arith.constant 16 : i32
            %add3A_1225 = vector.broadcast %add3A_1224 : i32 to vector<16xi32>
            %add3A_1226 = arith.addi %iota3A, %add3A_1225 : vector<16xi32>
            %mul3A_1227 = arith.constant 4 : i32
            %mul3A_1228 = arith.muli %mul3A_853, %mul3A_1227 : i32
            %add3A_1229 = arith.constant 0 : i32
            %add3A_1230 = arith.addi %mul3A_1228, %add3A_1229 : i32
            %add3A_1231 = arith.constant 16 : i32
            %add3A_1232 = arith.addi %add3A_1230, %add3A_1231 : i32
            %get3A_1233 = arith.index_cast %add3A_1232 : i32 to index
            %get3A_1234 = tpu.vector_load %arg12[%get3A_1233] {strides = array<i32>} : memref<13824xf32, #tpu.memory_space<vmem>>, vector<16xf32>,
            %gt3A_1235 = arith.constant 9.99999974E-6 : f32
            %gt3A_1236 = vector.broadcast %gt3A_1235 : f32 to vector<16xf32>
            %gt3A_1237 = arith.cmpf ogt, %get3A_1234, %gt3A_1236 : vector<16xf32>
            %jit3A_1238 = arith.constant 0.000000e+00 : f32
            %broadcast_in_dim3A_1239 = vector.broadcast %jit3A_1238 : f32 to vector<16xf32>
            %select_n3A_1240 = arith.select %gt3A_1237, %get3A_1234, %broadcast_in_dim3A_1239 : vector<16xi1>, vector<16xf32>
            %mul3A_1241 = arith.constant 4 : i32
            %mul3A_1242 = arith.muli %mul3A_853, %mul3A_1241 : i32
            %add3A_1243 = arith.constant 64 : i32
            %add3A_1244 = arith.addi %mul3A_1242, %add3A_1243 : i32
            %add3A_1245 = arith.constant 16 : i32
            %add3A_1246 = arith.addi %add3A_1244, %add3A_1245 : i32
            %get3A_1247 = arith.index_cast %add3A_1246 : i32 to index
            %get3A_1248 = tpu.vector_load %arg12[%get3A_1247] {strides = array<i32>} : memref<13824xf32, #tpu.memory_space<vmem>>, vector<16xf32>,
            %gt3A_1249 = arith.constant 9.99999974E-6 : f32
            %gt3A_1250 = vector.broadcast %gt3A_1249 : f32 to vector<16xf32>
            %gt3A_1251 = arith.cmpf ogt, %get3A_1248, %gt3A_1250 : vector<16xf32>
            %jit3A_1252 = arith.constant 0.000000e+00 : f32
            %broadcast_in_dim3A_1253 = vector.broadcast %jit3A_1252 : f32 to vector<16xf32>
            %select_n3A_1254 = arith.select %gt3A_1251, %get3A_1248, %broadcast_in_dim3A_1253 : vector<16xi1>, vector<16xf32>
            %mul3A_1255 = arith.constant 4 : i32
            %mul3A_1256 = arith.muli %mul3A_853, %mul3A_1255 : i32
            %add3A_1257 = arith.constant 128 : i32
            %add3A_1258 = arith.addi %mul3A_1256, %add3A_1257 : i32
            %add3A_1259 = arith.constant 16 : i32
            %add3A_1260 = arith.addi %add3A_1258, %add3A_1259 : i32
            %get3A_1261 = arith.index_cast %add3A_1260 : i32 to index
            %get3A_1262 = tpu.vector_load %arg12[%get3A_1261] {strides = array<i32>} : memref<13824xf32, #tpu.memory_space<vmem>>, vector<16xf32>,
            %gt3A_1263 = arith.constant 9.99999974E-6 : f32
            %gt3A_1264 = vector.broadcast %gt3A_1263 : f32 to vector<16xf32>
            %gt3A_1265 = arith.cmpf ogt, %get3A_1262, %gt3A_1264 : vector<16xf32>
            %jit3A_1266 = arith.constant 0.000000e+00 : f32
            %broadcast_in_dim3A_1267 = vector.broadcast %jit3A_1266 : f32 to vector<16xf32>
            %select_n3A_1268 = arith.select %gt3A_1265, %get3A_1262, %broadcast_in_dim3A_1267 : vector<16xi1>, vector<16xf32>
            %mul3A_1269 = arith.constant 4 : i32
            %mul3A_1270 = arith.muli %mul3A_853, %mul3A_1269 : i32
            %add3A_1271 = arith.constant 192 : i32
            %add3A_1272 = arith.addi %mul3A_1270, %add3A_1271 : i32
            %add3A_1273 = arith.constant 16 : i32
            %add3A_1274 = arith.addi %add3A_1272, %add3A_1273 : i32
            %get3A_1275 = arith.index_cast %add3A_1274 : i32 to index
            %get3A_1276 = tpu.vector_load %arg12[%get3A_1275] {strides = array<i32>} : memref<13824xf32, #tpu.memory_space<vmem>>, vector<16xf32>,
            %gt3A_1277 = arith.constant 9.99999974E-6 : f32
            %gt3A_1278 = vector.broadcast %gt3A_1277 : f32 to vector<16xf32>
            %gt3A_1279 = arith.cmpf ogt, %get3A_1276, %gt3A_1278 : vector<16xf32>
            %jit3A_1280 = arith.constant 0.000000e+00 : f32
            %broadcast_in_dim3A_1281 = vector.broadcast %jit3A_1280 : f32 to vector<16xf32>
            %select_n3A_1282 = arith.select %gt3A_1279, %get3A_1276, %broadcast_in_dim3A_1281 : vector<16xi1>, vector<16xf32>
            %add3A_1283 = arith.constant 16 : i32
            %add3A_1284 = arith.addi %mul3A_224, %add3A_1283 : i32
            %get3A_1285 = arith.index_cast %add3A_1284 : i32 to index
            %get3A_1286 = tpu.vector_load %arg15[%get3A_1285] {strides = array<i32>} : memref<128xf32, #tpu.memory_space<vmem>>, vector<16xf32>,
            %add3A_1287 = arith.addf %get3A_1286, %select_n3A_1240 : vector<16xf32>
            %add3A_1288 = arith.addf %add3A_1287, %select_n3A_1254 : vector<16xf32>
            %add3A_1289 = arith.addf %add3A_1288, %select_n3A_1268 : vector<16xf32>
            %add3A_1290 = arith.addf %add3A_1289, %select_n3A_1282 : vector<16xf32>
            %swap3A_1291 = arith.index_cast %add3A_1284 : i32 to index
            %swap3A_1292 = tpu.vector_load %arg15[%swap3A_1291] {strides = array<i32>} : memref<128xf32, #tpu.memory_space<vmem>>, vector<16xf32>,
            tpu.vector_store %arg15[%swap3A_1291], %add3A_1290 {strides = array<i32>} : memref<128xf32, #tpu.memory_space<vmem>>, vector<16xf32>,
            %broadcast_in_dim3A_1293 = arith.constant 0 : i32
            %broadcast_in_dim3A_1294 = vector.broadcast %broadcast_in_dim3A_1293 : i32 to vector<16xi32>
            %add3A_1295 = arith.constant 0 : i32
            %add3A_1296 = arith.addi %mul3A_222, %add3A_1295 : i32
            %add3A_1297 = arith.constant 16 : i32
            %add3A_1298 = arith.addi %add3A_1296, %add3A_1297 : i32
            %get3A_1299 = arith.index_cast %add3A_1298 : i32 to index
            %get3A_1300 = tpu.vector_load %arg14[%get3A_1299] {strides = array<i32>} : memref<1024xf32, #tpu.memory_space<vmem>>, vector<16xf32>,
            %add3A_1301 = arith.constant 0 : i32
            %add3A_1302 = arith.addi %mul3A_826, %add3A_1301 : i32
            %add3A_1303 = vector.broadcast %add3A_1302 : i32 to vector<16xi32>
            %add3A_1304 = arith.addi %add3A_1303, %add3A_1226 : vector<16xi32>
            %gather3A_1305 = tpu.vector_load_idx %arg8[%add3A_1304, %broadcast_in_dim3A_1294] : memref<9216x8xf32, #tpu.memory_space<vmem>>[vector<16xi32>, vector<16xi32>], vector<16xf32>,
            %mul3A_1306 = arith.mulf %select_n3A_1240, %gather3A_1305 : vector<16xf32>
            %add3A_1307 = arith.addf %get3A_1300, %mul3A_1306 : vector<16xf32>
            %add3A_1308 = arith.constant 64 : i32
            %add3A_1309 = arith.addi %mul3A_826, %add3A_1308 : i32
            %add3A_1310 = vector.broadcast %add3A_1309 : i32 to vector<16xi32>
            %add3A_1311 = arith.addi %add3A_1310, %add3A_1226 : vector<16xi32>
            %gather3A_1312 = tpu.vector_load_idx %arg8[%add3A_1311, %broadcast_in_dim3A_1294] : memref<9216x8xf32, #tpu.memory_space<vmem>>[vector<16xi32>, vector<16xi32>], vector<16xf32>,
            %mul3A_1313 = arith.mulf %select_n3A_1254, %gather3A_1312 : vector<16xf32>
            %add3A_1314 = arith.addf %add3A_1307, %mul3A_1313 : vector<16xf32>
            %add3A_1315 = arith.constant 128 : i32
            %add3A_1316 = arith.addi %mul3A_826, %add3A_1315 : i32
            %add3A_1317 = vector.broadcast %add3A_1316 : i32 to vector<16xi32>
            %add3A_1318 = arith.addi %add3A_1317, %add3A_1226 : vector<16xi32>
            %gather3A_1319 = tpu.vector_load_idx %arg8[%add3A_1318, %broadcast_in_dim3A_1294] : memref<9216x8xf32, #tpu.memory_space<vmem>>[vector<16xi32>, vector<16xi32>], vector<16xf32>,
            %mul3A_1320 = arith.mulf %select_n3A_1268, %gather3A_1319 : vector<16xf32>
            %add3A_1321 = arith.addf %add3A_1314, %mul3A_1320 : vector<16xf32>
            %add3A_1322 = arith.constant 192 : i32
            %add3A_1323 = arith.addi %mul3A_826, %add3A_1322 : i32
            %add3A_1324 = vector.broadcast %add3A_1323 : i32 to vector<16xi32>
            %add3A_1325 = arith.addi %add3A_1324, %add3A_1226 : vector<16xi32>
            %gather3A_1326 = tpu.vector_load_idx %arg8[%add3A_1325, %broadcast_in_dim3A_1294] : memref<9216x8xf32, #tpu.memory_space<vmem>>[vector<16xi32>, vector<16xi32>], vector<16xf32>,
            %mul3A_1327 = arith.mulf %select_n3A_1282, %gather3A_1326 : vector<16xf32>
            %add3A_1328 = arith.addf %add3A_1321, %mul3A_1327 : vector<16xf32>
            %swap3A_1329 = arith.index_cast %add3A_1298 : i32 to index
            %swap3A_1330 = tpu.vector_load %arg14[%swap3A_1329] {strides = array<i32>} : memref<1024xf32, #tpu.memory_space<vmem>>, vector<16xf32>,
            tpu.vector_store %arg14[%swap3A_1329], %add3A_1328 {strides = array<i32>} : memref<1024xf32, #tpu.memory_space<vmem>>, vector<16xf32>,
            %broadcast_in_dim3A_1331 = arith.constant 1 : i32
            %broadcast_in_dim3A_1332 = vector.broadcast %broadcast_in_dim3A_1331 : i32 to vector<16xi32>
            %add3A_1333 = arith.constant 64 : i32
            %add3A_1334 = arith.addi %mul3A_222, %add3A_1333 : i32
            %add3A_1335 = arith.constant 16 : i32
            %add3A_1336 = arith.addi %add3A_1334, %add3A_1335 : i32
            %get3A_1337 = arith.index_cast %add3A_1336 : i32 to index
            %get3A_1338 = tpu.vector_load %arg14[%get3A_1337] {strides = array<i32>} : memref<1024xf32, #tpu.memory_space<vmem>>, vector<16xf32>,
            %add3A_1339 = arith.constant 0 : i32
            %add3A_1340 = arith.addi %mul3A_826, %add3A_1339 : i32
            %add3A_1341 = vector.broadcast %add3A_1340 : i32 to vector<16xi32>
            %add3A_1342 = arith.addi %add3A_1341, %add3A_1226 : vector<16xi32>
            %gather3A_1343 = tpu.vector_load_idx %arg8[%add3A_1342, %broadcast_in_dim3A_1332] : memref<9216x8xf32, #tpu.memory_space<vmem>>[vector<16xi32>, vector<16xi32>], vector<16xf32>,
            %mul3A_1344 = arith.mulf %select_n3A_1240, %gather3A_1343 : vector<16xf32>
            %add3A_1345 = arith.addf %get3A_1338, %mul3A_1344 : vector<16xf32>
            %add3A_1346 = arith.constant 64 : i32
            %add3A_1347 = arith.addi %mul3A_826, %add3A_1346 : i32
            %add3A_1348 = vector.broadcast %add3A_1347 : i32 to vector<16xi32>
            %add3A_1349 = arith.addi %add3A_1348, %add3A_1226 : vector<16xi32>
            %gather3A_1350 = tpu.vector_load_idx %arg8[%add3A_1349, %broadcast_in_dim3A_1332] : memref<9216x8xf32, #tpu.memory_space<vmem>>[vector<16xi32>, vector<16xi32>], vector<16xf32>,
            %mul3A_1351 = arith.mulf %select_n3A_1254, %gather3A_1350 : vector<16xf32>
            %add3A_1352 = arith.addf %add3A_1345, %mul3A_1351 : vector<16xf32>
            %add3A_1353 = arith.constant 128 : i32
            %add3A_1354 = arith.addi %mul3A_826, %add3A_1353 : i32
            %add3A_1355 = vector.broadcast %add3A_1354 : i32 to vector<16xi32>
            %add3A_1356 = arith.addi %add3A_1355, %add3A_1226 : vector<16xi32>
            %gather3A_1357 = tpu.vector_load_idx %arg8[%add3A_1356, %broadcast_in_dim3A_1332] : memref<9216x8xf32, #tpu.memory_space<vmem>>[vector<16xi32>, vector<16xi32>], vector<16xf32>,
            %mul3A_1358 = arith.mulf %select_n3A_1268, %gather3A_1357 : vector<16xf32>
            %add3A_1359 = arith.addf %add3A_1352, %mul3A_1358 : vector<16xf32>
            %add3A_1360 = arith.constant 192 : i32
            %add3A_1361 = arith.addi %mul3A_826, %add3A_1360 : i32
            %add3A_1362 = vector.broadcast %add3A_1361 : i32 to vector<16xi32>
            %add3A_1363 = arith.addi %add3A_1362, %add3A_1226 : vector<16xi32>
            %gather3A_1364 = tpu.vector_load_idx %arg8[%add3A_1363, %broadcast_in_dim3A_1332] : memref<9216x8xf32, #tpu.memory_space<vmem>>[vector<16xi32>, vector<16xi32>], vector<16xf32>,
            %mul3A_1365 = arith.mulf %select_n3A_1282, %gather3A_1364 : vector<16xf32>
            %add3A_1366 = arith.addf %add3A_1359, %mul3A_1365 : vector<16xf32>
            %swap3A_1367 = arith.index_cast %add3A_1336 : i32 to index
            %swap3A_1368 = tpu.vector_load %arg14[%swap3A_1367] {strides = array<i32>} : memref<1024xf32, #tpu.memory_space<vmem>>, vector<16xf32>,
            tpu.vector_store %arg14[%swap3A_1367], %add3A_1366 {strides = array<i32>} : memref<1024xf32, #tpu.memory_space<vmem>>, vector<16xf32>,
            %broadcast_in_dim3A_1369 = arith.constant 2 : i32
            %broadcast_in_dim3A_1370 = vector.broadcast %broadcast_in_dim3A_1369 : i32 to vector<16xi32>
            %add3A_1371 = arith.constant 128 : i32
            %add3A_1372 = arith.addi %mul3A_222, %add3A_1371 : i32
            %add3A_1373 = arith.constant 16 : i32
            %add3A_1374 = arith.addi %add3A_1372, %add3A_1373 : i32
            %get3A_1375 = arith.index_cast %add3A_1374 : i32 to index
            %get3A_1376 = tpu.vector_load %arg14[%get3A_1375] {strides = array<i32>} : memref<1024xf32, #tpu.memory_space<vmem>>, vector<16xf32>,
            %add3A_1377 = arith.constant 0 : i32
            %add3A_1378 = arith.addi %mul3A_826, %add3A_1377 : i32
            %add3A_1379 = vector.broadcast %add3A_1378 : i32 to vector<16xi32>
            %add3A_1380 = arith.addi %add3A_1379, %add3A_1226 : vector<16xi32>
            %gather3A_1381 = tpu.vector_load_idx %arg8[%add3A_1380, %broadcast_in_dim3A_1370] : memref<9216x8xf32, #tpu.memory_space<vmem>>[vector<16xi32>, vector<16xi32>], vector<16xf32>,
            %mul3A_1382 = arith.mulf %select_n3A_1240, %gather3A_1381 : vector<16xf32>
            %add3A_1383 = arith.addf %get3A_1376, %mul3A_1382 : vector<16xf32>
            %add3A_1384 = arith.constant 64 : i32
            %add3A_1385 = arith.addi %mul3A_826, %add3A_1384 : i32
            %add3A_1386 = vector.broadcast %add3A_1385 : i32 to vector<16xi32>
            %add3A_1387 = arith.addi %add3A_1386, %add3A_1226 : vector<16xi32>
            %gather3A_1388 = tpu.vector_load_idx %arg8[%add3A_1387, %broadcast_in_dim3A_1370] : memref<9216x8xf32, #tpu.memory_space<vmem>>[vector<16xi32>, vector<16xi32>], vector<16xf32>,
            %mul3A_1389 = arith.mulf %select_n3A_1254, %gather3A_1388 : vector<16xf32>
            %add3A_1390 = arith.addf %add3A_1383, %mul3A_1389 : vector<16xf32>
            %add3A_1391 = arith.constant 128 : i32
            %add3A_1392 = arith.addi %mul3A_826, %add3A_1391 : i32
            %add3A_1393 = vector.broadcast %add3A_1392 : i32 to vector<16xi32>
            %add3A_1394 = arith.addi %add3A_1393, %add3A_1226 : vector<16xi32>
            %gather3A_1395 = tpu.vector_load_idx %arg8[%add3A_1394, %broadcast_in_dim3A_1370] : memref<9216x8xf32, #tpu.memory_space<vmem>>[vector<16xi32>, vector<16xi32>], vector<16xf32>,
            %mul3A_1396 = arith.mulf %select_n3A_1268, %gather3A_1395 : vector<16xf32>
            %add3A_1397 = arith.addf %add3A_1390, %mul3A_1396 : vector<16xf32>
            %add3A_1398 = arith.constant 192 : i32
            %add3A_1399 = arith.addi %mul3A_826, %add3A_1398 : i32
            %add3A_1400 = vector.broadcast %add3A_1399 : i32 to vector<16xi32>
            %add3A_1401 = arith.addi %add3A_1400, %add3A_1226 : vector<16xi32>
            %gather3A_1402 = tpu.vector_load_idx %arg8[%add3A_1401, %broadcast_in_dim3A_1370] : memref<9216x8xf32, #tpu.memory_space<vmem>>[vector<16xi32>, vector<16xi32>], vector<16xf32>,
            %mul3A_1403 = arith.mulf %select_n3A_1282, %gather3A_1402 : vector<16xf32>
            %add3A_1404 = arith.addf %add3A_1397, %mul3A_1403 : vector<16xf32>
            %swap3A_1405 = arith.index_cast %add3A_1374 : i32 to index
            %swap3A_1406 = tpu.vector_load %arg14[%swap3A_1405] {strides = array<i32>} : memref<1024xf32, #tpu.memory_space<vmem>>, vector<16xf32>,
            tpu.vector_store %arg14[%swap3A_1405], %add3A_1404 {strides = array<i32>} : memref<1024xf32, #tpu.memory_space<vmem>>, vector<16xf32>,
            %broadcast_in_dim3A_1407 = arith.constant 3 : i32
            %broadcast_in_dim3A_1408 = vector.broadcast %broadcast_in_dim3A_1407 : i32 to vector<16xi32>
            %add3A_1409 = arith.constant 192 : i32
            %add3A_1410 = arith.addi %mul3A_222, %add3A_1409 : i32
            %add3A_1411 = arith.constant 16 : i32
            %add3A_1412 = arith.addi %add3A_1410, %add3A_1411 : i32
            %get3A_1413 = arith.index_cast %add3A_1412 : i32 to index
            %get3A_1414 = tpu.vector_load %arg14[%get3A_1413] {strides = array<i32>} : memref<1024xf32, #tpu.memory_space<vmem>>, vector<16xf32>,
            %add3A_1415 = arith.constant 0 : i32
            %add3A_1416 = arith.addi %mul3A_826, %add3A_1415 : i32
            %add3A_1417 = vector.broadcast %add3A_1416 : i32 to vector<16xi32>
            %add3A_1418 = arith.addi %add3A_1417, %add3A_1226 : vector<16xi32>
            %gather3A_1419 = tpu.vector_load_idx %arg8[%add3A_1418, %broadcast_in_dim3A_1408] : memref<9216x8xf32, #tpu.memory_space<vmem>>[vector<16xi32>, vector<16xi32>], vector<16xf32>,
            %mul3A_1420 = arith.mulf %select_n3A_1240, %gather3A_1419 : vector<16xf32>
            %add3A_1421 = arith.addf %get3A_1414, %mul3A_1420 : vector<16xf32>
            %add3A_1422 = arith.constant 64 : i32
            %add3A_1423 = arith.addi %mul3A_826, %add3A_1422 : i32
            %add3A_1424 = vector.broadcast %add3A_1423 : i32 to vector<16xi32>
            %add3A_1425 = arith.addi %add3A_1424, %add3A_1226 : vector<16xi32>
            %gather3A_1426 = tpu.vector_load_idx %arg8[%add3A_1425, %broadcast_in_dim3A_1408] : memref<9216x8xf32, #tpu.memory_space<vmem>>[vector<16xi32>, vector<16xi32>], vector<16xf32>,
            %mul3A_1427 = arith.mulf %select_n3A_1254, %gather3A_1426 : vector<16xf32>
            %add3A_1428 = arith.addf %add3A_1421, %mul3A_1427 : vector<16xf32>
            %add3A_1429 = arith.constant 128 : i32
            %add3A_1430 = arith.addi %mul3A_826, %add3A_1429 : i32
            %add3A_1431 = vector.broadcast %add3A_1430 : i32 to vector<16xi32>
            %add3A_1432 = arith.addi %add3A_1431, %add3A_1226 : vector<16xi32>
            %gather3A_1433 = tpu.vector_load_idx %arg8[%add3A_1432, %broadcast_in_dim3A_1408] : memref<9216x8xf32, #tpu.memory_space<vmem>>[vector<16xi32>, vector<16xi32>], vector<16xf32>,
            %mul3A_1434 = arith.mulf %select_n3A_1268, %gather3A_1433 : vector<16xf32>
            %add3A_1435 = arith.addf %add3A_1428, %mul3A_1434 : vector<16xf32>
            %add3A_1436 = arith.constant 192 : i32
            %add3A_1437 = arith.addi %mul3A_826, %add3A_1436 : i32
            %add3A_1438 = vector.broadcast %add3A_1437 : i32 to vector<16xi32>
            %add3A_1439 = arith.addi %add3A_1438, %add3A_1226 : vector<16xi32>
            %gather3A_1440 = tpu.vector_load_idx %arg8[%add3A_1439, %broadcast_in_dim3A_1408] : memref<9216x8xf32, #tpu.memory_space<vmem>>[vector<16xi32>, vector<16xi32>], vector<16xf32>,
            %mul3A_1441 = arith.mulf %select_n3A_1282, %gather3A_1440 : vector<16xf32>
            %add3A_1442 = arith.addf %add3A_1435, %mul3A_1441 : vector<16xf32>
            %swap3A_1443 = arith.index_cast %add3A_1412 : i32 to index
            %swap3A_1444 = tpu.vector_load %arg14[%swap3A_1443] {strides = array<i32>} : memref<1024xf32, #tpu.memory_space<vmem>>, vector<16xf32>,
            tpu.vector_store %arg14[%swap3A_1443], %add3A_1442 {strides = array<i32>} : memref<1024xf32, #tpu.memory_space<vmem>>, vector<16xf32>,
            %broadcast_in_dim3A_1445 = arith.constant 4 : i32
            %broadcast_in_dim3A_1446 = vector.broadcast %broadcast_in_dim3A_1445 : i32 to vector<16xi32>
            %add3A_1447 = arith.constant 256 : i32
            %add3A_1448 = arith.addi %mul3A_222, %add3A_1447 : i32
            %add3A_1449 = arith.constant 16 : i32
            %add3A_1450 = arith.addi %add3A_1448, %add3A_1449 : i32
            %get3A_1451 = arith.index_cast %add3A_1450 : i32 to index
            %get3A_1452 = tpu.vector_load %arg14[%get3A_1451] {strides = array<i32>} : memref<1024xf32, #tpu.memory_space<vmem>>, vector<16xf32>,
            %add3A_1453 = arith.constant 0 : i32
            %add3A_1454 = arith.addi %mul3A_826, %add3A_1453 : i32
            %add3A_1455 = vector.broadcast %add3A_1454 : i32 to vector<16xi32>
            %add3A_1456 = arith.addi %add3A_1455, %add3A_1226 : vector<16xi32>
            %gather3A_1457 = tpu.vector_load_idx %arg8[%add3A_1456, %broadcast_in_dim3A_1446] : memref<9216x8xf32, #tpu.memory_space<vmem>>[vector<16xi32>, vector<16xi32>], vector<16xf32>,
            %mul3A_1458 = arith.mulf %select_n3A_1240, %gather3A_1457 : vector<16xf32>
            %add3A_1459 = arith.addf %get3A_1452, %mul3A_1458 : vector<16xf32>
            %add3A_1460 = arith.constant 64 : i32
            %add3A_1461 = arith.addi %mul3A_826, %add3A_1460 : i32
            %add3A_1462 = vector.broadcast %add3A_1461 : i32 to vector<16xi32>
            %add3A_1463 = arith.addi %add3A_1462, %add3A_1226 : vector<16xi32>
            %gather3A_1464 = tpu.vector_load_idx %arg8[%add3A_1463, %broadcast_in_dim3A_1446] : memref<9216x8xf32, #tpu.memory_space<vmem>>[vector<16xi32>, vector<16xi32>], vector<16xf32>,
            %mul3A_1465 = arith.mulf %select_n3A_1254, %gather3A_1464 : vector<16xf32>
            %add3A_1466 = arith.addf %add3A_1459, %mul3A_1465 : vector<16xf32>
            %add3A_1467 = arith.constant 128 : i32
            %add3A_1468 = arith.addi %mul3A_826, %add3A_1467 : i32
            %add3A_1469 = vector.broadcast %add3A_1468 : i32 to vector<16xi32>
            %add3A_1470 = arith.addi %add3A_1469, %add3A_1226 : vector<16xi32>
            %gather3A_1471 = tpu.vector_load_idx %arg8[%add3A_1470, %broadcast_in_dim3A_1446] : memref<9216x8xf32, #tpu.memory_space<vmem>>[vector<16xi32>, vector<16xi32>], vector<16xf32>,
            %mul3A_1472 = arith.mulf %select_n3A_1268, %gather3A_1471 : vector<16xf32>
            %add3A_1473 = arith.addf %add3A_1466, %mul3A_1472 : vector<16xf32>
            %add3A_1474 = arith.constant 192 : i32
            %add3A_1475 = arith.addi %mul3A_826, %add3A_1474 : i32
            %add3A_1476 = vector.broadcast %add3A_1475 : i32 to vector<16xi32>
            %add3A_1477 = arith.addi %add3A_1476, %add3A_1226 : vector<16xi32>
            %gather3A_1478 = tpu.vector_load_idx %arg8[%add3A_1477, %broadcast_in_dim3A_1446] : memref<9216x8xf32, #tpu.memory_space<vmem>>[vector<16xi32>, vector<16xi32>], vector<16xf32>,
            %mul3A_1479 = arith.mulf %select_n3A_1282, %gather3A_1478 : vector<16xf32>
            %add3A_1480 = arith.addf %add3A_1473, %mul3A_1479 : vector<16xf32>
            %swap3A_1481 = arith.index_cast %add3A_1450 : i32 to index
            %swap3A_1482 = tpu.vector_load %arg14[%swap3A_1481] {strides = array<i32>} : memref<1024xf32, #tpu.memory_space<vmem>>, vector<16xf32>,
            tpu.vector_store %arg14[%swap3A_1481], %add3A_1480 {strides = array<i32>} : memref<1024xf32, #tpu.memory_space<vmem>>, vector<16xf32>,
            %broadcast_in_dim3A_1483 = arith.constant 5 : i32
            %broadcast_in_dim3A_1484 = vector.broadcast %broadcast_in_dim3A_1483 : i32 to vector<16xi32>
            %add3A_1485 = arith.constant 320 : i32
            %add3A_1486 = arith.addi %mul3A_222, %add3A_1485 : i32
            %add3A_1487 = arith.constant 16 : i32
            %add3A_1488 = arith.addi %add3A_1486, %add3A_1487 : i32
            %get3A_1489 = arith.index_cast %add3A_1488 : i32 to index
            %get3A_1490 = tpu.vector_load %arg14[%get3A_1489] {strides = array<i32>} : memref<1024xf32, #tpu.memory_space<vmem>>, vector<16xf32>,
            %add3A_1491 = arith.constant 0 : i32
            %add3A_1492 = arith.addi %mul3A_826, %add3A_1491 : i32
            %add3A_1493 = vector.broadcast %add3A_1492 : i32 to vector<16xi32>
            %add3A_1494 = arith.addi %add3A_1493, %add3A_1226 : vector<16xi32>
            %gather3A_1495 = tpu.vector_load_idx %arg8[%add3A_1494, %broadcast_in_dim3A_1484] : memref<9216x8xf32, #tpu.memory_space<vmem>>[vector<16xi32>, vector<16xi32>], vector<16xf32>,
            %mul3A_1496 = arith.mulf %select_n3A_1240, %gather3A_1495 : vector<16xf32>
            %add3A_1497 = arith.addf %get3A_1490, %mul3A_1496 : vector<16xf32>
            %add3A_1498 = arith.constant 64 : i32
            %add3A_1499 = arith.addi %mul3A_826, %add3A_1498 : i32
            %add3A_1500 = vector.broadcast %add3A_1499 : i32 to vector<16xi32>
            %add3A_1501 = arith.addi %add3A_1500, %add3A_1226 : vector<16xi32>
            %gather3A_1502 = tpu.vector_load_idx %arg8[%add3A_1501, %broadcast_in_dim3A_1484] : memref<9216x8xf32, #tpu.memory_space<vmem>>[vector<16xi32>, vector<16xi32>], vector<16xf32>,
            %mul3A_1503 = arith.mulf %select_n3A_1254, %gather3A_1502 : vector<16xf32>
            %add3A_1504 = arith.addf %add3A_1497, %mul3A_1503 : vector<16xf32>
            %add3A_1505 = arith.constant 128 : i32
            %add3A_1506 = arith.addi %mul3A_826, %add3A_1505 : i32
            %add3A_1507 = vector.broadcast %add3A_1506 : i32 to vector<16xi32>
            %add3A_1508 = arith.addi %add3A_1507, %add3A_1226 : vector<16xi32>
            %gather3A_1509 = tpu.vector_load_idx %arg8[%add3A_1508, %broadcast_in_dim3A_1484] : memref<9216x8xf32, #tpu.memory_space<vmem>>[vector<16xi32>, vector<16xi32>], vector<16xf32>,
            %mul3A_1510 = arith.mulf %select_n3A_1268, %gather3A_1509 : vector<16xf32>
            %add3A_1511 = arith.addf %add3A_1504, %mul3A_1510 : vector<16xf32>
            %add3A_1512 = arith.constant 192 : i32
            %add3A_1513 = arith.addi %mul3A_826, %add3A_1512 : i32
            %add3A_1514 = vector.broadcast %add3A_1513 : i32 to vector<16xi32>
            %add3A_1515 = arith.addi %add3A_1514, %add3A_1226 : vector<16xi32>
            %gather3A_1516 = tpu.vector_load_idx %arg8[%add3A_1515, %broadcast_in_dim3A_1484] : memref<9216x8xf32, #tpu.memory_space<vmem>>[vector<16xi32>, vector<16xi32>], vector<16xf32>,
            %mul3A_1517 = arith.mulf %select_n3A_1282, %gather3A_1516 : vector<16xf32>
            %add3A_1518 = arith.addf %add3A_1511, %mul3A_1517 : vector<16xf32>
            %swap3A_1519 = arith.index_cast %add3A_1488 : i32 to index
            %swap3A_1520 = tpu.vector_load %arg14[%swap3A_1519] {strides = array<i32>} : memref<1024xf32, #tpu.memory_space<vmem>>, vector<16xf32>,
            tpu.vector_store %arg14[%swap3A_1519], %add3A_1518 {strides = array<i32>} : memref<1024xf32, #tpu.memory_space<vmem>>, vector<16xf32>,
            %broadcast_in_dim3A_1521 = arith.constant 6 : i32
            %broadcast_in_dim3A_1522 = vector.broadcast %broadcast_in_dim3A_1521 : i32 to vector<16xi32>
            %add3A_1523 = arith.constant 384 : i32
            %add3A_1524 = arith.addi %mul3A_222, %add3A_1523 : i32
            %add3A_1525 = arith.constant 16 : i32
            %add3A_1526 = arith.addi %add3A_1524, %add3A_1525 : i32
            %get3A_1527 = arith.index_cast %add3A_1526 : i32 to index
            %get3A_1528 = tpu.vector_load %arg14[%get3A_1527] {strides = array<i32>} : memref<1024xf32, #tpu.memory_space<vmem>>, vector<16xf32>,
            %add3A_1529 = arith.constant 0 : i32
            %add3A_1530 = arith.addi %mul3A_826, %add3A_1529 : i32
            %add3A_1531 = vector.broadcast %add3A_1530 : i32 to vector<16xi32>
            %add3A_1532 = arith.addi %add3A_1531, %add3A_1226 : vector<16xi32>
            %gather3A_1533 = tpu.vector_load_idx %arg8[%add3A_1532, %broadcast_in_dim3A_1522] : memref<9216x8xf32, #tpu.memory_space<vmem>>[vector<16xi32>, vector<16xi32>], vector<16xf32>,
            %mul3A_1534 = arith.mulf %select_n3A_1240, %gather3A_1533 : vector<16xf32>
            %add3A_1535 = arith.addf %get3A_1528, %mul3A_1534 : vector<16xf32>
            %add3A_1536 = arith.constant 64 : i32
            %add3A_1537 = arith.addi %mul3A_826, %add3A_1536 : i32
            %add3A_1538 = vector.broadcast %add3A_1537 : i32 to vector<16xi32>
            %add3A_1539 = arith.addi %add3A_1538, %add3A_1226 : vector<16xi32>
            %gather3A_1540 = tpu.vector_load_idx %arg8[%add3A_1539, %broadcast_in_dim3A_1522] : memref<9216x8xf32, #tpu.memory_space<vmem>>[vector<16xi32>, vector<16xi32>], vector<16xf32>,
            %mul3A_1541 = arith.mulf %select_n3A_1254, %gather3A_1540 : vector<16xf32>
            %add3A_1542 = arith.addf %add3A_1535, %mul3A_1541 : vector<16xf32>
            %add3A_1543 = arith.constant 128 : i32
            %add3A_1544 = arith.addi %mul3A_826, %add3A_1543 : i32
            %add3A_1545 = vector.broadcast %add3A_1544 : i32 to vector<16xi32>
            %add3A_1546 = arith.addi %add3A_1545, %add3A_1226 : vector<16xi32>
            %gather3A_1547 = tpu.vector_load_idx %arg8[%add3A_1546, %broadcast_in_dim3A_1522] : memref<9216x8xf32, #tpu.memory_space<vmem>>[vector<16xi32>, vector<16xi32>], vector<16xf32>,
            %mul3A_1548 = arith.mulf %select_n3A_1268, %gather3A_1547 : vector<16xf32>
            %add3A_1549 = arith.addf %add3A_1542, %mul3A_1548 : vector<16xf32>
            %add3A_1550 = arith.constant 192 : i32
            %add3A_1551 = arith.addi %mul3A_826, %add3A_1550 : i32
            %add3A_1552 = vector.broadcast %add3A_1551 : i32 to vector<16xi32>
            %add3A_1553 = arith.addi %add3A_1552, %add3A_1226 : vector<16xi32>
            %gather3A_1554 = tpu.vector_load_idx %arg8[%add3A_1553, %broadcast_in_dim3A_1522] : memref<9216x8xf32, #tpu.memory_space<vmem>>[vector<16xi32>, vector<16xi32>], vector<16xf32>,
            %mul3A_1555 = arith.mulf %select_n3A_1282, %gather3A_1554 : vector<16xf32>
            %add3A_1556 = arith.addf %add3A_1549, %mul3A_1555 : vector<16xf32>
            %swap3A_1557 = arith.index_cast %add3A_1526 : i32 to index
            %swap3A_1558 = tpu.vector_load %arg14[%swap3A_1557] {strides = array<i32>} : memref<1024xf32, #tpu.memory_space<vmem>>, vector<16xf32>,
            tpu.vector_store %arg14[%swap3A_1557], %add3A_1556 {strides = array<i32>} : memref<1024xf32, #tpu.memory_space<vmem>>, vector<16xf32>,
            %broadcast_in_dim3A_1559 = arith.constant 7 : i32
            %broadcast_in_dim3A_1560 = vector.broadcast %broadcast_in_dim3A_1559 : i32 to vector<16xi32>
            %add3A_1561 = arith.constant 448 : i32
            %add3A_1562 = arith.addi %mul3A_222, %add3A_1561 : i32
            %add3A_1563 = arith.constant 16 : i32
            %add3A_1564 = arith.addi %add3A_1562, %add3A_1563 : i32
            %get3A_1565 = arith.index_cast %add3A_1564 : i32 to index
            %get3A_1566 = tpu.vector_load %arg14[%get3A_1565] {strides = array<i32>} : memref<1024xf32, #tpu.memory_space<vmem>>, vector<16xf32>,
            %add3A_1567 = arith.constant 0 : i32
            %add3A_1568 = arith.addi %mul3A_826, %add3A_1567 : i32
            %add3A_1569 = vector.broadcast %add3A_1568 : i32 to vector<16xi32>
            %add3A_1570 = arith.addi %add3A_1569, %add3A_1226 : vector<16xi32>
            %gather3A_1571 = tpu.vector_load_idx %arg8[%add3A_1570, %broadcast_in_dim3A_1560] : memref<9216x8xf32, #tpu.memory_space<vmem>>[vector<16xi32>, vector<16xi32>], vector<16xf32>,
            %mul3A_1572 = arith.mulf %select_n3A_1240, %gather3A_1571 : vector<16xf32>
            %add3A_1573 = arith.addf %get3A_1566, %mul3A_1572 : vector<16xf32>
            %add3A_1574 = arith.constant 64 : i32
            %add3A_1575 = arith.addi %mul3A_826, %add3A_1574 : i32
            %add3A_1576 = vector.broadcast %add3A_1575 : i32 to vector<16xi32>
            %add3A_1577 = arith.addi %add3A_1576, %add3A_1226 : vector<16xi32>
            %gather3A_1578 = tpu.vector_load_idx %arg8[%add3A_1577, %broadcast_in_dim3A_1560] : memref<9216x8xf32, #tpu.memory_space<vmem>>[vector<16xi32>, vector<16xi32>], vector<16xf32>,
            %mul3A_1579 = arith.mulf %select_n3A_1254, %gather3A_1578 : vector<16xf32>
            %add3A_1580 = arith.addf %add3A_1573, %mul3A_1579 : vector<16xf32>
            %add3A_1581 = arith.constant 128 : i32
            %add3A_1582 = arith.addi %mul3A_826, %add3A_1581 : i32
            %add3A_1583 = vector.broadcast %add3A_1582 : i32 to vector<16xi32>
            %add3A_1584 = arith.addi %add3A_1583, %add3A_1226 : vector<16xi32>
            %gather3A_1585 = tpu.vector_load_idx %arg8[%add3A_1584, %broadcast_in_dim3A_1560] : memref<9216x8xf32, #tpu.memory_space<vmem>>[vector<16xi32>, vector<16xi32>], vector<16xf32>,
            %mul3A_1586 = arith.mulf %select_n3A_1268, %gather3A_1585 : vector<16xf32>
            %add3A_1587 = arith.addf %add3A_1580, %mul3A_1586 : vector<16xf32>
            %add3A_1588 = arith.constant 192 : i32
            %add3A_1589 = arith.addi %mul3A_826, %add3A_1588 : i32
            %add3A_1590 = vector.broadcast %add3A_1589 : i32 to vector<16xi32>
            %add3A_1591 = arith.addi %add3A_1590, %add3A_1226 : vector<16xi32>
            %gather3A_1592 = tpu.vector_load_idx %arg8[%add3A_1591, %broadcast_in_dim3A_1560] : memref<9216x8xf32, #tpu.memory_space<vmem>>[vector<16xi32>, vector<16xi32>], vector<16xf32>,
            %mul3A_1593 = arith.mulf %select_n3A_1282, %gather3A_1592 : vector<16xf32>
            %add3A_1594 = arith.addf %add3A_1587, %mul3A_1593 : vector<16xf32>
            %swap3A_1595 = arith.index_cast %add3A_1564 : i32 to index
            %swap3A_1596 = tpu.vector_load %arg14[%swap3A_1595] {strides = array<i32>} : memref<1024xf32, #tpu.memory_space<vmem>>, vector<16xf32>,
            tpu.vector_store %arg14[%swap3A_1595], %add3A_1594 {strides = array<i32>} : memref<1024xf32, #tpu.memory_space<vmem>>, vector<16xf32>,
            %add3A_1597 = arith.constant 32 : i32
            %add3A_1598 = vector.broadcast %add3A_1597 : i32 to vector<16xi32>
            %add3A_1599 = arith.addi %iota3A, %add3A_1598 : vector<16xi32>
            %mul3A_1600 = arith.constant 4 : i32
            %mul3A_1601 = arith.muli %mul3A_853, %mul3A_1600 : i32
            %add3A_1602 = arith.constant 0 : i32
            %add3A_1603 = arith.addi %mul3A_1601, %add3A_1602 : i32
            %add3A_1604 = arith.constant 32 : i32
            %add3A_1605 = arith.addi %add3A_1603, %add3A_1604 : i32
            %get3A_1606 = arith.index_cast %add3A_1605 : i32 to index
            %get3A_1607 = tpu.vector_load %arg12[%get3A_1606] {strides = array<i32>} : memref<13824xf32, #tpu.memory_space<vmem>>, vector<16xf32>,
            %gt3A_1608 = arith.constant 9.99999974E-6 : f32
            %gt3A_1609 = vector.broadcast %gt3A_1608 : f32 to vector<16xf32>
            %gt3A_1610 = arith.cmpf ogt, %get3A_1607, %gt3A_1609 : vector<16xf32>
            %jit3A_1611 = arith.constant 0.000000e+00 : f32
            %broadcast_in_dim3A_1612 = vector.broadcast %jit3A_1611 : f32 to vector<16xf32>
            %select_n3A_1613 = arith.select %gt3A_1610, %get3A_1607, %broadcast_in_dim3A_1612 : vector<16xi1>, vector<16xf32>
            %mul3A_1614 = arith.constant 4 : i32
            %mul3A_1615 = arith.muli %mul3A_853, %mul3A_1614 : i32
            %add3A_1616 = arith.constant 64 : i32
            %add3A_1617 = arith.addi %mul3A_1615, %add3A_1616 : i32
            %add3A_1618 = arith.constant 32 : i32
            %add3A_1619 = arith.addi %add3A_1617, %add3A_1618 : i32
            %get3A_1620 = arith.index_cast %add3A_1619 : i32 to index
            %get3A_1621 = tpu.vector_load %arg12[%get3A_1620] {strides = array<i32>} : memref<13824xf32, #tpu.memory_space<vmem>>, vector<16xf32>,
            %gt3A_1622 = arith.constant 9.99999974E-6 : f32
            %gt3A_1623 = vector.broadcast %gt3A_1622 : f32 to vector<16xf32>
            %gt3A_1624 = arith.cmpf ogt, %get3A_1621, %gt3A_1623 : vector<16xf32>
            %jit3A_1625 = arith.constant 0.000000e+00 : f32
            %broadcast_in_dim3A_1626 = vector.broadcast %jit3A_1625 : f32 to vector<16xf32>
            %select_n3A_1627 = arith.select %gt3A_1624, %get3A_1621, %broadcast_in_dim3A_1626 : vector<16xi1>, vector<16xf32>
            %mul3A_1628 = arith.constant 4 : i32
            %mul3A_1629 = arith.muli %mul3A_853, %mul3A_1628 : i32
            %add3A_1630 = arith.constant 128 : i32
            %add3A_1631 = arith.addi %mul3A_1629, %add3A_1630 : i32
            %add3A_1632 = arith.constant 32 : i32
            %add3A_1633 = arith.addi %add3A_1631, %add3A_1632 : i32
            %get3A_1634 = arith.index_cast %add3A_1633 : i32 to index
            %get3A_1635 = tpu.vector_load %arg12[%get3A_1634] {strides = array<i32>} : memref<13824xf32, #tpu.memory_space<vmem>>, vector<16xf32>,
            %gt3A_1636 = arith.constant 9.99999974E-6 : f32
            %gt3A_1637 = vector.broadcast %gt3A_1636 : f32 to vector<16xf32>
            %gt3A_1638 = arith.cmpf ogt, %get3A_1635, %gt3A_1637 : vector<16xf32>
            %jit3A_1639 = arith.constant 0.000000e+00 : f32
            %broadcast_in_dim3A_1640 = vector.broadcast %jit3A_1639 : f32 to vector<16xf32>
            %select_n3A_1641 = arith.select %gt3A_1638, %get3A_1635, %broadcast_in_dim3A_1640 : vector<16xi1>, vector<16xf32>
            %mul3A_1642 = arith.constant 4 : i32
            %mul3A_1643 = arith.muli %mul3A_853, %mul3A_1642 : i32
            %add3A_1644 = arith.constant 192 : i32
            %add3A_1645 = arith.addi %mul3A_1643, %add3A_1644 : i32
            %add3A_1646 = arith.constant 32 : i32
            %add3A_1647 = arith.addi %add3A_1645, %add3A_1646 : i32
            %get3A_1648 = arith.index_cast %add3A_1647 : i32 to index
            %get3A_1649 = tpu.vector_load %arg12[%get3A_1648] {strides = array<i32>} : memref<13824xf32, #tpu.memory_space<vmem>>, vector<16xf32>,
            %gt3A_1650 = arith.constant 9.99999974E-6 : f32
            %gt3A_1651 = vector.broadcast %gt3A_1650 : f32 to vector<16xf32>
            %gt3A_1652 = arith.cmpf ogt, %get3A_1649, %gt3A_1651 : vector<16xf32>
            %jit3A_1653 = arith.constant 0.000000e+00 : f32
            %broadcast_in_dim3A_1654 = vector.broadcast %jit3A_1653 : f32 to vector<16xf32>
            %select_n3A_1655 = arith.select %gt3A_1652, %get3A_1649, %broadcast_in_dim3A_1654 : vector<16xi1>, vector<16xf32>
            %add3A_1656 = arith.constant 32 : i32
            %add3A_1657 = arith.addi %mul3A_224, %add3A_1656 : i32
            %get3A_1658 = arith.index_cast %add3A_1657 : i32 to index
            %get3A_1659 = tpu.vector_load %arg15[%get3A_1658] {strides = array<i32>} : memref<128xf32, #tpu.memory_space<vmem>>, vector<16xf32>,
            %add3A_1660 = arith.addf %get3A_1659, %select_n3A_1613 : vector<16xf32>
            %add3A_1661 = arith.addf %add3A_1660, %select_n3A_1627 : vector<16xf32>
            %add3A_1662 = arith.addf %add3A_1661, %select_n3A_1641 : vector<16xf32>
            %add3A_1663 = arith.addf %add3A_1662, %select_n3A_1655 : vector<16xf32>
            %swap3A_1664 = arith.index_cast %add3A_1657 : i32 to index
            %swap3A_1665 = tpu.vector_load %arg15[%swap3A_1664] {strides = array<i32>} : memref<128xf32, #tpu.memory_space<vmem>>, vector<16xf32>,
            tpu.vector_store %arg15[%swap3A_1664], %add3A_1663 {strides = array<i32>} : memref<128xf32, #tpu.memory_space<vmem>>, vector<16xf32>,
            %broadcast_in_dim3A_1666 = arith.constant 0 : i32
            %broadcast_in_dim3A_1667 = vector.broadcast %broadcast_in_dim3A_1666 : i32 to vector<16xi32>
            %add3A_1668 = arith.constant 0 : i32
            %add3A_1669 = arith.addi %mul3A_222, %add3A_1668 : i32
            %add3A_1670 = arith.constant 32 : i32
            %add3A_1671 = arith.addi %add3A_1669, %add3A_1670 : i32
            %get3A_1672 = arith.index_cast %add3A_1671 : i32 to index
            %get3A_1673 = tpu.vector_load %arg14[%get3A_1672] {strides = array<i32>} : memref<1024xf32, #tpu.memory_space<vmem>>, vector<16xf32>,
            %add3A_1674 = arith.constant 0 : i32
            %add3A_1675 = arith.addi %mul3A_826, %add3A_1674 : i32
            %add3A_1676 = vector.broadcast %add3A_1675 : i32 to vector<16xi32>
            %add3A_1677 = arith.addi %add3A_1676, %add3A_1599 : vector<16xi32>
            %gather3A_1678 = tpu.vector_load_idx %arg8[%add3A_1677, %broadcast_in_dim3A_1667] : memref<9216x8xf32, #tpu.memory_space<vmem>>[vector<16xi32>, vector<16xi32>], vector<16xf32>,
            %mul3A_1679 = arith.mulf %select_n3A_1613, %gather3A_1678 : vector<16xf32>
            %add3A_1680 = arith.addf %get3A_1673, %mul3A_1679 : vector<16xf32>
            %add3A_1681 = arith.constant 64 : i32
            %add3A_1682 = arith.addi %mul3A_826, %add3A_1681 : i32
            %add3A_1683 = vector.broadcast %add3A_1682 : i32 to vector<16xi32>
            %add3A_1684 = arith.addi %add3A_1683, %add3A_1599 : vector<16xi32>
            %gather3A_1685 = tpu.vector_load_idx %arg8[%add3A_1684, %broadcast_in_dim3A_1667] : memref<9216x8xf32, #tpu.memory_space<vmem>>[vector<16xi32>, vector<16xi32>], vector<16xf32>,
            %mul3A_1686 = arith.mulf %select_n3A_1627, %gather3A_1685 : vector<16xf32>
            %add3A_1687 = arith.addf %add3A_1680, %mul3A_1686 : vector<16xf32>
            %add3A_1688 = arith.constant 128 : i32
            %add3A_1689 = arith.addi %mul3A_826, %add3A_1688 : i32
            %add3A_1690 = vector.broadcast %add3A_1689 : i32 to vector<16xi32>
            %add3A_1691 = arith.addi %add3A_1690, %add3A_1599 : vector<16xi32>
            %gather3A_1692 = tpu.vector_load_idx %arg8[%add3A_1691, %broadcast_in_dim3A_1667] : memref<9216x8xf32, #tpu.memory_space<vmem>>[vector<16xi32>, vector<16xi32>], vector<16xf32>,
            %mul3A_1693 = arith.mulf %select_n3A_1641, %gather3A_1692 : vector<16xf32>
            %add3A_1694 = arith.addf %add3A_1687, %mul3A_1693 : vector<16xf32>
            %add3A_1695 = arith.constant 192 : i32
            %add3A_1696 = arith.addi %mul3A_826, %add3A_1695 : i32
            %add3A_1697 = vector.broadcast %add3A_1696 : i32 to vector<16xi32>
            %add3A_1698 = arith.addi %add3A_1697, %add3A_1599 : vector<16xi32>
            %gather3A_1699 = tpu.vector_load_idx %arg8[%add3A_1698, %broadcast_in_dim3A_1667] : memref<9216x8xf32, #tpu.memory_space<vmem>>[vector<16xi32>, vector<16xi32>], vector<16xf32>,
            %mul3A_1700 = arith.mulf %select_n3A_1655, %gather3A_1699 : vector<16xf32>
            %add3A_1701 = arith.addf %add3A_1694, %mul3A_1700 : vector<16xf32>
            %swap3A_1702 = arith.index_cast %add3A_1671 : i32 to index
            %swap3A_1703 = tpu.vector_load %arg14[%swap3A_1702] {strides = array<i32>} : memref<1024xf32, #tpu.memory_space<vmem>>, vector<16xf32>,
            tpu.vector_store %arg14[%swap3A_1702], %add3A_1701 {strides = array<i32>} : memref<1024xf32, #tpu.memory_space<vmem>>, vector<16xf32>,
            %broadcast_in_dim3A_1704 = arith.constant 1 : i32
            %broadcast_in_dim3A_1705 = vector.broadcast %broadcast_in_dim3A_1704 : i32 to vector<16xi32>
            %add3A_1706 = arith.constant 64 : i32
            %add3A_1707 = arith.addi %mul3A_222, %add3A_1706 : i32
            %add3A_1708 = arith.constant 32 : i32
            %add3A_1709 = arith.addi %add3A_1707, %add3A_1708 : i32
            %get3A_1710 = arith.index_cast %add3A_1709 : i32 to index
            %get3A_1711 = tpu.vector_load %arg14[%get3A_1710] {strides = array<i32>} : memref<1024xf32, #tpu.memory_space<vmem>>, vector<16xf32>,
            %add3A_1712 = arith.constant 0 : i32
            %add3A_1713 = arith.addi %mul3A_826, %add3A_1712 : i32
            %add3A_1714 = vector.broadcast %add3A_1713 : i32 to vector<16xi32>
            %add3A_1715 = arith.addi %add3A_1714, %add3A_1599 : vector<16xi32>
            %gather3A_1716 = tpu.vector_load_idx %arg8[%add3A_1715, %broadcast_in_dim3A_1705] : memref<9216x8xf32, #tpu.memory_space<vmem>>[vector<16xi32>, vector<16xi32>], vector<16xf32>,
            %mul3A_1717 = arith.mulf %select_n3A_1613, %gather3A_1716 : vector<16xf32>
            %add3A_1718 = arith.addf %get3A_1711, %mul3A_1717 : vector<16xf32>
            %add3A_1719 = arith.constant 64 : i32
            %add3A_1720 = arith.addi %mul3A_826, %add3A_1719 : i32
            %add3A_1721 = vector.broadcast %add3A_1720 : i32 to vector<16xi32>
            %add3A_1722 = arith.addi %add3A_1721, %add3A_1599 : vector<16xi32>
            %gather3A_1723 = tpu.vector_load_idx %arg8[%add3A_1722, %broadcast_in_dim3A_1705] : memref<9216x8xf32, #tpu.memory_space<vmem>>[vector<16xi32>, vector<16xi32>], vector<16xf32>,
            %mul3A_1724 = arith.mulf %select_n3A_1627, %gather3A_1723 : vector<16xf32>
            %add3A_1725 = arith.addf %add3A_1718, %mul3A_1724 : vector<16xf32>
            %add3A_1726 = arith.constant 128 : i32
            %add3A_1727 = arith.addi %mul3A_826, %add3A_1726 : i32
            %add3A_1728 = vector.broadcast %add3A_1727 : i32 to vector<16xi32>
            %add3A_1729 = arith.addi %add3A_1728, %add3A_1599 : vector<16xi32>
            %gather3A_1730 = tpu.vector_load_idx %arg8[%add3A_1729, %broadcast_in_dim3A_1705] : memref<9216x8xf32, #tpu.memory_space<vmem>>[vector<16xi32>, vector<16xi32>], vector<16xf32>,
            %mul3A_1731 = arith.mulf %select_n3A_1641, %gather3A_1730 : vector<16xf32>
            %add3A_1732 = arith.addf %add3A_1725, %mul3A_1731 : vector<16xf32>
            %add3A_1733 = arith.constant 192 : i32
            %add3A_1734 = arith.addi %mul3A_826, %add3A_1733 : i32
            %add3A_1735 = vector.broadcast %add3A_1734 : i32 to vector<16xi32>
            %add3A_1736 = arith.addi %add3A_1735, %add3A_1599 : vector<16xi32>
            %gather3A_1737 = tpu.vector_load_idx %arg8[%add3A_1736, %broadcast_in_dim3A_1705] : memref<9216x8xf32, #tpu.memory_space<vmem>>[vector<16xi32>, vector<16xi32>], vector<16xf32>,
            %mul3A_1738 = arith.mulf %select_n3A_1655, %gather3A_1737 : vector<16xf32>
            %add3A_1739 = arith.addf %add3A_1732, %mul3A_1738 : vector<16xf32>
            %swap3A_1740 = arith.index_cast %add3A_1709 : i32 to index
            %swap3A_1741 = tpu.vector_load %arg14[%swap3A_1740] {strides = array<i32>} : memref<1024xf32, #tpu.memory_space<vmem>>, vector<16xf32>,
            tpu.vector_store %arg14[%swap3A_1740], %add3A_1739 {strides = array<i32>} : memref<1024xf32, #tpu.memory_space<vmem>>, vector<16xf32>,
            %broadcast_in_dim3A_1742 = arith.constant 2 : i32
            %broadcast_in_dim3A_1743 = vector.broadcast %broadcast_in_dim3A_1742 : i32 to vector<16xi32>
            %add3A_1744 = arith.constant 128 : i32
            %add3A_1745 = arith.addi %mul3A_222, %add3A_1744 : i32
            %add3A_1746 = arith.constant 32 : i32
            %add3A_1747 = arith.addi %add3A_1745, %add3A_1746 : i32
            %get3A_1748 = arith.index_cast %add3A_1747 : i32 to index
            %get3A_1749 = tpu.vector_load %arg14[%get3A_1748] {strides = array<i32>} : memref<1024xf32, #tpu.memory_space<vmem>>, vector<16xf32>,
            %add3A_1750 = arith.constant 0 : i32
            %add3A_1751 = arith.addi %mul3A_826, %add3A_1750 : i32
            %add3A_1752 = vector.broadcast %add3A_1751 : i32 to vector<16xi32>
            %add3A_1753 = arith.addi %add3A_1752, %add3A_1599 : vector<16xi32>
            %gather3A_1754 = tpu.vector_load_idx %arg8[%add3A_1753, %broadcast_in_dim3A_1743] : memref<9216x8xf32, #tpu.memory_space<vmem>>[vector<16xi32>, vector<16xi32>], vector<16xf32>,
            %mul3A_1755 = arith.mulf %select_n3A_1613, %gather3A_1754 : vector<16xf32>
            %add3A_1756 = arith.addf %get3A_1749, %mul3A_1755 : vector<16xf32>
            %add3A_1757 = arith.constant 64 : i32
            %add3A_1758 = arith.addi %mul3A_826, %add3A_1757 : i32
            %add3A_1759 = vector.broadcast %add3A_1758 : i32 to vector<16xi32>
            %add3A_1760 = arith.addi %add3A_1759, %add3A_1599 : vector<16xi32>
            %gather3A_1761 = tpu.vector_load_idx %arg8[%add3A_1760, %broadcast_in_dim3A_1743] : memref<9216x8xf32, #tpu.memory_space<vmem>>[vector<16xi32>, vector<16xi32>], vector<16xf32>,
            %mul3A_1762 = arith.mulf %select_n3A_1627, %gather3A_1761 : vector<16xf32>
            %add3A_1763 = arith.addf %add3A_1756, %mul3A_1762 : vector<16xf32>
            %add3A_1764 = arith.constant 128 : i32
            %add3A_1765 = arith.addi %mul3A_826, %add3A_1764 : i32
            %add3A_1766 = vector.broadcast %add3A_1765 : i32 to vector<16xi32>
            %add3A_1767 = arith.addi %add3A_1766, %add3A_1599 : vector<16xi32>
            %gather3A_1768 = tpu.vector_load_idx %arg8[%add3A_1767, %broadcast_in_dim3A_1743] : memref<9216x8xf32, #tpu.memory_space<vmem>>[vector<16xi32>, vector<16xi32>], vector<16xf32>,
            %mul3A_1769 = arith.mulf %select_n3A_1641, %gather3A_1768 : vector<16xf32>
            %add3A_1770 = arith.addf %add3A_1763, %mul3A_1769 : vector<16xf32>
            %add3A_1771 = arith.constant 192 : i32
            %add3A_1772 = arith.addi %mul3A_826, %add3A_1771 : i32
            %add3A_1773 = vector.broadcast %add3A_1772 : i32 to vector<16xi32>
            %add3A_1774 = arith.addi %add3A_1773, %add3A_1599 : vector<16xi32>
            %gather3A_1775 = tpu.vector_load_idx %arg8[%add3A_1774, %broadcast_in_dim3A_1743] : memref<9216x8xf32, #tpu.memory_space<vmem>>[vector<16xi32>, vector<16xi32>], vector<16xf32>,
            %mul3A_1776 = arith.mulf %select_n3A_1655, %gather3A_1775 : vector<16xf32>
            %add3A_1777 = arith.addf %add3A_1770, %mul3A_1776 : vector<16xf32>
            %swap3A_1778 = arith.index_cast %add3A_1747 : i32 to index
            %swap3A_1779 = tpu.vector_load %arg14[%swap3A_1778] {strides = array<i32>} : memref<1024xf32, #tpu.memory_space<vmem>>, vector<16xf32>,
            tpu.vector_store %arg14[%swap3A_1778], %add3A_1777 {strides = array<i32>} : memref<1024xf32, #tpu.memory_space<vmem>>, vector<16xf32>,
            %broadcast_in_dim3A_1780 = arith.constant 3 : i32
            %broadcast_in_dim3A_1781 = vector.broadcast %broadcast_in_dim3A_1780 : i32 to vector<16xi32>
            %add3A_1782 = arith.constant 192 : i32
            %add3A_1783 = arith.addi %mul3A_222, %add3A_1782 : i32
            %add3A_1784 = arith.constant 32 : i32
            %add3A_1785 = arith.addi %add3A_1783, %add3A_1784 : i32
            %get3A_1786 = arith.index_cast %add3A_1785 : i32 to index
            %get3A_1787 = tpu.vector_load %arg14[%get3A_1786] {strides = array<i32>} : memref<1024xf32, #tpu.memory_space<vmem>>, vector<16xf32>,
            %add3A_1788 = arith.constant 0 : i32
            %add3A_1789 = arith.addi %mul3A_826, %add3A_1788 : i32
            %add3A_1790 = vector.broadcast %add3A_1789 : i32 to vector<16xi32>
            %add3A_1791 = arith.addi %add3A_1790, %add3A_1599 : vector<16xi32>
            %gather3A_1792 = tpu.vector_load_idx %arg8[%add3A_1791, %broadcast_in_dim3A_1781] : memref<9216x8xf32, #tpu.memory_space<vmem>>[vector<16xi32>, vector<16xi32>], vector<16xf32>,
            %mul3A_1793 = arith.mulf %select_n3A_1613, %gather3A_1792 : vector<16xf32>
            %add3A_1794 = arith.addf %get3A_1787, %mul3A_1793 : vector<16xf32>
            %add3A_1795 = arith.constant 64 : i32
            %add3A_1796 = arith.addi %mul3A_826, %add3A_1795 : i32
            %add3A_1797 = vector.broadcast %add3A_1796 : i32 to vector<16xi32>
            %add3A_1798 = arith.addi %add3A_1797, %add3A_1599 : vector<16xi32>
            %gather3A_1799 = tpu.vector_load_idx %arg8[%add3A_1798, %broadcast_in_dim3A_1781] : memref<9216x8xf32, #tpu.memory_space<vmem>>[vector<16xi32>, vector<16xi32>], vector<16xf32>,
            %mul3A_1800 = arith.mulf %select_n3A_1627, %gather3A_1799 : vector<16xf32>
            %add3A_1801 = arith.addf %add3A_1794, %mul3A_1800 : vector<16xf32>
            %add3A_1802 = arith.constant 128 : i32
            %add3A_1803 = arith.addi %mul3A_826, %add3A_1802 : i32
            %add3A_1804 = vector.broadcast %add3A_1803 : i32 to vector<16xi32>
            %add3A_1805 = arith.addi %add3A_1804, %add3A_1599 : vector<16xi32>
            %gather3A_1806 = tpu.vector_load_idx %arg8[%add3A_1805, %broadcast_in_dim3A_1781] : memref<9216x8xf32, #tpu.memory_space<vmem>>[vector<16xi32>, vector<16xi32>], vector<16xf32>,
            %mul3A_1807 = arith.mulf %select_n3A_1641, %gather3A_1806 : vector<16xf32>
            %add3A_1808 = arith.addf %add3A_1801, %mul3A_1807 : vector<16xf32>
            %add3A_1809 = arith.constant 192 : i32
            %add3A_1810 = arith.addi %mul3A_826, %add3A_1809 : i32
            %add3A_1811 = vector.broadcast %add3A_1810 : i32 to vector<16xi32>
            %add3A_1812 = arith.addi %add3A_1811, %add3A_1599 : vector<16xi32>
            %gather3A_1813 = tpu.vector_load_idx %arg8[%add3A_1812, %broadcast_in_dim3A_1781] : memref<9216x8xf32, #tpu.memory_space<vmem>>[vector<16xi32>, vector<16xi32>], vector<16xf32>,
            %mul3A_1814 = arith.mulf %select_n3A_1655, %gather3A_1813 : vector<16xf32>
            %add3A_1815 = arith.addf %add3A_1808, %mul3A_1814 : vector<16xf32>
            %swap3A_1816 = arith.index_cast %add3A_1785 : i32 to index
            %swap3A_1817 = tpu.vector_load %arg14[%swap3A_1816] {strides = array<i32>} : memref<1024xf32, #tpu.memory_space<vmem>>, vector<16xf32>,
            tpu.vector_store %arg14[%swap3A_1816], %add3A_1815 {strides = array<i32>} : memref<1024xf32, #tpu.memory_space<vmem>>, vector<16xf32>,
            %broadcast_in_dim3A_1818 = arith.constant 4 : i32
            %broadcast_in_dim3A_1819 = vector.broadcast %broadcast_in_dim3A_1818 : i32 to vector<16xi32>
            %add3A_1820 = arith.constant 256 : i32
            %add3A_1821 = arith.addi %mul3A_222, %add3A_1820 : i32
            %add3A_1822 = arith.constant 32 : i32
            %add3A_1823 = arith.addi %add3A_1821, %add3A_1822 : i32
            %get3A_1824 = arith.index_cast %add3A_1823 : i32 to index
            %get3A_1825 = tpu.vector_load %arg14[%get3A_1824] {strides = array<i32>} : memref<1024xf32, #tpu.memory_space<vmem>>, vector<16xf32>,
            %add3A_1826 = arith.constant 0 : i32
            %add3A_1827 = arith.addi %mul3A_826, %add3A_1826 : i32
            %add3A_1828 = vector.broadcast %add3A_1827 : i32 to vector<16xi32>
            %add3A_1829 = arith.addi %add3A_1828, %add3A_1599 : vector<16xi32>
            %gather3A_1830 = tpu.vector_load_idx %arg8[%add3A_1829, %broadcast_in_dim3A_1819] : memref<9216x8xf32, #tpu.memory_space<vmem>>[vector<16xi32>, vector<16xi32>], vector<16xf32>,
            %mul3A_1831 = arith.mulf %select_n3A_1613, %gather3A_1830 : vector<16xf32>
            %add3A_1832 = arith.addf %get3A_1825, %mul3A_1831 : vector<16xf32>
            %add3A_1833 = arith.constant 64 : i32
            %add3A_1834 = arith.addi %mul3A_826, %add3A_1833 : i32
            %add3A_1835 = vector.broadcast %add3A_1834 : i32 to vector<16xi32>
            %add3A_1836 = arith.addi %add3A_1835, %add3A_1599 : vector<16xi32>
            %gather3A_1837 = tpu.vector_load_idx %arg8[%add3A_1836, %broadcast_in_dim3A_1819] : memref<9216x8xf32, #tpu.memory_space<vmem>>[vector<16xi32>, vector<16xi32>], vector<16xf32>,
            %mul3A_1838 = arith.mulf %select_n3A_1627, %gather3A_1837 : vector<16xf32>
            %add3A_1839 = arith.addf %add3A_1832, %mul3A_1838 : vector<16xf32>
            %add3A_1840 = arith.constant 128 : i32
            %add3A_1841 = arith.addi %mul3A_826, %add3A_1840 : i32
            %add3A_1842 = vector.broadcast %add3A_1841 : i32 to vector<16xi32>
            %add3A_1843 = arith.addi %add3A_1842, %add3A_1599 : vector<16xi32>
            %gather3A_1844 = tpu.vector_load_idx %arg8[%add3A_1843, %broadcast_in_dim3A_1819] : memref<9216x8xf32, #tpu.memory_space<vmem>>[vector<16xi32>, vector<16xi32>], vector<16xf32>,
            %mul3A_1845 = arith.mulf %select_n3A_1641, %gather3A_1844 : vector<16xf32>
            %add3A_1846 = arith.addf %add3A_1839, %mul3A_1845 : vector<16xf32>
            %add3A_1847 = arith.constant 192 : i32
            %add3A_1848 = arith.addi %mul3A_826, %add3A_1847 : i32
            %add3A_1849 = vector.broadcast %add3A_1848 : i32 to vector<16xi32>
            %add3A_1850 = arith.addi %add3A_1849, %add3A_1599 : vector<16xi32>
            %gather3A_1851 = tpu.vector_load_idx %arg8[%add3A_1850, %broadcast_in_dim3A_1819] : memref<9216x8xf32, #tpu.memory_space<vmem>>[vector<16xi32>, vector<16xi32>], vector<16xf32>,
            %mul3A_1852 = arith.mulf %select_n3A_1655, %gather3A_1851 : vector<16xf32>
            %add3A_1853 = arith.addf %add3A_1846, %mul3A_1852 : vector<16xf32>
            %swap3A_1854 = arith.index_cast %add3A_1823 : i32 to index
            %swap3A_1855 = tpu.vector_load %arg14[%swap3A_1854] {strides = array<i32>} : memref<1024xf32, #tpu.memory_space<vmem>>, vector<16xf32>,
            tpu.vector_store %arg14[%swap3A_1854], %add3A_1853 {strides = array<i32>} : memref<1024xf32, #tpu.memory_space<vmem>>, vector<16xf32>,
            %broadcast_in_dim3A_1856 = arith.constant 5 : i32
            %broadcast_in_dim3A_1857 = vector.broadcast %broadcast_in_dim3A_1856 : i32 to vector<16xi32>
            %add3A_1858 = arith.constant 320 : i32
            %add3A_1859 = arith.addi %mul3A_222, %add3A_1858 : i32
            %add3A_1860 = arith.constant 32 : i32
            %add3A_1861 = arith.addi %add3A_1859, %add3A_1860 : i32
            %get3A_1862 = arith.index_cast %add3A_1861 : i32 to index
            %get3A_1863 = tpu.vector_load %arg14[%get3A_1862] {strides = array<i32>} : memref<1024xf32, #tpu.memory_space<vmem>>, vector<16xf32>,
            %add3A_1864 = arith.constant 0 : i32
            %add3A_1865 = arith.addi %mul3A_826, %add3A_1864 : i32
            %add3A_1866 = vector.broadcast %add3A_1865 : i32 to vector<16xi32>
            %add3A_1867 = arith.addi %add3A_1866, %add3A_1599 : vector<16xi32>
            %gather3A_1868 = tpu.vector_load_idx %arg8[%add3A_1867, %broadcast_in_dim3A_1857] : memref<9216x8xf32, #tpu.memory_space<vmem>>[vector<16xi32>, vector<16xi32>], vector<16xf32>,
            %mul3A_1869 = arith.mulf %select_n3A_1613, %gather3A_1868 : vector<16xf32>
            %add3A_1870 = arith.addf %get3A_1863, %mul3A_1869 : vector<16xf32>
            %add3A_1871 = arith.constant 64 : i32
            %add3A_1872 = arith.addi %mul3A_826, %add3A_1871 : i32
            %add3A_1873 = vector.broadcast %add3A_1872 : i32 to vector<16xi32>
            %add3A_1874 = arith.addi %add3A_1873, %add3A_1599 : vector<16xi32>
            %gather3A_1875 = tpu.vector_load_idx %arg8[%add3A_1874, %broadcast_in_dim3A_1857] : memref<9216x8xf32, #tpu.memory_space<vmem>>[vector<16xi32>, vector<16xi32>], vector<16xf32>,
            %mul3A_1876 = arith.mulf %select_n3A_1627, %gather3A_1875 : vector<16xf32>
            %add3A_1877 = arith.addf %add3A_1870, %mul3A_1876 : vector<16xf32>
            %add3A_1878 = arith.constant 128 : i32
            %add3A_1879 = arith.addi %mul3A_826, %add3A_1878 : i32
            %add3A_1880 = vector.broadcast %add3A_1879 : i32 to vector<16xi32>
            %add3A_1881 = arith.addi %add3A_1880, %add3A_1599 : vector<16xi32>
            %gather3A_1882 = tpu.vector_load_idx %arg8[%add3A_1881, %broadcast_in_dim3A_1857] : memref<9216x8xf32, #tpu.memory_space<vmem>>[vector<16xi32>, vector<16xi32>], vector<16xf32>,
            %mul3A_1883 = arith.mulf %select_n3A_1641, %gather3A_1882 : vector<16xf32>
            %add3A_1884 = arith.addf %add3A_1877, %mul3A_1883 : vector<16xf32>
            %add3A_1885 = arith.constant 192 : i32
            %add3A_1886 = arith.addi %mul3A_826, %add3A_1885 : i32
            %add3A_1887 = vector.broadcast %add3A_1886 : i32 to vector<16xi32>
            %add3A_1888 = arith.addi %add3A_1887, %add3A_1599 : vector<16xi32>
            %gather3A_1889 = tpu.vector_load_idx %arg8[%add3A_1888, %broadcast_in_dim3A_1857] : memref<9216x8xf32, #tpu.memory_space<vmem>>[vector<16xi32>, vector<16xi32>], vector<16xf32>,
            %mul3A_1890 = arith.mulf %select_n3A_1655, %gather3A_1889 : vector<16xf32>
            %add3A_1891 = arith.addf %add3A_1884, %mul3A_1890 : vector<16xf32>
            %swap3A_1892 = arith.index_cast %add3A_1861 : i32 to index
            %swap3A_1893 = tpu.vector_load %arg14[%swap3A_1892] {strides = array<i32>} : memref<1024xf32, #tpu.memory_space<vmem>>, vector<16xf32>,
            tpu.vector_store %arg14[%swap3A_1892], %add3A_1891 {strides = array<i32>} : memref<1024xf32, #tpu.memory_space<vmem>>, vector<16xf32>,
            %broadcast_in_dim3A_1894 = arith.constant 6 : i32
            %broadcast_in_dim3A_1895 = vector.broadcast %broadcast_in_dim3A_1894 : i32 to vector<16xi32>
            %add3A_1896 = arith.constant 384 : i32
            %add3A_1897 = arith.addi %mul3A_222, %add3A_1896 : i32
            %add3A_1898 = arith.constant 32 : i32
            %add3A_1899 = arith.addi %add3A_1897, %add3A_1898 : i32
            %get3A_1900 = arith.index_cast %add3A_1899 : i32 to index
            %get3A_1901 = tpu.vector_load %arg14[%get3A_1900] {strides = array<i32>} : memref<1024xf32, #tpu.memory_space<vmem>>, vector<16xf32>,
            %add3A_1902 = arith.constant 0 : i32
            %add3A_1903 = arith.addi %mul3A_826, %add3A_1902 : i32
            %add3A_1904 = vector.broadcast %add3A_1903 : i32 to vector<16xi32>
            %add3A_1905 = arith.addi %add3A_1904, %add3A_1599 : vector<16xi32>
            %gather3A_1906 = tpu.vector_load_idx %arg8[%add3A_1905, %broadcast_in_dim3A_1895] : memref<9216x8xf32, #tpu.memory_space<vmem>>[vector<16xi32>, vector<16xi32>], vector<16xf32>,
            %mul3A_1907 = arith.mulf %select_n3A_1613, %gather3A_1906 : vector<16xf32>
            %add3A_1908 = arith.addf %get3A_1901, %mul3A_1907 : vector<16xf32>
            %add3A_1909 = arith.constant 64 : i32
            %add3A_1910 = arith.addi %mul3A_826, %add3A_1909 : i32
            %add3A_1911 = vector.broadcast %add3A_1910 : i32 to vector<16xi32>
            %add3A_1912 = arith.addi %add3A_1911, %add3A_1599 : vector<16xi32>
            %gather3A_1913 = tpu.vector_load_idx %arg8[%add3A_1912, %broadcast_in_dim3A_1895] : memref<9216x8xf32, #tpu.memory_space<vmem>>[vector<16xi32>, vector<16xi32>], vector<16xf32>,
            %mul3A_1914 = arith.mulf %select_n3A_1627, %gather3A_1913 : vector<16xf32>
            %add3A_1915 = arith.addf %add3A_1908, %mul3A_1914 : vector<16xf32>
            %add3A_1916 = arith.constant 128 : i32
            %add3A_1917 = arith.addi %mul3A_826, %add3A_1916 : i32
            %add3A_1918 = vector.broadcast %add3A_1917 : i32 to vector<16xi32>
            %add3A_1919 = arith.addi %add3A_1918, %add3A_1599 : vector<16xi32>
            %gather3A_1920 = tpu.vector_load_idx %arg8[%add3A_1919, %broadcast_in_dim3A_1895] : memref<9216x8xf32, #tpu.memory_space<vmem>>[vector<16xi32>, vector<16xi32>], vector<16xf32>,
            %mul3A_1921 = arith.mulf %select_n3A_1641, %gather3A_1920 : vector<16xf32>
            %add3A_1922 = arith.addf %add3A_1915, %mul3A_1921 : vector<16xf32>
            %add3A_1923 = arith.constant 192 : i32
            %add3A_1924 = arith.addi %mul3A_826, %add3A_1923 : i32
            %add3A_1925 = vector.broadcast %add3A_1924 : i32 to vector<16xi32>
            %add3A_1926 = arith.addi %add3A_1925, %add3A_1599 : vector<16xi32>
            %gather3A_1927 = tpu.vector_load_idx %arg8[%add3A_1926, %broadcast_in_dim3A_1895] : memref<9216x8xf32, #tpu.memory_space<vmem>>[vector<16xi32>, vector<16xi32>], vector<16xf32>,
            %mul3A_1928 = arith.mulf %select_n3A_1655, %gather3A_1927 : vector<16xf32>
            %add3A_1929 = arith.addf %add3A_1922, %mul3A_1928 : vector<16xf32>
            %swap3A_1930 = arith.index_cast %add3A_1899 : i32 to index
            %swap3A_1931 = tpu.vector_load %arg14[%swap3A_1930] {strides = array<i32>} : memref<1024xf32, #tpu.memory_space<vmem>>, vector<16xf32>,
            tpu.vector_store %arg14[%swap3A_1930], %add3A_1929 {strides = array<i32>} : memref<1024xf32, #tpu.memory_space<vmem>>, vector<16xf32>,
            %broadcast_in_dim3A_1932 = arith.constant 7 : i32
            %broadcast_in_dim3A_1933 = vector.broadcast %broadcast_in_dim3A_1932 : i32 to vector<16xi32>
            %add3A_1934 = arith.constant 448 : i32
            %add3A_1935 = arith.addi %mul3A_222, %add3A_1934 : i32
            %add3A_1936 = arith.constant 32 : i32
            %add3A_1937 = arith.addi %add3A_1935, %add3A_1936 : i32
            %get3A_1938 = arith.index_cast %add3A_1937 : i32 to index
            %get3A_1939 = tpu.vector_load %arg14[%get3A_1938] {strides = array<i32>} : memref<1024xf32, #tpu.memory_space<vmem>>, vector<16xf32>,
            %add3A_1940 = arith.constant 0 : i32
            %add3A_1941 = arith.addi %mul3A_826, %add3A_1940 : i32
            %add3A_1942 = vector.broadcast %add3A_1941 : i32 to vector<16xi32>
            %add3A_1943 = arith.addi %add3A_1942, %add3A_1599 : vector<16xi32>
            %gather3A_1944 = tpu.vector_load_idx %arg8[%add3A_1943, %broadcast_in_dim3A_1933] : memref<9216x8xf32, #tpu.memory_space<vmem>>[vector<16xi32>, vector<16xi32>], vector<16xf32>,
            %mul3A_1945 = arith.mulf %select_n3A_1613, %gather3A_1944 : vector<16xf32>
            %add3A_1946 = arith.addf %get3A_1939, %mul3A_1945 : vector<16xf32>
            %add3A_1947 = arith.constant 64 : i32
            %add3A_1948 = arith.addi %mul3A_826, %add3A_1947 : i32
            %add3A_1949 = vector.broadcast %add3A_1948 : i32 to vector<16xi32>
            %add3A_1950 = arith.addi %add3A_1949, %add3A_1599 : vector<16xi32>
            %gather3A_1951 = tpu.vector_load_idx %arg8[%add3A_1950, %broadcast_in_dim3A_1933] : memref<9216x8xf32, #tpu.memory_space<vmem>>[vector<16xi32>, vector<16xi32>], vector<16xf32>,
            %mul3A_1952 = arith.mulf %select_n3A_1627, %gather3A_1951 : vector<16xf32>
            %add3A_1953 = arith.addf %add3A_1946, %mul3A_1952 : vector<16xf32>
            %add3A_1954 = arith.constant 128 : i32
            %add3A_1955 = arith.addi %mul3A_826, %add3A_1954 : i32
            %add3A_1956 = vector.broadcast %add3A_1955 : i32 to vector<16xi32>
            %add3A_1957 = arith.addi %add3A_1956, %add3A_1599 : vector<16xi32>
            %gather3A_1958 = tpu.vector_load_idx %arg8[%add3A_1957, %broadcast_in_dim3A_1933] : memref<9216x8xf32, #tpu.memory_space<vmem>>[vector<16xi32>, vector<16xi32>], vector<16xf32>,
            %mul3A_1959 = arith.mulf %select_n3A_1641, %gather3A_1958 : vector<16xf32>
            %add3A_1960 = arith.addf %add3A_1953, %mul3A_1959 : vector<16xf32>
            %add3A_1961 = arith.constant 192 : i32
            %add3A_1962 = arith.addi %mul3A_826, %add3A_1961 : i32
            %add3A_1963 = vector.broadcast %add3A_1962 : i32 to vector<16xi32>
            %add3A_1964 = arith.addi %add3A_1963, %add3A_1599 : vector<16xi32>
            %gather3A_1965 = tpu.vector_load_idx %arg8[%add3A_1964, %broadcast_in_dim3A_1933] : memref<9216x8xf32, #tpu.memory_space<vmem>>[vector<16xi32>, vector<16xi32>], vector<16xf32>,
            %mul3A_1966 = arith.mulf %select_n3A_1655, %gather3A_1965 : vector<16xf32>
            %add3A_1967 = arith.addf %add3A_1960, %mul3A_1966 : vector<16xf32>
            %swap3A_1968 = arith.index_cast %add3A_1937 : i32 to index
            %swap3A_1969 = tpu.vector_load %arg14[%swap3A_1968] {strides = array<i32>} : memref<1024xf32, #tpu.memory_space<vmem>>, vector<16xf32>,
            tpu.vector_store %arg14[%swap3A_1968], %add3A_1967 {strides = array<i32>} : memref<1024xf32, #tpu.memory_space<vmem>>, vector<16xf32>,
            %add3A_1970 = arith.constant 48 : i32
            %add3A_1971 = vector.broadcast %add3A_1970 : i32 to vector<16xi32>
            %add3A_1972 = arith.addi %iota3A, %add3A_1971 : vector<16xi32>
            %mul3A_1973 = arith.constant 4 : i32
            %mul3A_1974 = arith.muli %mul3A_853, %mul3A_1973 : i32
            %add3A_1975 = arith.constant 0 : i32
            %add3A_1976 = arith.addi %mul3A_1974, %add3A_1975 : i32
            %add3A_1977 = arith.constant 48 : i32
            %add3A_1978 = arith.addi %add3A_1976, %add3A_1977 : i32
            %get3A_1979 = arith.index_cast %add3A_1978 : i32 to index
            %get3A_1980 = tpu.vector_load %arg12[%get3A_1979] {strides = array<i32>} : memref<13824xf32, #tpu.memory_space<vmem>>, vector<16xf32>,
            %gt3A_1981 = arith.constant 9.99999974E-6 : f32
            %gt3A_1982 = vector.broadcast %gt3A_1981 : f32 to vector<16xf32>
            %gt3A_1983 = arith.cmpf ogt, %get3A_1980, %gt3A_1982 : vector<16xf32>
            %jit3A_1984 = arith.constant 0.000000e+00 : f32
            %broadcast_in_dim3A_1985 = vector.broadcast %jit3A_1984 : f32 to vector<16xf32>
            %select_n3A_1986 = arith.select %gt3A_1983, %get3A_1980, %broadcast_in_dim3A_1985 : vector<16xi1>, vector<16xf32>
            %mul3A_1987 = arith.constant 4 : i32
            %mul3A_1988 = arith.muli %mul3A_853, %mul3A_1987 : i32
            %add3A_1989 = arith.constant 64 : i32
            %add3A_1990 = arith.addi %mul3A_1988, %add3A_1989 : i32
            %add3A_1991 = arith.constant 48 : i32
            %add3A_1992 = arith.addi %add3A_1990, %add3A_1991 : i32
            %get3A_1993 = arith.index_cast %add3A_1992 : i32 to index
            %get3A_1994 = tpu.vector_load %arg12[%get3A_1993] {strides = array<i32>} : memref<13824xf32, #tpu.memory_space<vmem>>, vector<16xf32>,
            %gt3A_1995 = arith.constant 9.99999974E-6 : f32
            %gt3A_1996 = vector.broadcast %gt3A_1995 : f32 to vector<16xf32>
            %gt3A_1997 = arith.cmpf ogt, %get3A_1994, %gt3A_1996 : vector<16xf32>
            %jit3A_1998 = arith.constant 0.000000e+00 : f32
            %broadcast_in_dim3A_1999 = vector.broadcast %jit3A_1998 : f32 to vector<16xf32>
            %select_n3A_2000 = arith.select %gt3A_1997, %get3A_1994, %broadcast_in_dim3A_1999 : vector<16xi1>, vector<16xf32>
            %mul3A_2001 = arith.constant 4 : i32
            %mul3A_2002 = arith.muli %mul3A_853, %mul3A_2001 : i32
            %add3A_2003 = arith.constant 128 : i32
            %add3A_2004 = arith.addi %mul3A_2002, %add3A_2003 : i32
            %add3A_2005 = arith.constant 48 : i32
            %add3A_2006 = arith.addi %add3A_2004, %add3A_2005 : i32
            %get3A_2007 = arith.index_cast %add3A_2006 : i32 to index
            %get3A_2008 = tpu.vector_load %arg12[%get3A_2007] {strides = array<i32>} : memref<13824xf32, #tpu.memory_space<vmem>>, vector<16xf32>,
            %gt3A_2009 = arith.constant 9.99999974E-6 : f32
            %gt3A_2010 = vector.broadcast %gt3A_2009 : f32 to vector<16xf32>
            %gt3A_2011 = arith.cmpf ogt, %get3A_2008, %gt3A_2010 : vector<16xf32>
            %jit3A_2012 = arith.constant 0.000000e+00 : f32
            %broadcast_in_dim3A_2013 = vector.broadcast %jit3A_2012 : f32 to vector<16xf32>
            %select_n3A_2014 = arith.select %gt3A_2011, %get3A_2008, %broadcast_in_dim3A_2013 : vector<16xi1>, vector<16xf32>
            %mul3A_2015 = arith.constant 4 : i32
            %mul3A_2016 = arith.muli %mul3A_853, %mul3A_2015 : i32
            %add3A_2017 = arith.constant 192 : i32
            %add3A_2018 = arith.addi %mul3A_2016, %add3A_2017 : i32
            %add3A_2019 = arith.constant 48 : i32
            %add3A_2020 = arith.addi %add3A_2018, %add3A_2019 : i32
            %get3A_2021 = arith.index_cast %add3A_2020 : i32 to index
            %get3A_2022 = tpu.vector_load %arg12[%get3A_2021] {strides = array<i32>} : memref<13824xf32, #tpu.memory_space<vmem>>, vector<16xf32>,
            %gt3A_2023 = arith.constant 9.99999974E-6 : f32
            %gt3A_2024 = vector.broadcast %gt3A_2023 : f32 to vector<16xf32>
            %gt3A_2025 = arith.cmpf ogt, %get3A_2022, %gt3A_2024 : vector<16xf32>
            %jit3A_2026 = arith.constant 0.000000e+00 : f32
            %broadcast_in_dim3A_2027 = vector.broadcast %jit3A_2026 : f32 to vector<16xf32>
            %select_n3A_2028 = arith.select %gt3A_2025, %get3A_2022, %broadcast_in_dim3A_2027 : vector<16xi1>, vector<16xf32>
            %add3A_2029 = arith.constant 48 : i32
            %add3A_2030 = arith.addi %mul3A_224, %add3A_2029 : i32
            %get3A_2031 = arith.index_cast %add3A_2030 : i32 to index
            %get3A_2032 = tpu.vector_load %arg15[%get3A_2031] {strides = array<i32>} : memref<128xf32, #tpu.memory_space<vmem>>, vector<16xf32>,
            %add3A_2033 = arith.addf %get3A_2032, %select_n3A_1986 : vector<16xf32>
            %add3A_2034 = arith.addf %add3A_2033, %select_n3A_2000 : vector<16xf32>
            %add3A_2035 = arith.addf %add3A_2034, %select_n3A_2014 : vector<16xf32>
            %add3A_2036 = arith.addf %add3A_2035, %select_n3A_2028 : vector<16xf32>
            %swap3A_2037 = arith.index_cast %add3A_2030 : i32 to index
            %swap3A_2038 = tpu.vector_load %arg15[%swap3A_2037] {strides = array<i32>} : memref<128xf32, #tpu.memory_space<vmem>>, vector<16xf32>,
            tpu.vector_store %arg15[%swap3A_2037], %add3A_2036 {strides = array<i32>} : memref<128xf32, #tpu.memory_space<vmem>>, vector<16xf32>,
            %broadcast_in_dim3A_2039 = arith.constant 0 : i32
            %broadcast_in_dim3A_2040 = vector.broadcast %broadcast_in_dim3A_2039 : i32 to vector<16xi32>
            %add3A_2041 = arith.constant 0 : i32
            %add3A_2042 = arith.addi %mul3A_222, %add3A_2041 : i32
            %add3A_2043 = arith.constant 48 : i32
            %add3A_2044 = arith.addi %add3A_2042, %add3A_2043 : i32
            %get3A_2045 = arith.index_cast %add3A_2044 : i32 to index
            %get3A_2046 = tpu.vector_load %arg14[%get3A_2045] {strides = array<i32>} : memref<1024xf32, #tpu.memory_space<vmem>>, vector<16xf32>,
            %add3A_2047 = arith.constant 0 : i32
            %add3A_2048 = arith.addi %mul3A_826, %add3A_2047 : i32
            %add3A_2049 = vector.broadcast %add3A_2048 : i32 to vector<16xi32>
            %add3A_2050 = arith.addi %add3A_2049, %add3A_1972 : vector<16xi32>
            %gather3A_2051 = tpu.vector_load_idx %arg8[%add3A_2050, %broadcast_in_dim3A_2040] : memref<9216x8xf32, #tpu.memory_space<vmem>>[vector<16xi32>, vector<16xi32>], vector<16xf32>,
            %mul3A_2052 = arith.mulf %select_n3A_1986, %gather3A_2051 : vector<16xf32>
            %add3A_2053 = arith.addf %get3A_2046, %mul3A_2052 : vector<16xf32>
            %add3A_2054 = arith.constant 64 : i32
            %add3A_2055 = arith.addi %mul3A_826, %add3A_2054 : i32
            %add3A_2056 = vector.broadcast %add3A_2055 : i32 to vector<16xi32>
            %add3A_2057 = arith.addi %add3A_2056, %add3A_1972 : vector<16xi32>
            %gather3A_2058 = tpu.vector_load_idx %arg8[%add3A_2057, %broadcast_in_dim3A_2040] : memref<9216x8xf32, #tpu.memory_space<vmem>>[vector<16xi32>, vector<16xi32>], vector<16xf32>,
            %mul3A_2059 = arith.mulf %select_n3A_2000, %gather3A_2058 : vector<16xf32>
            %add3A_2060 = arith.addf %add3A_2053, %mul3A_2059 : vector<16xf32>
            %add3A_2061 = arith.constant 128 : i32
            %add3A_2062 = arith.addi %mul3A_826, %add3A_2061 : i32
            %add3A_2063 = vector.broadcast %add3A_2062 : i32 to vector<16xi32>
            %add3A_2064 = arith.addi %add3A_2063, %add3A_1972 : vector<16xi32>
            %gather3A_2065 = tpu.vector_load_idx %arg8[%add3A_2064, %broadcast_in_dim3A_2040] : memref<9216x8xf32, #tpu.memory_space<vmem>>[vector<16xi32>, vector<16xi32>], vector<16xf32>,
            %mul3A_2066 = arith.mulf %select_n3A_2014, %gather3A_2065 : vector<16xf32>
            %add3A_2067 = arith.addf %add3A_2060, %mul3A_2066 : vector<16xf32>
            %add3A_2068 = arith.constant 192 : i32
            %add3A_2069 = arith.addi %mul3A_826, %add3A_2068 : i32
            %add3A_2070 = vector.broadcast %add3A_2069 : i32 to vector<16xi32>
            %add3A_2071 = arith.addi %add3A_2070, %add3A_1972 : vector<16xi32>
            %gather3A_2072 = tpu.vector_load_idx %arg8[%add3A_2071, %broadcast_in_dim3A_2040] : memref<9216x8xf32, #tpu.memory_space<vmem>>[vector<16xi32>, vector<16xi32>], vector<16xf32>,
            %mul3A_2073 = arith.mulf %select_n3A_2028, %gather3A_2072 : vector<16xf32>
            %add3A_2074 = arith.addf %add3A_2067, %mul3A_2073 : vector<16xf32>
            %swap3A_2075 = arith.index_cast %add3A_2044 : i32 to index
            %swap3A_2076 = tpu.vector_load %arg14[%swap3A_2075] {strides = array<i32>} : memref<1024xf32, #tpu.memory_space<vmem>>, vector<16xf32>,
            tpu.vector_store %arg14[%swap3A_2075], %add3A_2074 {strides = array<i32>} : memref<1024xf32, #tpu.memory_space<vmem>>, vector<16xf32>,
            %broadcast_in_dim3A_2077 = arith.constant 1 : i32
            %broadcast_in_dim3A_2078 = vector.broadcast %broadcast_in_dim3A_2077 : i32 to vector<16xi32>
            %add3A_2079 = arith.constant 64 : i32
            %add3A_2080 = arith.addi %mul3A_222, %add3A_2079 : i32
            %add3A_2081 = arith.constant 48 : i32
            %add3A_2082 = arith.addi %add3A_2080, %add3A_2081 : i32
            %get3A_2083 = arith.index_cast %add3A_2082 : i32 to index
            %get3A_2084 = tpu.vector_load %arg14[%get3A_2083] {strides = array<i32>} : memref<1024xf32, #tpu.memory_space<vmem>>, vector<16xf32>,
            %add3A_2085 = arith.constant 0 : i32
            %add3A_2086 = arith.addi %mul3A_826, %add3A_2085 : i32
            %add3A_2087 = vector.broadcast %add3A_2086 : i32 to vector<16xi32>
            %add3A_2088 = arith.addi %add3A_2087, %add3A_1972 : vector<16xi32>
            %gather3A_2089 = tpu.vector_load_idx %arg8[%add3A_2088, %broadcast_in_dim3A_2078] : memref<9216x8xf32, #tpu.memory_space<vmem>>[vector<16xi32>, vector<16xi32>], vector<16xf32>,
            %mul3A_2090 = arith.mulf %select_n3A_1986, %gather3A_2089 : vector<16xf32>
            %add3A_2091 = arith.addf %get3A_2084, %mul3A_2090 : vector<16xf32>
            %add3A_2092 = arith.constant 64 : i32
            %add3A_2093 = arith.addi %mul3A_826, %add3A_2092 : i32
            %add3A_2094 = vector.broadcast %add3A_2093 : i32 to vector<16xi32>
            %add3A_2095 = arith.addi %add3A_2094, %add3A_1972 : vector<16xi32>
            %gather3A_2096 = tpu.vector_load_idx %arg8[%add3A_2095, %broadcast_in_dim3A_2078] : memref<9216x8xf32, #tpu.memory_space<vmem>>[vector<16xi32>, vector<16xi32>], vector<16xf32>,
            %mul3A_2097 = arith.mulf %select_n3A_2000, %gather3A_2096 : vector<16xf32>
            %add3A_2098 = arith.addf %add3A_2091, %mul3A_2097 : vector<16xf32>
            %add3A_2099 = arith.constant 128 : i32
            %add3A_2100 = arith.addi %mul3A_826, %add3A_2099 : i32
            %add3A_2101 = vector.broadcast %add3A_2100 : i32 to vector<16xi32>
            %add3A_2102 = arith.addi %add3A_2101, %add3A_1972 : vector<16xi32>
            %gather3A_2103 = tpu.vector_load_idx %arg8[%add3A_2102, %broadcast_in_dim3A_2078] : memref<9216x8xf32, #tpu.memory_space<vmem>>[vector<16xi32>, vector<16xi32>], vector<16xf32>,
            %mul3A_2104 = arith.mulf %select_n3A_2014, %gather3A_2103 : vector<16xf32>
            %add3A_2105 = arith.addf %add3A_2098, %mul3A_2104 : vector<16xf32>
            %add3A_2106 = arith.constant 192 : i32
            %add3A_2107 = arith.addi %mul3A_826, %add3A_2106 : i32
            %add3A_2108 = vector.broadcast %add3A_2107 : i32 to vector<16xi32>
            %add3A_2109 = arith.addi %add3A_2108, %add3A_1972 : vector<16xi32>
            %gather3A_2110 = tpu.vector_load_idx %arg8[%add3A_2109, %broadcast_in_dim3A_2078] : memref<9216x8xf32, #tpu.memory_space<vmem>>[vector<16xi32>, vector<16xi32>], vector<16xf32>,
            %mul3A_2111 = arith.mulf %select_n3A_2028, %gather3A_2110 : vector<16xf32>
            %add3A_2112 = arith.addf %add3A_2105, %mul3A_2111 : vector<16xf32>
            %swap3A_2113 = arith.index_cast %add3A_2082 : i32 to index
            %swap3A_2114 = tpu.vector_load %arg14[%swap3A_2113] {strides = array<i32>} : memref<1024xf32, #tpu.memory_space<vmem>>, vector<16xf32>,
            tpu.vector_store %arg14[%swap3A_2113], %add3A_2112 {strides = array<i32>} : memref<1024xf32, #tpu.memory_space<vmem>>, vector<16xf32>,
            %broadcast_in_dim3A_2115 = arith.constant 2 : i32
            %broadcast_in_dim3A_2116 = vector.broadcast %broadcast_in_dim3A_2115 : i32 to vector<16xi32>
            %add3A_2117 = arith.constant 128 : i32
            %add3A_2118 = arith.addi %mul3A_222, %add3A_2117 : i32
            %add3A_2119 = arith.constant 48 : i32
            %add3A_2120 = arith.addi %add3A_2118, %add3A_2119 : i32
            %get3A_2121 = arith.index_cast %add3A_2120 : i32 to index
            %get3A_2122 = tpu.vector_load %arg14[%get3A_2121] {strides = array<i32>} : memref<1024xf32, #tpu.memory_space<vmem>>, vector<16xf32>,
            %add3A_2123 = arith.constant 0 : i32
            %add3A_2124 = arith.addi %mul3A_826, %add3A_2123 : i32
            %add3A_2125 = vector.broadcast %add3A_2124 : i32 to vector<16xi32>
            %add3A_2126 = arith.addi %add3A_2125, %add3A_1972 : vector<16xi32>
            %gather3A_2127 = tpu.vector_load_idx %arg8[%add3A_2126, %broadcast_in_dim3A_2116] : memref<9216x8xf32, #tpu.memory_space<vmem>>[vector<16xi32>, vector<16xi32>], vector<16xf32>,
            %mul3A_2128 = arith.mulf %select_n3A_1986, %gather3A_2127 : vector<16xf32>
            %add3A_2129 = arith.addf %get3A_2122, %mul3A_2128 : vector<16xf32>
            %add3A_2130 = arith.constant 64 : i32
            %add3A_2131 = arith.addi %mul3A_826, %add3A_2130 : i32
            %add3A_2132 = vector.broadcast %add3A_2131 : i32 to vector<16xi32>
            %add3A_2133 = arith.addi %add3A_2132, %add3A_1972 : vector<16xi32>
            %gather3A_2134 = tpu.vector_load_idx %arg8[%add3A_2133, %broadcast_in_dim3A_2116] : memref<9216x8xf32, #tpu.memory_space<vmem>>[vector<16xi32>, vector<16xi32>], vector<16xf32>,
            %mul3A_2135 = arith.mulf %select_n3A_2000, %gather3A_2134 : vector<16xf32>
            %add3A_2136 = arith.addf %add3A_2129, %mul3A_2135 : vector<16xf32>
            %add3A_2137 = arith.constant 128 : i32
            %add3A_2138 = arith.addi %mul3A_826, %add3A_2137 : i32
            %add3A_2139 = vector.broadcast %add3A_2138 : i32 to vector<16xi32>
            %add3A_2140 = arith.addi %add3A_2139, %add3A_1972 : vector<16xi32>
            %gather3A_2141 = tpu.vector_load_idx %arg8[%add3A_2140, %broadcast_in_dim3A_2116] : memref<9216x8xf32, #tpu.memory_space<vmem>>[vector<16xi32>, vector<16xi32>], vector<16xf32>,
            %mul3A_2142 = arith.mulf %select_n3A_2014, %gather3A_2141 : vector<16xf32>
            %add3A_2143 = arith.addf %add3A_2136, %mul3A_2142 : vector<16xf32>
            %add3A_2144 = arith.constant 192 : i32
            %add3A_2145 = arith.addi %mul3A_826, %add3A_2144 : i32
            %add3A_2146 = vector.broadcast %add3A_2145 : i32 to vector<16xi32>
            %add3A_2147 = arith.addi %add3A_2146, %add3A_1972 : vector<16xi32>
            %gather3A_2148 = tpu.vector_load_idx %arg8[%add3A_2147, %broadcast_in_dim3A_2116] : memref<9216x8xf32, #tpu.memory_space<vmem>>[vector<16xi32>, vector<16xi32>], vector<16xf32>,
            %mul3A_2149 = arith.mulf %select_n3A_2028, %gather3A_2148 : vector<16xf32>
            %add3A_2150 = arith.addf %add3A_2143, %mul3A_2149 : vector<16xf32>
            %swap3A_2151 = arith.index_cast %add3A_2120 : i32 to index
            %swap3A_2152 = tpu.vector_load %arg14[%swap3A_2151] {strides = array<i32>} : memref<1024xf32, #tpu.memory_space<vmem>>, vector<16xf32>,
            tpu.vector_store %arg14[%swap3A_2151], %add3A_2150 {strides = array<i32>} : memref<1024xf32, #tpu.memory_space<vmem>>, vector<16xf32>,
            %broadcast_in_dim3A_2153 = arith.constant 3 : i32
            %broadcast_in_dim3A_2154 = vector.broadcast %broadcast_in_dim3A_2153 : i32 to vector<16xi32>
            %add3A_2155 = arith.constant 192 : i32
            %add3A_2156 = arith.addi %mul3A_222, %add3A_2155 : i32
            %add3A_2157 = arith.constant 48 : i32
            %add3A_2158 = arith.addi %add3A_2156, %add3A_2157 : i32
            %get3A_2159 = arith.index_cast %add3A_2158 : i32 to index
            %get3A_2160 = tpu.vector_load %arg14[%get3A_2159] {strides = array<i32>} : memref<1024xf32, #tpu.memory_space<vmem>>, vector<16xf32>,
            %add3A_2161 = arith.constant 0 : i32
            %add3A_2162 = arith.addi %mul3A_826, %add3A_2161 : i32
            %add3A_2163 = vector.broadcast %add3A_2162 : i32 to vector<16xi32>
            %add3A_2164 = arith.addi %add3A_2163, %add3A_1972 : vector<16xi32>
            %gather3A_2165 = tpu.vector_load_idx %arg8[%add3A_2164, %broadcast_in_dim3A_2154] : memref<9216x8xf32, #tpu.memory_space<vmem>>[vector<16xi32>, vector<16xi32>], vector<16xf32>,
            %mul3A_2166 = arith.mulf %select_n3A_1986, %gather3A_2165 : vector<16xf32>
            %add3A_2167 = arith.addf %get3A_2160, %mul3A_2166 : vector<16xf32>
            %add3A_2168 = arith.constant 64 : i32
            %add3A_2169 = arith.addi %mul3A_826, %add3A_2168 : i32
            %add3A_2170 = vector.broadcast %add3A_2169 : i32 to vector<16xi32>
            %add3A_2171 = arith.addi %add3A_2170, %add3A_1972 : vector<16xi32>
            %gather3A_2172 = tpu.vector_load_idx %arg8[%add3A_2171, %broadcast_in_dim3A_2154] : memref<9216x8xf32, #tpu.memory_space<vmem>>[vector<16xi32>, vector<16xi32>], vector<16xf32>,
            %mul3A_2173 = arith.mulf %select_n3A_2000, %gather3A_2172 : vector<16xf32>
            %add3A_2174 = arith.addf %add3A_2167, %mul3A_2173 : vector<16xf32>
            %add3A_2175 = arith.constant 128 : i32
            %add3A_2176 = arith.addi %mul3A_826, %add3A_2175 : i32
            %add3A_2177 = vector.broadcast %add3A_2176 : i32 to vector<16xi32>
            %add3A_2178 = arith.addi %add3A_2177, %add3A_1972 : vector<16xi32>
            %gather3A_2179 = tpu.vector_load_idx %arg8[%add3A_2178, %broadcast_in_dim3A_2154] : memref<9216x8xf32, #tpu.memory_space<vmem>>[vector<16xi32>, vector<16xi32>], vector<16xf32>,
            %mul3A_2180 = arith.mulf %select_n3A_2014, %gather3A_2179 : vector<16xf32>
            %add3A_2181 = arith.addf %add3A_2174, %mul3A_2180 : vector<16xf32>
            %add3A_2182 = arith.constant 192 : i32
            %add3A_2183 = arith.addi %mul3A_826, %add3A_2182 : i32
            %add3A_2184 = vector.broadcast %add3A_2183 : i32 to vector<16xi32>
            %add3A_2185 = arith.addi %add3A_2184, %add3A_1972 : vector<16xi32>
            %gather3A_2186 = tpu.vector_load_idx %arg8[%add3A_2185, %broadcast_in_dim3A_2154] : memref<9216x8xf32, #tpu.memory_space<vmem>>[vector<16xi32>, vector<16xi32>], vector<16xf32>,
            %mul3A_2187 = arith.mulf %select_n3A_2028, %gather3A_2186 : vector<16xf32>
            %add3A_2188 = arith.addf %add3A_2181, %mul3A_2187 : vector<16xf32>
            %swap3A_2189 = arith.index_cast %add3A_2158 : i32 to index
            %swap3A_2190 = tpu.vector_load %arg14[%swap3A_2189] {strides = array<i32>} : memref<1024xf32, #tpu.memory_space<vmem>>, vector<16xf32>,
            tpu.vector_store %arg14[%swap3A_2189], %add3A_2188 {strides = array<i32>} : memref<1024xf32, #tpu.memory_space<vmem>>, vector<16xf32>,
            %broadcast_in_dim3A_2191 = arith.constant 4 : i32
            %broadcast_in_dim3A_2192 = vector.broadcast %broadcast_in_dim3A_2191 : i32 to vector<16xi32>
            %add3A_2193 = arith.constant 256 : i32
            %add3A_2194 = arith.addi %mul3A_222, %add3A_2193 : i32
            %add3A_2195 = arith.constant 48 : i32
            %add3A_2196 = arith.addi %add3A_2194, %add3A_2195 : i32
            %get3A_2197 = arith.index_cast %add3A_2196 : i32 to index
            %get3A_2198 = tpu.vector_load %arg14[%get3A_2197] {strides = array<i32>} : memref<1024xf32, #tpu.memory_space<vmem>>, vector<16xf32>,
            %add3A_2199 = arith.constant 0 : i32
            %add3A_2200 = arith.addi %mul3A_826, %add3A_2199 : i32
            %add3A_2201 = vector.broadcast %add3A_2200 : i32 to vector<16xi32>
            %add3A_2202 = arith.addi %add3A_2201, %add3A_1972 : vector<16xi32>
            %gather3A_2203 = tpu.vector_load_idx %arg8[%add3A_2202, %broadcast_in_dim3A_2192] : memref<9216x8xf32, #tpu.memory_space<vmem>>[vector<16xi32>, vector<16xi32>], vector<16xf32>,
            %mul3A_2204 = arith.mulf %select_n3A_1986, %gather3A_2203 : vector<16xf32>
            %add3A_2205 = arith.addf %get3A_2198, %mul3A_2204 : vector<16xf32>
            %add3A_2206 = arith.constant 64 : i32
            %add3A_2207 = arith.addi %mul3A_826, %add3A_2206 : i32
            %add3A_2208 = vector.broadcast %add3A_2207 : i32 to vector<16xi32>
            %add3A_2209 = arith.addi %add3A_2208, %add3A_1972 : vector<16xi32>
            %gather3A_2210 = tpu.vector_load_idx %arg8[%add3A_2209, %broadcast_in_dim3A_2192] : memref<9216x8xf32, #tpu.memory_space<vmem>>[vector<16xi32>, vector<16xi32>], vector<16xf32>,
            %mul3A_2211 = arith.mulf %select_n3A_2000, %gather3A_2210 : vector<16xf32>
            %add3A_2212 = arith.addf %add3A_2205, %mul3A_2211 : vector<16xf32>
            %add3A_2213 = arith.constant 128 : i32
            %add3A_2214 = arith.addi %mul3A_826, %add3A_2213 : i32
            %add3A_2215 = vector.broadcast %add3A_2214 : i32 to vector<16xi32>
            %add3A_2216 = arith.addi %add3A_2215, %add3A_1972 : vector<16xi32>
            %gather3A_2217 = tpu.vector_load_idx %arg8[%add3A_2216, %broadcast_in_dim3A_2192] : memref<9216x8xf32, #tpu.memory_space<vmem>>[vector<16xi32>, vector<16xi32>], vector<16xf32>,
            %mul3A_2218 = arith.mulf %select_n3A_2014, %gather3A_2217 : vector<16xf32>
            %add3A_2219 = arith.addf %add3A_2212, %mul3A_2218 : vector<16xf32>
            %add3A_2220 = arith.constant 192 : i32
            %add3A_2221 = arith.addi %mul3A_826, %add3A_2220 : i32
            %add3A_2222 = vector.broadcast %add3A_2221 : i32 to vector<16xi32>
            %add3A_2223 = arith.addi %add3A_2222, %add3A_1972 : vector<16xi32>
            %gather3A_2224 = tpu.vector_load_idx %arg8[%add3A_2223, %broadcast_in_dim3A_2192] : memref<9216x8xf32, #tpu.memory_space<vmem>>[vector<16xi32>, vector<16xi32>], vector<16xf32>,
            %mul3A_2225 = arith.mulf %select_n3A_2028, %gather3A_2224 : vector<16xf32>
            %add3A_2226 = arith.addf %add3A_2219, %mul3A_2225 : vector<16xf32>
            %swap3A_2227 = arith.index_cast %add3A_2196 : i32 to index
            %swap3A_2228 = tpu.vector_load %arg14[%swap3A_2227] {strides = array<i32>} : memref<1024xf32, #tpu.memory_space<vmem>>, vector<16xf32>,
            tpu.vector_store %arg14[%swap3A_2227], %add3A_2226 {strides = array<i32>} : memref<1024xf32, #tpu.memory_space<vmem>>, vector<16xf32>,
            %broadcast_in_dim3A_2229 = arith.constant 5 : i32
            %broadcast_in_dim3A_2230 = vector.broadcast %broadcast_in_dim3A_2229 : i32 to vector<16xi32>
            %add3A_2231 = arith.constant 320 : i32
            %add3A_2232 = arith.addi %mul3A_222, %add3A_2231 : i32
            %add3A_2233 = arith.constant 48 : i32
            %add3A_2234 = arith.addi %add3A_2232, %add3A_2233 : i32
            %get3A_2235 = arith.index_cast %add3A_2234 : i32 to index
            %get3A_2236 = tpu.vector_load %arg14[%get3A_2235] {strides = array<i32>} : memref<1024xf32, #tpu.memory_space<vmem>>, vector<16xf32>,
            %add3A_2237 = arith.constant 0 : i32
            %add3A_2238 = arith.addi %mul3A_826, %add3A_2237 : i32
            %add3A_2239 = vector.broadcast %add3A_2238 : i32 to vector<16xi32>
            %add3A_2240 = arith.addi %add3A_2239, %add3A_1972 : vector<16xi32>
            %gather3A_2241 = tpu.vector_load_idx %arg8[%add3A_2240, %broadcast_in_dim3A_2230] : memref<9216x8xf32, #tpu.memory_space<vmem>>[vector<16xi32>, vector<16xi32>], vector<16xf32>,
            %mul3A_2242 = arith.mulf %select_n3A_1986, %gather3A_2241 : vector<16xf32>
            %add3A_2243 = arith.addf %get3A_2236, %mul3A_2242 : vector<16xf32>
            %add3A_2244 = arith.constant 64 : i32
            %add3A_2245 = arith.addi %mul3A_826, %add3A_2244 : i32
            %add3A_2246 = vector.broadcast %add3A_2245 : i32 to vector<16xi32>
            %add3A_2247 = arith.addi %add3A_2246, %add3A_1972 : vector<16xi32>
            %gather3A_2248 = tpu.vector_load_idx %arg8[%add3A_2247, %broadcast_in_dim3A_2230] : memref<9216x8xf32, #tpu.memory_space<vmem>>[vector<16xi32>, vector<16xi32>], vector<16xf32>,
            %mul3A_2249 = arith.mulf %select_n3A_2000, %gather3A_2248 : vector<16xf32>
            %add3A_2250 = arith.addf %add3A_2243, %mul3A_2249 : vector<16xf32>
            %add3A_2251 = arith.constant 128 : i32
            %add3A_2252 = arith.addi %mul3A_826, %add3A_2251 : i32
            %add3A_2253 = vector.broadcast %add3A_2252 : i32 to vector<16xi32>
            %add3A_2254 = arith.addi %add3A_2253, %add3A_1972 : vector<16xi32>
            %gather3A_2255 = tpu.vector_load_idx %arg8[%add3A_2254, %broadcast_in_dim3A_2230] : memref<9216x8xf32, #tpu.memory_space<vmem>>[vector<16xi32>, vector<16xi32>], vector<16xf32>,
            %mul3A_2256 = arith.mulf %select_n3A_2014, %gather3A_2255 : vector<16xf32>
            %add3A_2257 = arith.addf %add3A_2250, %mul3A_2256 : vector<16xf32>
            %add3A_2258 = arith.constant 192 : i32
            %add3A_2259 = arith.addi %mul3A_826, %add3A_2258 : i32
            %add3A_2260 = vector.broadcast %add3A_2259 : i32 to vector<16xi32>
            %add3A_2261 = arith.addi %add3A_2260, %add3A_1972 : vector<16xi32>
            %gather3A_2262 = tpu.vector_load_idx %arg8[%add3A_2261, %broadcast_in_dim3A_2230] : memref<9216x8xf32, #tpu.memory_space<vmem>>[vector<16xi32>, vector<16xi32>], vector<16xf32>,
            %mul3A_2263 = arith.mulf %select_n3A_2028, %gather3A_2262 : vector<16xf32>
            %add3A_2264 = arith.addf %add3A_2257, %mul3A_2263 : vector<16xf32>
            %swap3A_2265 = arith.index_cast %add3A_2234 : i32 to index
            %swap3A_2266 = tpu.vector_load %arg14[%swap3A_2265] {strides = array<i32>} : memref<1024xf32, #tpu.memory_space<vmem>>, vector<16xf32>,
            tpu.vector_store %arg14[%swap3A_2265], %add3A_2264 {strides = array<i32>} : memref<1024xf32, #tpu.memory_space<vmem>>, vector<16xf32>,
            %broadcast_in_dim3A_2267 = arith.constant 6 : i32
            %broadcast_in_dim3A_2268 = vector.broadcast %broadcast_in_dim3A_2267 : i32 to vector<16xi32>
            %add3A_2269 = arith.constant 384 : i32
            %add3A_2270 = arith.addi %mul3A_222, %add3A_2269 : i32
            %add3A_2271 = arith.constant 48 : i32
            %add3A_2272 = arith.addi %add3A_2270, %add3A_2271 : i32
            %get3A_2273 = arith.index_cast %add3A_2272 : i32 to index
            %get3A_2274 = tpu.vector_load %arg14[%get3A_2273] {strides = array<i32>} : memref<1024xf32, #tpu.memory_space<vmem>>, vector<16xf32>,
            %add3A_2275 = arith.constant 0 : i32
            %add3A_2276 = arith.addi %mul3A_826, %add3A_2275 : i32
            %add3A_2277 = vector.broadcast %add3A_2276 : i32 to vector<16xi32>
            %add3A_2278 = arith.addi %add3A_2277, %add3A_1972 : vector<16xi32>
            %gather3A_2279 = tpu.vector_load_idx %arg8[%add3A_2278, %broadcast_in_dim3A_2268] : memref<9216x8xf32, #tpu.memory_space<vmem>>[vector<16xi32>, vector<16xi32>], vector<16xf32>,
            %mul3A_2280 = arith.mulf %select_n3A_1986, %gather3A_2279 : vector<16xf32>
            %add3A_2281 = arith.addf %get3A_2274, %mul3A_2280 : vector<16xf32>
            %add3A_2282 = arith.constant 64 : i32
            %add3A_2283 = arith.addi %mul3A_826, %add3A_2282 : i32
            %add3A_2284 = vector.broadcast %add3A_2283 : i32 to vector<16xi32>
            %add3A_2285 = arith.addi %add3A_2284, %add3A_1972 : vector<16xi32>
            %gather3A_2286 = tpu.vector_load_idx %arg8[%add3A_2285, %broadcast_in_dim3A_2268] : memref<9216x8xf32, #tpu.memory_space<vmem>>[vector<16xi32>, vector<16xi32>], vector<16xf32>,
            %mul3A_2287 = arith.mulf %select_n3A_2000, %gather3A_2286 : vector<16xf32>
            %add3A_2288 = arith.addf %add3A_2281, %mul3A_2287 : vector<16xf32>
            %add3A_2289 = arith.constant 128 : i32
            %add3A_2290 = arith.addi %mul3A_826, %add3A_2289 : i32
            %add3A_2291 = vector.broadcast %add3A_2290 : i32 to vector<16xi32>
            %add3A_2292 = arith.addi %add3A_2291, %add3A_1972 : vector<16xi32>
            %gather3A_2293 = tpu.vector_load_idx %arg8[%add3A_2292, %broadcast_in_dim3A_2268] : memref<9216x8xf32, #tpu.memory_space<vmem>>[vector<16xi32>, vector<16xi32>], vector<16xf32>,
            %mul3A_2294 = arith.mulf %select_n3A_2014, %gather3A_2293 : vector<16xf32>
            %add3A_2295 = arith.addf %add3A_2288, %mul3A_2294 : vector<16xf32>
            %add3A_2296 = arith.constant 192 : i32
            %add3A_2297 = arith.addi %mul3A_826, %add3A_2296 : i32
            %add3A_2298 = vector.broadcast %add3A_2297 : i32 to vector<16xi32>
            %add3A_2299 = arith.addi %add3A_2298, %add3A_1972 : vector<16xi32>
            %gather3A_2300 = tpu.vector_load_idx %arg8[%add3A_2299, %broadcast_in_dim3A_2268] : memref<9216x8xf32, #tpu.memory_space<vmem>>[vector<16xi32>, vector<16xi32>], vector<16xf32>,
            %mul3A_2301 = arith.mulf %select_n3A_2028, %gather3A_2300 : vector<16xf32>
            %add3A_2302 = arith.addf %add3A_2295, %mul3A_2301 : vector<16xf32>
            %swap3A_2303 = arith.index_cast %add3A_2272 : i32 to index
            %swap3A_2304 = tpu.vector_load %arg14[%swap3A_2303] {strides = array<i32>} : memref<1024xf32, #tpu.memory_space<vmem>>, vector<16xf32>,
            tpu.vector_store %arg14[%swap3A_2303], %add3A_2302 {strides = array<i32>} : memref<1024xf32, #tpu.memory_space<vmem>>, vector<16xf32>,
            %broadcast_in_dim3A_2305 = arith.constant 7 : i32
            %broadcast_in_dim3A_2306 = vector.broadcast %broadcast_in_dim3A_2305 : i32 to vector<16xi32>
            %add3A_2307 = arith.constant 448 : i32
            %add3A_2308 = arith.addi %mul3A_222, %add3A_2307 : i32
            %add3A_2309 = arith.constant 48 : i32
            %add3A_2310 = arith.addi %add3A_2308, %add3A_2309 : i32
            %get3A_2311 = arith.index_cast %add3A_2310 : i32 to index
            %get3A_2312 = tpu.vector_load %arg14[%get3A_2311] {strides = array<i32>} : memref<1024xf32, #tpu.memory_space<vmem>>, vector<16xf32>,
            %add3A_2313 = arith.constant 0 : i32
            %add3A_2314 = arith.addi %mul3A_826, %add3A_2313 : i32
            %add3A_2315 = vector.broadcast %add3A_2314 : i32 to vector<16xi32>
            %add3A_2316 = arith.addi %add3A_2315, %add3A_1972 : vector<16xi32>
            %gather3A_2317 = tpu.vector_load_idx %arg8[%add3A_2316, %broadcast_in_dim3A_2306] : memref<9216x8xf32, #tpu.memory_space<vmem>>[vector<16xi32>, vector<16xi32>], vector<16xf32>,
            %mul3A_2318 = arith.mulf %select_n3A_1986, %gather3A_2317 : vector<16xf32>
            %add3A_2319 = arith.addf %get3A_2312, %mul3A_2318 : vector<16xf32>
            %add3A_2320 = arith.constant 64 : i32
            %add3A_2321 = arith.addi %mul3A_826, %add3A_2320 : i32
            %add3A_2322 = vector.broadcast %add3A_2321 : i32 to vector<16xi32>
            %add3A_2323 = arith.addi %add3A_2322, %add3A_1972 : vector<16xi32>
            %gather3A_2324 = tpu.vector_load_idx %arg8[%add3A_2323, %broadcast_in_dim3A_2306] : memref<9216x8xf32, #tpu.memory_space<vmem>>[vector<16xi32>, vector<16xi32>], vector<16xf32>,
            %mul3A_2325 = arith.mulf %select_n3A_2000, %gather3A_2324 : vector<16xf32>
            %add3A_2326 = arith.addf %add3A_2319, %mul3A_2325 : vector<16xf32>
            %add3A_2327 = arith.constant 128 : i32
            %add3A_2328 = arith.addi %mul3A_826, %add3A_2327 : i32
            %add3A_2329 = vector.broadcast %add3A_2328 : i32 to vector<16xi32>
            %add3A_2330 = arith.addi %add3A_2329, %add3A_1972 : vector<16xi32>
            %gather3A_2331 = tpu.vector_load_idx %arg8[%add3A_2330, %broadcast_in_dim3A_2306] : memref<9216x8xf32, #tpu.memory_space<vmem>>[vector<16xi32>, vector<16xi32>], vector<16xf32>,
            %mul3A_2332 = arith.mulf %select_n3A_2014, %gather3A_2331 : vector<16xf32>
            %add3A_2333 = arith.addf %add3A_2326, %mul3A_2332 : vector<16xf32>
            %add3A_2334 = arith.constant 192 : i32
            %add3A_2335 = arith.addi %mul3A_826, %add3A_2334 : i32
            %add3A_2336 = vector.broadcast %add3A_2335 : i32 to vector<16xi32>
            %add3A_2337 = arith.addi %add3A_2336, %add3A_1972 : vector<16xi32>
            %gather3A_2338 = tpu.vector_load_idx %arg8[%add3A_2337, %broadcast_in_dim3A_2306] : memref<9216x8xf32, #tpu.memory_space<vmem>>[vector<16xi32>, vector<16xi32>], vector<16xf32>,
            %mul3A_2339 = arith.mulf %select_n3A_2028, %gather3A_2338 : vector<16xf32>
            %add3A_2340 = arith.addf %add3A_2333, %mul3A_2339 : vector<16xf32>
            %swap3A_2341 = arith.index_cast %add3A_2310 : i32 to index
            %swap3A_2342 = tpu.vector_load %arg14[%swap3A_2341] {strides = array<i32>} : memref<1024xf32, #tpu.memory_space<vmem>>, vector<16xf32>,
            tpu.vector_store %arg14[%swap3A_2341], %add3A_2340 {strides = array<i32>} : memref<1024xf32, #tpu.memory_space<vmem>>, vector<16xf32>,
          } else {
          }
        }
        %scan3A_436 = arith.constant 18 : i32
        %add3A_437 = arith.constant 0 : i32
        %add3A_438 = arith.addi %mul3A_224, %add3A_437 : i32
        %get3A_439 = arith.index_cast %add3A_438 : i32 to index
        %get3A_440 = tpu.vector_load %arg15[%get3A_439] {strides = array<i32>} : memref<128xf32, #tpu.memory_space<vmem>>, vector<16xf32>,
        %max3A = arith.constant 9.99999996E-13 : f32
        %max3A_441 = vector.broadcast %max3A : f32 to vector<16xf32>
        %max3A_442 = arith.maximumf %get3A_440, %max3A_441 : vector<16xf32>
        %add3A_443 = arith.constant 0 : i32
        %add3A_444 = arith.addi %mul3A_222, %add3A_443 : i32
        %add3A_445 = arith.constant 0 : i32
        %add3A_446 = arith.addi %add3A_444, %add3A_445 : i32
        %get3A_447 = arith.index_cast %add3A_446 : i32 to index
        %get3A_448 = tpu.vector_load %arg14[%get3A_447] {strides = array<i32>} : memref<1024xf32, #tpu.memory_space<vmem>>, vector<16xf32>,
        %div3A = arith.divf %get3A_448, %max3A_442 : vector<16xf32>
        %swap3A_449 = arith.index_cast %add3A_446 : i32 to index
        %swap3A_450 = tpu.vector_load %arg14[%swap3A_449] {strides = array<i32>} : memref<1024xf32, #tpu.memory_space<vmem>>, vector<16xf32>,
        tpu.vector_store %arg14[%swap3A_449], %div3A {strides = array<i32>} : memref<1024xf32, #tpu.memory_space<vmem>>, vector<16xf32>,
        %add3A_451 = arith.constant 64 : i32
        %add3A_452 = arith.addi %mul3A_222, %add3A_451 : i32
        %add3A_453 = arith.constant 0 : i32
        %add3A_454 = arith.addi %add3A_452, %add3A_453 : i32
        %get3A_455 = arith.index_cast %add3A_454 : i32 to index
        %get3A_456 = tpu.vector_load %arg14[%get3A_455] {strides = array<i32>} : memref<1024xf32, #tpu.memory_space<vmem>>, vector<16xf32>,
        %div3A_457 = arith.divf %get3A_456, %max3A_442 : vector<16xf32>
        %swap3A_458 = arith.index_cast %add3A_454 : i32 to index
        %swap3A_459 = tpu.vector_load %arg14[%swap3A_458] {strides = array<i32>} : memref<1024xf32, #tpu.memory_space<vmem>>, vector<16xf32>,
        tpu.vector_store %arg14[%swap3A_458], %div3A_457 {strides = array<i32>} : memref<1024xf32, #tpu.memory_space<vmem>>, vector<16xf32>,
        %add3A_460 = arith.constant 128 : i32
        %add3A_461 = arith.addi %mul3A_222, %add3A_460 : i32
        %add3A_462 = arith.constant 0 : i32
        %add3A_463 = arith.addi %add3A_461, %add3A_462 : i32
        %get3A_464 = arith.index_cast %add3A_463 : i32 to index
        %get3A_465 = tpu.vector_load %arg14[%get3A_464] {strides = array<i32>} : memref<1024xf32, #tpu.memory_space<vmem>>, vector<16xf32>,
        %div3A_466 = arith.divf %get3A_465, %max3A_442 : vector<16xf32>
        %swap3A_467 = arith.index_cast %add3A_463 : i32 to index
        %swap3A_468 = tpu.vector_load %arg14[%swap3A_467] {strides = array<i32>} : memref<1024xf32, #tpu.memory_space<vmem>>, vector<16xf32>,
        tpu.vector_store %arg14[%swap3A_467], %div3A_466 {strides = array<i32>} : memref<1024xf32, #tpu.memory_space<vmem>>, vector<16xf32>,
        %add3A_469 = arith.constant 192 : i32
        %add3A_470 = arith.addi %mul3A_222, %add3A_469 : i32
        %add3A_471 = arith.constant 0 : i32
        %add3A_472 = arith.addi %add3A_470, %add3A_471 : i32
        %get3A_473 = arith.index_cast %add3A_472 : i32 to index
        %get3A_474 = tpu.vector_load %arg14[%get3A_473] {strides = array<i32>} : memref<1024xf32, #tpu.memory_space<vmem>>, vector<16xf32>,
        %div3A_475 = arith.divf %get3A_474, %max3A_442 : vector<16xf32>
        %swap3A_476 = arith.index_cast %add3A_472 : i32 to index
        %swap3A_477 = tpu.vector_load %arg14[%swap3A_476] {strides = array<i32>} : memref<1024xf32, #tpu.memory_space<vmem>>, vector<16xf32>,
        tpu.vector_store %arg14[%swap3A_476], %div3A_475 {strides = array<i32>} : memref<1024xf32, #tpu.memory_space<vmem>>, vector<16xf32>,
        %add3A_478 = arith.constant 256 : i32
        %add3A_479 = arith.addi %mul3A_222, %add3A_478 : i32
        %add3A_480 = arith.constant 0 : i32
        %add3A_481 = arith.addi %add3A_479, %add3A_480 : i32
        %get3A_482 = arith.index_cast %add3A_481 : i32 to index
        %get3A_483 = tpu.vector_load %arg14[%get3A_482] {strides = array<i32>} : memref<1024xf32, #tpu.memory_space<vmem>>, vector<16xf32>,
        %div3A_484 = arith.divf %get3A_483, %max3A_442 : vector<16xf32>
        %swap3A_485 = arith.index_cast %add3A_481 : i32 to index
        %swap3A_486 = tpu.vector_load %arg14[%swap3A_485] {strides = array<i32>} : memref<1024xf32, #tpu.memory_space<vmem>>, vector<16xf32>,
        tpu.vector_store %arg14[%swap3A_485], %div3A_484 {strides = array<i32>} : memref<1024xf32, #tpu.memory_space<vmem>>, vector<16xf32>,
        %add3A_487 = arith.constant 320 : i32
        %add3A_488 = arith.addi %mul3A_222, %add3A_487 : i32
        %add3A_489 = arith.constant 0 : i32
        %add3A_490 = arith.addi %add3A_488, %add3A_489 : i32
        %get3A_491 = arith.index_cast %add3A_490 : i32 to index
        %get3A_492 = tpu.vector_load %arg14[%get3A_491] {strides = array<i32>} : memref<1024xf32, #tpu.memory_space<vmem>>, vector<16xf32>,
        %div3A_493 = arith.divf %get3A_492, %max3A_442 : vector<16xf32>
        %swap3A_494 = arith.index_cast %add3A_490 : i32 to index
        %swap3A_495 = tpu.vector_load %arg14[%swap3A_494] {strides = array<i32>} : memref<1024xf32, #tpu.memory_space<vmem>>, vector<16xf32>,
        tpu.vector_store %arg14[%swap3A_494], %div3A_493 {strides = array<i32>} : memref<1024xf32, #tpu.memory_space<vmem>>, vector<16xf32>,
        %add3A_496 = arith.constant 384 : i32
        %add3A_497 = arith.addi %mul3A_222, %add3A_496 : i32
        %add3A_498 = arith.constant 0 : i32
        %add3A_499 = arith.addi %add3A_497, %add3A_498 : i32
        %get3A_500 = arith.index_cast %add3A_499 : i32 to index
        %get3A_501 = tpu.vector_load %arg14[%get3A_500] {strides = array<i32>} : memref<1024xf32, #tpu.memory_space<vmem>>, vector<16xf32>,
        %div3A_502 = arith.divf %get3A_501, %max3A_442 : vector<16xf32>
        %swap3A_503 = arith.index_cast %add3A_499 : i32 to index
        %swap3A_504 = tpu.vector_load %arg14[%swap3A_503] {strides = array<i32>} : memref<1024xf32, #tpu.memory_space<vmem>>, vector<16xf32>,
        tpu.vector_store %arg14[%swap3A_503], %div3A_502 {strides = array<i32>} : memref<1024xf32, #tpu.memory_space<vmem>>, vector<16xf32>,
        %add3A_505 = arith.constant 448 : i32
        %add3A_506 = arith.addi %mul3A_222, %add3A_505 : i32
        %add3A_507 = arith.constant 0 : i32
        %add3A_508 = arith.addi %add3A_506, %add3A_507 : i32
        %get3A_509 = arith.index_cast %add3A_508 : i32 to index
        %get3A_510 = tpu.vector_load %arg14[%get3A_509] {strides = array<i32>} : memref<1024xf32, #tpu.memory_space<vmem>>, vector<16xf32>,
        %div3A_511 = arith.divf %get3A_510, %max3A_442 : vector<16xf32>
        %swap3A_512 = arith.index_cast %add3A_508 : i32 to index
        %swap3A_513 = tpu.vector_load %arg14[%swap3A_512] {strides = array<i32>} : memref<1024xf32, #tpu.memory_space<vmem>>, vector<16xf32>,
        tpu.vector_store %arg14[%swap3A_512], %div3A_511 {strides = array<i32>} : memref<1024xf32, #tpu.memory_space<vmem>>, vector<16xf32>,
        %add3A_514 = arith.constant 16 : i32
        %add3A_515 = arith.addi %mul3A_224, %add3A_514 : i32
        %get3A_516 = arith.index_cast %add3A_515 : i32 to index
        %get3A_517 = tpu.vector_load %arg15[%get3A_516] {strides = array<i32>} : memref<128xf32, #tpu.memory_space<vmem>>, vector<16xf32>,
        %max3A_518 = arith.constant 9.99999996E-13 : f32
        %max3A_519 = vector.broadcast %max3A_518 : f32 to vector<16xf32>
        %max3A_520 = arith.maximumf %get3A_517, %max3A_519 : vector<16xf32>
        %add3A_521 = arith.constant 0 : i32
        %add3A_522 = arith.addi %mul3A_222, %add3A_521 : i32
        %add3A_523 = arith.constant 16 : i32
        %add3A_524 = arith.addi %add3A_522, %add3A_523 : i32
        %get3A_525 = arith.index_cast %add3A_524 : i32 to index
        %get3A_526 = tpu.vector_load %arg14[%get3A_525] {strides = array<i32>} : memref<1024xf32, #tpu.memory_space<vmem>>, vector<16xf32>,
        %div3A_527 = arith.divf %get3A_526, %max3A_520 : vector<16xf32>
        %swap3A_528 = arith.index_cast %add3A_524 : i32 to index
        %swap3A_529 = tpu.vector_load %arg14[%swap3A_528] {strides = array<i32>} : memref<1024xf32, #tpu.memory_space<vmem>>, vector<16xf32>,
        tpu.vector_store %arg14[%swap3A_528], %div3A_527 {strides = array<i32>} : memref<1024xf32, #tpu.memory_space<vmem>>, vector<16xf32>,
        %add3A_530 = arith.constant 64 : i32
        %add3A_531 = arith.addi %mul3A_222, %add3A_530 : i32
        %add3A_532 = arith.constant 16 : i32
        %add3A_533 = arith.addi %add3A_531, %add3A_532 : i32
        %get3A_534 = arith.index_cast %add3A_533 : i32 to index
        %get3A_535 = tpu.vector_load %arg14[%get3A_534] {strides = array<i32>} : memref<1024xf32, #tpu.memory_space<vmem>>, vector<16xf32>,
        %div3A_536 = arith.divf %get3A_535, %max3A_520 : vector<16xf32>
        %swap3A_537 = arith.index_cast %add3A_533 : i32 to index
        %swap3A_538 = tpu.vector_load %arg14[%swap3A_537] {strides = array<i32>} : memref<1024xf32, #tpu.memory_space<vmem>>, vector<16xf32>,
        tpu.vector_store %arg14[%swap3A_537], %div3A_536 {strides = array<i32>} : memref<1024xf32, #tpu.memory_space<vmem>>, vector<16xf32>,
        %add3A_539 = arith.constant 128 : i32
        %add3A_540 = arith.addi %mul3A_222, %add3A_539 : i32
        %add3A_541 = arith.constant 16 : i32
        %add3A_542 = arith.addi %add3A_540, %add3A_541 : i32
        %get3A_543 = arith.index_cast %add3A_542 : i32 to index
        %get3A_544 = tpu.vector_load %arg14[%get3A_543] {strides = array<i32>} : memref<1024xf32, #tpu.memory_space<vmem>>, vector<16xf32>,
        %div3A_545 = arith.divf %get3A_544, %max3A_520 : vector<16xf32>
        %swap3A_546 = arith.index_cast %add3A_542 : i32 to index
        %swap3A_547 = tpu.vector_load %arg14[%swap3A_546] {strides = array<i32>} : memref<1024xf32, #tpu.memory_space<vmem>>, vector<16xf32>,
        tpu.vector_store %arg14[%swap3A_546], %div3A_545 {strides = array<i32>} : memref<1024xf32, #tpu.memory_space<vmem>>, vector<16xf32>,
        %add3A_548 = arith.constant 192 : i32
        %add3A_549 = arith.addi %mul3A_222, %add3A_548 : i32
        %add3A_550 = arith.constant 16 : i32
        %add3A_551 = arith.addi %add3A_549, %add3A_550 : i32
        %get3A_552 = arith.index_cast %add3A_551 : i32 to index
        %get3A_553 = tpu.vector_load %arg14[%get3A_552] {strides = array<i32>} : memref<1024xf32, #tpu.memory_space<vmem>>, vector<16xf32>,
        %div3A_554 = arith.divf %get3A_553, %max3A_520 : vector<16xf32>
        %swap3A_555 = arith.index_cast %add3A_551 : i32 to index
        %swap3A_556 = tpu.vector_load %arg14[%swap3A_555] {strides = array<i32>} : memref<1024xf32, #tpu.memory_space<vmem>>, vector<16xf32>,
        tpu.vector_store %arg14[%swap3A_555], %div3A_554 {strides = array<i32>} : memref<1024xf32, #tpu.memory_space<vmem>>, vector<16xf32>,
        %add3A_557 = arith.constant 256 : i32
        %add3A_558 = arith.addi %mul3A_222, %add3A_557 : i32
        %add3A_559 = arith.constant 16 : i32
        %add3A_560 = arith.addi %add3A_558, %add3A_559 : i32
        %get3A_561 = arith.index_cast %add3A_560 : i32 to index
        %get3A_562 = tpu.vector_load %arg14[%get3A_561] {strides = array<i32>} : memref<1024xf32, #tpu.memory_space<vmem>>, vector<16xf32>,
        %div3A_563 = arith.divf %get3A_562, %max3A_520 : vector<16xf32>
        %swap3A_564 = arith.index_cast %add3A_560 : i32 to index
        %swap3A_565 = tpu.vector_load %arg14[%swap3A_564] {strides = array<i32>} : memref<1024xf32, #tpu.memory_space<vmem>>, vector<16xf32>,
        tpu.vector_store %arg14[%swap3A_564], %div3A_563 {strides = array<i32>} : memref<1024xf32, #tpu.memory_space<vmem>>, vector<16xf32>,
        %add3A_566 = arith.constant 320 : i32
        %add3A_567 = arith.addi %mul3A_222, %add3A_566 : i32
        %add3A_568 = arith.constant 16 : i32
        %add3A_569 = arith.addi %add3A_567, %add3A_568 : i32
        %get3A_570 = arith.index_cast %add3A_569 : i32 to index
        %get3A_571 = tpu.vector_load %arg14[%get3A_570] {strides = array<i32>} : memref<1024xf32, #tpu.memory_space<vmem>>, vector<16xf32>,
        %div3A_572 = arith.divf %get3A_571, %max3A_520 : vector<16xf32>
        %swap3A_573 = arith.index_cast %add3A_569 : i32 to index
        %swap3A_574 = tpu.vector_load %arg14[%swap3A_573] {strides = array<i32>} : memref<1024xf32, #tpu.memory_space<vmem>>, vector<16xf32>,
        tpu.vector_store %arg14[%swap3A_573], %div3A_572 {strides = array<i32>} : memref<1024xf32, #tpu.memory_space<vmem>>, vector<16xf32>,
        %add3A_575 = arith.constant 384 : i32
        %add3A_576 = arith.addi %mul3A_222, %add3A_575 : i32
        %add3A_577 = arith.constant 16 : i32
        %add3A_578 = arith.addi %add3A_576, %add3A_577 : i32
        %get3A_579 = arith.index_cast %add3A_578 : i32 to index
        %get3A_580 = tpu.vector_load %arg14[%get3A_579] {strides = array<i32>} : memref<1024xf32, #tpu.memory_space<vmem>>, vector<16xf32>,
        %div3A_581 = arith.divf %get3A_580, %max3A_520 : vector<16xf32>
        %swap3A_582 = arith.index_cast %add3A_578 : i32 to index
        %swap3A_583 = tpu.vector_load %arg14[%swap3A_582] {strides = array<i32>} : memref<1024xf32, #tpu.memory_space<vmem>>, vector<16xf32>,
        tpu.vector_store %arg14[%swap3A_582], %div3A_581 {strides = array<i32>} : memref<1024xf32, #tpu.memory_space<vmem>>, vector<16xf32>,
        %add3A_584 = arith.constant 448 : i32
        %add3A_585 = arith.addi %mul3A_222, %add3A_584 : i32
        %add3A_586 = arith.constant 16 : i32
        %add3A_587 = arith.addi %add3A_585, %add3A_586 : i32
        %get3A_588 = arith.index_cast %add3A_587 : i32 to index
        %get3A_589 = tpu.vector_load %arg14[%get3A_588] {strides = array<i32>} : memref<1024xf32, #tpu.memory_space<vmem>>, vector<16xf32>,
        %div3A_590 = arith.divf %get3A_589, %max3A_520 : vector<16xf32>
        %swap3A_591 = arith.index_cast %add3A_587 : i32 to index
        %swap3A_592 = tpu.vector_load %arg14[%swap3A_591] {strides = array<i32>} : memref<1024xf32, #tpu.memory_space<vmem>>, vector<16xf32>,
        tpu.vector_store %arg14[%swap3A_591], %div3A_590 {strides = array<i32>} : memref<1024xf32, #tpu.memory_space<vmem>>, vector<16xf32>,
        %add3A_593 = arith.constant 32 : i32
        %add3A_594 = arith.addi %mul3A_224, %add3A_593 : i32
        %get3A_595 = arith.index_cast %add3A_594 : i32 to index
        %get3A_596 = tpu.vector_load %arg15[%get3A_595] {strides = array<i32>} : memref<128xf32, #tpu.memory_space<vmem>>, vector<16xf32>,
        %max3A_597 = arith.constant 9.99999996E-13 : f32
        %max3A_598 = vector.broadcast %max3A_597 : f32 to vector<16xf32>
        %max3A_599 = arith.maximumf %get3A_596, %max3A_598 : vector<16xf32>
        %add3A_600 = arith.constant 0 : i32
        %add3A_601 = arith.addi %mul3A_222, %add3A_600 : i32
        %add3A_602 = arith.constant 32 : i32
        %add3A_603 = arith.addi %add3A_601, %add3A_602 : i32
        %get3A_604 = arith.index_cast %add3A_603 : i32 to index
        %get3A_605 = tpu.vector_load %arg14[%get3A_604] {strides = array<i32>} : memref<1024xf32, #tpu.memory_space<vmem>>, vector<16xf32>,
        %div3A_606 = arith.divf %get3A_605, %max3A_599 : vector<16xf32>
        %swap3A_607 = arith.index_cast %add3A_603 : i32 to index
        %swap3A_608 = tpu.vector_load %arg14[%swap3A_607] {strides = array<i32>} : memref<1024xf32, #tpu.memory_space<vmem>>, vector<16xf32>,
        tpu.vector_store %arg14[%swap3A_607], %div3A_606 {strides = array<i32>} : memref<1024xf32, #tpu.memory_space<vmem>>, vector<16xf32>,
        %add3A_609 = arith.constant 64 : i32
        %add3A_610 = arith.addi %mul3A_222, %add3A_609 : i32
        %add3A_611 = arith.constant 32 : i32
        %add3A_612 = arith.addi %add3A_610, %add3A_611 : i32
        %get3A_613 = arith.index_cast %add3A_612 : i32 to index
        %get3A_614 = tpu.vector_load %arg14[%get3A_613] {strides = array<i32>} : memref<1024xf32, #tpu.memory_space<vmem>>, vector<16xf32>,
        %div3A_615 = arith.divf %get3A_614, %max3A_599 : vector<16xf32>
        %swap3A_616 = arith.index_cast %add3A_612 : i32 to index
        %swap3A_617 = tpu.vector_load %arg14[%swap3A_616] {strides = array<i32>} : memref<1024xf32, #tpu.memory_space<vmem>>, vector<16xf32>,
        tpu.vector_store %arg14[%swap3A_616], %div3A_615 {strides = array<i32>} : memref<1024xf32, #tpu.memory_space<vmem>>, vector<16xf32>,
        %add3A_618 = arith.constant 128 : i32
        %add3A_619 = arith.addi %mul3A_222, %add3A_618 : i32
        %add3A_620 = arith.constant 32 : i32
        %add3A_621 = arith.addi %add3A_619, %add3A_620 : i32
        %get3A_622 = arith.index_cast %add3A_621 : i32 to index
        %get3A_623 = tpu.vector_load %arg14[%get3A_622] {strides = array<i32>} : memref<1024xf32, #tpu.memory_space<vmem>>, vector<16xf32>,
        %div3A_624 = arith.divf %get3A_623, %max3A_599 : vector<16xf32>
        %swap3A_625 = arith.index_cast %add3A_621 : i32 to index
        %swap3A_626 = tpu.vector_load %arg14[%swap3A_625] {strides = array<i32>} : memref<1024xf32, #tpu.memory_space<vmem>>, vector<16xf32>,
        tpu.vector_store %arg14[%swap3A_625], %div3A_624 {strides = array<i32>} : memref<1024xf32, #tpu.memory_space<vmem>>, vector<16xf32>,
        %add3A_627 = arith.constant 192 : i32
        %add3A_628 = arith.addi %mul3A_222, %add3A_627 : i32
        %add3A_629 = arith.constant 32 : i32
        %add3A_630 = arith.addi %add3A_628, %add3A_629 : i32
        %get3A_631 = arith.index_cast %add3A_630 : i32 to index
        %get3A_632 = tpu.vector_load %arg14[%get3A_631] {strides = array<i32>} : memref<1024xf32, #tpu.memory_space<vmem>>, vector<16xf32>,
        %div3A_633 = arith.divf %get3A_632, %max3A_599 : vector<16xf32>
        %swap3A_634 = arith.index_cast %add3A_630 : i32 to index
        %swap3A_635 = tpu.vector_load %arg14[%swap3A_634] {strides = array<i32>} : memref<1024xf32, #tpu.memory_space<vmem>>, vector<16xf32>,
        tpu.vector_store %arg14[%swap3A_634], %div3A_633 {strides = array<i32>} : memref<1024xf32, #tpu.memory_space<vmem>>, vector<16xf32>,
        %add3A_636 = arith.constant 256 : i32
        %add3A_637 = arith.addi %mul3A_222, %add3A_636 : i32
        %add3A_638 = arith.constant 32 : i32
        %add3A_639 = arith.addi %add3A_637, %add3A_638 : i32
        %get3A_640 = arith.index_cast %add3A_639 : i32 to index
        %get3A_641 = tpu.vector_load %arg14[%get3A_640] {strides = array<i32>} : memref<1024xf32, #tpu.memory_space<vmem>>, vector<16xf32>,
        %div3A_642 = arith.divf %get3A_641, %max3A_599 : vector<16xf32>
        %swap3A_643 = arith.index_cast %add3A_639 : i32 to index
        %swap3A_644 = tpu.vector_load %arg14[%swap3A_643] {strides = array<i32>} : memref<1024xf32, #tpu.memory_space<vmem>>, vector<16xf32>,
        tpu.vector_store %arg14[%swap3A_643], %div3A_642 {strides = array<i32>} : memref<1024xf32, #tpu.memory_space<vmem>>, vector<16xf32>,
        %add3A_645 = arith.constant 320 : i32
        %add3A_646 = arith.addi %mul3A_222, %add3A_645 : i32
        %add3A_647 = arith.constant 32 : i32
        %add3A_648 = arith.addi %add3A_646, %add3A_647 : i32
        %get3A_649 = arith.index_cast %add3A_648 : i32 to index
        %get3A_650 = tpu.vector_load %arg14[%get3A_649] {strides = array<i32>} : memref<1024xf32, #tpu.memory_space<vmem>>, vector<16xf32>,
        %div3A_651 = arith.divf %get3A_650, %max3A_599 : vector<16xf32>
        %swap3A_652 = arith.index_cast %add3A_648 : i32 to index
        %swap3A_653 = tpu.vector_load %arg14[%swap3A_652] {strides = array<i32>} : memref<1024xf32, #tpu.memory_space<vmem>>, vector<16xf32>,
        tpu.vector_store %arg14[%swap3A_652], %div3A_651 {strides = array<i32>} : memref<1024xf32, #tpu.memory_space<vmem>>, vector<16xf32>,
        %add3A_654 = arith.constant 384 : i32
        %add3A_655 = arith.addi %mul3A_222, %add3A_654 : i32
        %add3A_656 = arith.constant 32 : i32
        %add3A_657 = arith.addi %add3A_655, %add3A_656 : i32
        %get3A_658 = arith.index_cast %add3A_657 : i32 to index
        %get3A_659 = tpu.vector_load %arg14[%get3A_658] {strides = array<i32>} : memref<1024xf32, #tpu.memory_space<vmem>>, vector<16xf32>,
        %div3A_660 = arith.divf %get3A_659, %max3A_599 : vector<16xf32>
        %swap3A_661 = arith.index_cast %add3A_657 : i32 to index
        %swap3A_662 = tpu.vector_load %arg14[%swap3A_661] {strides = array<i32>} : memref<1024xf32, #tpu.memory_space<vmem>>, vector<16xf32>,
        tpu.vector_store %arg14[%swap3A_661], %div3A_660 {strides = array<i32>} : memref<1024xf32, #tpu.memory_space<vmem>>, vector<16xf32>,
        %add3A_663 = arith.constant 448 : i32
        %add3A_664 = arith.addi %mul3A_222, %add3A_663 : i32
        %add3A_665 = arith.constant 32 : i32
        %add3A_666 = arith.addi %add3A_664, %add3A_665 : i32
        %get3A_667 = arith.index_cast %add3A_666 : i32 to index
        %get3A_668 = tpu.vector_load %arg14[%get3A_667] {strides = array<i32>} : memref<1024xf32, #tpu.memory_space<vmem>>, vector<16xf32>,
        %div3A_669 = arith.divf %get3A_668, %max3A_599 : vector<16xf32>
        %swap3A_670 = arith.index_cast %add3A_666 : i32 to index
        %swap3A_671 = tpu.vector_load %arg14[%swap3A_670] {strides = array<i32>} : memref<1024xf32, #tpu.memory_space<vmem>>, vector<16xf32>,
        tpu.vector_store %arg14[%swap3A_670], %div3A_669 {strides = array<i32>} : memref<1024xf32, #tpu.memory_space<vmem>>, vector<16xf32>,
        %add3A_672 = arith.constant 48 : i32
        %add3A_673 = arith.addi %mul3A_224, %add3A_672 : i32
        %get3A_674 = arith.index_cast %add3A_673 : i32 to index
        %get3A_675 = tpu.vector_load %arg15[%get3A_674] {strides = array<i32>} : memref<128xf32, #tpu.memory_space<vmem>>, vector<16xf32>,
        %max3A_676 = arith.constant 9.99999996E-13 : f32
        %max3A_677 = vector.broadcast %max3A_676 : f32 to vector<16xf32>
        %max3A_678 = arith.maximumf %get3A_675, %max3A_677 : vector<16xf32>
        %add3A_679 = arith.constant 0 : i32
        %add3A_680 = arith.addi %mul3A_222, %add3A_679 : i32
        %add3A_681 = arith.constant 48 : i32
        %add3A_682 = arith.addi %add3A_680, %add3A_681 : i32
        %get3A_683 = arith.index_cast %add3A_682 : i32 to index
        %get3A_684 = tpu.vector_load %arg14[%get3A_683] {strides = array<i32>} : memref<1024xf32, #tpu.memory_space<vmem>>, vector<16xf32>,
        %div3A_685 = arith.divf %get3A_684, %max3A_678 : vector<16xf32>
        %swap3A_686 = arith.index_cast %add3A_682 : i32 to index
        %swap3A_687 = tpu.vector_load %arg14[%swap3A_686] {strides = array<i32>} : memref<1024xf32, #tpu.memory_space<vmem>>, vector<16xf32>,
        tpu.vector_store %arg14[%swap3A_686], %div3A_685 {strides = array<i32>} : memref<1024xf32, #tpu.memory_space<vmem>>, vector<16xf32>,
        %add3A_688 = arith.constant 64 : i32
        %add3A_689 = arith.addi %mul3A_222, %add3A_688 : i32
        %add3A_690 = arith.constant 48 : i32
        %add3A_691 = arith.addi %add3A_689, %add3A_690 : i32
        %get3A_692 = arith.index_cast %add3A_691 : i32 to index
        %get3A_693 = tpu.vector_load %arg14[%get3A_692] {strides = array<i32>} : memref<1024xf32, #tpu.memory_space<vmem>>, vector<16xf32>,
        %div3A_694 = arith.divf %get3A_693, %max3A_678 : vector<16xf32>
        %swap3A_695 = arith.index_cast %add3A_691 : i32 to index
        %swap3A_696 = tpu.vector_load %arg14[%swap3A_695] {strides = array<i32>} : memref<1024xf32, #tpu.memory_space<vmem>>, vector<16xf32>,
        tpu.vector_store %arg14[%swap3A_695], %div3A_694 {strides = array<i32>} : memref<1024xf32, #tpu.memory_space<vmem>>, vector<16xf32>,
        %add3A_697 = arith.constant 128 : i32
        %add3A_698 = arith.addi %mul3A_222, %add3A_697 : i32
        %add3A_699 = arith.constant 48 : i32
        %add3A_700 = arith.addi %add3A_698, %add3A_699 : i32
        %get3A_701 = arith.index_cast %add3A_700 : i32 to index
        %get3A_702 = tpu.vector_load %arg14[%get3A_701] {strides = array<i32>} : memref<1024xf32, #tpu.memory_space<vmem>>, vector<16xf32>,
        %div3A_703 = arith.divf %get3A_702, %max3A_678 : vector<16xf32>
        %swap3A_704 = arith.index_cast %add3A_700 : i32 to index
        %swap3A_705 = tpu.vector_load %arg14[%swap3A_704] {strides = array<i32>} : memref<1024xf32, #tpu.memory_space<vmem>>, vector<16xf32>,
        tpu.vector_store %arg14[%swap3A_704], %div3A_703 {strides = array<i32>} : memref<1024xf32, #tpu.memory_space<vmem>>, vector<16xf32>,
        %add3A_706 = arith.constant 192 : i32
        %add3A_707 = arith.addi %mul3A_222, %add3A_706 : i32
        %add3A_708 = arith.constant 48 : i32
        %add3A_709 = arith.addi %add3A_707, %add3A_708 : i32
        %get3A_710 = arith.index_cast %add3A_709 : i32 to index
        %get3A_711 = tpu.vector_load %arg14[%get3A_710] {strides = array<i32>} : memref<1024xf32, #tpu.memory_space<vmem>>, vector<16xf32>,
        %div3A_712 = arith.divf %get3A_711, %max3A_678 : vector<16xf32>
        %swap3A_713 = arith.index_cast %add3A_709 : i32 to index
        %swap3A_714 = tpu.vector_load %arg14[%swap3A_713] {strides = array<i32>} : memref<1024xf32, #tpu.memory_space<vmem>>, vector<16xf32>,
        tpu.vector_store %arg14[%swap3A_713], %div3A_712 {strides = array<i32>} : memref<1024xf32, #tpu.memory_space<vmem>>, vector<16xf32>,
        %add3A_715 = arith.constant 256 : i32
        %add3A_716 = arith.addi %mul3A_222, %add3A_715 : i32
        %add3A_717 = arith.constant 48 : i32
        %add3A_718 = arith.addi %add3A_716, %add3A_717 : i32
        %get3A_719 = arith.index_cast %add3A_718 : i32 to index
        %get3A_720 = tpu.vector_load %arg14[%get3A_719] {strides = array<i32>} : memref<1024xf32, #tpu.memory_space<vmem>>, vector<16xf32>,
        %div3A_721 = arith.divf %get3A_720, %max3A_678 : vector<16xf32>
        %swap3A_722 = arith.index_cast %add3A_718 : i32 to index
        %swap3A_723 = tpu.vector_load %arg14[%swap3A_722] {strides = array<i32>} : memref<1024xf32, #tpu.memory_space<vmem>>, vector<16xf32>,
        tpu.vector_store %arg14[%swap3A_722], %div3A_721 {strides = array<i32>} : memref<1024xf32, #tpu.memory_space<vmem>>, vector<16xf32>,
        %add3A_724 = arith.constant 320 : i32
        %add3A_725 = arith.addi %mul3A_222, %add3A_724 : i32
        %add3A_726 = arith.constant 48 : i32
        %add3A_727 = arith.addi %add3A_725, %add3A_726 : i32
        %get3A_728 = arith.index_cast %add3A_727 : i32 to index
        %get3A_729 = tpu.vector_load %arg14[%get3A_728] {strides = array<i32>} : memref<1024xf32, #tpu.memory_space<vmem>>, vector<16xf32>,
        %div3A_730 = arith.divf %get3A_729, %max3A_678 : vector<16xf32>
        %swap3A_731 = arith.index_cast %add3A_727 : i32 to index
        %swap3A_732 = tpu.vector_load %arg14[%swap3A_731] {strides = array<i32>} : memref<1024xf32, #tpu.memory_space<vmem>>, vector<16xf32>,
        tpu.vector_store %arg14[%swap3A_731], %div3A_730 {strides = array<i32>} : memref<1024xf32, #tpu.memory_space<vmem>>, vector<16xf32>,
        %add3A_733 = arith.constant 384 : i32
        %add3A_734 = arith.addi %mul3A_222, %add3A_733 : i32
        %add3A_735 = arith.constant 48 : i32
        %add3A_736 = arith.addi %add3A_734, %add3A_735 : i32
        %get3A_737 = arith.index_cast %add3A_736 : i32 to index
        %get3A_738 = tpu.vector_load %arg14[%get3A_737] {strides = array<i32>} : memref<1024xf32, #tpu.memory_space<vmem>>, vector<16xf32>,
        %div3A_739 = arith.divf %get3A_738, %max3A_678 : vector<16xf32>
        %swap3A_740 = arith.index_cast %add3A_736 : i32 to index
        %swap3A_741 = tpu.vector_load %arg14[%swap3A_740] {strides = array<i32>} : memref<1024xf32, #tpu.memory_space<vmem>>, vector<16xf32>,
        tpu.vector_store %arg14[%swap3A_740], %div3A_739 {strides = array<i32>} : memref<1024xf32, #tpu.memory_space<vmem>>, vector<16xf32>,
        %add3A_742 = arith.constant 448 : i32
        %add3A_743 = arith.addi %mul3A_222, %add3A_742 : i32
        %add3A_744 = arith.constant 48 : i32
        %add3A_745 = arith.addi %add3A_743, %add3A_744 : i32
        %get3A_746 = arith.index_cast %add3A_745 : i32 to index
        %get3A_747 = tpu.vector_load %arg14[%get3A_746] {strides = array<i32>} : memref<1024xf32, #tpu.memory_space<vmem>>, vector<16xf32>,
        %div3A_748 = arith.divf %get3A_747, %max3A_678 : vector<16xf32>
        %swap3A_749 = arith.index_cast %add3A_745 : i32 to index
        %swap3A_750 = tpu.vector_load %arg14[%swap3A_749] {strides = array<i32>} : memref<1024xf32, #tpu.memory_space<vmem>>, vector<16xf32>,
        tpu.vector_store %arg14[%swap3A_749], %div3A_748 {strides = array<i32>} : memref<1024xf32, #tpu.memory_space<vmem>>, vector<16xf32>,
        %add3A_751 = arith.constant 0 : i32
        %add3A_752 = arith.addi %mul3A_222, %add3A_751 : i32
        %add3A_753 = arith.constant 0 : i32
        %add3A_754 = arith.addi %add3A_753, %add3A_211 : i32
        %dma_start3A = tpu.memref_slice %arg14[%add3A_752] : memref<1024xf32, #tpu.memory_space<vmem>> -> memref<64xf32, #tpu.memory_space<vmem>>
        %dma_start3A_755 = tpu.memref_slice %arg7[%add3A_754] : memref<1048576xf32, #tpu.memory_space<hbm>> -> memref<64xf32, #tpu.memory_space<hbm>>
        %dma_start3A_756 = tpu.memref_slice %arg7[%add3A_754] : memref<1048576xf32, #tpu.memory_space<hbm>> -> memref<64xf32, #tpu.memory_space<hbm>>
        %dma_start3A_757 = tpu.memref_slice %arg14[%add3A_752] : memref<1024xf32, #tpu.memory_space<vmem>> -> memref<64xf32, #tpu.memory_space<vmem>>
        tpu.enqueue_dma source(%dma_start3A_757 : memref<64xf32, #tpu.memory_space<vmem>>) target(%dma_start3A_756 : memref<64xf32, #tpu.memory_space<hbm>>) target_semaphore(%arg18 : memref<!tpu.dma_semaphore, #tpu.memory_space<semaphore_mem>>)
        %add3A_758 = arith.constant 64 : i32
        %add3A_759 = arith.addi %mul3A_222, %add3A_758 : i32
        %add3A_760 = arith.constant 131072 : i32
        %add3A_761 = arith.addi %add3A_760, %add3A_211 : i32
        %dma_start3A_762 = tpu.memref_slice %arg14[%add3A_759] : memref<1024xf32, #tpu.memory_space<vmem>> -> memref<64xf32, #tpu.memory_space<vmem>>
        %dma_start3A_763 = tpu.memref_slice %arg7[%add3A_761] : memref<1048576xf32, #tpu.memory_space<hbm>> -> memref<64xf32, #tpu.memory_space<hbm>>
        %dma_start3A_764 = tpu.memref_slice %arg7[%add3A_761] : memref<1048576xf32, #tpu.memory_space<hbm>> -> memref<64xf32, #tpu.memory_space<hbm>>
        %dma_start3A_765 = tpu.memref_slice %arg14[%add3A_759] : memref<1024xf32, #tpu.memory_space<vmem>> -> memref<64xf32, #tpu.memory_space<vmem>>
        tpu.enqueue_dma source(%dma_start3A_765 : memref<64xf32, #tpu.memory_space<vmem>>) target(%dma_start3A_764 : memref<64xf32, #tpu.memory_space<hbm>>) target_semaphore(%arg18 : memref<!tpu.dma_semaphore, #tpu.memory_space<semaphore_mem>>)
        %add3A_766 = arith.constant 128 : i32
        %add3A_767 = arith.addi %mul3A_222, %add3A_766 : i32
        %add3A_768 = arith.constant 262144 : i32
        %add3A_769 = arith.addi %add3A_768, %add3A_211 : i32
        %dma_start3A_770 = tpu.memref_slice %arg14[%add3A_767] : memref<1024xf32, #tpu.memory_space<vmem>> -> memref<64xf32, #tpu.memory_space<vmem>>
        %dma_start3A_771 = tpu.memref_slice %arg7[%add3A_769] : memref<1048576xf32, #tpu.memory_space<hbm>> -> memref<64xf32, #tpu.memory_space<hbm>>
        %dma_start3A_772 = tpu.memref_slice %arg7[%add3A_769] : memref<1048576xf32, #tpu.memory_space<hbm>> -> memref<64xf32, #tpu.memory_space<hbm>>
        %dma_start3A_773 = tpu.memref_slice %arg14[%add3A_767] : memref<1024xf32, #tpu.memory_space<vmem>> -> memref<64xf32, #tpu.memory_space<vmem>>
        tpu.enqueue_dma source(%dma_start3A_773 : memref<64xf32, #tpu.memory_space<vmem>>) target(%dma_start3A_772 : memref<64xf32, #tpu.memory_space<hbm>>) target_semaphore(%arg18 : memref<!tpu.dma_semaphore, #tpu.memory_space<semaphore_mem>>)
        %add3A_774 = arith.constant 192 : i32
        %add3A_775 = arith.addi %mul3A_222, %add3A_774 : i32
        %add3A_776 = arith.constant 393216 : i32
        %add3A_777 = arith.addi %add3A_776, %add3A_211 : i32
        %dma_start3A_778 = tpu.memref_slice %arg14[%add3A_775] : memref<1024xf32, #tpu.memory_space<vmem>> -> memref<64xf32, #tpu.memory_space<vmem>>
        %dma_start3A_779 = tpu.memref_slice %arg7[%add3A_777] : memref<1048576xf32, #tpu.memory_space<hbm>> -> memref<64xf32, #tpu.memory_space<hbm>>
        %dma_start3A_780 = tpu.memref_slice %arg7[%add3A_777] : memref<1048576xf32, #tpu.memory_space<hbm>> -> memref<64xf32, #tpu.memory_space<hbm>>
        %dma_start3A_781 = tpu.memref_slice %arg14[%add3A_775] : memref<1024xf32, #tpu.memory_space<vmem>> -> memref<64xf32, #tpu.memory_space<vmem>>
        tpu.enqueue_dma source(%dma_start3A_781 : memref<64xf32, #tpu.memory_space<vmem>>) target(%dma_start3A_780 : memref<64xf32, #tpu.memory_space<hbm>>) target_semaphore(%arg18 : memref<!tpu.dma_semaphore, #tpu.memory_space<semaphore_mem>>)
        %add3A_782 = arith.constant 256 : i32
        %add3A_783 = arith.addi %mul3A_222, %add3A_782 : i32
        %add3A_784 = arith.constant 524288 : i32
        %add3A_785 = arith.addi %add3A_784, %add3A_211 : i32
        %dma_start3A_786 = tpu.memref_slice %arg14[%add3A_783] : memref<1024xf32, #tpu.memory_space<vmem>> -> memref<64xf32, #tpu.memory_space<vmem>>
        %dma_start3A_787 = tpu.memref_slice %arg7[%add3A_785] : memref<1048576xf32, #tpu.memory_space<hbm>> -> memref<64xf32, #tpu.memory_space<hbm>>
        %dma_start3A_788 = tpu.memref_slice %arg7[%add3A_785] : memref<1048576xf32, #tpu.memory_space<hbm>> -> memref<64xf32, #tpu.memory_space<hbm>>
        %dma_start3A_789 = tpu.memref_slice %arg14[%add3A_783] : memref<1024xf32, #tpu.memory_space<vmem>> -> memref<64xf32, #tpu.memory_space<vmem>>
        tpu.enqueue_dma source(%dma_start3A_789 : memref<64xf32, #tpu.memory_space<vmem>>) target(%dma_start3A_788 : memref<64xf32, #tpu.memory_space<hbm>>) target_semaphore(%arg18 : memref<!tpu.dma_semaphore, #tpu.memory_space<semaphore_mem>>)
        %add3A_790 = arith.constant 320 : i32
        %add3A_791 = arith.addi %mul3A_222, %add3A_790 : i32
        %add3A_792 = arith.constant 655360 : i32
        %add3A_793 = arith.addi %add3A_792, %add3A_211 : i32
        %dma_start3A_794 = tpu.memref_slice %arg14[%add3A_791] : memref<1024xf32, #tpu.memory_space<vmem>> -> memref<64xf32, #tpu.memory_space<vmem>>
        %dma_start3A_795 = tpu.memref_slice %arg7[%add3A_793] : memref<1048576xf32, #tpu.memory_space<hbm>> -> memref<64xf32, #tpu.memory_space<hbm>>
        %dma_start3A_796 = tpu.memref_slice %arg7[%add3A_793] : memref<1048576xf32, #tpu.memory_space<hbm>> -> memref<64xf32, #tpu.memory_space<hbm>>
        %dma_start3A_797 = tpu.memref_slice %arg14[%add3A_791] : memref<1024xf32, #tpu.memory_space<vmem>> -> memref<64xf32, #tpu.memory_space<vmem>>
        tpu.enqueue_dma source(%dma_start3A_797 : memref<64xf32, #tpu.memory_space<vmem>>) target(%dma_start3A_796 : memref<64xf32, #tpu.memory_space<hbm>>) target_semaphore(%arg18 : memref<!tpu.dma_semaphore, #tpu.memory_space<semaphore_mem>>)
        %add3A_798 = arith.constant 384 : i32
        %add3A_799 = arith.addi %mul3A_222, %add3A_798 : i32
        %add3A_800 = arith.constant 786432 : i32
        %add3A_801 = arith.addi %add3A_800, %add3A_211 : i32
        %dma_start3A_802 = tpu.memref_slice %arg14[%add3A_799] : memref<1024xf32, #tpu.memory_space<vmem>> -> memref<64xf32, #tpu.memory_space<vmem>>
        %dma_start3A_803 = tpu.memref_slice %arg7[%add3A_801] : memref<1048576xf32, #tpu.memory_space<hbm>> -> memref<64xf32, #tpu.memory_space<hbm>>
        %dma_start3A_804 = tpu.memref_slice %arg7[%add3A_801] : memref<1048576xf32, #tpu.memory_space<hbm>> -> memref<64xf32, #tpu.memory_space<hbm>>
        %dma_start3A_805 = tpu.memref_slice %arg14[%add3A_799] : memref<1024xf32, #tpu.memory_space<vmem>> -> memref<64xf32, #tpu.memory_space<vmem>>
        tpu.enqueue_dma source(%dma_start3A_805 : memref<64xf32, #tpu.memory_space<vmem>>) target(%dma_start3A_804 : memref<64xf32, #tpu.memory_space<hbm>>) target_semaphore(%arg18 : memref<!tpu.dma_semaphore, #tpu.memory_space<semaphore_mem>>)
        %add3A_806 = arith.constant 448 : i32
        %add3A_807 = arith.addi %mul3A_222, %add3A_806 : i32
        %add3A_808 = arith.constant 917504 : i32
        %add3A_809 = arith.addi %add3A_808, %add3A_211 : i32
        %dma_start3A_810 = tpu.memref_slice %arg14[%add3A_807] : memref<1024xf32, #tpu.memory_space<vmem>> -> memref<64xf32, #tpu.memory_space<vmem>>
        %dma_start3A_811 = tpu.memref_slice %arg7[%add3A_809] : memref<1048576xf32, #tpu.memory_space<hbm>> -> memref<64xf32, #tpu.memory_space<hbm>>
        %dma_start3A_812 = tpu.memref_slice %arg7[%add3A_809] : memref<1048576xf32, #tpu.memory_space<hbm>> -> memref<64xf32, #tpu.memory_space<hbm>>
        %dma_start3A_813 = tpu.memref_slice %arg14[%add3A_807] : memref<1024xf32, #tpu.memory_space<vmem>> -> memref<64xf32, #tpu.memory_space<vmem>>
        tpu.enqueue_dma source(%dma_start3A_813 : memref<64xf32, #tpu.memory_space<vmem>>) target(%dma_start3A_812 : memref<64xf32, #tpu.memory_space<hbm>>) target_semaphore(%arg18 : memref<!tpu.dma_semaphore, #tpu.memory_space<semaphore_mem>>)
      } else {
      }
    }
    %scan3A_41 = arith.constant 65 : i32
    %dma_wait3A = arith.constant 0 : i32
    %dma_wait3A_42 = tpu.memref_slice %arg14[%dma_wait3A] : memref<1024xf32, #tpu.memory_space<vmem>> -> memref<64xf32, #tpu.memory_space<vmem>>
    %dma_wait3A_43 = arith.constant 0 : i32
    %dma_wait3A_44 = tpu.memref_slice %arg7[%dma_wait3A_43] : memref<1048576xf32, #tpu.memory_space<hbm>> -> memref<64xf32, #tpu.memory_space<hbm>>
    %dma_wait3A_45 = arith.constant 0 : i32
    %dma_wait3A_46 = tpu.memref_slice %arg7[%dma_wait3A_45] : memref<1048576xf32, #tpu.memory_space<hbm>> -> memref<64xf32, #tpu.memory_space<hbm>>
    %dma_wait3A_47 = arith.constant 0 : i32
    %dma_wait3A_48 = tpu.memref_slice %arg14[%dma_wait3A_47] : memref<1024xf32, #tpu.memory_space<vmem>> -> memref<64xf32, #tpu.memory_space<vmem>>
    tpu.wait_dma2 semaphore(%arg18 : memref<!tpu.dma_semaphore, #tpu.memory_space<semaphore_mem>>) src(%dma_wait3A_48 : memref<64xf32, #tpu.memory_space<vmem>>) dst(%dma_wait3A_46 : memref<64xf32, #tpu.memory_space<hbm>>)
    %dma_wait3A_49 = arith.constant 0 : i32
    %dma_wait3A_50 = tpu.memref_slice %arg14[%dma_wait3A_49] : memref<1024xf32, #tpu.memory_space<vmem>> -> memref<64xf32, #tpu.memory_space<vmem>>
    %dma_wait3A_51 = arith.constant 0 : i32
    %dma_wait3A_52 = tpu.memref_slice %arg7[%dma_wait3A_51] : memref<1048576xf32, #tpu.memory_space<hbm>> -> memref<64xf32, #tpu.memory_space<hbm>>
    %dma_wait3A_53 = arith.constant 0 : i32
    %dma_wait3A_54 = tpu.memref_slice %arg7[%dma_wait3A_53] : memref<1048576xf32, #tpu.memory_space<hbm>> -> memref<64xf32, #tpu.memory_space<hbm>>
    %dma_wait3A_55 = arith.constant 0 : i32
    %dma_wait3A_56 = tpu.memref_slice %arg14[%dma_wait3A_55] : memref<1024xf32, #tpu.memory_space<vmem>> -> memref<64xf32, #tpu.memory_space<vmem>>
    tpu.wait_dma2 semaphore(%arg18 : memref<!tpu.dma_semaphore, #tpu.memory_space<semaphore_mem>>) src(%dma_wait3A_56 : memref<64xf32, #tpu.memory_space<vmem>>) dst(%dma_wait3A_54 : memref<64xf32, #tpu.memory_space<hbm>>)
    %dma_wait3A_57 = arith.constant 0 : i32
    %dma_wait3A_58 = tpu.memref_slice %arg14[%dma_wait3A_57] : memref<1024xf32, #tpu.memory_space<vmem>> -> memref<64xf32, #tpu.memory_space<vmem>>
    %dma_wait3A_59 = arith.constant 0 : i32
    %dma_wait3A_60 = tpu.memref_slice %arg7[%dma_wait3A_59] : memref<1048576xf32, #tpu.memory_space<hbm>> -> memref<64xf32, #tpu.memory_space<hbm>>
    %dma_wait3A_61 = arith.constant 0 : i32
    %dma_wait3A_62 = tpu.memref_slice %arg7[%dma_wait3A_61] : memref<1048576xf32, #tpu.memory_space<hbm>> -> memref<64xf32, #tpu.memory_space<hbm>>
    %dma_wait3A_63 = arith.constant 0 : i32
    %dma_wait3A_64 = tpu.memref_slice %arg14[%dma_wait3A_63] : memref<1024xf32, #tpu.memory_space<vmem>> -> memref<64xf32, #tpu.memory_space<vmem>>
    tpu.wait_dma2 semaphore(%arg18 : memref<!tpu.dma_semaphore, #tpu.memory_space<semaphore_mem>>) src(%dma_wait3A_64 : memref<64xf32, #tpu.memory_space<vmem>>) dst(%dma_wait3A_62 : memref<64xf32, #tpu.memory_space<hbm>>)
    %dma_wait3A_65 = arith.constant 0 : i32
    %dma_wait3A_66 = tpu.memref_slice %arg14[%dma_wait3A_65] : memref<1024xf32, #tpu.memory_space<vmem>> -> memref<64xf32, #tpu.memory_space<vmem>>
    %dma_wait3A_67 = arith.constant 0 : i32
    %dma_wait3A_68 = tpu.memref_slice %arg7[%dma_wait3A_67] : memref<1048576xf32, #tpu.memory_space<hbm>> -> memref<64xf32, #tpu.memory_space<hbm>>
    %dma_wait3A_69 = arith.constant 0 : i32
    %dma_wait3A_70 = tpu.memref_slice %arg7[%dma_wait3A_69] : memref<1048576xf32, #tpu.memory_space<hbm>> -> memref<64xf32, #tpu.memory_space<hbm>>
    %dma_wait3A_71 = arith.constant 0 : i32
    %dma_wait3A_72 = tpu.memref_slice %arg14[%dma_wait3A_71] : memref<1024xf32, #tpu.memory_space<vmem>> -> memref<64xf32, #tpu.memory_space<vmem>>
    tpu.wait_dma2 semaphore(%arg18 : memref<!tpu.dma_semaphore, #tpu.memory_space<semaphore_mem>>) src(%dma_wait3A_72 : memref<64xf32, #tpu.memory_space<vmem>>) dst(%dma_wait3A_70 : memref<64xf32, #tpu.memory_space<hbm>>)
    %dma_wait3A_73 = arith.constant 0 : i32
    %dma_wait3A_74 = tpu.memref_slice %arg14[%dma_wait3A_73] : memref<1024xf32, #tpu.memory_space<vmem>> -> memref<64xf32, #tpu.memory_space<vmem>>
    %dma_wait3A_75 = arith.constant 0 : i32
    %dma_wait3A_76 = tpu.memref_slice %arg7[%dma_wait3A_75] : memref<1048576xf32, #tpu.memory_space<hbm>> -> memref<64xf32, #tpu.memory_space<hbm>>
    %dma_wait3A_77 = arith.constant 0 : i32
    %dma_wait3A_78 = tpu.memref_slice %arg7[%dma_wait3A_77] : memref<1048576xf32, #tpu.memory_space<hbm>> -> memref<64xf32, #tpu.memory_space<hbm>>
    %dma_wait3A_79 = arith.constant 0 : i32
    %dma_wait3A_80 = tpu.memref_slice %arg14[%dma_wait3A_79] : memref<1024xf32, #tpu.memory_space<vmem>> -> memref<64xf32, #tpu.memory_space<vmem>>
    tpu.wait_dma2 semaphore(%arg18 : memref<!tpu.dma_semaphore, #tpu.memory_space<semaphore_mem>>) src(%dma_wait3A_80 : memref<64xf32, #tpu.memory_space<vmem>>) dst(%dma_wait3A_78 : memref<64xf32, #tpu.memory_space<hbm>>)
    %dma_wait3A_81 = arith.constant 0 : i32
    %dma_wait3A_82 = tpu.memref_slice %arg14[%dma_wait3A_81] : memref<1024xf32, #tpu.memory_space<vmem>> -> memref<64xf32, #tpu.memory_space<vmem>>
    %dma_wait3A_83 = arith.constant 0 : i32
    %dma_wait3A_84 = tpu.memref_slice %arg7[%dma_wait3A_83] : memref<1048576xf32, #tpu.memory_space<hbm>> -> memref<64xf32, #tpu.memory_space<hbm>>
    %dma_wait3A_85 = arith.constant 0 : i32
    %dma_wait3A_86 = tpu.memref_slice %arg7[%dma_wait3A_85] : memref<1048576xf32, #tpu.memory_space<hbm>> -> memref<64xf32, #tpu.memory_space<hbm>>
    %dma_wait3A_87 = arith.constant 0 : i32
    %dma_wait3A_88 = tpu.memref_slice %arg14[%dma_wait3A_87] : memref<1024xf32, #tpu.memory_space<vmem>> -> memref<64xf32, #tpu.memory_space<vmem>>
    tpu.wait_dma2 semaphore(%arg18 : memref<!tpu.dma_semaphore, #tpu.memory_space<semaphore_mem>>) src(%dma_wait3A_88 : memref<64xf32, #tpu.memory_space<vmem>>) dst(%dma_wait3A_86 : memref<64xf32, #tpu.memory_space<hbm>>)
    %dma_wait3A_89 = arith.constant 0 : i32
    %dma_wait3A_90 = tpu.memref_slice %arg14[%dma_wait3A_89] : memref<1024xf32, #tpu.memory_space<vmem>> -> memref<64xf32, #tpu.memory_space<vmem>>
    %dma_wait3A_91 = arith.constant 0 : i32
    %dma_wait3A_92 = tpu.memref_slice %arg7[%dma_wait3A_91] : memref<1048576xf32, #tpu.memory_space<hbm>> -> memref<64xf32, #tpu.memory_space<hbm>>
    %dma_wait3A_93 = arith.constant 0 : i32
    %dma_wait3A_94 = tpu.memref_slice %arg7[%dma_wait3A_93] : memref<1048576xf32, #tpu.memory_space<hbm>> -> memref<64xf32, #tpu.memory_space<hbm>>
    %dma_wait3A_95 = arith.constant 0 : i32
    %dma_wait3A_96 = tpu.memref_slice %arg14[%dma_wait3A_95] : memref<1024xf32, #tpu.memory_space<vmem>> -> memref<64xf32, #tpu.memory_space<vmem>>
    tpu.wait_dma2 semaphore(%arg18 : memref<!tpu.dma_semaphore, #tpu.memory_space<semaphore_mem>>) src(%dma_wait3A_96 : memref<64xf32, #tpu.memory_space<vmem>>) dst(%dma_wait3A_94 : memref<64xf32, #tpu.memory_space<hbm>>)
    %dma_wait3A_97 = arith.constant 0 : i32
    %dma_wait3A_98 = tpu.memref_slice %arg14[%dma_wait3A_97] : memref<1024xf32, #tpu.memory_space<vmem>> -> memref<64xf32, #tpu.memory_space<vmem>>
    %dma_wait3A_99 = arith.constant 0 : i32
    %dma_wait3A_100 = tpu.memref_slice %arg7[%dma_wait3A_99] : memref<1048576xf32, #tpu.memory_space<hbm>> -> memref<64xf32, #tpu.memory_space<hbm>>
    %dma_wait3A_101 = arith.constant 0 : i32
    %dma_wait3A_102 = tpu.memref_slice %arg7[%dma_wait3A_101] : memref<1048576xf32, #tpu.memory_space<hbm>> -> memref<64xf32, #tpu.memory_space<hbm>>
    %dma_wait3A_103 = arith.constant 0 : i32
    %dma_wait3A_104 = tpu.memref_slice %arg14[%dma_wait3A_103] : memref<1024xf32, #tpu.memory_space<vmem>> -> memref<64xf32, #tpu.memory_space<vmem>>
    tpu.wait_dma2 semaphore(%arg18 : memref<!tpu.dma_semaphore, #tpu.memory_space<semaphore_mem>>) src(%dma_wait3A_104 : memref<64xf32, #tpu.memory_space<vmem>>) dst(%dma_wait3A_102 : memref<64xf32, #tpu.memory_space<hbm>>)
    %dma_wait3A_105 = arith.constant 0 : i32
    %dma_wait3A_106 = tpu.memref_slice %arg14[%dma_wait3A_105] : memref<1024xf32, #tpu.memory_space<vmem>> -> memref<64xf32, #tpu.memory_space<vmem>>
    %dma_wait3A_107 = arith.constant 0 : i32
    %dma_wait3A_108 = tpu.memref_slice %arg7[%dma_wait3A_107] : memref<1048576xf32, #tpu.memory_space<hbm>> -> memref<64xf32, #tpu.memory_space<hbm>>
    %dma_wait3A_109 = arith.constant 0 : i32
    %dma_wait3A_110 = tpu.memref_slice %arg7[%dma_wait3A_109] : memref<1048576xf32, #tpu.memory_space<hbm>> -> memref<64xf32, #tpu.memory_space<hbm>>
    %dma_wait3A_111 = arith.constant 0 : i32
    %dma_wait3A_112 = tpu.memref_slice %arg14[%dma_wait3A_111] : memref<1024xf32, #tpu.memory_space<vmem>> -> memref<64xf32, #tpu.memory_space<vmem>>
    tpu.wait_dma2 semaphore(%arg18 : memref<!tpu.dma_semaphore, #tpu.memory_space<semaphore_mem>>) src(%dma_wait3A_112 : memref<64xf32, #tpu.memory_space<vmem>>) dst(%dma_wait3A_110 : memref<64xf32, #tpu.memory_space<hbm>>)
    %dma_wait3A_113 = arith.constant 0 : i32
    %dma_wait3A_114 = tpu.memref_slice %arg14[%dma_wait3A_113] : memref<1024xf32, #tpu.memory_space<vmem>> -> memref<64xf32, #tpu.memory_space<vmem>>
    %dma_wait3A_115 = arith.constant 0 : i32
    %dma_wait3A_116 = tpu.memref_slice %arg7[%dma_wait3A_115] : memref<1048576xf32, #tpu.memory_space<hbm>> -> memref<64xf32, #tpu.memory_space<hbm>>
    %dma_wait3A_117 = arith.constant 0 : i32
    %dma_wait3A_118 = tpu.memref_slice %arg7[%dma_wait3A_117] : memref<1048576xf32, #tpu.memory_space<hbm>> -> memref<64xf32, #tpu.memory_space<hbm>>
    %dma_wait3A_119 = arith.constant 0 : i32
    %dma_wait3A_120 = tpu.memref_slice %arg14[%dma_wait3A_119] : memref<1024xf32, #tpu.memory_space<vmem>> -> memref<64xf32, #tpu.memory_space<vmem>>
    tpu.wait_dma2 semaphore(%arg18 : memref<!tpu.dma_semaphore, #tpu.memory_space<semaphore_mem>>) src(%dma_wait3A_120 : memref<64xf32, #tpu.memory_space<vmem>>) dst(%dma_wait3A_118 : memref<64xf32, #tpu.memory_space<hbm>>)
    %dma_wait3A_121 = arith.constant 0 : i32
    %dma_wait3A_122 = tpu.memref_slice %arg14[%dma_wait3A_121] : memref<1024xf32, #tpu.memory_space<vmem>> -> memref<64xf32, #tpu.memory_space<vmem>>
    %dma_wait3A_123 = arith.constant 0 : i32
    %dma_wait3A_124 = tpu.memref_slice %arg7[%dma_wait3A_123] : memref<1048576xf32, #tpu.memory_space<hbm>> -> memref<64xf32, #tpu.memory_space<hbm>>
    %dma_wait3A_125 = arith.constant 0 : i32
    %dma_wait3A_126 = tpu.memref_slice %arg7[%dma_wait3A_125] : memref<1048576xf32, #tpu.memory_space<hbm>> -> memref<64xf32, #tpu.memory_space<hbm>>
    %dma_wait3A_127 = arith.constant 0 : i32
    %dma_wait3A_128 = tpu.memref_slice %arg14[%dma_wait3A_127] : memref<1024xf32, #tpu.memory_space<vmem>> -> memref<64xf32, #tpu.memory_space<vmem>>
    tpu.wait_dma2 semaphore(%arg18 : memref<!tpu.dma_semaphore, #tpu.memory_space<semaphore_mem>>) src(%dma_wait3A_128 : memref<64xf32, #tpu.memory_space<vmem>>) dst(%dma_wait3A_126 : memref<64xf32, #tpu.memory_space<hbm>>)
    %dma_wait3A_129 = arith.constant 0 : i32
    %dma_wait3A_130 = tpu.memref_slice %arg14[%dma_wait3A_129] : memref<1024xf32, #tpu.memory_space<vmem>> -> memref<64xf32, #tpu.memory_space<vmem>>
    %dma_wait3A_131 = arith.constant 0 : i32
    %dma_wait3A_132 = tpu.memref_slice %arg7[%dma_wait3A_131] : memref<1048576xf32, #tpu.memory_space<hbm>> -> memref<64xf32, #tpu.memory_space<hbm>>
    %dma_wait3A_133 = arith.constant 0 : i32
    %dma_wait3A_134 = tpu.memref_slice %arg7[%dma_wait3A_133] : memref<1048576xf32, #tpu.memory_space<hbm>> -> memref<64xf32, #tpu.memory_space<hbm>>
    %dma_wait3A_135 = arith.constant 0 : i32
    %dma_wait3A_136 = tpu.memref_slice %arg14[%dma_wait3A_135] : memref<1024xf32, #tpu.memory_space<vmem>> -> memref<64xf32, #tpu.memory_space<vmem>>
    tpu.wait_dma2 semaphore(%arg18 : memref<!tpu.dma_semaphore, #tpu.memory_space<semaphore_mem>>) src(%dma_wait3A_136 : memref<64xf32, #tpu.memory_space<vmem>>) dst(%dma_wait3A_134 : memref<64xf32, #tpu.memory_space<hbm>>)
    %dma_wait3A_137 = arith.constant 0 : i32
    %dma_wait3A_138 = tpu.memref_slice %arg14[%dma_wait3A_137] : memref<1024xf32, #tpu.memory_space<vmem>> -> memref<64xf32, #tpu.memory_space<vmem>>
    %dma_wait3A_139 = arith.constant 0 : i32
    %dma_wait3A_140 = tpu.memref_slice %arg7[%dma_wait3A_139] : memref<1048576xf32, #tpu.memory_space<hbm>> -> memref<64xf32, #tpu.memory_space<hbm>>
    %dma_wait3A_141 = arith.constant 0 : i32
    %dma_wait3A_142 = tpu.memref_slice %arg7[%dma_wait3A_141] : memref<1048576xf32, #tpu.memory_space<hbm>> -> memref<64xf32, #tpu.memory_space<hbm>>
    %dma_wait3A_143 = arith.constant 0 : i32
    %dma_wait3A_144 = tpu.memref_slice %arg14[%dma_wait3A_143] : memref<1024xf32, #tpu.memory_space<vmem>> -> memref<64xf32, #tpu.memory_space<vmem>>
    tpu.wait_dma2 semaphore(%arg18 : memref<!tpu.dma_semaphore, #tpu.memory_space<semaphore_mem>>) src(%dma_wait3A_144 : memref<64xf32, #tpu.memory_space<vmem>>) dst(%dma_wait3A_142 : memref<64xf32, #tpu.memory_space<hbm>>)
    %dma_wait3A_145 = arith.constant 0 : i32
    %dma_wait3A_146 = tpu.memref_slice %arg14[%dma_wait3A_145] : memref<1024xf32, #tpu.memory_space<vmem>> -> memref<64xf32, #tpu.memory_space<vmem>>
    %dma_wait3A_147 = arith.constant 0 : i32
    %dma_wait3A_148 = tpu.memref_slice %arg7[%dma_wait3A_147] : memref<1048576xf32, #tpu.memory_space<hbm>> -> memref<64xf32, #tpu.memory_space<hbm>>
    %dma_wait3A_149 = arith.constant 0 : i32
    %dma_wait3A_150 = tpu.memref_slice %arg7[%dma_wait3A_149] : memref<1048576xf32, #tpu.memory_space<hbm>> -> memref<64xf32, #tpu.memory_space<hbm>>
    %dma_wait3A_151 = arith.constant 0 : i32
    %dma_wait3A_152 = tpu.memref_slice %arg14[%dma_wait3A_151] : memref<1024xf32, #tpu.memory_space<vmem>> -> memref<64xf32, #tpu.memory_space<vmem>>
    tpu.wait_dma2 semaphore(%arg18 : memref<!tpu.dma_semaphore, #tpu.memory_space<semaphore_mem>>) src(%dma_wait3A_152 : memref<64xf32, #tpu.memory_space<vmem>>) dst(%dma_wait3A_150 : memref<64xf32, #tpu.memory_space<hbm>>)
    %dma_wait3A_153 = arith.constant 0 : i32
    %dma_wait3A_154 = tpu.memref_slice %arg14[%dma_wait3A_153] : memref<1024xf32, #tpu.memory_space<vmem>> -> memref<64xf32, #tpu.memory_space<vmem>>
    %dma_wait3A_155 = arith.constant 0 : i32
    %dma_wait3A_156 = tpu.memref_slice %arg7[%dma_wait3A_155] : memref<1048576xf32, #tpu.memory_space<hbm>> -> memref<64xf32, #tpu.memory_space<hbm>>
    %dma_wait3A_157 = arith.constant 0 : i32
    %dma_wait3A_158 = tpu.memref_slice %arg7[%dma_wait3A_157] : memref<1048576xf32, #tpu.memory_space<hbm>> -> memref<64xf32, #tpu.memory_space<hbm>>
    %dma_wait3A_159 = arith.constant 0 : i32
    %dma_wait3A_160 = tpu.memref_slice %arg14[%dma_wait3A_159] : memref<1024xf32, #tpu.memory_space<vmem>> -> memref<64xf32, #tpu.memory_space<vmem>>
    tpu.wait_dma2 semaphore(%arg18 : memref<!tpu.dma_semaphore, #tpu.memory_space<semaphore_mem>>) src(%dma_wait3A_160 : memref<64xf32, #tpu.memory_space<vmem>>) dst(%dma_wait3A_158 : memref<64xf32, #tpu.memory_space<hbm>>)
    %dma_wait3A_161 = arith.constant 0 : i32
    %dma_wait3A_162 = tpu.memref_slice %arg14[%dma_wait3A_161] : memref<1024xf32, #tpu.memory_space<vmem>> -> memref<64xf32, #tpu.memory_space<vmem>>
    %dma_wait3A_163 = arith.constant 0 : i32
    %dma_wait3A_164 = tpu.memref_slice %arg7[%dma_wait3A_163] : memref<1048576xf32, #tpu.memory_space<hbm>> -> memref<64xf32, #tpu.memory_space<hbm>>
    %dma_wait3A_165 = arith.constant 0 : i32
    %dma_wait3A_166 = tpu.memref_slice %arg7[%dma_wait3A_165] : memref<1048576xf32, #tpu.memory_space<hbm>> -> memref<64xf32, #tpu.memory_space<hbm>>
    %dma_wait3A_167 = arith.constant 0 : i32
    %dma_wait3A_168 = tpu.memref_slice %arg14[%dma_wait3A_167] : memref<1024xf32, #tpu.memory_space<vmem>> -> memref<64xf32, #tpu.memory_space<vmem>>
    tpu.wait_dma2 semaphore(%arg18 : memref<!tpu.dma_semaphore, #tpu.memory_space<semaphore_mem>>) src(%dma_wait3A_168 : memref<64xf32, #tpu.memory_space<vmem>>) dst(%dma_wait3A_166 : memref<64xf32, #tpu.memory_space<hbm>>)
    return
  }
}

module attributes {stable_mosaic.version = 14 : i64} {
  func.func @_tp_body(%arg0: i32, %arg1: i32, %arg2: memref<8x1x8x224xf32, #tpu.memory_space<vmem>>, %arg3: memref<1792x8xf32, #tpu.memory_space<vmem>>) attributes {dimension_semantics = [#tpu.dimension_semantics<arbitrary>, #tpu.dimension_semantics<arbitrary>], iteration_bounds = array<i64: 18, 28>, scalar_prefetch = 0 : i64, scratch_operands = 0 : i64, tpu.core_type = #tpu.core_type<tc>, window_params = [{transform_indices = @transform_0, window_bounds = array<i64: 8, 1, 8, 224>}, {transform_indices = @transform_1, window_bounds = array<i64: 1792, 8>}]} {
    %get3A = arith.constant 0 : index
    %get3A_0 = arith.constant 0 : index
    %get3A_1 = arith.constant 0 : index
    %get3A_2 = arith.constant 0 : index
    %get3A_3 = vector.load %arg2[%get3A, %get3A_0, %get3A_1, %get3A_2] : memref<8x1x8x224xf32, #tpu.memory_space<vmem>>, vector<8x1x1x224xf32>
    %get3A_4 = vector.shape_cast %get3A_3 : vector<8x1x1x224xf32> to vector<8x224xf32>
    %transpose3A = tpu.transpose %get3A_4, [1, 0] : vector<8x224xf32> -> vector<224x8xf32>
    %swap3A = arith.constant 0 : index
    %swap3A_5 = arith.constant 0 : index
    %swap3A_6 = vector.load %arg3[%swap3A, %swap3A_5] : memref<1792x8xf32, #tpu.memory_space<vmem>>, vector<224x8xf32>
    tpu.vector_store %arg3[%swap3A, %swap3A_5], %transpose3A {strides = array<i32>} : memref<1792x8xf32, #tpu.memory_space<vmem>>, vector<224x8xf32>,
    %get3A_7 = arith.constant 0 : index
    %get3A_8 = arith.constant 0 : index
    %get3A_9 = arith.constant 1 : index
    %get3A_10 = arith.constant 0 : index
    %get3A_11 = vector.load %arg2[%get3A_7, %get3A_8, %get3A_9, %get3A_10] : memref<8x1x8x224xf32, #tpu.memory_space<vmem>>, vector<8x1x1x224xf32>
    %get3A_12 = vector.shape_cast %get3A_11 : vector<8x1x1x224xf32> to vector<8x224xf32>
    %transpose3A_13 = tpu.transpose %get3A_12, [1, 0] : vector<8x224xf32> -> vector<224x8xf32>
    %swap3A_14 = arith.constant 224 : index
    %swap3A_15 = arith.constant 0 : index
    %swap3A_16 = vector.load %arg3[%swap3A_14, %swap3A_15] : memref<1792x8xf32, #tpu.memory_space<vmem>>, vector<224x8xf32>
    tpu.vector_store %arg3[%swap3A_14, %swap3A_15], %transpose3A_13 {strides = array<i32>} : memref<1792x8xf32, #tpu.memory_space<vmem>>, vector<224x8xf32>,
    %get3A_17 = arith.constant 0 : index
    %get3A_18 = arith.constant 0 : index
    %get3A_19 = arith.constant 2 : index
    %get3A_20 = arith.constant 0 : index
    %get3A_21 = vector.load %arg2[%get3A_17, %get3A_18, %get3A_19, %get3A_20] : memref<8x1x8x224xf32, #tpu.memory_space<vmem>>, vector<8x1x1x224xf32>
    %get3A_22 = vector.shape_cast %get3A_21 : vector<8x1x1x224xf32> to vector<8x224xf32>
    %transpose3A_23 = tpu.transpose %get3A_22, [1, 0] : vector<8x224xf32> -> vector<224x8xf32>
    %swap3A_24 = arith.constant 448 : index
    %swap3A_25 = arith.constant 0 : index
    %swap3A_26 = vector.load %arg3[%swap3A_24, %swap3A_25] : memref<1792x8xf32, #tpu.memory_space<vmem>>, vector<224x8xf32>
    tpu.vector_store %arg3[%swap3A_24, %swap3A_25], %transpose3A_23 {strides = array<i32>} : memref<1792x8xf32, #tpu.memory_space<vmem>>, vector<224x8xf32>,
    %get3A_27 = arith.constant 0 : index
    %get3A_28 = arith.constant 0 : index
    %get3A_29 = arith.constant 3 : index
    %get3A_30 = arith.constant 0 : index
    %get3A_31 = vector.load %arg2[%get3A_27, %get3A_28, %get3A_29, %get3A_30] : memref<8x1x8x224xf32, #tpu.memory_space<vmem>>, vector<8x1x1x224xf32>
    %get3A_32 = vector.shape_cast %get3A_31 : vector<8x1x1x224xf32> to vector<8x224xf32>
    %transpose3A_33 = tpu.transpose %get3A_32, [1, 0] : vector<8x224xf32> -> vector<224x8xf32>
    %swap3A_34 = arith.constant 672 : index
    %swap3A_35 = arith.constant 0 : index
    %swap3A_36 = vector.load %arg3[%swap3A_34, %swap3A_35] : memref<1792x8xf32, #tpu.memory_space<vmem>>, vector<224x8xf32>
    tpu.vector_store %arg3[%swap3A_34, %swap3A_35], %transpose3A_33 {strides = array<i32>} : memref<1792x8xf32, #tpu.memory_space<vmem>>, vector<224x8xf32>,
    %get3A_37 = arith.constant 0 : index
    %get3A_38 = arith.constant 0 : index
    %get3A_39 = arith.constant 4 : index
    %get3A_40 = arith.constant 0 : index
    %get3A_41 = vector.load %arg2[%get3A_37, %get3A_38, %get3A_39, %get3A_40] : memref<8x1x8x224xf32, #tpu.memory_space<vmem>>, vector<8x1x1x224xf32>
    %get3A_42 = vector.shape_cast %get3A_41 : vector<8x1x1x224xf32> to vector<8x224xf32>
    %transpose3A_43 = tpu.transpose %get3A_42, [1, 0] : vector<8x224xf32> -> vector<224x8xf32>
    %swap3A_44 = arith.constant 896 : index
    %swap3A_45 = arith.constant 0 : index
    %swap3A_46 = vector.load %arg3[%swap3A_44, %swap3A_45] : memref<1792x8xf32, #tpu.memory_space<vmem>>, vector<224x8xf32>
    tpu.vector_store %arg3[%swap3A_44, %swap3A_45], %transpose3A_43 {strides = array<i32>} : memref<1792x8xf32, #tpu.memory_space<vmem>>, vector<224x8xf32>,
    %get3A_47 = arith.constant 0 : index
    %get3A_48 = arith.constant 0 : index
    %get3A_49 = arith.constant 5 : index
    %get3A_50 = arith.constant 0 : index
    %get3A_51 = vector.load %arg2[%get3A_47, %get3A_48, %get3A_49, %get3A_50] : memref<8x1x8x224xf32, #tpu.memory_space<vmem>>, vector<8x1x1x224xf32>
    %get3A_52 = vector.shape_cast %get3A_51 : vector<8x1x1x224xf32> to vector<8x224xf32>
    %transpose3A_53 = tpu.transpose %get3A_52, [1, 0] : vector<8x224xf32> -> vector<224x8xf32>
    %swap3A_54 = arith.constant 1120 : index
    %swap3A_55 = arith.constant 0 : index
    %swap3A_56 = vector.load %arg3[%swap3A_54, %swap3A_55] : memref<1792x8xf32, #tpu.memory_space<vmem>>, vector<224x8xf32>
    tpu.vector_store %arg3[%swap3A_54, %swap3A_55], %transpose3A_53 {strides = array<i32>} : memref<1792x8xf32, #tpu.memory_space<vmem>>, vector<224x8xf32>,
    %get3A_57 = arith.constant 0 : index
    %get3A_58 = arith.constant 0 : index
    %get3A_59 = arith.constant 6 : index
    %get3A_60 = arith.constant 0 : index
    %get3A_61 = vector.load %arg2[%get3A_57, %get3A_58, %get3A_59, %get3A_60] : memref<8x1x8x224xf32, #tpu.memory_space<vmem>>, vector<8x1x1x224xf32>
    %get3A_62 = vector.shape_cast %get3A_61 : vector<8x1x1x224xf32> to vector<8x224xf32>
    %transpose3A_63 = tpu.transpose %get3A_62, [1, 0] : vector<8x224xf32> -> vector<224x8xf32>
    %swap3A_64 = arith.constant 1344 : index
    %swap3A_65 = arith.constant 0 : index
    %swap3A_66 = vector.load %arg3[%swap3A_64, %swap3A_65] : memref<1792x8xf32, #tpu.memory_space<vmem>>, vector<224x8xf32>
    tpu.vector_store %arg3[%swap3A_64, %swap3A_65], %transpose3A_63 {strides = array<i32>} : memref<1792x8xf32, #tpu.memory_space<vmem>>, vector<224x8xf32>,
    %get3A_67 = arith.constant 0 : index
    %get3A_68 = arith.constant 0 : index
    %get3A_69 = arith.constant 7 : index
    %get3A_70 = arith.constant 0 : index
    %get3A_71 = vector.load %arg2[%get3A_67, %get3A_68, %get3A_69, %get3A_70] : memref<8x1x8x224xf32, #tpu.memory_space<vmem>>, vector<8x1x1x224xf32>
    %get3A_72 = vector.shape_cast %get3A_71 : vector<8x1x1x224xf32> to vector<8x224xf32>
    %transpose3A_73 = tpu.transpose %get3A_72, [1, 0] : vector<8x224xf32> -> vector<224x8xf32>
    %swap3A_74 = arith.constant 1568 : index
    %swap3A_75 = arith.constant 0 : index
    %swap3A_76 = vector.load %arg3[%swap3A_74, %swap3A_75] : memref<1792x8xf32, #tpu.memory_space<vmem>>, vector<224x8xf32>
    tpu.vector_store %arg3[%swap3A_74, %swap3A_75], %transpose3A_73 {strides = array<i32>} : memref<1792x8xf32, #tpu.memory_space<vmem>>, vector<224x8xf32>,
    return
  }
  func.func @transform_0(%arg0: i32, %arg1: i32) -> (i32, i32, i32, i32) {
    %c0_i32 = arith.constant 0 : i32
    %c0_i32_0 = arith.constant 0 : i32
    %c0_i32_1 = arith.constant 0 : i32
    return %c0_i32, %arg0, %arg1, %c0_i32_0 : i32, i32, i32, i32
  }
  func.func @transform_1(%arg0: i32, %arg1: i32) -> (i32, i32) {
    %mul3A = arith.constant 28 : i32
    %mul3A_0 = arith.muli %arg0, %mul3A : i32
    %add3A = arith.addi %mul3A_0, %arg1 : i32
    %c0_i32 = arith.constant 0 : i32
    %c0_i32_1 = arith.constant 0 : i32
    return %add3A, %c0_i32 : i32, i32
  }
}

</mosaic_0001>

<sc_bundles>
// kernel: kernel.4.cloned.1.call-start
scs
__scs_entry_jumppad:
0x0: {  	(pc) =	sbr.rel $0x88, $3  }
0x1: {  	(tag) =	ssettag $0x0;
	lr =	simm.s32 $0x1  }
0x2: {  	[smem:$0x3F9C] =	sst lr;
	_ =	strace $0xD0000000  }
0x3: {  	_ = 	snop  }
0x4: {  	_ = 	snop  }
0x5: {  	_ = 	snop  }
0x6: {  	_ = 	snop  }
0x7: {  	_ = 	snop  }
__scs_overlays_trampoline_lowered:
0x8: {  	[smem:$0x3FAB] =	sst s0  }
0x9: {  	[smem:$0x3FAC] =	sst s1  }
0xa: {  	[smem:$0x3FAD] =	sst s2  }
0xb: {  	[smem:$0x3FAE] =	sst s3  }
0xc: {  	[smem:$0x3FAF] =	sst s4  }
0xd: {  	[smem:$0x3FB0] =	sst s5  }
0xe: {  	[smem:$0x3FB1] =	sst s6  }
0xf: {  	[smem:$0x3FB2] =	sst s7  }
0x10: {  	[smem:$0x3FB3] =	sst s8  }
0x11: {  	[smem:$0x3FB4] =	sst s9;
	s0 =	simm.s32 @!p0 $0x0  }
0x12: {  	s1 =	sld [smem:$0x3F9A];
	s0 =	simm.s32 @p0 $0x1  }
0x13: {  	[smem:$0x3FB5] =	sst s0;
	s0 =	simm.s32 @!p1 $0x0  }
0x14: {  	s2 =	sld [smem:$0x3F99];
	s0 =	simm.s32 @p1 $0x1  }
0x15: {  	[smem:$0x3FB6] =	sst s0;
	s0 =	simm.s32 @!p2 $0x0  }
0x16: {  	s3 =	sld [smem:$0x3FDB];
	s0 =	simm.s32 @p2 $0x1  }
0x17: {  	s4 =	simm.s32 $0x1BF5;
	[smem:$0x3FB8] =	sst s0  }
0x18: {  	s0 =	sld [smem:$0x3F9B];
	_ =	swait.ge [sflag:s4], $0x0  }
0x19: {  	s7 =	sld [smem:$0x3F9C]  }
0x1a: {  	s8 =	sadd.s32 $0xFFFFE003, lr  }
0x1b: {  	s9 =	sadd.s32 $0xFFFFFEF7, lr;
	s5 =	simm.s32 $0xFFFFFFFF;
	p2 =	slt.u32 s8, $0xFFFFF086  }
0x1c: {  	p1 =	slt.u32 s9, $0xF7A;
	s5 =	simm.s32 @!p2 $0x0  }
0x1d: {  	s5 =	simm.s32 @p1 $0x1;
	p0 =	seq.s32 s7, s2  }
0x1e: {  	s7 =	smul.u32 @!p0 $0xF7A, s2;
	p2 =	seq.s32 @!p0 s5, $0x0  }
0x1f: {  	s9 =	smul.u32 $0xF7A, s1;
	s8 =	simm.s32 @!p0 $0x1BF5;
	p2 =	por !p2, p0  }
0x20: {  	[sflag:s8] =	ssyncset.s32 @!p0 $0xFFFFF086;
	s6 =	sadd.s32 @!p0 s3, s7;
	s7 =	simm.s32 @!p0 $0x108  }
0x21: {  	s3 =	sadd.s32 s3, s9;
	s6 =	sadd.s32 @!p0 $0x88, s6;
	s7 =	simm.s32 @p2 $0x1082  }
0x22: {  	[simem:s7], [sflag:s8] =	dma.local @!p0 [hbm:s6], $0xF7A  }
0x23: {  	s9 =	sor.u32 $0xD0000000, s2;
	s6 =	simm.s32 $0x108;
	_ =	swait.ge @!p0 [sflag:s8], $0x0  }
0x24: {  	s3 =	sadd.s32 $0x88, s3;
	s6 =	simm.s32 @!p1 $0x1082;
	[sflag:s4] =	ssyncset.s32 $0xFFFFF086  }
0x25: {  	[simem:s6], [sflag:s4] =	dma.local [hbm:s3], $0xF7A  }
0x26: {  	[smem:$0x3F9C] =	sst s1;
	(tag) =	ssettag s2;
	_ =	strace s9  }
0x27: {  	s1 =	sld [smem:$0x3FAC]  }
0x28: {  	s2 =	sld [smem:$0x3FAD]  }
0x29: {  	s4 =	sld [smem:$0x3FAF]  }
0x2a: {  	p0 =	seq.s32 s5, $0x0;
	s5 =	sld [smem:$0x3FB0]  }
0x2b: {  	s6 =	sld [smem:$0x3FB1]  }
0x2c: {  	s7 =	sld [smem:$0x3FB2]  }
0x2d: {  	s3 =	simm.s32 $0x108;
	s8 =	sld [smem:$0x3FB3]  }
0x2e: {  	s3 =	simm.s32 @!p0 $0x1082;
	s9 =	sld [smem:$0x3FB4]  }
0x2f: {  	lr =	sadd.s32 s0, s3;
	s0 =	sld [smem:$0x3FAB]  }
0x30: {  	s3 =	sld [smem:$0x3FAE]  }
0x31: {  	[smem:$0x3FB7] =	sst s10  }
0x32: {  	s10 =	sld [smem:$0x3FB5];
	_ =	sdelay $0x3  }
0x33: {  	p0 =	seq.s32 s10, $0x1;
	s10 =	sld [smem:$0x3FB7];
	_ =	sdelay $0x3  }
0x34: {  	[smem:$0x3FB7] =	sst s10  }
0x35: {  	s10 =	sld [smem:$0x3FB6];
	_ =	sdelay $0x3  }
0x36: {  	p1 =	seq.s32 s10, $0x1;
	s10 =	sld [smem:$0x3FB7];
	_ =	sdelay $0x3  }
0x37: {  	[smem:$0x3FB7] =	sst s10  }
0x38: {  	s10 =	sld [smem:$0x3FB8]  }
0x39: {  	_ = 	snop;
	(pc) =	sbr.ind lr, $3  }
0x3a: {  	_ = 	snop  }
0x3b: {  	_ = 	snop  }
0x3c: {  	p2 =	seq.s32 s10, $0x1;
	s10 =	sld [smem:$0x3FB7]  }
0x3d: {  	_ =	shalt  }
0x3e: {  	_ =	shalt  }
0x3f: {  	_ =	shalt  }
0x40: {  	_ =	shalt  }
0x41: {  	_ =	shalt  }
0x42: {  	_ =	shalt  }
0x43: {  	_ =	shalt  }
0x44: {  	_ =	shalt  }
0x45: {  	_ =	shalt  }
0x46: {  	_ =	shalt  }
0x47: {  	_ =	shalt  }
0x48: {  	_ =	shalt  }
0x49: {  	_ =	shalt  }
0x4a: {  	_ =	shalt  }
0x4b: {  	_ =	shalt  }
0x4c: {  	_ =	shalt  }
0x4d: {  	_ =	shalt  }
0x4e: {  	_ =	shalt  }
0x4f: {  	_ =	shalt  }
0x50: {  	_ =	shalt  }
0x51: {  	_ =	shalt  }
0x52: {  	_ =	shalt  }
0x53: {  	_ =	shalt  }
0x54: {  	_ =	shalt  }
0x55: {  	_ =	shalt  }
0x56: {  	_ =	shalt  }
0x57: {  	_ =	shalt  }
0x58: {  	_ =	shalt  }
0x59: {  	_ =	shalt  }
0x5a: {  	_ =	shalt  }
0x5b: {  	_ =	shalt  }
0x5c: {  	_ =	shalt  }
0x5d: {  	_ =	shalt  }
0x5e: {  	_ =	shalt  }
0x5f: {  	_ =	shalt  }
0x60: {  	_ =	shalt  }
0x61: {  	_ =	shalt  }
0x62: {  	_ =	shalt  }
0x63: {  	_ =	shalt  }
0x64: {  	_ =	shalt  }
0x65: {  	_ =	shalt  }
0x66: {  	_ =	shalt  }
0x67: {  	_ =	shalt  }
0x68: {  	_ =	shalt  }
0x69: {  	_ =	shalt  }
0x6a: {  	_ =	shalt  }
0x6b: {  	_ =	shalt  }
0x6c: {  	_ =	shalt  }
0x6d: {  	_ =	shalt  }
0x6e: {  	_ =	shalt  }
0x6f: {  	_ =	shalt  }
0x70: {  	_ =	shalt  }
0x71: {  	_ =	shalt  }
0x72: {  	_ =	shalt  }
0x73: {  	_ =	shalt  }
0x74: {  	_ =	shalt  }
0x75: {  	_ =	shalt  }
0x76: {  	_ =	shalt  }
0x77: {  	_ =	shalt  }
0x78: {  	_ =	shalt  }
0x79: {  	_ =	shalt  }
0x7a: {  	_ =	shalt  }
0x7b: {  	_ =	shalt  }
0x7c: {  	_ =	shalt  }
0x7d: {  	_ =	shalt  }
0x7e: {  	_ =	shalt  }
0x7f: {  	_ =	shalt  }
0x80: {  	_ =	shalt  }
0x81: {  	_ =	shalt  }
0x82: {  	_ =	shalt  }
0x83: {  	_ =	shalt  }
0x84: {  	_ =	shalt  }
0x85: {  	_ =	shalt  }
0x86: {  	_ =	shalt  }
0x87: {  	_ =	shalt  }
.Lfunc_end0:
.L_simem_size_0:
called_computation_lowered:
.L_overlay_start_0:
0x88: {  	s2 =	sld [smem:$0x3FD9]  }
0x89: {  	s3 =	sld [smem:$0x3FFE];
	_ =	sdelay $0x1  }
0x8a: {  	s1 =	srdreg.scid  }
0x8b: {  	s0 =	sand.u32 $0x1, s1  }
0x8c: {  	s17 =	sshll.u32 s0, $0xA;
	s2 =	sadd.s32 s3, s2  }
0x8d: {  	s2 =	sadd.s32 s2, s17  }
0x8e: {  	[smem:$0x3FC3] =	sst s2  }
0x8f: {  	_ = 	snop  }
0x90: {  	s2 =	sld [smem:$0x3FC8]  }
0x91: {  	s18 =	sld [smem:$0x3FD0];
	(tm) =	ssettm $0x1  }
0x92: {  	s4 =	sld [smem:$0x3FFB];
	_ =	sdelay $0x3  }
0x93: {  	_ =	strace s4  }
0x94: {  	s4 =	sld [smem:$0x3FFC];
	_ =	sdelay $0x3  }
0x95: {  	_ =	strace s4  }
0x96: {  	s4 =	sld [smem:$0x3FFD];
	_ =	sdelay $0x3  }
0x97: {  	_ =	strace s4  }
0x98: {  	_ =	strace $0x8FFFFFFF  }
0x99: {  	s19 =	sld [smem:$0x3FDB];
	_ =	sdelay $0x1  }
0x9a: {  	s5 =	simm.s32 $_scs_section_size  }
0x9b: {  	s6 =	simm.s32 $_size__tile_overlayer_lowered;
	s7 =	simm.s32 $_tile_overlayer_lowered  }
0x9c: {  	s22 =	simm.s32 $0x1BFF;
	s21 =	sshll.u32 s7, $0x1;
	s4 =	sadd.s32 s5, s19  }
0x9d: {  	s8 =	simm.s32 $0x0;
	s20 =	sshll.u32 s6, $0x1;
	s6 =	sadd.s32 s21, s4  }
0x9e: {  	[timem:s8], [sflag:s22] =	dma.local [hbm:s6], s20  }
0x9f: {  	_ =	swait.ge [sflag:s22], s20  }
0xa0: {  	s5 =	ssub.s32 $0x0, s20;
	[sflag:s22] =	ssyncset.done $0x0  }
0xa1: {  	[sflag:s22] =	ssyncadd.s32 s5;
	_ =	sdelay $0x1  }
0xa2: {  	s23 =	simm.s32 $0x1B8B  }
0xa3: {  	_ =	swait.ge [sflag:s23], $0x1  }
0xa4: {  	[sflag:s23] =	ssyncset.done $0x0  }
0xa5: {  	s25 =	simm.s32 $0x1B8E;
	s24 =	sld [smem:$0x3FFE];
	[sflag:s23] =	ssyncadd.s32 $0xFFFFFFFF  }
0xa6: {  	s26 =	simm.s32 $execute0_lowered;
	[smem:$0x3FD2] =	sst s25  }
0xa7: {  	s6 =	sshll.u32 s26, $0x1;
	_ =	strace $0x80000046;
	[dreg:$0x1] =	wrdreg $0xFFFFFFFF  }
0xa8: {  	s28 =	simm.s32 $_size_execute0_lowered;
	s4 =	sadd.s32 s4, s6;
	[dreg:$0x0] =	wrdreg $0x0  }
0xa9: {  	s6 =	sshll.u32 s28, $0x1;
	[dreg:$0x2] =	wrdreg s4  }
0xaa: {  	[dreg:$0x3] =	wrdreg s6  }
0xab: {  	[dreg:$0x4] =	wrdreg $0xC0  }
0xac: {  	_ =	task [dreg:s8], $0x5FFFF  }
0xad: {  	[dreg:$0x1] =	wrdreg $0xFFFFFFFF  }
0xae: {  	[dreg:$0x0] =	wrdreg $0x60  }
0xaf: {  	[dreg:$0x2] =	wrdreg s24  }
0xb0: {  	[dreg:$0x3] =	wrdreg s2  }
0xb1: {  	[dreg:$0x4] =	wrdreg s18  }
0xb2: {  	[dreg:$0x5] =	wrdreg $0x9  }
0xb3: {  	_ =	task.clear_ibuf [dreg:s8], $0x6FFFF;
	_ =	strace $0x90000046  }
0xb4: {  	s29 =	simm.s32 $0x9;
	_ =	strace $0x80000048  }
0xb5: {  	_ =	swait.ge [sflag:s29], $0x1  }
0xb6: {  	[sflag:s29] =	ssyncadd.s32 $0xFFFFFFFF  }
0xb7: {  	_ =	strace $0x90000048  }
0xb8: {  	_ =	sfence  }
0xb9: {  	s30 =	sld [smem:$0x0];
	_ =	sdelay $0x2  }
0xba: {  	s31 =	sshll.u32 s1, $0xD;
	s1 =	sshrl.u32 s1, $0x2  }
0xbb: {  	s3 =	sand.u32 $0x4000, s31;
	s1 =	sadd.s32 s1, s30  }
0xbc: {  	s0 =	sor.u32 s3, s0;
	s1 =	sshll.u32 s1, $0x11  }
0xbd: {  	s0 =	sor.u32 s1, s0  }
0xbe: {  	s0 =	sadd.s32 $0x8F2B, s0  }
0xbf: {  	[sflag:s0] =	ssyncadd.remote.s32 $0x1  }
0xc0: {  	_ =	sfence.sel $0xFFFF  }
0xc1: {  	[dreg:$0x0] =	wrdreg $0xFFFFFFFF;
	(pc) =	sbr.abs _section_cstart, $3  }
0xc2: {  	[dreg:$0x1] =	wrdreg $0xFFFFFFFF  }
0xc3: {  	_ =	task.clear_ibuf [dreg:s8], $0x2FFFF;
	_ =	strace $0x9FFFFFFF  }
0xc4: {  	(tm) =	ssettm $0x7FFFFFFF  }
0xc5: {  	_ =	shalt  }
tec
execute0_lowered:
.L_overlay_start_1:
0x0: {  	(tag) =	ssettag $0x1  }
0x1: {  	s3 =	rddreg [dreg:$0x0]  }
0x2: {  	s9 =	rddreg [dreg:$0x1]  }
0x3: {  	s5 =	simm.s32 $0x0;
	s0 =	srdreg.scid;
	s10 =	stileid.u32  }
0x4: {  	s19 =	simm.s32 $0x3;
	s20 =	simm.s32 $0x2;
	s21 =	simm.s32 $0x1  }
0x5: {  	s22 =	simm.s32 $0x80;
	[smem:$0x7FF] =	sst s5;
	s0 =	sand.u32 $0x1, s0  }
0x6: {  	s1 =	sshll.u32 s10, $0x4;
	s6 =	sadd.s32 $0xDC8000, s3;
	s26 =	sshll.u32 s10, $0x1  }
0x7: {  	s4 =	sshll.u32 s10, $0x9;
	s10 =	sand.u32 $0x3, s10;
	_ =	strace $0x80000047  }
0x8: {  	s2 =	ssub.s32 $0x2, s0;
	s1 =	sadd.s32 s1, s3;
	s7 =	sor.u32 s0, s26  }
0x9: {  	s8 =	sshll.u32 s0, $0x6;
	s28 =	sand.u32 $0x600, s4;
	s4 =	sand.u32 $0x1800, s4  }
0xa: {  	s0 =	sshll.u32 s0, $0x3;
	s25 =	sshrl.u32 s2, $0x1;
	s11 =	sor.u32 $0x19500, s7  }
0xb: {  	s3 =	sor.u32 s8, s28;
	s0 =	sadd.s32 s0, s1;
	s2 =	ssub.s32 s2, s25  }
.Ltmp0:
0xc: {  	v0 =	vlaneseq.u32;
	s15 =	smov.u32 s3;
	s1 =	sadd.s32 $0x48200, s0;
	(pc) =	sbr.rel .LBB2_1-.Ltmp0, $4  }
0xd: {  	v0 =	vmul.u32 $0x8, v0;
	s3 =	sor.u32 s4, s3;
	s30 =	sadd.s32 $0x200, s0;
	[dreg:$0x5] =	wrdreg s1  }
0xe: {  	s31 =	sadd.s32 $0x48300, s0;
	s16 =	sadd.s32 $0x300, s0;
	[dreg:$0x6] =	wrdreg s30  }
0xf: {  	v1 =	vimm.f32 $0.0e+00;
	v2 =	vor.u32 $0x180, v0;
	s2 =	smax.u32 s2, $0x1;
	s29 =	sshrl.u32 s3, $0x3;
	[dreg:$0x7] =	wrdreg s31  }
0x10: {  	v3 =	vor.u32 $0x100, v0;
	v4 =	vor.u32 $0x80, v0;
	v5 =	vmov s11;
	s1 =	simm.s32 $0x0;
	[dreg:$0x4] =	wrdreg s2;
	s12 =	sadd.s32 s29, s9  }
.LBB2_27:
0x11: {  	_ =	swait.ge [sflag:s19], $0x40  }
0x12: {  	[sflag:s19] =	ssyncset.done $0x0  }
0x13: {  	[sflag:s19] =	ssyncadd.s32 $0xFFFFFFC0  }
0x14: {  	_ =	swait.ge [sflag:s19], $0x40  }
0x15: {  	[sflag:s19] =	ssyncset.done $0x0  }
0x16: {  	[sflag:s19] =	ssyncadd.s32 $0xFFFFFFC0  }
0x17: {  	_ =	swait.ge [sflag:s19], $0x40  }
0x18: {  	[sflag:s19] =	ssyncset.done $0x0  }
0x19: {  	[sflag:s19] =	ssyncadd.s32 $0xFFFFFFC0  }
0x1a: {  	_ =	swait.ge [sflag:s19], $0x40  }
0x1b: {  	[sflag:s19] =	ssyncset.done $0x0  }
0x1c: {  	[sflag:s19] =	ssyncadd.s32 $0xFFFFFFC0  }
0x1d: {  	_ =	swait.ge [sflag:s19], $0x40  }
0x1e: {  	[sflag:s19] =	ssyncset.done $0x0  }
0x1f: {  	[sflag:s19] =	ssyncadd.s32 $0xFFFFFFC0  }
0x20: {  	_ =	swait.ge [sflag:s19], $0x40  }
0x21: {  	[sflag:s19] =	ssyncset.done $0x0  }
0x22: {  	[sflag:s19] =	ssyncadd.s32 $0xFFFFFFC0  }
0x23: {  	_ =	swait.ge [sflag:s19], $0x40  }
0x24: {  	[sflag:s19] =	ssyncset.done $0x0  }
0x25: {  	[sflag:s19] =	ssyncadd.s32 $0xFFFFFFC0  }
0x26: {  	_ =	swait.ge [sflag:s19], $0x40  }
0x27: {  	[sflag:s19] =	ssyncset.done $0x0  }
0x28: {  	[sflag:s19] =	ssyncadd.s32 $0xFFFFFFC0  }
0x29: {  	_ =	swait.ge [sflag:s19], $0x40  }
0x2a: {  	[sflag:s19] =	ssyncset.done $0x0  }
0x2b: {  	[sflag:s19] =	ssyncadd.s32 $0xFFFFFFC0  }
0x2c: {  	_ =	swait.ge [sflag:s19], $0x40  }
0x2d: {  	[sflag:s19] =	ssyncset.done $0x0  }
0x2e: {  	[sflag:s19] =	ssyncadd.s32 $0xFFFFFFC0  }
0x2f: {  	_ =	swait.ge [sflag:s19], $0x40  }
0x30: {  	[sflag:s19] =	ssyncset.done $0x0  }
0x31: {  	[sflag:s19] =	ssyncadd.s32 $0xFFFFFFC0  }
0x32: {  	_ =	swait.ge [sflag:s19], $0x40  }
0x33: {  	[sflag:s19] =	ssyncset.done $0x0  }
0x34: {  	[sflag:s19] =	ssyncadd.s32 $0xFFFFFFC0  }
0x35: {  	_ =	swait.ge [sflag:s19], $0x40  }
0x36: {  	[sflag:s19] =	ssyncset.done $0x0  }
0x37: {  	[sflag:s19] =	ssyncadd.s32 $0xFFFFFFC0  }
0x38: {  	_ =	swait.ge [sflag:s19], $0x40  }
0x39: {  	[sflag:s19] =	ssyncset.done $0x0  }
0x3a: {  	[sflag:s19] =	ssyncadd.s32 $0xFFFFFFC0  }
0x3b: {  	_ =	swait.ge [sflag:s19], $0x40  }
0x3c: {  	[sflag:s19] =	ssyncset.done $0x0  }
0x3d: {  	[sflag:s19] =	ssyncadd.s32 $0xFFFFFFC0  }
0x3e: {  	_ =	swait.ge [sflag:s19], $0x40  }
0x3f: {  	s1 =	rddreg [dreg:$0x8]  }
0x40: {  	s0 =	rddreg [dreg:$0x4];
	s1 =	sadd.s32 $0x1, s1  }
0x41: {  	p0 =	sne.s32 s1, s0  }
.Ltmp1:
0x42: {  	_ = 	snop;
	(pc) =	sbr.rel @!p0 .LBB2_28-.Ltmp1, $3  }
0x43: {  	_ =	sdelay $0x1  }
0x44: {  	[sflag:s19] =	ssyncset.done $0x0  }
0x45: {  	[sflag:s19] =	ssyncadd.s32 $0xFFFFFFC0  }
.LBB2_1:
0x46: {  	[dreg:$0x8] =	wrdreg s1  }
0x47: {  	s0 =	rddreg [dreg:$0x0];
	s29 =	simm.s32 $0x19500;
	s30 =	simm.s32 $0x4  }
0x48: {  	[tilespmem:s29], [sflag:$0x4] =	stream.linear.gather [hbm4b:s0+s5], $0x800, $0x38;
	[tilespmem:$0x1A190] =	vst v63  }
0x49: {  	_ =	swait.ge [sflag:s30], $0x800  }
0x4a: {  	[sflag:s30] =	ssyncset.done $0x0  }
0x4b: {  	[sflag:s30] =	ssyncadd.s32 $0xFFFFF800  }
0x4c: {  	v6 =	vld [tilespmem:s7+$0x19500];
	_ =	sdelay $0x4  }
0x4d: {  	(v2sf) =	vpush v6, $0x0;
	_ =	sdelay $0xe  }
0x4e: {  	s0 =	spop (v2sf)  }
0x4f: {  	s31 =	sshrl.u32 s0, $0x0  }
0x50: {  	s13 =	simm.s32 $0x15FC0;
	s2 =	simm.s32 $0x15180;
	s1 =	sand.u32 $0x1, s31  }
0x51: {  	s11 =	simm.s32 $0x20000;
	s24 =	simm.s32 $0x2;
	p0 =	seq.s32 s1, $0x0  }
0x52: {  	s9 =	rddreg [dreg:$0x5];
	s1 =	simm.s32 $0x14400;
	s14 =	simm.s32 @!p0 $0x0  }
0x53: {  	[tilespmem:s1], [sflag:$0x1] =	stream.linear.gather @!p0 [hbm4b:s9+s14], $0x40, $0x38;
	[tilespmem:$0x1A190] =	vst v63  }
0x54: {  	s23 =	rddreg [dreg:$0x6];
	s3 =	simm.s32 @!p0 $0x15F00;
	s18 =	sadd.s32 @!p0 $0x0, s12  }
0x55: {  	[tilespmem:s2], [sflag:$0x1] =	stream.linear.gather @!p0 [hbm4b:s23+s14], $0x40, $0x38;
	[tilespmem:$0x1A190] =	vst v63  }
0x56: {  	s17 =	simm.s32 @!p0 $0x15F80;
	s1 =	simm.s32 $0x10000;
	s4 =	sadd.s32 @!p0 $0x10, s18  }
0x57: {  	[tilespmem:s3], [sflag:$0x1] =	stream.linear.gather @!p0 [hbm4b:s18+s14], $0x40, $0x38;
	[tilespmem:$0x1A190] =	vst v63  }
0x58: {  	s25 =	sadd.s32 @!p0 $0x30, s18;
	s2 =	sshrl.u32 s0, $0x1;
	s3 =	simm.s32 @!p0 $0x15F40  }
0x59: {  	[tilespmem:s3], [sflag:$0x1] =	stream.linear.gather @!p0 [hbm4b:s4+s14], $0x40, $0x38;
	[tilespmem:$0x1A190] =	vst v63  }
0x5a: {  	s4 =	sadd.s32 $0x4000, s9;
	s3 =	sadd.s32 @!p0 $0x20, s18;
	s18 =	simm.s32 $0x151C0  }
0x5b: {  	[tilespmem:s17], [sflag:$0x1] =	stream.linear.gather @!p0 [hbm4b:s3+s14], $0x40, $0x38;
	[tilespmem:$0x1A190] =	vst v63  }
0x5c: {  	s17 =	sadd.s32 $0x4000, s23;
	s3 =	simm.s32 $0x160C0;
	s23 =	simm.s32 $0x14440  }
.LBB2_2:
0x5d: {  	[tilespmem:s13], [sflag:$0x1] =	stream.linear.gather @!p0 [hbm4b:s25+s14], $0x40, $0x38;
	[tilespmem:$0x1A190] =	vst v63  }
0x5e: {  	s25 =	smov.u32 s1;
	s1 =	smov.u32 s11;
	s26 =	smov.u32 s17  }
0x5f: {  	s11 =	sadd.s32 $0x10000, s11;
	s13 =	sand.u32 $0x1, s2;
	s2 =	sshrl.u32 s0, s24  }
0x60: {  	p1 =	sne.s32 s11, $0x120000;
	p0 =	seq.s32 s13, $0x0;
	s13 =	smov.u32 s3  }
0x61: {  	s14 =	simm.s32 @!p0 $0x0  }
0x62: {  	[tilespmem:s23], [sflag:$0x1] =	stream.linear.gather @!p0 [hbm4b:s4+s14], $0x40, $0x38;
	[tilespmem:$0x1A190] =	vst v63  }
0x63: {  	s17 =	sadd.s32 $0x4000, s17;
	s4 =	sadd.s32 $0x4000, s4  }
0x64: {  	[tilespmem:s18], [sflag:$0x1] =	stream.linear.gather @!p0 [hbm4b:s26+s14], $0x40, $0x38;
	[tilespmem:$0x1A190] =	vst v63  }
0x65: {  	s25 =	sadd.s32 @!p0 s25, s12;
	s28 =	sadd.s32 @!p0 $0xFFFFFF80, s3;
	s26 =	sadd.s32 @!p0 $0xFFFFFF40, s3  }
0x66: {  	[tilespmem:s26], [sflag:$0x1] =	stream.linear.gather @!p0 [hbm4b:s25+s14], $0x40, $0x38;
	[tilespmem:$0x1A190] =	vst v63  }
.Ltmp2:
0x67: {  	s29 =	sadd.s32 @!p0 $0x20, s25;
	s26 =	sadd.s32 @!p0 $0x10, s25;
	(pc) =	sbr.rel @p1 .LBB2_2-.Ltmp2, $4  }
0x68: {  	[tilespmem:s28], [sflag:$0x1] =	stream.linear.gather @!p0 [hbm4b:s26+s14], $0x40, $0x38;
	[tilespmem:$0x1A190] =	vst v63  }
0x69: {  	s18 =	sadd.s32 $0x40, s18;
	s25 =	sadd.s32 @!p0 $0x30, s25;
	s26 =	sadd.s32 @!p0 $0xFFFFFFC0, s3  }
0x6a: {  	[tilespmem:s26], [sflag:$0x1] =	stream.linear.gather @!p0 [hbm4b:s29+s14], $0x40, $0x38;
	[tilespmem:$0x1A190] =	vst v63  }
0x6b: {  	s24 =	sadd.s32 $0x1, s24;
	s23 =	sadd.s32 $0x40, s23;
	s3 =	sadd.s32 $0x100, s3  }
0x6c: {  	[tilespmem:s13], [sflag:$0x1] =	stream.linear.gather @!p0 [hbm4b:s25+s14], $0x40, $0x38;
	[tilespmem:$0x1A190] =	vst v63  }
0x6d: {  	s0 =	sand.u32 $0x1, s2  }
0x6e: {  	p0 =	seq.s32 s0, $0x0  }
0x6f: {  	s0 =	simm.s32 @!p0 $0x0  }
0x70: {  	[tilespmem:s23], [sflag:$0x1] =	stream.linear.gather @!p0 [hbm4b:s4+s0], $0x40, $0x38;
	[tilespmem:$0x1A190] =	vst v63  }
0x71: {  	_ = 	snop  }
0x72: {  	[tilespmem:s18], [sflag:$0x1] =	stream.linear.gather @!p0 [hbm4b:s17+s0], $0x40, $0x38;
	[tilespmem:$0x1A190] =	vst v63  }
0x73: {  	s2 =	sadd.s32 @!p0 $0xFFFFFF40, s3;
	s1 =	sadd.s32 @!p0 s1, s12  }
0x74: {  	[tilespmem:s2], [sflag:$0x1] =	stream.linear.gather @!p0 [hbm4b:s1+s0], $0x40, $0x38;
	[tilespmem:$0x1A190] =	vst v63  }
0x75: {  	s4 =	sadd.s32 @!p0 $0x10, s1;
	s2 =	sadd.s32 @!p0 $0xFFFFFF80, s3  }
0x76: {  	[tilespmem:s2], [sflag:$0x1] =	stream.linear.gather @!p0 [hbm4b:s4+s0], $0x40, $0x38;
	[tilespmem:$0x1A190] =	vst v63  }
0x77: {  	s2 =	sadd.s32 @!p0 $0x20, s1;
	s4 =	sadd.s32 @!p0 $0xFFFFFFC0, s3  }
0x78: {  	[tilespmem:s4], [sflag:$0x1] =	stream.linear.gather @!p0 [hbm4b:s2+s0], $0x40, $0x38;
	[tilespmem:$0x1A190] =	vst v63  }
0x79: {  	s1 =	sadd.s32 @!p0 $0x30, s1  }
0x7a: {  	[tilespmem:s3], [sflag:$0x1] =	stream.linear.gather @!p0 [hbm4b:s1+s0], $0x40, $0x38;
	[tilespmem:$0x1A190] =	vst v63  }
0x7b: {  	v6 =	vld [tilespmem:s7+$0x19500];
	_ =	sdelay $0x4  }
0x7c: {  	(v2sf) =	vpush v6, $0x0;
	_ =	sdelay $0xa  }
.Ltmp3:
0x7d: {  	_ = 	snop;
	(pc) =	sbr.rel .LBB2_4-.Ltmp3, $4  }
0x7e: {  	_ = 	snop  }
0x7f: {  	s11 =	simm.s32 $0x0  }
0x80: {  	s13 =	simm.s32 $0x0;
	s2 =	simm.s32 $0x0;
	s4 =	simm.s32 $0x14420  }
0x81: {  	s1 =	simm.s32 $0x400;
	s3 =	simm.s32 $0x151A0;
	s0 =	spop (v2sf)  }
.LBB2_6:
0x82: {  	s2 =	sadd.s32 $0x400, s2  }
0x83: {  	p0 =	sne.s32 s2, $0x4800  }
.Ltmp4:
0x84: {  	_ = 	snop;
	(pc) =	sbr.rel @!p0 .LBB2_7-.Ltmp4, $3  }
0x85: {  	_ =	sdelay $0x1  }
0x86: {  	s13 =	sadd.s32 $0x1, s13;
	s1 =	sadd.s32 $0x800, s1  }
0x87: {  	s11 =	sadd.s32 $0xC400, s11;
	s3 =	sadd.s32 $0x40, s3;
	s4 =	sadd.s32 $0x40, s4  }
.LBB2_4:
0x88: {  	s14 =	sshrl.u32 s0, s13  }
0x89: {  	s14 =	sand.u32 $0x1, s14  }
0x8a: {  	p0 =	seq.s32 s14, $0x0  }
.Ltmp5:
0x8b: {  	_ = 	snop;
	(pc) =	sbr.rel @p0 .LBB2_6-.Ltmp5, $1  }
0x8c: {  	_ =	sdelay $0x3  }
0x8d: {  	_ =	swait.ge [sflag:s21], $0x40  }
0x8e: {  	[sflag:s21] =	ssyncset.done $0x0  }
0x8f: {  	[sflag:s21] =	ssyncadd.s32 $0xFFFFFFC0  }
0x90: {  	_ =	swait.ge [sflag:s21], $0x40  }
0x91: {  	[sflag:s21] =	ssyncset.done $0x0  }
0x92: {  	[sflag:s21] =	ssyncadd.s32 $0xFFFFFFC0  }
0x93: {  	_ =	swait.ge [sflag:s21], $0x40  }
0x94: {  	[sflag:s21] =	ssyncset.done $0x0  }
0x95: {  	[sflag:s21] =	ssyncadd.s32 $0xFFFFFFC0  }
0x96: {  	_ =	swait.ge [sflag:s21], $0x40  }
0x97: {  	[sflag:s21] =	ssyncset.done $0x0  }
0x98: {  	[sflag:s21] =	ssyncadd.s32 $0xFFFFFFC0  }
0x99: {  	_ =	swait.ge [sflag:s21], $0x40  }
0x9a: {  	[sflag:s21] =	ssyncset.done $0x0  }
0x9b: {  	[sflag:s21] =	ssyncadd.s32 $0xFFFFFFC0  }
0x9c: {  	_ =	swait.ge [sflag:s21], $0x40  }
0x9d: {  	[sflag:s21] =	ssyncset.done $0x0  }
0x9e: {  	[sflag:s21] =	ssyncadd.s32 $0xFFFFFFC0  }
0x9f: {  	v6 =	vld [tilespmem:s3+$0xFFFFFFE0]  }
0xa0: {  	v7 =	vld [tilespmem:s4+$0xFFFFFFE0];
	_ =	sdelay $0x4  }
0xa1: {  	v8 =	vadd.s32 $0x1, v6;
	v9 =	vadd.s32 $0x1, v7  }
0xa2: {  	v6 =	vmul.u32 $0xE0, v6;
	vm0 =	vlt.s32 v8, $0xDF;
	vm9 =	vlt.s32 v9, $0xDF  }
0xa3: {  	v7 =	vadd.s32 s11, v7;
	v8 =	vnsel vm0, $0xDF, v8;
	v9 =	vnsel vm9, $0xDF, v9  }
0xa4: {  	s14 =	sshra.s32 s2, $0x2;
	v10 =	vadd.s32 v7, v6;
	v8 =	vmul.u32 $0xE0, v8;
	v9 =	vadd.s32 s11, v9  }
0xa5: {  	[tilespmem:s14+$0x12000] =	vst v10;
	v6 =	vadd.s32 v6, v9  }
0xa6: {  	v7 =	vadd.s32 v7, v8;
	[tilespmem:s14+$0x12080] =	vst v6  }
0xa7: {  	v6 =	vadd.s32 v9, v8;
	[tilespmem:s14+$0x12040] =	vst v7  }
0xa8: {  	[tilespmem:s14+$0x120C0] =	vst v6  }
0xa9: {  	v6 =	vld [tilespmem:s3+$0xFFFFFFF0]  }
0xaa: {  	v7 =	vld [tilespmem:s4+$0xFFFFFFF0];
	_ =	sdelay $0x4  }
0xab: {  	v55 =	vadd.s32 $0x1, v6;
	v56 =	vadd.s32 $0x1, v7  }
0xac: {  	v6 =	vmul.u32 $0xE0, v6;
	vm10 =	vlt.s32 v55, $0xDF;
	vm11 =	vlt.s32 v56, $0xDF  }
0xad: {  	v7 =	vadd.s32 s11, v7;
	v8 =	vnsel vm10, $0xDF, v55;
	v9 =	vnsel vm11, $0xDF, v56  }
0xae: {  	v57 =	vadd.s32 v7, v6;
	v8 =	vmul.u32 $0xE0, v8;
	v9 =	vadd.s32 s11, v9  }
0xaf: {  	[tilespmem:s14+$0x12010] =	vst v57;
	v6 =	vadd.s32 v6, v9  }
0xb0: {  	v7 =	vadd.s32 v7, v8;
	[tilespmem:s14+$0x12090] =	vst v6  }
0xb1: {  	v6 =	vadd.s32 v9, v8;
	[tilespmem:s14+$0x12050] =	vst v7  }
0xb2: {  	[tilespmem:s14+$0x120D0] =	vst v6  }
0xb3: {  	v6 =	vld [tilespmem:s3+$0x0]  }
0xb4: {  	v7 =	vld [tilespmem:s4+$0x0];
	_ =	sdelay $0x4  }
0xb5: {  	v58 =	vadd.s32 $0x1, v6;
	v59 =	vadd.s32 $0x1, v7  }
0xb6: {  	v6 =	vmul.u32 $0xE0, v6;
	vm12 =	vlt.s32 v58, $0xDF;
	vm13 =	vlt.s32 v59, $0xDF  }
0xb7: {  	v7 =	vadd.s32 s11, v7;
	v8 =	vnsel vm12, $0xDF, v58;
	v9 =	vnsel vm13, $0xDF, v59  }
0xb8: {  	v60 =	vadd.s32 v7, v6;
	v8 =	vmul.u32 $0xE0, v8;
	v9 =	vadd.s32 s11, v9  }
0xb9: {  	[tilespmem:s14+$0x12020] =	vst v60;
	v6 =	vadd.s32 v6, v9  }
0xba: {  	v7 =	vadd.s32 v7, v8;
	[tilespmem:s14+$0x120A0] =	vst v6  }
0xbb: {  	v6 =	vadd.s32 v9, v8;
	[tilespmem:s14+$0x12060] =	vst v7  }
0xbc: {  	[tilespmem:s14+$0x120E0] =	vst v6  }
0xbd: {  	v6 =	vld [tilespmem:s3+$0x10]  }
0xbe: {  	v7 =	vld [tilespmem:s4+$0x10];
	_ =	sdelay $0x4  }
0xbf: {  	v61 =	vadd.s32 $0x1, v6;
	v62 =	vadd.s32 $0x1, v7  }
0xc0: {  	v6 =	vmul.u32 $0xE0, v6;
	vm14 =	vlt.s32 v61, $0xDF;
	vm15 =	vlt.s32 v62, $0xDF  }
0xc1: {  	v7 =	vadd.s32 s11, v7;
	v8 =	vnsel vm14, $0xDF, v61;
	v9 =	vnsel vm15, $0xDF, v62  }
0xc2: {  	v63 =	vadd.s32 v7, v6;
	v8 =	vmul.u32 $0xE0, v8;
	v9 =	vadd.s32 s11, v9  }
0xc3: {  	[tilespmem:s14+$0x12030] =	vst v63;
	v6 =	vadd.s32 v6, v9  }
0xc4: {  	v7 =	vadd.s32 v7, v8;
	[tilespmem:s14+$0x120B0] =	vst v6  }
.Ltmp6:
0xc5: {  	v6 =	vadd.s32 v9, v8;
	[tilespmem:s14+$0x12070] =	vst v7;
	(pc) =	sbr.rel .LBB2_6-.Ltmp6, $4  }
0xc6: {  	s18 =	sadd.s32 $0xFFFFFC00, s1;
	s17 =	sadd.s32 $0x12000, s14;
	[tilespmem:s14+$0x120F0] =	vst v6  }
0xc7: {  	[tilespmem:s18], [sflag:$0x2] =	stream.indirect.gather [hbm4b:s6+s22], $0x8, s17, s22, $0xb8;
	[tilespmem:$0x1A190] =	vst v63  }
0xc8: {  	s14 =	sadd.s32 $0x12080, s14  }
0xc9: {  	[tilespmem:s1], [sflag:$0x2] =	stream.indirect.gather [hbm4b:s6+s22], $0x8, s14, s22, $0xb8;
	[tilespmem:$0x1A190] =	vst v63  }
.LBB2_7:
.Ltmp7:
0xca: {  	(pc) =	sbr.rel .LBB2_8-.Ltmp7, $2  }
0xcb: {  	_ =	sdelay $0x2  }
0xcc: {  	s24 =	simm.s32 $0x0  }
.LBB2_25:
0xcd: {  	v6 =	vld [tilespmem:s18+$0x1A110];
	_ =	sdelay $0x4  }
0xce: {  	v6 =	vmax.f32 v6, $9.999999960e-13  }
0xcf: {  	(erf) = vrcp.f32 v6;
	_ =	sdelay $0x4  }
0xd0: {  	v6 =	vld [tilespmem:s25+$0x19D10]  }
0xd1: {  	v7 =	vld [tilespmem:s25+$0x19D50]  }
0xd2: {  	v8 =	vld [tilespmem:s25+$0x19D90]  }
0xd3: {  	v9 =	vld [tilespmem:s25+$0x19DD0]  }
0xd4: {  	v11 =	vld [tilespmem:s25+$0x19E10];
	v10 =	vpop (erf)  }
0xd5: {  	v12 =	vld [tilespmem:s25+$0x19E50];
	v6 =	vmul.f32 v10, v6  }
0xd6: {  	v13 =	vld [tilespmem:s25+$0x19E90];
	v7 =	vmul.f32 v7, v10  }
0xd7: {  	v42 =	vld [tilespmem:s25+$0x19ED0];
	[tilespmem:s25+$0x19D10] =	vst v6;
	v6 =	vmul.f32 v8, v10  }
0xd8: {  	[tilespmem:s25+$0x19D50] =	vst v7;
	v7 =	vmul.f32 v9, v10  }
0xd9: {  	[tilespmem:s25+$0x19D90] =	vst v6;
	v6 =	vmul.f32 v11, v10  }
0xda: {  	[tilespmem:s25+$0x19DD0] =	vst v7;
	v7 =	vmul.f32 v12, v10  }
0xdb: {  	[tilespmem:s25+$0x19E10] =	vst v6;
	v6 =	vmul.f32 v13, v10  }
0xdc: {  	[tilespmem:s25+$0x19E50] =	vst v7;
	v7 =	vmul.f32 v42, v10  }
0xdd: {  	[tilespmem:s25+$0x19E90] =	vst v6  }
0xde: {  	[tilespmem:s25+$0x19ED0] =	vst v7  }
0xdf: {  	v6 =	vld [tilespmem:s18+$0x1A120];
	_ =	sdelay $0x4  }
0xe0: {  	v6 =	vmax.f32 v6, $9.999999960e-13  }
0xe1: {  	(erf) = vrcp.f32 v6;
	_ =	sdelay $0x4  }
0xe2: {  	v6 =	vld [tilespmem:s25+$0x19D20]  }
0xe3: {  	v7 =	vld [tilespmem:s25+$0x19D60]  }
0xe4: {  	v43 =	vld [tilespmem:s25+$0x19DA0]  }
0xe5: {  	v44 =	vld [tilespmem:s25+$0x19DE0]  }
0xe6: {  	v46 =	vld [tilespmem:s25+$0x19E20];
	v45 =	vpop (erf)  }
0xe7: {  	v47 =	vld [tilespmem:s25+$0x19E60];
	v6 =	vmul.f32 v45, v6  }
0xe8: {  	v48 =	vld [tilespmem:s25+$0x19EA0];
	v7 =	vmul.f32 v7, v45  }
0xe9: {  	v49 =	vld [tilespmem:s25+$0x19EE0];
	[tilespmem:s25+$0x19D20] =	vst v6;
	v6 =	vmul.f32 v43, v45  }
0xea: {  	[tilespmem:s25+$0x19D60] =	vst v7;
	v7 =	vmul.f32 v44, v45  }
0xeb: {  	[tilespmem:s25+$0x19DA0] =	vst v6;
	v6 =	vmul.f32 v46, v45  }
0xec: {  	[tilespmem:s25+$0x19DE0] =	vst v7;
	v7 =	vmul.f32 v47, v45  }
0xed: {  	[tilespmem:s25+$0x19E20] =	vst v6;
	v6 =	vmul.f32 v48, v45  }
0xee: {  	[tilespmem:s25+$0x19E60] =	vst v7;
	v7 =	vmul.f32 v49, v45  }
0xef: {  	[tilespmem:s25+$0x19EA0] =	vst v6  }
0xf0: {  	[tilespmem:s25+$0x19EE0] =	vst v7  }
0xf1: {  	v6 =	vld [tilespmem:s18+$0x1A130];
	_ =	sdelay $0x4  }
0xf2: {  	v6 =	vmax.f32 v6, $9.999999960e-13  }
0xf3: {  	(erf) = vrcp.f32 v6;
	_ =	sdelay $0x4  }
0xf4: {  	v6 =	vld [tilespmem:s25+$0x19D30]  }
0xf5: {  	v7 =	vld [tilespmem:s25+$0x19D70]  }
0xf6: {  	v50 =	vld [tilespmem:s25+$0x19DB0]  }
0xf7: {  	v51 =	vld [tilespmem:s25+$0x19DF0]  }
0xf8: {  	v53 =	vld [tilespmem:s25+$0x19E30];
	v52 =	vpop (erf)  }
0xf9: {  	v54 =	vld [tilespmem:s25+$0x19E70];
	v6 =	vmul.f32 v52, v6  }
0xfa: {  	v55 =	vld [tilespmem:s25+$0x19EB0];
	v7 =	vmul.f32 v7, v52  }
0xfb: {  	v56 =	vld [tilespmem:s25+$0x19EF0];
	[tilespmem:s25+$0x19D30] =	vst v6;
	v6 =	vmul.f32 v50, v52  }
0xfc: {  	[tilespmem:s25+$0x19D70] =	vst v7;
	v7 =	vmul.f32 v51, v52  }
0xfd: {  	[tilespmem:s25+$0x19DB0] =	vst v6;
	v6 =	vmul.f32 v53, v52  }
0xfe: {  	[tilespmem:s25+$0x19DF0] =	vst v7;
	v7 =	vmul.f32 v54, v52  }
0xff: {  	[tilespmem:s25+$0x19E30] =	vst v6;
	v6 =	vmul.f32 v55, v52  }
0x100: {  	[tilespmem:s25+$0x19E70] =	vst v7;
	v7 =	vmul.f32 v56, v52  }
0x101: {  	[tilespmem:s25+$0x19EB0] =	vst v6  }
0x102: {  	[tilespmem:s25+$0x19EF0] =	vst v7  }
0x103: {  	v6 =	vld [tilespmem:s18+$0x1A140];
	_ =	sdelay $0x4  }
0x104: {  	v6 =	vmax.f32 v6, $9.999999960e-13  }
0x105: {  	(erf) = vrcp.f32 v6;
	_ =	sdelay $0x4  }
0x106: {  	v6 =	vld [tilespmem:s25+$0x19D40]  }
0x107: {  	v7 =	vld [tilespmem:s25+$0x19D80]  }
0x108: {  	v57 =	vld [tilespmem:s25+$0x19DC0]  }
0x109: {  	v58 =	vld [tilespmem:s25+$0x19E00]  }
0x10a: {  	v60 =	vld [tilespmem:s25+$0x19E40];
	v59 =	vpop (erf)  }
0x10b: {  	v61 =	vld [tilespmem:s25+$0x19E80];
	v6 =	vmul.f32 v59, v6  }
0x10c: {  	v62 =	vld [tilespmem:s25+$0x19EC0];
	v7 =	vmul.f32 v7, v59  }
0x10d: {  	s2 =	sshll.u32 s28, $0x1;
	v63 =	vld [tilespmem:s25+$0x19F00];
	[tilespmem:s25+$0x19D40] =	vst v6;
	v6 =	vmul.f32 v57, v59  }
0x10e: {  	s2 =	sand.u32 $0x3FFFFC, s2;
	[tilespmem:s25+$0x19D80] =	vst v7;
	v7 =	vmul.f32 v58, v59  }
0x10f: {  	s3 =	sshll.u32 s26, $0x4;
	s2 =	sor.u32 s10, s2;
	[tilespmem:s25+$0x19DC0] =	vst v6;
	v6 =	vmul.f32 v60, v59  }
0x110: {  	s3 =	sand.u32 $0x380, s3;
	s2 =	sshll.u32 s2, $0xA;
	[tilespmem:s25+$0x19E00] =	vst v7;
	v7 =	vmul.f32 v61, v59  }
0x111: {  	s2 =	sor.u32 s3, s2;
	[tilespmem:s25+$0x19E40] =	vst v6;
	v6 =	vmul.f32 v62, v59  }
0x112: {  	s2 =	sor.u32 s8, s2;
	[tilespmem:s25+$0x19E80] =	vst v7;
	v7 =	vmul.f32 v63, v59  }
0x113: {  	s2 =	sshrl.u32 s2, $0x3;
	s18 =	rddreg [dreg:$0x2];
	[tilespmem:s25+$0x19EC0] =	vst v6  }
0x114: {  	s2 =	sadd.s32 s18, s2;
	[tilespmem:s25+$0x19F00] =	vst v7  }
0x115: {  	[hbm4b:s2+s5] =	stream.linear.scatter [tilespmem:s29], [sflag:$0x3], $0x40, $0x38;
	[tilespmem:$0x1A190] =	vst v63  }
0x116: {  	s3 =	sadd.s32 $0x4000, s2  }
0x117: {  	[hbm4b:s3+s5] =	stream.linear.scatter [tilespmem:s31], [sflag:$0x3], $0x40, $0x38;
	[tilespmem:$0x1A190] =	vst v63  }
0x118: {  	s23 =	sadd.s32 $0x8000, s2  }
0x119: {  	[hbm4b:s23+s5] =	stream.linear.scatter [tilespmem:s11], [sflag:$0x3], $0x40, $0x38;
	[tilespmem:$0x1A190] =	vst v63  }
0x11a: {  	s25 =	sadd.s32 $0xC000, s2  }
0x11b: {  	[hbm4b:s25+s5] =	stream.linear.scatter [tilespmem:s1], [sflag:$0x3], $0x40, $0x38;
	[tilespmem:$0x1A190] =	vst v63  }
0x11c: {  	s26 =	sadd.s32 $0x10000, s2  }
0x11d: {  	[hbm4b:s26+s5] =	stream.linear.scatter [tilespmem:s0], [sflag:$0x3], $0x40, $0x38;
	[tilespmem:$0x1A190] =	vst v63  }
0x11e: {  	s28 =	sadd.s32 $0x14000, s2  }
0x11f: {  	[hbm4b:s28+s5] =	stream.linear.scatter [tilespmem:s4], [sflag:$0x3], $0x40, $0x38;
	[tilespmem:$0x1A190] =	vst v63  }
0x120: {  	s29 =	sadd.s32 $0x18000, s2  }
0x121: {  	[hbm4b:s29+s5] =	stream.linear.scatter [tilespmem:s30], [sflag:$0x3], $0x40, $0x38;
	[tilespmem:$0x1A190] =	vst v63  }
0x122: {  	s24 =	sadd.s32 $0x1, s24;
	s31 =	sadd.s32 $0x1C000, s2  }
0x123: {  	[hbm4b:s31+s5] =	stream.linear.scatter [tilespmem:s17], [sflag:$0x3], $0x40, $0x38;
	[tilespmem:$0x1A190] =	vst v63  }
.LBB2_26:
0x124: {  	p0 =	sne.s32 s24, $0x41  }
.Ltmp8:
0x125: {  	_ = 	snop;
	(pc) =	sbr.rel @!p0 .LBB2_27-.Ltmp8, $1  }
0x126: {  	_ =	sdelay $0x3  }
.LBB2_8:
0x127: {  	p0 =	seq.s32 s24, $0x0  }
.Ltmp9:
0x128: {  	_ = 	snop;
	(pc) =	sbr.rel @p0 .LBB2_15-.Ltmp9, $1  }
0x129: {  	_ =	sdelay $0x3  }
0x12a: {  	p1 =	seq.s32 s24, $0x40  }
.Ltmp10:
0x12b: {  	_ = 	snop;
	(pc) =	sbr.rel @p1 .LBB2_20-.Ltmp10, $1  }
0x12c: {  	_ =	sdelay $0x3  }
0x12d: {  	_ =	sdelay $0x1  }
0x12e: {  	s0 =	sshll.u32 s24, $0x5  }
0x12f: {  	s0 =	sand.u32 $0x3FFFFFE0, s0  }
0x130: {  	v6 =	vld.idx.msk [tilespmem:v5+s0+$0x0 ss:$0x1], $0xffff;
	_ =	sdelay $0x4  }
0x131: {  	(v2sf) =	vpush v6, $0x0;
	_ =	sdelay $0x2  }
0x132: {  	s30 =	sand.u32 $0xFF, s24  }
0x133: {  	s0 =	smul.u32 $0xAB, s30;
	_ =	sdelay $0x1  }
0x134: {  	s0 =	sshrl.u32 s0, $0x9  }
0x135: {  	s0 =	smul.u32 $0x3, s0;
	_ =	sdelay $0x1  }
0x136: {  	s0 =	ssub.s32 s24, s0  }
0x137: {  	s1 =	sand.u32 $0x1, s24;
	s0 =	smul.u32 $0x12, s0  }
.Ltmp11:
0x138: {  	s4 =	simm.s32 $0x12;
	p1 =	seq.s32 s1, $0x1;
	(pc) =	sbr.rel .LBB2_11-.Ltmp11, $4  }
0x139: {  	s11 =	simm.s32 $0x0;
	s13 =	simm.s32 $0x0;
	s4 =	simm.s32 @!p1 $0x0  }
0x13a: {  	s14 =	simm.s32 $0x0;
	s31 =	sshll.u32 s4, $0x8;
	s2 =	sand.u32 $0xFE, s0  }
0x13b: {  	s4 =	sshll.u32 s4, $0xB;
	s1 =	sor.u32 $0x12000, s31;
	s3 =	sshll.u32 s2, $0x6  }
0x13c: {  	v6 =	vmov s1;
	s2 =	sadd.s32 $0x151A0, s3;
	s3 =	sadd.s32 $0x14420, s3;
	s0 =	spop (v2sf)  }
.LBB2_13:
0x13d: {  	s11 =	sadd.s32 $0x400, s11  }
0x13e: {  	p1 =	sne.s32 s11, $0x4800  }
.Ltmp12:
0x13f: {  	_ = 	snop;
	(pc) =	sbr.rel @!p1 .LBB2_14-.Ltmp12, $3  }
0x140: {  	_ =	sdelay $0x1  }
0x141: {  	s14 =	sadd.s32 $0x1, s14;
	s13 =	sadd.s32 $0xC400, s13  }
0x142: {  	s2 =	sadd.s32 $0x40, s2;
	s3 =	sadd.s32 $0x40, s3;
	s4 =	sadd.s32 $0x800, s4  }
.LBB2_11:
0x143: {  	s17 =	sshrl.u32 s0, s14  }
0x144: {  	s17 =	sand.u32 $0x1, s17  }
0x145: {  	p1 =	seq.s32 s17, $0x0  }
.Ltmp13:
0x146: {  	_ = 	snop;
	(pc) =	sbr.rel @p1 .LBB2_13-.Ltmp13, $1  }
0x147: {  	_ =	sdelay $0x3  }
0x148: {  	_ =	swait.ge [sflag:s21], $0x40  }
0x149: {  	[sflag:s21] =	ssyncset.done $0x0  }
0x14a: {  	[sflag:s21] =	ssyncadd.s32 $0xFFFFFFC0  }
0x14b: {  	_ =	swait.ge [sflag:s21], $0x40  }
0x14c: {  	[sflag:s21] =	ssyncset.done $0x0  }
0x14d: {  	[sflag:s21] =	ssyncadd.s32 $0xFFFFFFC0  }
0x14e: {  	_ =	swait.ge [sflag:s21], $0x40  }
0x14f: {  	[sflag:s21] =	ssyncset.done $0x0  }
0x150: {  	[sflag:s21] =	ssyncadd.s32 $0xFFFFFFC0  }
0x151: {  	_ =	swait.ge [sflag:s21], $0x40  }
0x152: {  	[sflag:s21] =	ssyncset.done $0x0  }
0x153: {  	[sflag:s21] =	ssyncadd.s32 $0xFFFFFFC0  }
0x154: {  	_ =	swait.ge [sflag:s21], $0x40  }
0x155: {  	[sflag:s21] =	ssyncset.done $0x0  }
0x156: {  	[sflag:s21] =	ssyncadd.s32 $0xFFFFFFC0  }
0x157: {  	_ =	swait.ge [sflag:s21], $0x40  }
0x158: {  	[sflag:s21] =	ssyncset.done $0x0  }
0x159: {  	[sflag:s21] =	ssyncadd.s32 $0xFFFFFFC0  }
0x15a: {  	v7 =	vld [tilespmem:s2+$0xFFFFFFE0]  }
0x15b: {  	v8 =	vld [tilespmem:s3+$0xFFFFFFE0];
	_ =	sdelay $0x4  }
0x15c: {  	v9 =	vadd.s32 $0x1, v7;
	v10 =	vadd.s32 $0x1, v8  }
0x15d: {  	v7 =	vmul.u32 $0xE0, v7;
	vm0 =	vlt.s32 v9, $0xDF;
	vm9 =	vlt.s32 v10, $0xDF  }
0x15e: {  	v8 =	vadd.s32 s13, v8;
	v9 =	vnsel vm0, $0xDF, v9;
	v10 =	vnsel vm9, $0xDF, v10  }
0x15f: {  	s17 =	sshra.s32 s11, $0x2;
	v11 =	vadd.s32 v8, v7;
	v9 =	vmul.u32 $0xE0, v9;
	v10 =	vadd.s32 s13, v10  }
0x160: {  	[tilespmem:v6+s17+$0x0 ss:$0x1] =	vst.idx.msk $0xffff, v11;
	v7 =	vadd.s32 v7, v10  }
0x161: {  	v8 =	vadd.s32 v8, v9;
	[tilespmem:v6+s17+$0x80 ss:$0x1] =	vst.idx.msk $0xffff, v7  }
0x162: {  	v7 =	vadd.s32 v10, v9;
	[tilespmem:v6+s17+$0x40 ss:$0x1] =	vst.idx.msk $0xffff, v8  }
0x163: {  	[tilespmem:v6+s17+$0xC0 ss:$0x1] =	vst.idx.msk $0xffff, v7  }
0x164: {  	v7 =	vld [tilespmem:s2+$0xFFFFFFF0]  }
0x165: {  	v8 =	vld [tilespmem:s3+$0xFFFFFFF0];
	_ =	sdelay $0x4  }
0x166: {  	v55 =	vadd.s32 $0x1, v7;
	v56 =	vadd.s32 $0x1, v8  }
0x167: {  	v7 =	vmul.u32 $0xE0, v7;
	vm10 =	vlt.s32 v55, $0xDF;
	vm11 =	vlt.s32 v56, $0xDF  }
0x168: {  	v8 =	vadd.s32 s13, v8;
	v9 =	vnsel vm10, $0xDF, v55;
	v10 =	vnsel vm11, $0xDF, v56  }
0x169: {  	v57 =	vadd.s32 v8, v7;
	v9 =	vmul.u32 $0xE0, v9;
	v10 =	vadd.s32 s13, v10  }
0x16a: {  	[tilespmem:v6+s17+$0x10 ss:$0x1] =	vst.idx.msk $0xffff, v57;
	v7 =	vadd.s32 v7, v10  }
0x16b: {  	v8 =	vadd.s32 v8, v9;
	[tilespmem:v6+s17+$0x90 ss:$0x1] =	vst.idx.msk $0xffff, v7  }
0x16c: {  	v7 =	vadd.s32 v10, v9;
	[tilespmem:v6+s17+$0x50 ss:$0x1] =	vst.idx.msk $0xffff, v8  }
0x16d: {  	[tilespmem:v6+s17+$0xD0 ss:$0x1] =	vst.idx.msk $0xffff, v7  }
0x16e: {  	v7 =	vld [tilespmem:s2+$0x0]  }
0x16f: {  	v8 =	vld [tilespmem:s3+$0x0];
	_ =	sdelay $0x4  }
0x170: {  	v58 =	vadd.s32 $0x1, v7;
	v59 =	vadd.s32 $0x1, v8  }
0x171: {  	v7 =	vmul.u32 $0xE0, v7;
	vm12 =	vlt.s32 v58, $0xDF;
	vm13 =	vlt.s32 v59, $0xDF  }
0x172: {  	v8 =	vadd.s32 s13, v8;
	v9 =	vnsel vm12, $0xDF, v58;
	v10 =	vnsel vm13, $0xDF, v59  }
0x173: {  	v60 =	vadd.s32 v8, v7;
	v9 =	vmul.u32 $0xE0, v9;
	v10 =	vadd.s32 s13, v10  }
0x174: {  	[tilespmem:v6+s17+$0x20 ss:$0x1] =	vst.idx.msk $0xffff, v60;
	v7 =	vadd.s32 v7, v10  }
0x175: {  	v8 =	vadd.s32 v8, v9;
	[tilespmem:v6+s17+$0xA0 ss:$0x1] =	vst.idx.msk $0xffff, v7  }
0x176: {  	v7 =	vadd.s32 v10, v9;
	[tilespmem:v6+s17+$0x60 ss:$0x1] =	vst.idx.msk $0xffff, v8  }
0x177: {  	[tilespmem:v6+s17+$0xE0 ss:$0x1] =	vst.idx.msk $0xffff, v7  }
0x178: {  	v7 =	vld [tilespmem:s2+$0x10]  }
0x179: {  	v8 =	vld [tilespmem:s3+$0x10];
	_ =	sdelay $0x4  }
0x17a: {  	v61 =	vadd.s32 $0x1, v7;
	v62 =	vadd.s32 $0x1, v8  }
0x17b: {  	v7 =	vmul.u32 $0xE0, v7;
	vm14 =	vlt.s32 v61, $0xDF;
	vm15 =	vlt.s32 v62, $0xDF  }
0x17c: {  	v8 =	vadd.s32 s13, v8;
	v9 =	vnsel vm14, $0xDF, v61;
	v10 =	vnsel vm15, $0xDF, v62  }
0x17d: {  	v63 =	vadd.s32 v8, v7;
	v9 =	vmul.u32 $0xE0, v9;
	v10 =	vadd.s32 s13, v10  }
0x17e: {  	[tilespmem:v6+s17+$0x30 ss:$0x1] =	vst.idx.msk $0xffff, v63;
	v7 =	vadd.s32 v7, v10  }
0x17f: {  	v8 =	vadd.s32 v8, v9;
	[tilespmem:v6+s17+$0xB0 ss:$0x1] =	vst.idx.msk $0xffff, v7  }
.Ltmp14:
0x180: {  	v7 =	vadd.s32 v10, v9;
	[tilespmem:v6+s17+$0x70 ss:$0x1] =	vst.idx.msk $0xffff, v8;
	(pc) =	sbr.rel .LBB2_13-.Ltmp14, $4  }
0x181: {  	s18 =	sadd.s32 s17, s1;
	[tilespmem:v6+s17+$0xF0 ss:$0x1] =	vst.idx.msk $0xffff, v7  }
0x182: {  	[tilespmem:s4], [sflag:$0x2] =	stream.indirect.gather [hbm4b:s6+s22], $0x8, s18, s22, $0xb8;
	[tilespmem:$0x1A190] =	vst v63  }
0x183: {  	s31 =	sadd.s32 $0x400, s4;
	s30 =	sadd.s32 $0x80, s18  }
0x184: {  	[tilespmem:s31], [sflag:$0x2] =	stream.indirect.gather [hbm4b:s6+s22], $0x8, s30, s22, $0xb8;
	[tilespmem:$0x1A190] =	vst v63  }
.LBB2_14:
0x185: {  	p1 =	sgt.u32 s24, $0x3E  }
.Ltmp15:
0x186: {  	_ = 	snop;
	(pc) =	sbr.rel @p1 .LBB2_20-.Ltmp15, $1  }
0x187: {  	_ =	sdelay $0x3  }
.LBB2_15:
0x188: {  	s0 =	sadd.s32 $0x1, s24  }
0x189: {  	s1 =	sshll.u32 s0, $0x5  }
0x18a: {  	s1 =	sor.u32 s7, s1  }
0x18b: {  	v6 =	vld [tilespmem:s1+$0x19500];
	_ =	sdelay $0x4  }
0x18c: {  	(v2sf) =	vpush v6, $0x0;
	_ =	sdelay $0x7  }
0x18d: {  	s2 =	sand.u32 $0xFF, s0  }
0x18e: {  	s2 =	smul.u32 $0xAB, s2;
	_ =	sdelay $0x1  }
0x18f: {  	s2 =	sshrl.u32 s2, $0x9  }
0x190: {  	s9 =	rddreg [dreg:$0x1];
	s2 =	smul.u32 $0x3, s2  }
0x191: {  	s29 =	sshll.u32 s24, $0x8;
	s30 =	rddreg [dreg:$0x7]  }
0x192: {  	s13 =	simm.s32 $0x20000;
	s1 =	sshll.u32 s1, $0x8;
	s0 =	ssub.s32 s0, s2  }
0x193: {  	s25 =	sand.u32 $0xFF800, s1;
	s0 =	smul.u32 $0x12, s0;
	s1 =	spop (v2sf)  }
0x194: {  	s23 =	sadd.s32 s29, s30;
	s18 =	sadd.s32 s29, s16;
	s4 =	sshrl.u32 s1, $0x0  }
0x195: {  	s26 =	sor.u32 s25, s15;
	s3 =	sand.u32 $0xFE, s0;
	s4 =	sand.u32 $0x1, s4  }
0x196: {  	s0 =	sshrl.u32 s26, $0x3;
	s31 =	sshll.u32 s3, $0x6;
	p1 =	seq.s32 s4, $0x0  }
0x197: {  	s3 =	sshll.u32 s3, $0x8;
	s11 =	sadd.s32 $0x14400, s31;
	s17 =	simm.s32 @!p1 $0x0  }
0x198: {  	[tilespmem:s11], [sflag:$0x1] =	stream.linear.gather @!p1 [hbm4b:s23+s17], $0x40, $0x38;
	[tilespmem:$0x1A190] =	vst v63  }
0x199: {  	s0 =	sadd.s32 s0, s9;
	s28 =	sadd.s32 $0x15F00, s3;
	s3 =	sadd.s32 $0x15180, s31  }
0x19a: {  	[tilespmem:s3], [sflag:$0x1] =	stream.linear.gather @!p1 [hbm4b:s18+s17], $0x40, $0x38;
	[tilespmem:$0x1A190] =	vst v63  }
0x19b: {  	s2 =	simm.s32 $0x10000;
	s4 =	sshrl.u32 s1, $0x1;
	s25 =	sadd.s32 @!p1 $0x0, s0  }
0x19c: {  	[tilespmem:s28], [sflag:$0x1] =	stream.linear.gather @!p1 [hbm4b:s25+s17], $0x40, $0x38;
	[tilespmem:$0x1A190] =	vst v63  }
0x19d: {  	s14 =	sadd.s32 @!p1 $0x40, s28;
	s11 =	sadd.s32 $0x40, s11;
	s26 =	sadd.s32 @!p1 $0x10, s25  }
0x19e: {  	[tilespmem:s14], [sflag:$0x1] =	stream.linear.gather @!p1 [hbm4b:s26+s17], $0x40, $0x38;
	[tilespmem:$0x1A190] =	vst v63  }
0x19f: {  	s14 =	sadd.s32 $0x40, s3;
	s3 =	sadd.s32 @!p1 $0x80, s28;
	s26 =	sadd.s32 @!p1 $0x20, s25  }
0x1a0: {  	[tilespmem:s3], [sflag:$0x1] =	stream.linear.gather @!p1 [hbm4b:s26+s17], $0x40, $0x38;
	[tilespmem:$0x1A190] =	vst v63  }
0x1a1: {  	s23 =	sadd.s32 $0x4000, s23;
	s18 =	sadd.s32 $0x4000, s18;
	s3 =	sadd.s32 $0x100, s28  }
0x1a2: {  	s26 =	sadd.s32 @!p1 $0x30, s25;
	s25 =	simm.s32 $0x2;
	s28 =	sadd.s32 @!p1 $0xC0, s28  }
.LBB2_16:
0x1a3: {  	[tilespmem:s28], [sflag:$0x1] =	stream.linear.gather @!p1 [hbm4b:s26+s17], $0x40, $0x38;
	[tilespmem:$0x1A190] =	vst v63  }
0x1a4: {  	s26 =	smov.u32 s2;
	s2 =	smov.u32 s13;
	s28 =	smov.u32 s14  }
0x1a5: {  	s13 =	sadd.s32 $0x10000, s13;
	s17 =	sand.u32 $0x1, s4;
	s4 =	sshrl.u32 s1, s25  }
0x1a6: {  	s29 =	smov.u32 s3;
	p2 =	sne.s32 s13, $0x120000;
	p1 =	seq.s32 s17, $0x0  }
0x1a7: {  	s17 =	simm.s32 @!p1 $0x0  }
0x1a8: {  	[tilespmem:s11], [sflag:$0x1] =	stream.linear.gather @!p1 [hbm4b:s23+s17], $0x40, $0x38;
	[tilespmem:$0x1A190] =	vst v63  }
0x1a9: {  	s14 =	sadd.s32 $0x40, s14;
	s11 =	sadd.s32 $0x40, s11  }
0x1aa: {  	[tilespmem:s28], [sflag:$0x1] =	stream.linear.gather @!p1 [hbm4b:s18+s17], $0x40, $0x38;
	[tilespmem:$0x1A190] =	vst v63  }
0x1ab: {  	s3 =	sadd.s32 $0x100, s3;
	s30 =	sadd.s32 @!p1 $0x40, s29;
	s28 =	sadd.s32 @!p1 s26, s0  }
0x1ac: {  	[tilespmem:s29], [sflag:$0x1] =	stream.linear.gather @!p1 [hbm4b:s28+s17], $0x40, $0x38;
	[tilespmem:$0x1A190] =	vst v63  }
.Ltmp16:
0x1ad: {  	s31 =	sadd.s32 @!p1 $0x10, s28;
	s26 =	sadd.s32 @!p1 $0x30, s28;
	(pc) =	sbr.rel @p2 .LBB2_16-.Ltmp16, $4  }
0x1ae: {  	[tilespmem:s30], [sflag:$0x1] =	stream.linear.gather @!p1 [hbm4b:s31+s17], $0x40, $0x38;
	[tilespmem:$0x1A190] =	vst v63  }
0x1af: {  	s18 =	sadd.s32 $0x4000, s18;
	s28 =	sadd.s32 @!p1 $0x20, s28;
	s30 =	sadd.s32 @!p1 $0x80, s29  }
0x1b0: {  	[tilespmem:s30], [sflag:$0x1] =	stream.linear.gather @!p1 [hbm4b:s28+s17], $0x40, $0x38;
	[tilespmem:$0x1A190] =	vst v63  }
0x1b1: {  	s25 =	sadd.s32 $0x1, s25;
	s23 =	sadd.s32 $0x4000, s23;
	s28 =	sadd.s32 @!p1 $0xC0, s29  }
0x1b2: {  	[tilespmem:s28], [sflag:$0x1] =	stream.linear.gather @!p1 [hbm4b:s26+s17], $0x40, $0x38;
	[tilespmem:$0x1A190] =	vst v63  }
0x1b3: {  	s1 =	sand.u32 $0x1, s4  }
0x1b4: {  	p1 =	seq.s32 s1, $0x0  }
0x1b5: {  	s1 =	simm.s32 @!p1 $0x0  }
0x1b6: {  	[tilespmem:s11], [sflag:$0x1] =	stream.linear.gather @!p1 [hbm4b:s23+s1], $0x40, $0x38;
	[tilespmem:$0x1A190] =	vst v63  }
0x1b7: {  	_ = 	snop  }
0x1b8: {  	[tilespmem:s14], [sflag:$0x1] =	stream.linear.gather @!p1 [hbm4b:s18+s1], $0x40, $0x38;
	[tilespmem:$0x1A190] =	vst v63  }
0x1b9: {  	s0 =	sadd.s32 @!p1 s2, s0  }
0x1ba: {  	[tilespmem:s3], [sflag:$0x1] =	stream.linear.gather @!p1 [hbm4b:s0+s1], $0x40, $0x38;
	[tilespmem:$0x1A190] =	vst v63  }
0x1bb: {  	s2 =	sadd.s32 @!p1 $0x40, s3;
	s4 =	sadd.s32 @!p1 $0x10, s0  }
0x1bc: {  	[tilespmem:s2], [sflag:$0x1] =	stream.linear.gather @!p1 [hbm4b:s4+s1], $0x40, $0x38;
	[tilespmem:$0x1A190] =	vst v63  }
.Ltmp17:
0x1bd: {  	_ = 	snop;
	(pc) =	sbr.rel @p0 .LBB2_18-.Ltmp17, $4  }
0x1be: {  	s2 =	sadd.s32 @!p1 $0x80, s3;
	s4 =	sadd.s32 @!p1 $0x20, s0  }
0x1bf: {  	[tilespmem:s2], [sflag:$0x1] =	stream.linear.gather @!p1 [hbm4b:s4+s1], $0x40, $0x38;
	[tilespmem:$0x1A190] =	vst v63  }
0x1c0: {  	s0 =	sadd.s32 @!p1 $0x30, s0;
	s2 =	sadd.s32 @!p1 $0xC0, s3  }
0x1c1: {  	[tilespmem:s2], [sflag:$0x1] =	stream.linear.gather @!p1 [hbm4b:s0+s1], $0x40, $0x38;
	[tilespmem:$0x1A190] =	vst v63  }
0x1c2: {  	p0 =	slt.u32 s24, $0x3  }
.Ltmp18:
0x1c3: {  	_ = 	snop;
	(pc) =	sbr.rel @p0 .LBB2_21-.Ltmp18, $1  }
0x1c4: {  	_ =	sdelay $0x3  }
.LBB2_20:
0x1c5: {  	_ =	swait.ge [sflag:s19], $0x40  }
0x1c6: {  	[sflag:s19] =	ssyncset.done $0x0  }
0x1c7: {  	[sflag:s19] =	ssyncadd.s32 $0xFFFFFFC0  }
0x1c8: {  	_ =	swait.ge [sflag:s19], $0x40  }
0x1c9: {  	[sflag:s19] =	ssyncset.done $0x0  }
0x1ca: {  	[sflag:s19] =	ssyncadd.s32 $0xFFFFFFC0  }
0x1cb: {  	_ =	swait.ge [sflag:s19], $0x40  }
0x1cc: {  	[sflag:s19] =	ssyncset.done $0x0  }
0x1cd: {  	[sflag:s19] =	ssyncadd.s32 $0xFFFFFFC0  }
0x1ce: {  	_ =	swait.ge [sflag:s19], $0x40  }
0x1cf: {  	[sflag:s19] =	ssyncset.done $0x0  }
0x1d0: {  	[sflag:s19] =	ssyncadd.s32 $0xFFFFFFC0  }
0x1d1: {  	_ =	swait.ge [sflag:s19], $0x40  }
0x1d2: {  	[sflag:s19] =	ssyncset.done $0x0  }
0x1d3: {  	[sflag:s19] =	ssyncadd.s32 $0xFFFFFFC0  }
0x1d4: {  	_ =	swait.ge [sflag:s19], $0x40  }
0x1d5: {  	[sflag:s19] =	ssyncset.done $0x0  }
0x1d6: {  	[sflag:s19] =	ssyncadd.s32 $0xFFFFFFC0  }
0x1d7: {  	_ =	swait.ge [sflag:s19], $0x40  }
0x1d8: {  	[sflag:s19] =	ssyncset.done $0x0  }
0x1d9: {  	[sflag:s19] =	ssyncadd.s32 $0xFFFFFFC0  }
0x1da: {  	_ =	swait.ge [sflag:s19], $0x40  }
0x1db: {  	[sflag:s19] =	ssyncset.done $0x0  }
0x1dc: {  	[sflag:s19] =	ssyncadd.s32 $0xFFFFFFC0  }
.LBB2_21:
0x1dd: {  	s28 =	sadd.s32 $0xFFFFFFFF, s24  }
0x1de: {  	s0 =	sshll.u32 s28, $0x5;
	s2 =	sand.u32 $0x1, s28  }
0x1df: {  	s26 =	sor.u32 s7, s0;
	s25 =	sshll.u32 s2, $0x9  }
0x1e0: {  	v6 =	vld [tilespmem:s26+$0x19500];
	[tilespmem:s25+$0x19D10] =	vst v1  }
0x1e1: {  	[tilespmem:s25+$0x19D20] =	vst v1  }
0x1e2: {  	[tilespmem:s25+$0x19D30] =	vst v1  }
0x1e3: {  	[tilespmem:s25+$0x19D40] =	vst v1  }
0x1e4: {  	[tilespmem:s25+$0x19D50] =	vst v1  }
0x1e5: {  	[tilespmem:s25+$0x19D60] =	vst v1  }
0x1e6: {  	[tilespmem:s25+$0x19D70] =	vst v1  }
0x1e7: {  	[tilespmem:s25+$0x19D80] =	vst v1  }
0x1e8: {  	[tilespmem:s25+$0x19D90] =	vst v1  }
0x1e9: {  	[tilespmem:s25+$0x19DA0] =	vst v1  }
0x1ea: {  	[tilespmem:s25+$0x19DB0] =	vst v1  }
0x1eb: {  	[tilespmem:s25+$0x19DC0] =	vst v1  }
0x1ec: {  	[tilespmem:s25+$0x19DD0] =	vst v1  }
0x1ed: {  	[tilespmem:s25+$0x19DE0] =	vst v1  }
0x1ee: {  	[tilespmem:s25+$0x19DF0] =	vst v1  }
0x1ef: {  	[tilespmem:s25+$0x19E00] =	vst v1  }
0x1f0: {  	[tilespmem:s25+$0x19E10] =	vst v1  }
0x1f1: {  	[tilespmem:s25+$0x19E20] =	vst v1  }
0x1f2: {  	[tilespmem:s25+$0x19E30] =	vst v1  }
0x1f3: {  	[tilespmem:s25+$0x19E40] =	vst v1  }
0x1f4: {  	[tilespmem:s25+$0x19E50] =	vst v1;
	(v2sf) =	vpush v6, $0x0  }
0x1f5: {  	[tilespmem:s25+$0x19E60] =	vst v1  }
0x1f6: {  	[tilespmem:s25+$0x19E70] =	vst v1  }
0x1f7: {  	[tilespmem:s25+$0x19E80] =	vst v1  }
0x1f8: {  	[tilespmem:s25+$0x19E90] =	vst v1  }
0x1f9: {  	[tilespmem:s25+$0x19EA0] =	vst v1  }
0x1fa: {  	[tilespmem:s25+$0x19EB0] =	vst v1  }
0x1fb: {  	s23 =	smulhi.u32 $0xAAAAAAAB, s28;
	[tilespmem:s25+$0x19EC0] =	vst v1  }
0x1fc: {  	s3 =	smul.u32 $0x4800, s24;
	[tilespmem:s25+$0x19ED0] =	vst v1  }
0x1fd: {  	s18 =	sshll.u32 s2, $0x6;
	s2 =	smul.u32 $0x1200, s2;
	[tilespmem:s25+$0x19EE0] =	vst v1;
	s0 =	sshrl.u32 s23, $0x1  }
0x1fe: {  	[tilespmem:s25+$0x19EF0] =	vst v1;
	s14 =	smul.u32 $0xD800, s0  }
.Ltmp19:
0x1ff: {  	s29 =	sor.u32 $0x19D10, s25;
	s31 =	sor.u32 $0x19D50, s25;
	[tilespmem:s25+$0x19F00] =	vst v1;
	(pc) =	sbr.rel .LBB2_22-.Ltmp19, $4  }
0x200: {  	s11 =	sor.u32 $0x19D90, s25;
	s1 =	sor.u32 $0x19DD0, s25;
	s4 =	sadd.s32 $0x19E50, s25;
	[tilespmem:s18+$0x1A110] =	vst v1  }
0x201: {  	s30 =	sadd.s32 $0x19E90, s25;
	s17 =	sadd.s32 $0x19ED0, s25;
	[tilespmem:s18+$0x1A120] =	vst v1;
	s3 =	ssub.s32 s3, s14  }
0x202: {  	s0 =	sadd.s32 $0x19E10, s25;
	[tilespmem:s18+$0x1A130] =	vst v1;
	s14 =	sor.u32 $0x1A110, s18;
	s3 =	sshra.s32 s3, $0x2  }
0x203: {  	[tilespmem:s18+$0x1A140] =	vst v1;
	s23 =	sadd.s32 $0x14D00, s3;
	s3 =	simm.s32 $0x0;
	s13 =	spop (v2sf)  }
.LBB2_24:
0x204: {  	s3 =	sadd.s32 $0x1, s3  }
0x205: {  	p0 =	sne.s32 s3, $0x12  }
.Ltmp20:
0x206: {  	_ = 	snop;
	(pc) =	sbr.rel @!p0 .LBB2_25-.Ltmp20, $2  }
0x207: {  	_ =	sdelay $0x2  }
0x208: {  	s23 =	sadd.s32 $0x100, s23;
	s2 =	sadd.s32 $0x100, s2  }
.LBB2_22:
0x209: {  	s9 =	sshrl.u32 s13, s3  }
0x20a: {  	s9 =	sand.u32 $0x1, s9  }
0x20b: {  	p0 =	seq.s32 s9, $0x0  }
.Ltmp21:
0x20c: {  	_ = 	snop;
	(pc) =	sbr.rel @p0 .LBB2_24-.Ltmp21, $1  }
0x20d: {  	_ =	sdelay $0x3  }
0x20e: {  	_ =	swait.ge [sflag:s20], $0x400  }
0x20f: {  	[sflag:s20] =	ssyncset.done $0x0  }
0x210: {  	[sflag:s20] =	ssyncadd.s32 $0xFFFFFC00  }
0x211: {  	_ =	swait.ge [sflag:s20], $0x400  }
0x212: {  	[sflag:s20] =	ssyncset.done $0x0  }
0x213: {  	[sflag:s20] =	ssyncadd.s32 $0xFFFFFC00  }
0x214: {  	v6 =	vld [tilespmem:s23+$0x0]  }
0x215: {  	v7 =	vld [tilespmem:s23+$0x40]  }
0x216: {  	v8 =	vld [tilespmem:s14+$0x0];
	_ =	sdelay $0x1  }
0x217: {  	v9 =	vld [tilespmem:s23+$0x80]  }
0x218: {  	v13 =	vld [tilespmem:s23+$0xC0];
	vm0 =	vgt.f32 v6, $9.999999740e-06  }
0x219: {  	v10 =	vnsel vm0, $0x0, v6  }
0x21a: {  	vm13 =	vgt.f32 v7, $9.999999740e-06;
	v6 =	vadd.f32 v8, v10  }
0x21b: {  	v11 =	vnsel vm13, $0x0, v7  }
0x21c: {  	vm14 =	vgt.f32 v9, $9.999999740e-06;
	v7 =	vadd.f32 v6, v11;
	v6 =	vmov s2  }
0x21d: {  	s9 =	sadd.s32 $0x40, s2;
	vm15 =	vgt.f32 v13, $9.999999740e-06;
	v12 =	vnsel vm14, $0x0, v9;
	v6 =	vshll.u32 v6, $0x3  }
0x21e: {  	v22 =	vadd.f32 v7, v12;
	v14 =	vor.u32 v0, v6;
	v7 =	vmov s9  }
0x21f: {  	v13 =	vnsel vm15, $0x0, v13;
	s9 =	sadd.s32 $0x80, s2;
	v7 =	vshll.u32 v7, $0x3  }
0x220: {  	v24 =	vmov s9;
	v23 =	vadd.f32 v22, v13;
	v15 =	vor.u32 v0, v7  }
0x221: {  	s9 =	sadd.s32 $0xC0, s2;
	v8 =	vshll.u32 v24, $0x3  }
0x222: {  	v25 =	vmov s9;
	v16 =	vor.u32 v0, v8;
	[tilespmem:s14+$0x0] =	vst v23  }
0x223: {  	v9 =	vshll.u32 v25, $0x3;
	v17 =	vld.idx.msk [tilespmem:v14+s5+$0x0], $0xffff  }
0x224: {  	v19 =	vor.u32 v0, v9;
	v18 =	vld [tilespmem:s29+$0x0]  }
0x225: {  	v20 =	vld.idx.msk [tilespmem:v15+s5+$0x0], $0xffff;
	_ =	sdelay $0x1  }
0x226: {  	v21 =	vld.idx.msk [tilespmem:v16+s5+$0x0], $0xffff  }
0x227: {  	v17 =	vmul.f32 v17, v10  }
0x228: {  	v22 =	vld.idx.msk [tilespmem:v19+s5+$0x0], $0xffff  }
0x229: {  	v17 =	vadd.f32 v17, v18;
	v26 =	vmul.f32 v20, v11;
	_ =	sdelay $0x1  }
0x22a: {  	v27 =	vmul.f32 v21, v12;
	v17 =	vadd.f32 v26, v17;
	_ =	sdelay $0x1  }
0x22b: {  	v29 =	vor.u32 $0x1, v14;
	v28 =	vmul.f32 v22, v13;
	v17 =	vadd.f32 v27, v17;
	_ =	sdelay $0x1  }
0x22c: {  	v30 =	vor.u32 $0x1, v15;
	v17 =	vadd.f32 v28, v17;
	_ =	sdelay $0x1  }
0x22d: {  	v31 =	vor.u32 $0x1, v16;
	[tilespmem:s29+$0x0] =	vst v17  }
0x22e: {  	v20 =	vld.idx.msk [tilespmem:v29+s5+$0x0], $0xffff  }
0x22f: {  	v33 =	vor.u32 $0x1, v19;
	v32 =	vld [tilespmem:s25+$0x19D50]  }
0x230: {  	v18 =	vld.idx.msk [tilespmem:v30+s5+$0x0], $0xffff;
	_ =	sdelay $0x1  }
0x231: {  	v17 =	vld.idx.msk [tilespmem:v31+s5+$0x0], $0xffff  }
0x232: {  	v20 =	vmul.f32 v20, v10  }
0x233: {  	v22 =	vld.idx.msk [tilespmem:v33+s5+$0x0], $0xffff  }
0x234: {  	v18 =	vmul.f32 v18, v11;
	v20 =	vadd.f32 v20, v32;
	_ =	sdelay $0x1  }
0x235: {  	v17 =	vmul.f32 v17, v12;
	v18 =	vadd.f32 v18, v20;
	_ =	sdelay $0x1  }
0x236: {  	v35 =	vor.u32 $0x2, v14;
	v34 =	vmul.f32 v22, v13;
	v17 =	vadd.f32 v17, v18;
	_ =	sdelay $0x1  }
0x237: {  	v36 =	vor.u32 $0x2, v15;
	v17 =	vadd.f32 v34, v17;
	_ =	sdelay $0x1  }
0x238: {  	v37 =	vor.u32 $0x2, v16;
	[tilespmem:s25+$0x19D50] =	vst v17  }
0x239: {  	v20 =	vld.idx.msk [tilespmem:v35+s5+$0x0], $0xffff  }
0x23a: {  	v39 =	vor.u32 $0x2, v19;
	v38 =	vld [tilespmem:s25+$0x19D90]  }
0x23b: {  	v18 =	vld.idx.msk [tilespmem:v36+s5+$0x0], $0xffff;
	_ =	sdelay $0x1  }
0x23c: {  	v17 =	vld.idx.msk [tilespmem:v37+s5+$0x0], $0xffff  }
0x23d: {  	v20 =	vmul.f32 v20, v10  }
0x23e: {  	v22 =	vld.idx.msk [tilespmem:v39+s5+$0x0], $0xffff  }
0x23f: {  	v18 =	vmul.f32 v18, v11;
	v20 =	vadd.f32 v20, v38;
	_ =	sdelay $0x1  }
0x240: {  	v17 =	vmul.f32 v17, v12;
	v18 =	vadd.f32 v18, v20;
	_ =	sdelay $0x1  }
0x241: {  	v41 =	vor.u32 $0x3, v14;
	v40 =	vmul.f32 v22, v13;
	v17 =	vadd.f32 v17, v18;
	_ =	sdelay $0x1  }
0x242: {  	v42 =	vor.u32 $0x3, v15;
	v17 =	vadd.f32 v40, v17;
	_ =	sdelay $0x1  }
0x243: {  	v43 =	vor.u32 $0x3, v16;
	[tilespmem:s25+$0x19D90] =	vst v17  }
0x244: {  	v20 =	vld.idx.msk [tilespmem:v41+s5+$0x0], $0xffff  }
0x245: {  	v45 =	vor.u32 $0x3, v19;
	v44 =	vld [tilespmem:s25+$0x19DD0]  }
0x246: {  	v18 =	vld.idx.msk [tilespmem:v42+s5+$0x0], $0xffff;
	_ =	sdelay $0x1  }
0x247: {  	v17 =	vld.idx.msk [tilespmem:v43+s5+$0x0], $0xffff  }
0x248: {  	v20 =	vmul.f32 v20, v10  }
0x249: {  	v22 =	vld.idx.msk [tilespmem:v45+s5+$0x0], $0xffff  }
0x24a: {  	v18 =	vmul.f32 v18, v11;
	v20 =	vadd.f32 v20, v44;
	_ =	sdelay $0x1  }
0x24b: {  	v17 =	vmul.f32 v17, v12;
	v18 =	vadd.f32 v18, v20;
	_ =	sdelay $0x1  }
0x24c: {  	v47 =	vor.u32 $0x4, v14;
	v46 =	vmul.f32 v22, v13;
	v17 =	vadd.f32 v17, v18;
	_ =	sdelay $0x1  }
0x24d: {  	v48 =	vor.u32 $0x4, v15;
	v17 =	vadd.f32 v46, v17;
	_ =	sdelay $0x1  }
0x24e: {  	v49 =	vor.u32 $0x4, v16;
	[tilespmem:s25+$0x19DD0] =	vst v17  }
0x24f: {  	v20 =	vld.idx.msk [tilespmem:v47+s5+$0x0], $0xffff  }
0x250: {  	v51 =	vor.u32 $0x4, v19;
	v50 =	vld [tilespmem:s25+$0x19E10]  }
0x251: {  	v18 =	vld.idx.msk [tilespmem:v48+s5+$0x0], $0xffff;
	_ =	sdelay $0x1  }
0x252: {  	v17 =	vld.idx.msk [tilespmem:v49+s5+$0x0], $0xffff  }
0x253: {  	v20 =	vmul.f32 v20, v10  }
0x254: {  	v22 =	vld.idx.msk [tilespmem:v51+s5+$0x0], $0xffff  }
0x255: {  	v18 =	vmul.f32 v18, v11;
	v20 =	vadd.f32 v20, v50;
	_ =	sdelay $0x1  }
0x256: {  	v17 =	vmul.f32 v17, v12;
	v18 =	vadd.f32 v18, v20;
	_ =	sdelay $0x1  }
0x257: {  	v53 =	vor.u32 $0x5, v14;
	v52 =	vmul.f32 v22, v13;
	v17 =	vadd.f32 v17, v18;
	_ =	sdelay $0x1  }
0x258: {  	v54 =	vor.u32 $0x5, v15;
	v17 =	vadd.f32 v52, v17;
	_ =	sdelay $0x1  }
0x259: {  	v55 =	vor.u32 $0x5, v16;
	[tilespmem:s25+$0x19E10] =	vst v17  }
0x25a: {  	v20 =	vld.idx.msk [tilespmem:v53+s5+$0x0], $0xffff  }
0x25b: {  	v57 =	vor.u32 $0x5, v19;
	v56 =	vld [tilespmem:s25+$0x19E50]  }
0x25c: {  	v18 =	vld.idx.msk [tilespmem:v54+s5+$0x0], $0xffff;
	_ =	sdelay $0x1  }
0x25d: {  	v17 =	vld.idx.msk [tilespmem:v55+s5+$0x0], $0xffff  }
0x25e: {  	v20 =	vmul.f32 v20, v10  }
0x25f: {  	v22 =	vld.idx.msk [tilespmem:v57+s5+$0x0], $0xffff  }
0x260: {  	v18 =	vmul.f32 v18, v11;
	v20 =	vadd.f32 v20, v56;
	_ =	sdelay $0x1  }
0x261: {  	v17 =	vmul.f32 v17, v12;
	v18 =	vadd.f32 v18, v20;
	_ =	sdelay $0x1  }
0x262: {  	v59 =	vor.u32 $0x6, v14;
	v58 =	vmul.f32 v22, v13;
	v17 =	vadd.f32 v17, v18;
	_ =	sdelay $0x1  }
0x263: {  	v60 =	vor.u32 $0x6, v15;
	v17 =	vadd.f32 v58, v17;
	_ =	sdelay $0x1  }
0x264: {  	v61 =	vor.u32 $0x6, v16;
	[tilespmem:s25+$0x19E50] =	vst v17  }
0x265: {  	v20 =	vld.idx.msk [tilespmem:v59+s5+$0x0], $0xffff  }
0x266: {  	v63 =	vor.u32 $0x6, v19;
	v62 =	vld [tilespmem:s25+$0x19E90]  }
0x267: {  	v18 =	vld.idx.msk [tilespmem:v60+s5+$0x0], $0xffff;
	_ =	sdelay $0x1  }
0x268: {  	v17 =	vld.idx.msk [tilespmem:v61+s5+$0x0], $0xffff  }
0x269: {  	v20 =	vmul.f32 v20, v10  }
0x26a: {  	v22 =	vld.idx.msk [tilespmem:v63+s5+$0x0], $0xffff  }
0x26b: {  	v18 =	vmul.f32 v18, v11;
	v20 =	vadd.f32 v20, v62;
	_ =	sdelay $0x1  }
0x26c: {  	v17 =	vmul.f32 v17, v12;
	v18 =	vadd.f32 v18, v20;
	_ =	sdelay $0x1  }
0x26d: {  	v14 =	vor.u32 $0x7, v14;
	v24 =	vmul.f32 v22, v13;
	v17 =	vadd.f32 v17, v18;
	_ =	sdelay $0x1  }
0x26e: {  	v15 =	vor.u32 $0x7, v15;
	v17 =	vadd.f32 v24, v17;
	_ =	sdelay $0x1  }
0x26f: {  	v16 =	vor.u32 $0x7, v16;
	[tilespmem:s25+$0x19E90] =	vst v17  }
0x270: {  	v14 =	vld.idx.msk [tilespmem:v14+s5+$0x0], $0xffff  }
0x271: {  	v26 =	vor.u32 $0x7, v19;
	v25 =	vld [tilespmem:s25+$0x19ED0]  }
0x272: {  	v15 =	vld.idx.msk [tilespmem:v15+s5+$0x0], $0xffff;
	_ =	sdelay $0x1  }
0x273: {  	v16 =	vld.idx.msk [tilespmem:v16+s5+$0x0], $0xffff  }
0x274: {  	v10 =	vmul.f32 v14, v10  }
0x275: {  	v27 =	vld.idx.msk [tilespmem:v26+s5+$0x0], $0xffff  }
0x276: {  	v11 =	vmul.f32 v15, v11;
	v10 =	vadd.f32 v10, v25;
	_ =	sdelay $0x1  }
0x277: {  	v28 =	vmul.f32 v16, v12;
	v10 =	vadd.f32 v11, v10;
	_ =	sdelay $0x1  }
0x278: {  	v29 =	vmul.f32 v27, v13;
	v10 =	vadd.f32 v28, v10;
	_ =	sdelay $0x1  }
0x279: {  	v10 =	vadd.f32 v29, v10;
	_ =	sdelay $0x1  }
0x27a: {  	[tilespmem:s25+$0x19ED0] =	vst v10  }
0x27b: {  	v10 =	vld [tilespmem:s23+$0x10]  }
0x27c: {  	v30 =	vld [tilespmem:s23+$0x50]  }
0x27d: {  	v31 =	vld [tilespmem:s18+$0x1A120];
	_ =	sdelay $0x1  }
0x27e: {  	v32 =	vld [tilespmem:s23+$0x90]  }
0x27f: {  	vm4 =	vgt.f32 v10, $9.999999740e-06  }
0x280: {  	v33 =	vld [tilespmem:s23+$0xD0];
	v10 =	vnsel vm4, $0x0, v10  }
0x281: {  	vm5 =	vgt.f32 v30, $9.999999740e-06;
	v12 =	vadd.f32 v31, v10  }
0x282: {  	v11 =	vnsel vm5, $0x0, v30  }
0x283: {  	vm6 =	vgt.f32 v32, $9.999999740e-06;
	v34 =	vadd.f32 v12, v11  }
0x284: {  	v12 =	vnsel vm6, $0x0, v32  }
0x285: {  	v16 =	vor.u32 v4, v6;
	vm7 =	vgt.f32 v33, $9.999999740e-06;
	v15 =	vadd.f32 v34, v12  }
0x286: {  	v13 =	vnsel vm7, $0x0, v33  }
0x287: {  	v14 =	vadd.f32 v15, v13;
	v15 =	vor.u32 v4, v7;
	_ =	sdelay $0x1  }
0x288: {  	[tilespmem:s18+$0x1A120] =	vst v14;
	v14 =	vor.u32 v4, v8  }
0x289: {  	v35 =	vld.idx.msk [tilespmem:v16+s5+$0x0], $0xffff  }
0x28a: {  	v19 =	vor.u32 v4, v9;
	v36 =	vld [tilespmem:s25+$0x19D20]  }
0x28b: {  	v37 =	vld.idx.msk [tilespmem:v15+s5+$0x0], $0xffff;
	_ =	sdelay $0x1  }
0x28c: {  	v38 =	vld.idx.msk [tilespmem:v14+s5+$0x0], $0xffff  }
0x28d: {  	v17 =	vmul.f32 v35, v10  }
0x28e: {  	v39 =	vld.idx.msk [tilespmem:v19+s5+$0x0], $0xffff  }
0x28f: {  	v17 =	vadd.f32 v17, v36;
	v40 =	vmul.f32 v37, v11;
	_ =	sdelay $0x1  }
0x290: {  	v17 =	vadd.f32 v40, v17;
	v41 =	vmul.f32 v38, v12;
	_ =	sdelay $0x1  }
0x291: {  	v43 =	vor.u32 $0x1, v16;
	v42 =	vmul.f32 v39, v13;
	v17 =	vadd.f32 v41, v17;
	_ =	sdelay $0x1  }
0x292: {  	v44 =	vor.u32 $0x1, v15;
	v17 =	vadd.f32 v42, v17;
	_ =	sdelay $0x1  }
0x293: {  	v45 =	vor.u32 $0x1, v14;
	[tilespmem:s25+$0x19D20] =	vst v17  }
0x294: {  	v20 =	vld.idx.msk [tilespmem:v43+s5+$0x0], $0xffff  }
0x295: {  	v47 =	vor.u32 $0x1, v19;
	v46 =	vld [tilespmem:s25+$0x19D60]  }
0x296: {  	v18 =	vld.idx.msk [tilespmem:v44+s5+$0x0], $0xffff;
	_ =	sdelay $0x1  }
0x297: {  	v17 =	vld.idx.msk [tilespmem:v45+s5+$0x0], $0xffff  }
0x298: {  	v20 =	vmul.f32 v20, v10  }
0x299: {  	v22 =	vld.idx.msk [tilespmem:v47+s5+$0x0], $0xffff  }
0x29a: {  	v18 =	vmul.f32 v18, v11;
	v20 =	vadd.f32 v20, v46;
	_ =	sdelay $0x1  }
0x29b: {  	v17 =	vmul.f32 v17, v12;
	v18 =	vadd.f32 v18, v20;
	_ =	sdelay $0x1  }
0x29c: {  	v49 =	vor.u32 $0x2, v16;
	v48 =	vmul.f32 v22, v13;
	v17 =	vadd.f32 v17, v18;
	_ =	sdelay $0x1  }
0x29d: {  	v50 =	vor.u32 $0x2, v15;
	v17 =	vadd.f32 v48, v17;
	_ =	sdelay $0x1  }
0x29e: {  	v51 =	vor.u32 $0x2, v14;
	[tilespmem:s25+$0x19D60] =	vst v17  }
0x29f: {  	v20 =	vld.idx.msk [tilespmem:v49+s5+$0x0], $0xffff  }
0x2a0: {  	v53 =	vor.u32 $0x2, v19;
	v52 =	vld [tilespmem:s25+$0x19DA0]  }
0x2a1: {  	v18 =	vld.idx.msk [tilespmem:v50+s5+$0x0], $0xffff;
	_ =	sdelay $0x1  }
0x2a2: {  	v17 =	vld.idx.msk [tilespmem:v51+s5+$0x0], $0xffff  }
0x2a3: {  	v20 =	vmul.f32 v20, v10  }
0x2a4: {  	v22 =	vld.idx.msk [tilespmem:v53+s5+$0x0], $0xffff  }
0x2a5: {  	v18 =	vmul.f32 v18, v11;
	v20 =	vadd.f32 v20, v52;
	_ =	sdelay $0x1  }
0x2a6: {  	v17 =	vmul.f32 v17, v12;
	v18 =	vadd.f32 v18, v20;
	_ =	sdelay $0x1  }
0x2a7: {  	v55 =	vor.u32 $0x3, v16;
	v54 =	vmul.f32 v22, v13;
	v17 =	vadd.f32 v17, v18;
	_ =	sdelay $0x1  }
0x2a8: {  	v56 =	vor.u32 $0x3, v15;
	v17 =	vadd.f32 v54, v17;
	_ =	sdelay $0x1  }
0x2a9: {  	v57 =	vor.u32 $0x3, v14;
	[tilespmem:s25+$0x19DA0] =	vst v17  }
0x2aa: {  	v20 =	vld.idx.msk [tilespmem:v55+s5+$0x0], $0xffff  }
0x2ab: {  	v59 =	vor.u32 $0x3, v19;
	v58 =	vld [tilespmem:s25+$0x19DE0]  }
0x2ac: {  	v18 =	vld.idx.msk [tilespmem:v56+s5+$0x0], $0xffff;
	_ =	sdelay $0x1  }
0x2ad: {  	v17 =	vld.idx.msk [tilespmem:v57+s5+$0x0], $0xffff  }
0x2ae: {  	v20 =	vmul.f32 v20, v10  }
0x2af: {  	v22 =	vld.idx.msk [tilespmem:v59+s5+$0x0], $0xffff  }
0x2b0: {  	v18 =	vmul.f32 v18, v11;
	v20 =	vadd.f32 v20, v58;
	_ =	sdelay $0x1  }
0x2b1: {  	v17 =	vmul.f32 v17, v12;
	v18 =	vadd.f32 v18, v20;
	_ =	sdelay $0x1  }
0x2b2: {  	v61 =	vor.u32 $0x4, v16;
	v60 =	vmul.f32 v22, v13;
	v17 =	vadd.f32 v17, v18;
	_ =	sdelay $0x1  }
0x2b3: {  	v62 =	vor.u32 $0x4, v15;
	v17 =	vadd.f32 v60, v17;
	_ =	sdelay $0x1  }
0x2b4: {  	v63 =	vor.u32 $0x4, v14;
	[tilespmem:s25+$0x19DE0] =	vst v17  }
0x2b5: {  	v20 =	vld.idx.msk [tilespmem:v61+s5+$0x0], $0xffff  }
0x2b6: {  	v25 =	vor.u32 $0x4, v19;
	v24 =	vld [tilespmem:s25+$0x19E20]  }
0x2b7: {  	v18 =	vld.idx.msk [tilespmem:v62+s5+$0x0], $0xffff;
	_ =	sdelay $0x1  }
0x2b8: {  	v17 =	vld.idx.msk [tilespmem:v63+s5+$0x0], $0xffff  }
0x2b9: {  	v20 =	vmul.f32 v20, v10  }
0x2ba: {  	v22 =	vld.idx.msk [tilespmem:v25+s5+$0x0], $0xffff  }
0x2bb: {  	v18 =	vmul.f32 v18, v11;
	v20 =	vadd.f32 v20, v24;
	_ =	sdelay $0x1  }
0x2bc: {  	v17 =	vmul.f32 v17, v12;
	v18 =	vadd.f32 v18, v20;
	_ =	sdelay $0x1  }
0x2bd: {  	v27 =	vor.u32 $0x5, v16;
	v26 =	vmul.f32 v22, v13;
	v17 =	vadd.f32 v17, v18;
	_ =	sdelay $0x1  }
0x2be: {  	v28 =	vor.u32 $0x5, v15;
	v17 =	vadd.f32 v26, v17;
	_ =	sdelay $0x1  }
0x2bf: {  	v29 =	vor.u32 $0x5, v14;
	[tilespmem:s25+$0x19E20] =	vst v17  }
0x2c0: {  	v20 =	vld.idx.msk [tilespmem:v27+s5+$0x0], $0xffff  }
0x2c1: {  	v31 =	vor.u32 $0x5, v19;
	v30 =	vld [tilespmem:s25+$0x19E60]  }
0x2c2: {  	v18 =	vld.idx.msk [tilespmem:v28+s5+$0x0], $0xffff;
	_ =	sdelay $0x1  }
0x2c3: {  	v17 =	vld.idx.msk [tilespmem:v29+s5+$0x0], $0xffff  }
0x2c4: {  	v20 =	vmul.f32 v20, v10  }
0x2c5: {  	v22 =	vld.idx.msk [tilespmem:v31+s5+$0x0], $0xffff  }
0x2c6: {  	v18 =	vmul.f32 v18, v11;
	v20 =	vadd.f32 v20, v30;
	_ =	sdelay $0x1  }
0x2c7: {  	v17 =	vmul.f32 v17, v12;
	v18 =	vadd.f32 v18, v20;
	_ =	sdelay $0x1  }
0x2c8: {  	v33 =	vor.u32 $0x6, v16;
	v32 =	vmul.f32 v22, v13;
	v17 =	vadd.f32 v17, v18;
	_ =	sdelay $0x1  }
0x2c9: {  	v34 =	vor.u32 $0x6, v15;
	v17 =	vadd.f32 v32, v17;
	_ =	sdelay $0x1  }
0x2ca: {  	v35 =	vor.u32 $0x6, v14;
	[tilespmem:s25+$0x19E60] =	vst v17  }
0x2cb: {  	v20 =	vld.idx.msk [tilespmem:v33+s5+$0x0], $0xffff  }
0x2cc: {  	v36 =	vld [tilespmem:s25+$0x19EA0];
	v37 =	vor.u32 $0x6, v19  }
0x2cd: {  	v18 =	vld.idx.msk [tilespmem:v34+s5+$0x0], $0xffff;
	_ =	sdelay $0x1  }
0x2ce: {  	v17 =	vld.idx.msk [tilespmem:v35+s5+$0x0], $0xffff  }
0x2cf: {  	v20 =	vmul.f32 v20, v10  }
0x2d0: {  	v22 =	vld.idx.msk [tilespmem:v37+s5+$0x0], $0xffff  }
0x2d1: {  	v18 =	vmul.f32 v18, v11;
	v20 =	vadd.f32 v20, v36;
	_ =	sdelay $0x1  }
0x2d2: {  	v17 =	vmul.f32 v17, v12;
	v18 =	vadd.f32 v18, v20;
	_ =	sdelay $0x1  }
0x2d3: {  	v16 =	vor.u32 $0x7, v16;
	v38 =	vmul.f32 v22, v13;
	v17 =	vadd.f32 v17, v18;
	_ =	sdelay $0x1  }
0x2d4: {  	v15 =	vor.u32 $0x7, v15;
	v17 =	vadd.f32 v38, v17;
	_ =	sdelay $0x1  }
0x2d5: {  	v14 =	vor.u32 $0x7, v14;
	[tilespmem:s25+$0x19EA0] =	vst v17  }
0x2d6: {  	v16 =	vld.idx.msk [tilespmem:v16+s5+$0x0], $0xffff  }
0x2d7: {  	v39 =	vld [tilespmem:s25+$0x19EE0];
	v40 =	vor.u32 $0x7, v19  }
0x2d8: {  	v15 =	vld.idx.msk [tilespmem:v15+s5+$0x0], $0xffff;
	_ =	sdelay $0x1  }
0x2d9: {  	v14 =	vld.idx.msk [tilespmem:v14+s5+$0x0], $0xffff  }
0x2da: {  	v10 =	vmul.f32 v16, v10  }
0x2db: {  	v41 =	vld.idx.msk [tilespmem:v40+s5+$0x0], $0xffff  }
0x2dc: {  	v11 =	vmul.f32 v15, v11;
	v10 =	vadd.f32 v10, v39;
	_ =	sdelay $0x1  }
0x2dd: {  	v42 =	vmul.f32 v14, v12;
	v10 =	vadd.f32 v11, v10;
	_ =	sdelay $0x1  }
0x2de: {  	v43 =	vmul.f32 v41, v13;
	v10 =	vadd.f32 v42, v10;
	_ =	sdelay $0x1  }
0x2df: {  	v10 =	vadd.f32 v43, v10;
	_ =	sdelay $0x1  }
0x2e0: {  	[tilespmem:s25+$0x19EE0] =	vst v10  }
0x2e1: {  	v10 =	vld [tilespmem:s23+$0x20]  }
0x2e2: {  	v44 =	vld [tilespmem:s23+$0x60]  }
0x2e3: {  	v45 =	vld [tilespmem:s18+$0x1A130];
	_ =	sdelay $0x1  }
0x2e4: {  	v46 =	vld [tilespmem:s23+$0xA0]  }
0x2e5: {  	vm8 =	vgt.f32 v10, $9.999999740e-06  }
0x2e6: {  	v47 =	vld [tilespmem:s23+$0xE0];
	v10 =	vnsel vm8, $0x0, v10  }
0x2e7: {  	vm9 =	vgt.f32 v44, $9.999999740e-06;
	v12 =	vadd.f32 v45, v10  }
0x2e8: {  	v11 =	vnsel vm9, $0x0, v44  }
0x2e9: {  	vm10 =	vgt.f32 v46, $9.999999740e-06;
	v48 =	vadd.f32 v12, v11  }
0x2ea: {  	v12 =	vnsel vm10, $0x0, v46  }
0x2eb: {  	v16 =	vor.u32 v3, v6;
	vm11 =	vgt.f32 v47, $9.999999740e-06;
	v15 =	vadd.f32 v48, v12  }
0x2ec: {  	v13 =	vnsel vm11, $0x0, v47  }
0x2ed: {  	v14 =	vadd.f32 v15, v13;
	v15 =	vor.u32 v3, v7;
	_ =	sdelay $0x1  }
0x2ee: {  	[tilespmem:s18+$0x1A130] =	vst v14;
	v14 =	vor.u32 v3, v8  }
0x2ef: {  	v49 =	vld.idx.msk [tilespmem:v16+s5+$0x0], $0xffff  }
0x2f0: {  	v19 =	vor.u32 v3, v9;
	v50 =	vld [tilespmem:s25+$0x19D30]  }
0x2f1: {  	v51 =	vld.idx.msk [tilespmem:v15+s5+$0x0], $0xffff;
	_ =	sdelay $0x1  }
0x2f2: {  	v52 =	vld.idx.msk [tilespmem:v14+s5+$0x0], $0xffff  }
0x2f3: {  	v17 =	vmul.f32 v49, v10  }
0x2f4: {  	v53 =	vld.idx.msk [tilespmem:v19+s5+$0x0], $0xffff  }
0x2f5: {  	v17 =	vadd.f32 v17, v50;
	v54 =	vmul.f32 v51, v11;
	_ =	sdelay $0x1  }
0x2f6: {  	v17 =	vadd.f32 v54, v17;
	v55 =	vmul.f32 v52, v12;
	_ =	sdelay $0x1  }
0x2f7: {  	v57 =	vor.u32 $0x1, v16;
	v56 =	vmul.f32 v53, v13;
	v17 =	vadd.f32 v55, v17;
	_ =	sdelay $0x1  }
0x2f8: {  	v58 =	vor.u32 $0x1, v15;
	v17 =	vadd.f32 v56, v17;
	_ =	sdelay $0x1  }
0x2f9: {  	v59 =	vor.u32 $0x1, v14;
	[tilespmem:s25+$0x19D30] =	vst v17  }
0x2fa: {  	v20 =	vld.idx.msk [tilespmem:v57+s5+$0x0], $0xffff  }
0x2fb: {  	v61 =	vor.u32 $0x1, v19;
	v60 =	vld [tilespmem:s25+$0x19D70]  }
0x2fc: {  	v18 =	vld.idx.msk [tilespmem:v58+s5+$0x0], $0xffff;
	_ =	sdelay $0x1  }
0x2fd: {  	v17 =	vld.idx.msk [tilespmem:v59+s5+$0x0], $0xffff  }
0x2fe: {  	v20 =	vmul.f32 v20, v10  }
0x2ff: {  	v22 =	vld.idx.msk [tilespmem:v61+s5+$0x0], $0xffff  }
0x300: {  	v18 =	vmul.f32 v18, v11;
	v20 =	vadd.f32 v20, v60;
	_ =	sdelay $0x1  }
0x301: {  	v17 =	vmul.f32 v17, v12;
	v18 =	vadd.f32 v18, v20;
	_ =	sdelay $0x1  }
0x302: {  	v63 =	vor.u32 $0x2, v16;
	v62 =	vmul.f32 v22, v13;
	v17 =	vadd.f32 v17, v18;
	_ =	sdelay $0x1  }
0x303: {  	v24 =	vor.u32 $0x2, v15;
	v17 =	vadd.f32 v62, v17;
	_ =	sdelay $0x1  }
0x304: {  	v25 =	vor.u32 $0x2, v14;
	[tilespmem:s25+$0x19D70] =	vst v17  }
0x305: {  	v20 =	vld.idx.msk [tilespmem:v63+s5+$0x0], $0xffff  }
0x306: {  	v27 =	vor.u32 $0x2, v19;
	v26 =	vld [tilespmem:s25+$0x19DB0]  }
0x307: {  	v18 =	vld.idx.msk [tilespmem:v24+s5+$0x0], $0xffff;
	_ =	sdelay $0x1  }
0x308: {  	v17 =	vld.idx.msk [tilespmem:v25+s5+$0x0], $0xffff  }
0x309: {  	v20 =	vmul.f32 v20, v10  }
0x30a: {  	v22 =	vld.idx.msk [tilespmem:v27+s5+$0x0], $0xffff  }
0x30b: {  	v18 =	vmul.f32 v18, v11;
	v20 =	vadd.f32 v20, v26;
	_ =	sdelay $0x1  }
0x30c: {  	v17 =	vmul.f32 v17, v12;
	v18 =	vadd.f32 v18, v20;
	_ =	sdelay $0x1  }
0x30d: {  	v29 =	vor.u32 $0x3, v16;
	v28 =	vmul.f32 v22, v13;
	v17 =	vadd.f32 v17, v18;
	_ =	sdelay $0x1  }
0x30e: {  	v30 =	vor.u32 $0x3, v15;
	v17 =	vadd.f32 v28, v17;
	_ =	sdelay $0x1  }
0x30f: {  	v31 =	vor.u32 $0x3, v14;
	[tilespmem:s25+$0x19DB0] =	vst v17  }
0x310: {  	v20 =	vld.idx.msk [tilespmem:v29+s5+$0x0], $0xffff  }
0x311: {  	v33 =	vor.u32 $0x3, v19;
	v32 =	vld [tilespmem:s25+$0x19DF0]  }
0x312: {  	v18 =	vld.idx.msk [tilespmem:v30+s5+$0x0], $0xffff;
	_ =	sdelay $0x1  }
0x313: {  	v17 =	vld.idx.msk [tilespmem:v31+s5+$0x0], $0xffff  }
0x314: {  	v20 =	vmul.f32 v20, v10  }
0x315: {  	v22 =	vld.idx.msk [tilespmem:v33+s5+$0x0], $0xffff  }
0x316: {  	v18 =	vmul.f32 v18, v11;
	v20 =	vadd.f32 v20, v32;
	_ =	sdelay $0x1  }
0x317: {  	v17 =	vmul.f32 v17, v12;
	v18 =	vadd.f32 v18, v20;
	_ =	sdelay $0x1  }
0x318: {  	v35 =	vor.u32 $0x4, v16;
	v34 =	vmul.f32 v22, v13;
	v17 =	vadd.f32 v17, v18;
	_ =	sdelay $0x1  }
0x319: {  	v36 =	vor.u32 $0x4, v15;
	v17 =	vadd.f32 v34, v17;
	_ =	sdelay $0x1  }
0x31a: {  	v37 =	vor.u32 $0x4, v14;
	[tilespmem:s25+$0x19DF0] =	vst v17  }
0x31b: {  	v20 =	vld.idx.msk [tilespmem:v35+s5+$0x0], $0xffff  }
0x31c: {  	v39 =	vor.u32 $0x4, v19;
	v38 =	vld [tilespmem:s25+$0x19E30]  }
0x31d: {  	v18 =	vld.idx.msk [tilespmem:v36+s5+$0x0], $0xffff;
	_ =	sdelay $0x1  }
0x31e: {  	v17 =	vld.idx.msk [tilespmem:v37+s5+$0x0], $0xffff  }
0x31f: {  	v20 =	vmul.f32 v20, v10  }
0x320: {  	v22 =	vld.idx.msk [tilespmem:v39+s5+$0x0], $0xffff  }
0x321: {  	v18 =	vmul.f32 v18, v11;
	v20 =	vadd.f32 v20, v38;
	_ =	sdelay $0x1  }
0x322: {  	v17 =	vmul.f32 v17, v12;
	v18 =	vadd.f32 v18, v20;
	_ =	sdelay $0x1  }
0x323: {  	v41 =	vor.u32 $0x5, v16;
	v40 =	vmul.f32 v22, v13;
	v17 =	vadd.f32 v17, v18;
	_ =	sdelay $0x1  }
0x324: {  	v42 =	vor.u32 $0x5, v15;
	v17 =	vadd.f32 v40, v17;
	_ =	sdelay $0x1  }
0x325: {  	v43 =	vor.u32 $0x5, v14;
	[tilespmem:s25+$0x19E30] =	vst v17  }
0x326: {  	v20 =	vld.idx.msk [tilespmem:v41+s5+$0x0], $0xffff  }
0x327: {  	v45 =	vor.u32 $0x5, v19;
	v44 =	vld [tilespmem:s25+$0x19E70]  }
0x328: {  	v18 =	vld.idx.msk [tilespmem:v42+s5+$0x0], $0xffff;
	_ =	sdelay $0x1  }
0x329: {  	v17 =	vld.idx.msk [tilespmem:v43+s5+$0x0], $0xffff  }
0x32a: {  	v20 =	vmul.f32 v20, v10  }
0x32b: {  	v22 =	vld.idx.msk [tilespmem:v45+s5+$0x0], $0xffff  }
0x32c: {  	v18 =	vmul.f32 v18, v11;
	v20 =	vadd.f32 v20, v44;
	_ =	sdelay $0x1  }
0x32d: {  	v17 =	vmul.f32 v17, v12;
	v18 =	vadd.f32 v18, v20;
	_ =	sdelay $0x1  }
0x32e: {  	v47 =	vor.u32 $0x6, v16;
	v46 =	vmul.f32 v22, v13;
	v17 =	vadd.f32 v17, v18;
	_ =	sdelay $0x1  }
0x32f: {  	v48 =	vor.u32 $0x6, v15;
	v17 =	vadd.f32 v46, v17;
	_ =	sdelay $0x1  }
0x330: {  	v49 =	vor.u32 $0x6, v14;
	[tilespmem:s25+$0x19E70] =	vst v17  }
0x331: {  	v20 =	vld.idx.msk [tilespmem:v47+s5+$0x0], $0xffff  }
0x332: {  	v50 =	vld [tilespmem:s25+$0x19EB0];
	v51 =	vor.u32 $0x6, v19  }
0x333: {  	v18 =	vld.idx.msk [tilespmem:v48+s5+$0x0], $0xffff;
	_ =	sdelay $0x1  }
0x334: {  	v17 =	vld.idx.msk [tilespmem:v49+s5+$0x0], $0xffff  }
0x335: {  	v20 =	vmul.f32 v20, v10  }
0x336: {  	v22 =	vld.idx.msk [tilespmem:v51+s5+$0x0], $0xffff  }
0x337: {  	v18 =	vmul.f32 v18, v11;
	v20 =	vadd.f32 v20, v50;
	_ =	sdelay $0x1  }
0x338: {  	v17 =	vmul.f32 v17, v12;
	v18 =	vadd.f32 v18, v20;
	_ =	sdelay $0x1  }
0x339: {  	v16 =	vor.u32 $0x7, v16;
	v52 =	vmul.f32 v22, v13;
	v17 =	vadd.f32 v17, v18;
	_ =	sdelay $0x1  }
0x33a: {  	v15 =	vor.u32 $0x7, v15;
	v17 =	vadd.f32 v52, v17;
	_ =	sdelay $0x1  }
0x33b: {  	v14 =	vor.u32 $0x7, v14;
	[tilespmem:s25+$0x19EB0] =	vst v17  }
0x33c: {  	v16 =	vld.idx.msk [tilespmem:v16+s5+$0x0], $0xffff  }
0x33d: {  	v53 =	vld [tilespmem:s25+$0x19EF0];
	v54 =	vor.u32 $0x7, v19  }
0x33e: {  	v15 =	vld.idx.msk [tilespmem:v15+s5+$0x0], $0xffff;
	_ =	sdelay $0x1  }
0x33f: {  	v14 =	vld.idx.msk [tilespmem:v14+s5+$0x0], $0xffff  }
0x340: {  	v10 =	vmul.f32 v16, v10  }
0x341: {  	v55 =	vld.idx.msk [tilespmem:v54+s5+$0x0], $0xffff  }
0x342: {  	v11 =	vmul.f32 v15, v11;
	v10 =	vadd.f32 v10, v53;
	_ =	sdelay $0x1  }
0x343: {  	v56 =	vmul.f32 v14, v12;
	v10 =	vadd.f32 v11, v10;
	_ =	sdelay $0x1  }
0x344: {  	v57 =	vmul.f32 v55, v13;
	v10 =	vadd.f32 v56, v10;
	_ =	sdelay $0x1  }
0x345: {  	v10 =	vadd.f32 v57, v10;
	_ =	sdelay $0x1  }
0x346: {  	[tilespmem:s25+$0x19EF0] =	vst v10  }
0x347: {  	v10 =	vld [tilespmem:s23+$0x30]  }
0x348: {  	v58 =	vld [tilespmem:s23+$0x70]  }
0x349: {  	v59 =	vld [tilespmem:s18+$0x1A140];
	_ =	sdelay $0x1  }
0x34a: {  	v60 =	vld [tilespmem:s23+$0xB0]  }
0x34b: {  	vm12 =	vgt.f32 v10, $9.999999740e-06  }
0x34c: {  	v61 =	vld [tilespmem:s23+$0xF0];
	v10 =	vnsel vm12, $0x0, v10  }
0x34d: {  	vm13 =	vgt.f32 v58, $9.999999740e-06;
	v12 =	vadd.f32 v59, v10  }
0x34e: {  	v11 =	vnsel vm13, $0x0, v58  }
0x34f: {  	vm14 =	vgt.f32 v60, $9.999999740e-06;
	v62 =	vadd.f32 v12, v11  }
0x350: {  	v12 =	vnsel vm14, $0x0, v60  }
0x351: {  	v15 =	vor.u32 v2, v6;
	vm15 =	vgt.f32 v61, $9.999999740e-06;
	v13 =	vadd.f32 v62, v12  }
0x352: {  	v6 =	vnsel vm15, $0x0, v61  }
0x353: {  	v7 =	vor.u32 v2, v7;
	v13 =	vadd.f32 v13, v6;
	_ =	sdelay $0x1  }
0x354: {  	v8 =	vor.u32 v2, v8;
	[tilespmem:s18+$0x1A140] =	vst v13  }
0x355: {  	v13 =	vld.idx.msk [tilespmem:v15+s5+$0x0], $0xffff  }
0x356: {  	v9 =	vor.u32 v2, v9;
	v63 =	vld [tilespmem:s25+$0x19D40]  }
0x357: {  	v21 =	vld.idx.msk [tilespmem:v7+s5+$0x0], $0xffff;
	_ =	sdelay $0x1  }
0x358: {  	v22 =	vld.idx.msk [tilespmem:v8+s5+$0x0], $0xffff  }
0x359: {  	v13 =	vmul.f32 v13, v10  }
0x35a: {  	v23 =	vld.idx.msk [tilespmem:v9+s5+$0x0], $0xffff  }
0x35b: {  	v24 =	vmul.f32 v21, v11;
	v13 =	vadd.f32 v13, v63;
	_ =	sdelay $0x1  }
0x35c: {  	v25 =	vmul.f32 v22, v12;
	v13 =	vadd.f32 v24, v13;
	_ =	sdelay $0x1  }
0x35d: {  	v27 =	vor.u32 $0x1, v15;
	v26 =	vmul.f32 v23, v6;
	v13 =	vadd.f32 v25, v13;
	_ =	sdelay $0x1  }
0x35e: {  	v28 =	vor.u32 $0x1, v7;
	v13 =	vadd.f32 v26, v13;
	_ =	sdelay $0x1  }
0x35f: {  	v29 =	vor.u32 $0x1, v8;
	[tilespmem:s25+$0x19D40] =	vst v13  }
0x360: {  	v16 =	vld.idx.msk [tilespmem:v27+s5+$0x0], $0xffff  }
0x361: {  	v31 =	vor.u32 $0x1, v9;
	v30 =	vld [tilespmem:s25+$0x19D80]  }
0x362: {  	v14 =	vld.idx.msk [tilespmem:v28+s5+$0x0], $0xffff;
	_ =	sdelay $0x1  }
0x363: {  	v13 =	vld.idx.msk [tilespmem:v29+s5+$0x0], $0xffff  }
0x364: {  	v16 =	vmul.f32 v16, v10  }
0x365: {  	v18 =	vld.idx.msk [tilespmem:v31+s5+$0x0], $0xffff  }
0x366: {  	v14 =	vmul.f32 v14, v11;
	v16 =	vadd.f32 v16, v30;
	_ =	sdelay $0x1  }
0x367: {  	v13 =	vmul.f32 v13, v12;
	v14 =	vadd.f32 v14, v16;
	_ =	sdelay $0x1  }
0x368: {  	v33 =	vor.u32 $0x2, v15;
	v32 =	vmul.f32 v18, v6;
	v13 =	vadd.f32 v13, v14;
	_ =	sdelay $0x1  }
0x369: {  	v34 =	vor.u32 $0x2, v7;
	v13 =	vadd.f32 v32, v13;
	_ =	sdelay $0x1  }
0x36a: {  	v35 =	vor.u32 $0x2, v8;
	[tilespmem:s25+$0x19D80] =	vst v13  }
0x36b: {  	v16 =	vld.idx.msk [tilespmem:v33+s5+$0x0], $0xffff  }
0x36c: {  	v37 =	vor.u32 $0x2, v9;
	v36 =	vld [tilespmem:s25+$0x19DC0]  }
0x36d: {  	v14 =	vld.idx.msk [tilespmem:v34+s5+$0x0], $0xffff;
	_ =	sdelay $0x1  }
0x36e: {  	v13 =	vld.idx.msk [tilespmem:v35+s5+$0x0], $0xffff  }
0x36f: {  	v16 =	vmul.f32 v16, v10  }
0x370: {  	v18 =	vld.idx.msk [tilespmem:v37+s5+$0x0], $0xffff  }
0x371: {  	v14 =	vmul.f32 v14, v11;
	v16 =	vadd.f32 v16, v36;
	_ =	sdelay $0x1  }
0x372: {  	v13 =	vmul.f32 v13, v12;
	v14 =	vadd.f32 v14, v16;
	_ =	sdelay $0x1  }
0x373: {  	v39 =	vor.u32 $0x3, v15;
	v38 =	vmul.f32 v18, v6;
	v13 =	vadd.f32 v13, v14;
	_ =	sdelay $0x1  }
0x374: {  	v40 =	vor.u32 $0x3, v7;
	v13 =	vadd.f32 v38, v13;
	_ =	sdelay $0x1  }
0x375: {  	v41 =	vor.u32 $0x3, v8;
	[tilespmem:s25+$0x19DC0] =	vst v13  }
0x376: {  	v16 =	vld.idx.msk [tilespmem:v39+s5+$0x0], $0xffff  }
0x377: {  	v43 =	vor.u32 $0x3, v9;
	v42 =	vld [tilespmem:s25+$0x19E00]  }
0x378: {  	v14 =	vld.idx.msk [tilespmem:v40+s5+$0x0], $0xffff;
	_ =	sdelay $0x1  }
0x379: {  	v13 =	vld.idx.msk [tilespmem:v41+s5+$0x0], $0xffff  }
0x37a: {  	v16 =	vmul.f32 v16, v10  }
0x37b: {  	v18 =	vld.idx.msk [tilespmem:v43+s5+$0x0], $0xffff  }
0x37c: {  	v14 =	vmul.f32 v14, v11;
	v16 =	vadd.f32 v16, v42;
	_ =	sdelay $0x1  }
0x37d: {  	v13 =	vmul.f32 v13, v12;
	v14 =	vadd.f32 v14, v16;
	_ =	sdelay $0x1  }
0x37e: {  	v45 =	vor.u32 $0x4, v15;
	v44 =	vmul.f32 v18, v6;
	v13 =	vadd.f32 v13, v14;
	_ =	sdelay $0x1  }
0x37f: {  	v46 =	vor.u32 $0x4, v7;
	v13 =	vadd.f32 v44, v13;
	_ =	sdelay $0x1  }
0x380: {  	v47 =	vor.u32 $0x4, v8;
	[tilespmem:s25+$0x19E00] =	vst v13  }
0x381: {  	v16 =	vld.idx.msk [tilespmem:v45+s5+$0x0], $0xffff  }
0x382: {  	v49 =	vor.u32 $0x4, v9;
	v48 =	vld [tilespmem:s25+$0x19E40]  }
0x383: {  	v14 =	vld.idx.msk [tilespmem:v46+s5+$0x0], $0xffff;
	_ =	sdelay $0x1  }
0x384: {  	v13 =	vld.idx.msk [tilespmem:v47+s5+$0x0], $0xffff  }
0x385: {  	v16 =	vmul.f32 v16, v10  }
0x386: {  	v18 =	vld.idx.msk [tilespmem:v49+s5+$0x0], $0xffff  }
0x387: {  	v14 =	vmul.f32 v14, v11;
	v16 =	vadd.f32 v16, v48;
	_ =	sdelay $0x1  }
0x388: {  	v13 =	vmul.f32 v13, v12;
	v14 =	vadd.f32 v14, v16;
	_ =	sdelay $0x1  }
0x389: {  	v51 =	vor.u32 $0x5, v15;
	v50 =	vmul.f32 v18, v6;
	v13 =	vadd.f32 v13, v14;
	_ =	sdelay $0x1  }
0x38a: {  	v52 =	vor.u32 $0x5, v7;
	v13 =	vadd.f32 v50, v13;
	_ =	sdelay $0x1  }
0x38b: {  	v53 =	vor.u32 $0x5, v8;
	[tilespmem:s25+$0x19E40] =	vst v13  }
0x38c: {  	v16 =	vld.idx.msk [tilespmem:v51+s5+$0x0], $0xffff  }
0x38d: {  	v55 =	vor.u32 $0x5, v9;
	v54 =	vld [tilespmem:s25+$0x19E80]  }
0x38e: {  	v14 =	vld.idx.msk [tilespmem:v52+s5+$0x0], $0xffff;
	_ =	sdelay $0x1  }
0x38f: {  	v13 =	vld.idx.msk [tilespmem:v53+s5+$0x0], $0xffff  }
0x390: {  	v16 =	vmul.f32 v16, v10  }
0x391: {  	v18 =	vld.idx.msk [tilespmem:v55+s5+$0x0], $0xffff  }
0x392: {  	v14 =	vmul.f32 v14, v11;
	v16 =	vadd.f32 v16, v54;
	_ =	sdelay $0x1  }
0x393: {  	v13 =	vmul.f32 v13, v12;
	v14 =	vadd.f32 v14, v16;
	_ =	sdelay $0x1  }
0x394: {  	v57 =	vor.u32 $0x6, v15;
	v56 =	vmul.f32 v18, v6;
	v13 =	vadd.f32 v13, v14;
	_ =	sdelay $0x1  }
0x395: {  	v58 =	vor.u32 $0x6, v7;
	v13 =	vadd.f32 v56, v13;
	_ =	sdelay $0x1  }
0x396: {  	v59 =	vor.u32 $0x6, v8;
	[tilespmem:s25+$0x19E80] =	vst v13  }
0x397: {  	v16 =	vld.idx.msk [tilespmem:v57+s5+$0x0], $0xffff  }
0x398: {  	v61 =	vor.u32 $0x6, v9;
	v60 =	vld [tilespmem:s25+$0x19EC0]  }
0x399: {  	v14 =	vld.idx.msk [tilespmem:v58+s5+$0x0], $0xffff;
	_ =	sdelay $0x1  }
0x39a: {  	v13 =	vld.idx.msk [tilespmem:v59+s5+$0x0], $0xffff  }
0x39b: {  	v16 =	vmul.f32 v16, v10  }
0x39c: {  	v18 =	vld.idx.msk [tilespmem:v61+s5+$0x0], $0xffff  }
0x39d: {  	v14 =	vmul.f32 v14, v11;
	v16 =	vadd.f32 v16, v60;
	_ =	sdelay $0x1  }
0x39e: {  	v13 =	vmul.f32 v13, v12;
	v14 =	vadd.f32 v14, v16;
	_ =	sdelay $0x1  }
0x39f: {  	v15 =	vor.u32 $0x7, v15;
	v62 =	vmul.f32 v18, v6;
	v13 =	vadd.f32 v13, v14;
	_ =	sdelay $0x1  }
0x3a0: {  	v7 =	vor.u32 $0x7, v7;
	v13 =	vadd.f32 v62, v13;
	_ =	sdelay $0x1  }
0x3a1: {  	v8 =	vor.u32 $0x7, v8;
	[tilespmem:s25+$0x19EC0] =	vst v13  }
0x3a2: {  	v13 =	vld.idx.msk [tilespmem:v15+s5+$0x0], $0xffff  }
0x3a3: {  	v9 =	vor.u32 $0x7, v9;
	v63 =	vld [tilespmem:s25+$0x19F00]  }
0x3a4: {  	v7 =	vld.idx.msk [tilespmem:v7+s5+$0x0], $0xffff;
	_ =	sdelay $0x1  }
0x3a5: {  	v8 =	vld.idx.msk [tilespmem:v8+s5+$0x0], $0xffff  }
0x3a6: {  	v10 =	vmul.f32 v13, v10  }
0x3a7: {  	v9 =	vld.idx.msk [tilespmem:v9+s5+$0x0], $0xffff  }
0x3a8: {  	v7 =	vmul.f32 v7, v11;
	v10 =	vadd.f32 v10, v63;
	_ =	sdelay $0x1  }
0x3a9: {  	v8 =	vmul.f32 v8, v12;
	v7 =	vadd.f32 v7, v10;
	_ =	sdelay $0x1  }
.Ltmp22:
0x3aa: {  	v6 =	vmul.f32 v9, v6;
	v7 =	vadd.f32 v8, v7;
	(pc) =	sbr.rel .LBB2_24-.Ltmp22, $3  }
0x3ab: {  	_ = 	snop  }
0x3ac: {  	v6 =	vadd.f32 v6, v7;
	_ =	sdelay $0x1  }
0x3ad: {  	[tilespmem:s25+$0x19F00] =	vst v6  }
.LBB2_18:
.Ltmp23:
0x3ae: {  	(pc) =	sbr.rel .LBB2_26-.Ltmp23, $2  }
0x3af: {  	_ =	sdelay $0x2  }
0x3b0: {  	s24 =	simm.s32 $0x1  }
.LBB2_28:
0x3b1: {  	_ =	sfence.sel $0x180000  }
0x3b2: {  	[bflag:$0x0] =	sbarrier.arrive $0xFFFF  }
0x3b3: {  	_ =	strace $0x90000047  }
0x3b4: {  	s0 =	stileid.u32;
	[bflag:$0x2] =	sbarrier.arrive $0xFFFF  }
0x3b5: {  	p0 =	sne.s32 s0, $0x0;
	s0 =	rddreg [dreg:$0x3]  }
0x3b6: {  	s0 =	sadd.s32 @!p0 $0x100000, s0  }
0x3b7: {  	[sflag:s0] =	ssyncadd.tile.s32 @!p0 $0x1;
	_ =	shalt  }
.Lfunc_end2:
_tile_overlayer_lowered:
.L_overlay_start_2:
0x3b8: {  	(tag) =	ssettag $0x2  }
0x3b9: {  	s0 =	rddreg [dreg:$0x0];
	s2 =	stileid.u32  }
0x3ba: {  	s1 =	rddreg [dreg:$0x1];
	p0 =	sne.s32 s2, $0x0  }
0x3bb: {  	s3 =	rddreg [dreg:$0x2];
	[bflag:$0x3] =	sbarrier.arrive $0xFFFF;
	s2 =	simm.s32 @!p0 $0x1C04  }
0x3bc: {  	[timem:s3], [sflag:s2] =	dma.local @!p0 [hbm:s0], s1  }
0x3bd: {  	s0 =	simm.s32 @!p0 $0x4  }
0x3be: {  	_ =	swait.ge @!p0 [sflag:s0], s1  }
0x3bf: {  	s1 =	ssub.s32 @!p0 $0x0, s1;
	[sflag:s0] =	ssyncset.done @!p0 $0x0  }
0x3c0: {  	[sflag:s0] =	ssyncadd.s32 @!p0 s1  }
0x3c1: {  	[bflag:$0x3] =	sbarrier.arrive $0xFFFF  }
0x3c2: {  	_ =	shalt  }

</sc_bundles>
